<compile_context>
chip_gen: v7x
topology: tpu7x:2x2x1
jax: 0.10.2.dev20260603
libtpu: 0.0.44.dev20260713+nightly
codegen_flags: <defaults>
</compile_context>

<pallas_src>
import functools

import jax
import jax.numpy as jnp
from jax import lax
from jax.experimental import pallas as pl
from jax.experimental.pallas import tpu as pltpu
from jax.experimental.pallas import tpu_sc as plsc

_NC, _NS = 2, 16
_NW = _NC * _NS
_CH = 128

_LAYERS = (
    'dense_item_self_biinter', 'dense_item_self_siinter',
    'dense_item_onehop_biinter', 'dense_item_onehop_siinter',
    'dense_user_self_biinter', 'dense_user_self_siinter',
    'dense_user_onehop_biinter', 'dense_user_onehop_siinter',
    'dense_item_cate_self', 'dense_item_cate_hop1',
    'dense_user_cate_self', 'dense_user_cate_hop1',
    'dense_item_addgate', 'dense_item_erasegate',
    'dense_user_addgate', 'dense_user_erasegate',
    'FC_pre',
)


def _sc_gather(dwsc_tab, emb_tab, user_tab, ubias, ibias,
               hop_idx, self_idx, ih_idx, uh_idx, iidx, uidx):
    e = emb_tab.shape[1]
    b = uidx.shape[0]

    row_jobs = [
        (0, hop_idx), (0, self_idx),
        (1, ih_idx), (1, uh_idx), (1, iidx), (2, uidx),
    ]
    nchunks = [ix.shape[0] // (_NW * _CH) for _, ix in row_jobs]

    out_type = [jax.ShapeDtypeStruct((ix.shape[0], e), jnp.float32)
                for _, ix in row_jobs]
    out_type += [jax.ShapeDtypeStruct((b,), jnp.float32),
                 jax.ShapeDtypeStruct((b,), jnp.float32)]

    mesh = plsc.VectorSubcoreMesh(core_axis_name="c", subcore_axis_name="s",
                                  num_cores=_NC, num_subcores=_NS)

    @functools.partial(
        pl.kernel,
        out_type=out_type,
        mesh=mesh,
        compiler_params=pltpu.CompilerParams(use_tc_tiling_on_sc=False),
        scratch_types=[
            pltpu.VMEM((4 * _CH,), jnp.int32),
            pltpu.VMEM((4, _CH, e), jnp.float32),
            pltpu.VMEM((_CH,), jnp.float32),
            pltpu.SemaphoreType.DMA,
            pltpu.SemaphoreType.DMA,
        ],
    )
    def run(*refs):
        tab_refs = refs[0:3]
        ub_r, ib_r = refs[3], refs[4]
        idx_refs = refs[5:11]
        out_refs = refs[11:17]
        ubg_o, ibg_o = refs[17], refs[18]
        idx4, rows4, val_v, sem_g, sem_s = refs[19:24]

        wid = lax.axis_index("s") * _NC + lax.axis_index("c")

        def row_gather(tab, idx_hbm, out_hbm, nchunk):
            base0 = wid * (nchunk * _CH)

            if nchunk == 1:
                pltpu.sync_copy(idx_hbm.at[pl.ds(base0, _CH)],
                                idx4.at[pl.ds(0, _CH)])
                pltpu.async_copy(tab.at[idx4.at[pl.ds(0, _CH)]],
                                 rows4.at[0], sem_g).wait()
                pltpu.sync_copy(rows4.at[0], out_hbm.at[pl.ds(base0, _CH)])
                return

            def body(q, carry):
                off = base0 + q * (4 * _CH)
                pltpu.sync_copy(idx_hbm.at[pl.ds(off, 4 * _CH)], idx4)
                gd = [pltpu.async_copy(
                    tab.at[idx4.at[pl.ds(k * _CH, _CH)]], rows4.at[k], sem_g)
                    for k in range(4)]
                for d in gd:
                    d.wait()
                sd = [pltpu.async_copy(
                    rows4.at[k], out_hbm.at[pl.ds(off + k * _CH, _CH)], sem_s)
                    for k in range(4)]
                for d in sd:
                    d.wait()
                return carry

            lax.fori_loop(0, nchunk // 4, body, 0)

        for (ti, _), ix_ref, o_ref, nc in zip(row_jobs, idx_refs, out_refs,
                                              nchunks):
            row_gather(tab_refs[ti], ix_ref, o_ref, nc)

        def elem_gather(tab, idx_hbm, out_hbm):
            off = wid * _CH
            pltpu.sync_copy(idx_hbm.at[pl.ds(off, _CH)],
                            idx4.at[pl.ds(0, _CH)])
            pltpu.async_copy(tab.at[idx4.at[pl.ds(0, _CH)]], val_v,
                             sem_g).wait()
            pltpu.sync_copy(val_v, out_hbm.at[pl.ds(off, _CH)])

        elem_gather(ub_r, idx_refs[5], ubg_o)
        elem_gather(ib_r, idx_refs[4], ibg_o)

    return run(dwsc_tab, emb_tab, user_tab, ubias, ibias,
               hop_idx, self_idx, ih_idx, uh_idx, iidx, uidx)


def _tc_forward(u_rows, ih3, uh3, ie, dh4, ds3, ub2, ib2,
                isc6, ioc6, usc6, uoc6, genre, gender, age, occ, miu2,
                wb, B, NB, E):
    BB = 128
    H = BB // 2
    G = B // BB
    PH = H * NB

    def body(u_ref, ih_ref, uh_ref, ie_ref, dh_ref, ds_ref, ub_ref, ib_ref,
             isc_ref, ioc_ref, usc_ref, uoc_ref,
             g_ref, gen_ref, age_ref, occ_ref, miu_ref, *rest):
        out_ref = rest[-1]
        wrefs = rest[:-1]
        wd = {}
        for k, name in enumerate(_LAYERS):
            wd[name] = (wrefs[2 * k][...], wrefs[2 * k + 1][...])

        def dot(x, w):
            return jax.lax.dot_general(
                x, w, (((1,), (0,)), ((), ())),
                preferred_element_type=jnp.float32)

        def bd(w):
            k, n = w.shape
            z = jnp.zeros((k, n), jnp.float32)
            return jnp.concatenate(
                [jnp.concatenate([w, z], axis=1),
                 jnp.concatenate([z, w], axis=1)], axis=0)

        def lin(x, name):
            w, bb = wd[name]
            return dot(x, bd(w)) + jnp.concatenate([bb, bb], axis=1)

        def lin2(x1, x2, name):
            w, bb = wd[name]
            return (dot(x1, bd(w[:E, :])) + dot(x2, bd(w[E:, :]))
                    + jnp.concatenate([bb, bb], axis=1))

        def leaky(x):
            return jnp.where(x >= 0, x, 0.01 * x)

        def sig(x):
            return 1.0 / (1.0 + jnp.exp(-x))

        def interact(S, Q, bi, si):
            deep = 0.5 * (S * S - Q)
            return leaky(lin(deep, bi)) + leaky(lin(S, si))

        def sumsq0(v):
            return v.sum(axis=0), (v * v).sum(axis=0)

        def counts_packed(idx2k, V):
            n, k2 = idx2k.shape
            k = k2 // 2
            col = lax.broadcasted_iota(jnp.int32, (n, 2 * V), 1)
            colv = jnp.where(col < V, col, col - V)
            even = col < V
            c = jnp.zeros((n, 2 * V), jnp.float32)
            one = jnp.float32(1.0)
            zero = jnp.float32(0.0)
            for s in range(k):
                c = c + jnp.where(even & (idx2k[:, s:s + 1] == colv), one, zero)
                c = c + jnp.where((~even) & (idx2k[:, k + s:k + s + 1] == colv),
                                  one, zero)
            return c

        g = g_ref[...]
        g2 = g * g
        NG = g.shape[0]

        Sd, Qd = sumsq0(ds_ref[...])
        cg = counts_packed(isc_ref[...], NG)
        att1 = interact(Sd + dot(cg, bd(g)), Qd + dot(cg, bd(g2)),
                        'dense_item_self_biinter', 'dense_item_self_siinter')
        item_cat = jnp.maximum(lin2(ie_ref[...], att1, 'dense_item_cate_self'), 0.0)

        Sh, Qh = sumsq0(dh_ref[...].reshape(8, PH, 2 * E))
        chg = counts_packed(ioc_ref[...].reshape(PH, 6), NG)
        att2 = interact(Sh + dot(chg, bd(g)), Qh + dot(chg, bd(g2)),
                        'dense_item_onehop_biinter', 'dense_item_onehop_siinter')
        inb = ih_ref[...].reshape(PH, 2 * E)
        item_nb = jnp.maximum(lin2(inb, att2, 'dense_item_cate_hop1'), 0.0)
        item_nb_agg = item_nb.reshape(NB, H, 2 * E).sum(axis=0) * (1.0 / NB)

        add_g = sig(lin2(item_cat, item_nb_agg, 'dense_item_addgate'))
        erase_g = sig(lin2(item_cat, item_nb_agg, 'dense_item_erasegate'))
        item_final = item_cat * (1.0 - erase_g) + item_nb_agg * add_g

        usc_v = usc_ref[...]

        def one_tab(s, tab):
            V = tab.shape[0]
            idx2 = jnp.concatenate(
                [usc_v[:, s:s + 1], usc_v[:, 3 + s:4 + s]], axis=1)
            cp = counts_packed(idx2, V)
            return dot(cp, bd(tab)), dot(cp, bd(tab * tab))

        Sg, Qg = one_tab(0, gen_ref[...])
        Sa, Qa = one_tab(1, age_ref[...])
        So, Qo = one_tab(2, occ_ref[...])
        att3 = interact(Sg + Sa + So, Qg + Qa + Qo,
                        'dense_user_self_biinter', 'dense_user_self_siinter')
        user_cat = jnp.maximum(lin2(u_ref[...], att3, 'dense_user_cate_self'), 0.0)

        cu = counts_packed(uoc_ref[...].reshape(PH, 6), NG)
        att4 = interact(dot(cu, bd(g)), dot(cu, bd(g2)),
                        'dense_user_onehop_biinter', 'dense_user_onehop_siinter')
        unb = uh_ref[...].reshape(PH, 2 * E)
        user_nb = jnp.maximum(lin2(unb, att4, 'dense_user_cate_hop1'), 0.0)
        user_nb_agg = user_nb.reshape(NB, H, 2 * E).sum(axis=0) * (1.0 / NB)

        uadd = sig(lin2(user_cat, user_nb_agg, 'dense_user_addgate'))
        uerase = sig(lin2(user_cat, user_nb_agg, 'dense_user_erasegate'))
        user_final = user_cat * (1.0 - uerase) + user_nb_agg * uadd

        wfc, bfc = wd['FC_pre']
        wu = wfc[:, :E]
        wi = wfc[:, E:]
        const = bfc[0, 0] + miu_ref[0, 0]
        pe = ((user_final[:, :E] * wu).sum(axis=1)
              + (item_final[:, :E] * wi).sum(axis=1)
              + ub_ref[:, 0] + ib_ref[:, 0] + const)
        po = ((user_final[:, E:] * wu).sum(axis=1)
              + (item_final[:, E:] * wi).sum(axis=1)
              + ub_ref[:, 1] + ib_ref[:, 1] + const)
        out_ref[...] = jnp.stack([pe, po], axis=1)

    def full(a):
        return pl.BlockSpec(a.shape, lambda i: (0, 0))

    in_specs = [
        pl.BlockSpec((H, 2 * E), lambda i: (i, 0)),
        pl.BlockSpec((NB, H, 2 * E), lambda i: (0, i, 0)),
        pl.BlockSpec((NB, H, 2 * E), lambda i: (0, i, 0)),
        pl.BlockSpec((H, 2 * E), lambda i: (i, 0)),
        pl.BlockSpec((8, NB, H, 2 * E), lambda i: (0, 0, i, 0)),
        pl.BlockSpec((8, H, 2 * E), lambda i: (0, i, 0)),
        pl.BlockSpec((H, 2), lambda i: (i, 0)),
        pl.BlockSpec((H, 2), lambda i: (i, 0)),
        pl.BlockSpec((H, 6), lambda i: (i, 0)),
        pl.BlockSpec((NB, H, 6), lambda i: (0, i, 0)),
        pl.BlockSpec((H, 6), lambda i: (i, 0)),
        pl.BlockSpec((NB, H, 6), lambda i: (0, i, 0)),
        full(genre), full(gender), full(age), full(occ), full(miu2),
    ]
    ops = [u_rows, ih3, uh3, ie, dh4, ds3, ub2, ib2,
           isc6, ioc6, usc6, uoc6, genre, gender, age, occ, miu2]
    for w, bb_ in wb:
        in_specs.append(full(w))
        in_specs.append(full(bb_))
        ops.append(w)
        ops.append(bb_)

    out = pl.pallas_call(
        body,
        grid=(G,),
        in_specs=in_specs,
        out_specs=pl.BlockSpec((H, 2), lambda i: (i, 0)),
        out_shape=jax.ShapeDtypeStruct((B // 2, 2), jnp.float32),
    )(*ops)
    return out.reshape(B)


def kernel(params, user, item, user_self_cate, user_onehop_id, user_onehop_cate,
           item_self_cate, item_self_director, item_self_writer, item_self_star,
           item_self_country, item_onehop_id, item_onehop_cate,
           item_onehop_director, item_onehop_writer, item_onehop_star,
           item_onehop_country):
    p = params
    B = user.shape[0]
    NB = user_onehop_id.shape[1]
    E = p['user_embed'].shape[1]

    d_tab = p['director_embed']
    w_tab = p['writer_embed']
    s_tab = p['star_embed']
    c_tab = p['country_embed']
    off_w = d_tab.shape[0]
    off_s = off_w + w_tab.shape[0]
    off_c = off_s + s_tab.shape[0]
    dwsc_tab = jnp.concatenate([d_tab, w_tab, s_tab, c_tab], axis=0)

    def tslot(a, k, off):
        return (a[:, :, k] + off).transpose(1, 0).reshape(-1)

    hop_idx = jnp.concatenate([
        tslot(item_onehop_director, 0, 0), tslot(item_onehop_director, 1, 0),
        tslot(item_onehop_writer, 0, off_w), tslot(item_onehop_writer, 1, off_w),
        tslot(item_onehop_star, 0, off_s), tslot(item_onehop_star, 1, off_s),
        tslot(item_onehop_star, 2, off_s),
        tslot(item_onehop_country, 0, off_c)])
    self_idx = jnp.concatenate([
        item_self_director[:, 0], item_self_director[:, 1],
        item_self_writer[:, 0] + off_w, item_self_writer[:, 1] + off_w,
        item_self_star[:, 0] + off_s, item_self_star[:, 1] + off_s,
        item_self_star[:, 2] + off_s,
        item_self_country[:, 0] + off_c])
    ih_idx = item_onehop_id.transpose(1, 0).reshape(-1)
    uh_idx = user_onehop_id.transpose(1, 0).reshape(-1)

    (hop_rows, self_rows, ih_rows, uh_rows, ie, u_rows,
     ub_g, ib_g) = _sc_gather(
        dwsc_tab, p['item_embed'], p['user_embed'],
        p['user_bias'].reshape(-1), p['item_bias'].reshape(-1),
        hop_idx, self_idx, ih_idx, uh_idx, item, user)

    dh4 = hop_rows.reshape(8, NB, B // 2, 2 * E)
    ds3 = self_rows.reshape(8, B // 2, 2 * E)
    ih3 = ih_rows.reshape(NB, B // 2, 2 * E)
    uh3 = uh_rows.reshape(NB, B // 2, 2 * E)
    iep = ie.reshape(B // 2, 2 * E)
    up = u_rows.reshape(B // 2, 2 * E)

    wb = []
    for name in _LAYERS[:-1]:
        wb.append((p[name + '_w'], p[name + '_b'].reshape(1, -1)))
    wb.append((p['FC_pre_w'].reshape(1, 2 * E), p['FC_pre_b'].reshape(1, 1)))

    return _tc_forward(
        up, ih3, uh3, iep, dh4, ds3,
        ub_g.reshape(B // 2, 2), ib_g.reshape(B // 2, 2),
        item_self_cate.reshape(B // 2, 6),
        item_onehop_cate.transpose(1, 0, 2).reshape(NB, B // 2, 6),
        user_self_cate.reshape(B // 2, 6),
        user_onehop_cate.transpose(1, 0, 2).reshape(NB, B // 2, 6),
        p['genre_embed'], p['gender_embed'], p['age_embed'],
        p['occupation_embed'], p['miu'].reshape(1, 1),
        wb, B, NB, E)

# --- scband reference (transcript-rebuilt; emitter-appended) ---
"""Pipeline reference for scband-agnn-37606733643819 (READ-ONLY COPY).

The authoritative reference and input builder live on the scoring server;
editing this copy changes nothing except your own understanding.
"""

import jax, jax.numpy as jnp
import numpy as np

USER_SIZE = 1000000
ITEM_SIZE = 1000000
GENDER_SIZE = 2
AGE_SIZE = 7
OCC_SIZE = 21
GENRE_SIZE = 25
DIR_SIZE = 10000
WRITER_SIZE = 10000
STAR_SIZE = 10000
COUNTRY_SIZE = 200
E = 64
B = 4096
NB = 20


def _lin(p, name, x):
    return x @ p[name + '_w'] + p[name + '_b']


def _feat_interaction(p, fe, bi, si, dim):
    summed = jnp.sum(fe, axis=dim)
    sq = summed ** 2
    sumsq = jnp.sum(fe ** 2, axis=dim)
    deep = 0.5 * (sq - sumsq)
    deep = jax.nn.leaky_relu(_lin(p, bi, deep), 0.01)
    bias = jax.nn.leaky_relu(_lin(p, si, summed), 0.01)
    return deep + bias


def _forward(p, user, item, user_self_cate, user_onehop_id, user_onehop_cate,
             item_self_cate, item_self_director, item_self_writer, item_self_star,
             item_self_country, item_onehop_id, item_onehop_cate, item_onehop_director,
             item_onehop_writer, item_onehop_star, item_onehop_country):
    user_emb = p['user_embed'][user]
    item_emb = p['item_embed'][item]
    # item self attribute NFM interaction
    item_feat = jnp.concatenate([
        p['genre_embed'][item_self_cate],
        p['director_embed'][item_self_director],
        p['writer_embed'][item_self_writer],
        p['star_embed'][item_self_star],
        p['country_embed'][item_self_country]], axis=1)
    item_self_att = _feat_interaction(p, item_feat, 'dense_item_self_biinter', 'dense_item_self_siinter', 1)
    item_cat = jax.nn.relu(_lin(p, 'dense_item_cate_self', jnp.concatenate([item_emb, item_self_att], axis=-1)))
    # item one-hop neighbors (items) with their attributes
    item_nb_feat = jnp.concatenate([
        p['genre_embed'][item_onehop_cate],
        p['director_embed'][item_onehop_director],
        p['writer_embed'][item_onehop_writer],
        p['star_embed'][item_onehop_star],
        p['country_embed'][item_onehop_country]], axis=2)
    item_nb_att = _feat_interaction(p, item_nb_feat, 'dense_item_onehop_biinter', 'dense_item_onehop_siinter', 2)
    item_nb_emb = p['item_embed'][item_onehop_id]
    item_nb = jax.nn.relu(_lin(p, 'dense_item_cate_hop1', jnp.concatenate([item_nb_emb, item_nb_att], axis=-1)))
    item_nb_agg = jnp.mean(item_nb, axis=1)
    gate_in = jnp.concatenate([item_cat, item_nb_agg], axis=-1)
    add_g = jax.nn.sigmoid(_lin(p, 'dense_item_addgate', gate_in))
    erase_g = jax.nn.sigmoid(_lin(p, 'dense_item_erasegate', gate_in))
    item_final = item_cat * (1.0 - erase_g) + item_nb_agg * add_g
    # user self attributes (gender, age, occupation)
    user_feat = jnp.stack([
        p['gender_embed'][user_self_cate[:, 0]],
        p['age_embed'][user_self_cate[:, 1]],
        p['occupation_embed'][user_self_cate[:, 2]]], axis=1)
    user_self_att = _feat_interaction(p, user_feat, 'dense_user_self_biinter', 'dense_user_self_siinter', 1)
    user_cat = jax.nn.relu(_lin(p, 'dense_user_cate_self', jnp.concatenate([user_emb, user_self_att], axis=-1)))
    # user one-hop neighbors (items) with genre attributes
    user_nb_feat = p['genre_embed'][user_onehop_cate]
    user_nb_att = _feat_interaction(p, user_nb_feat, 'dense_user_onehop_biinter', 'dense_user_onehop_siinter', 2)
    user_nb_emb = p['item_embed'][user_onehop_id]
    user_nb = jax.nn.relu(_lin(p, 'dense_user_cate_hop1', jnp.concatenate([user_nb_emb, user_nb_att], axis=-1)))
    user_nb_agg = jnp.mean(user_nb, axis=1)
    ugate_in = jnp.concatenate([user_cat, user_nb_agg], axis=-1)
    uadd_g = jax.nn.sigmoid(_lin(p, 'dense_user_addgate', ugate_in))
    uerase_g = jax.nn.sigmoid(_lin(p, 'dense_user_erasegate', ugate_in))
    user_final = user_cat * (1.0 - uerase_g) + user_nb_agg * uadd_g
    pred = _lin(p, 'FC_pre', jnp.concatenate([user_final, item_final], axis=-1))[:, 0]
    pred = pred + p['user_bias'][user][:, 0] + p['item_bias'][item][:, 0] + p['miu'][0]
    return pred


def setup_inputs(seed: int = 0):
    key = jax.random.key(seed)
    keys = jax.random.split(key, 64)
    ki = iter(range(64))

    def nrm(shape, s=0.05):
        return jax.random.normal(keys[next(ki)], shape, dtype=jnp.float32) * s

    params = {}
    params['user_embed'] = nrm((USER_SIZE, E))
    params['item_embed'] = nrm((ITEM_SIZE, E))
    params['user_bias'] = jnp.zeros((USER_SIZE, 1), jnp.float32)
    params['item_bias'] = jnp.zeros((ITEM_SIZE, 1), jnp.float32)
    params['miu'] = jnp.zeros((1,), jnp.float32)
    params['gender_embed'] = nrm((GENDER_SIZE, E))
    params['age_embed'] = nrm((AGE_SIZE, E))
    params['occupation_embed'] = nrm((OCC_SIZE, E))
    params['genre_embed'] = nrm((GENRE_SIZE, E))
    params['director_embed'] = nrm((DIR_SIZE, E))
    params['writer_embed'] = nrm((WRITER_SIZE, E))
    params['star_embed'] = nrm((STAR_SIZE, E))
    params['country_embed'] = nrm((COUNTRY_SIZE, E))
    layers = [('dense_item_self_biinter', E, E), ('dense_item_self_siinter', E, E),
              ('dense_item_onehop_biinter', E, E), ('dense_item_onehop_siinter', E, E),
              ('dense_user_self_biinter', E, E), ('dense_user_self_siinter', E, E),
              ('dense_user_onehop_biinter', E, E), ('dense_user_onehop_siinter', E, E),
              ('dense_item_cate_self', 2 * E, E), ('dense_item_cate_hop1', 2 * E, E),
              ('dense_user_cate_self', 2 * E, E), ('dense_user_cate_hop1', 2 * E, E),
              ('dense_item_addgate', 2 * E, E), ('dense_item_erasegate', 2 * E, E),
              ('dense_user_addgate', 2 * E, E), ('dense_user_erasegate', 2 * E, E),
              ('FC_pre', 2 * E, 1)]
    for name, din, dout in layers:
        lim = float(np.sqrt(6.0 / (din + dout)))
        params[name + '_w'] = jax.random.uniform(keys[next(ki)], (din, dout), jnp.float32, -lim, lim)
        params[name + '_b'] = jnp.zeros((dout,), jnp.float32)

    def ri(shape, mx):
        return jax.random.randint(keys[next(ki)], shape, 0, mx, dtype=jnp.int32)

    return {
        'params': params,
        'user': ri((B,), USER_SIZE),
        'item': ri((B,), ITEM_SIZE),
        'user_self_cate': ri((B, 3), GENDER_SIZE),
        'user_onehop_id': ri((B, NB), ITEM_SIZE),
        'user_onehop_cate': ri((B, NB, 3), GENRE_SIZE),
        'item_self_cate': ri((B, 3), GENRE_SIZE),
        'item_self_director': ri((B, 2), DIR_SIZE),
        'item_self_writer': ri((B, 2), WRITER_SIZE),
        'item_self_star': ri((B, 3), STAR_SIZE),
        'item_self_country': ri((B, 1), COUNTRY_SIZE),
        'item_onehop_id': ri((B, NB), ITEM_SIZE),
        'item_onehop_cate': ri((B, NB, 3), GENRE_SIZE),
        'item_onehop_director': ri((B, NB, 2), DIR_SIZE),
        'item_onehop_writer': ri((B, NB, 2), WRITER_SIZE),
        'item_onehop_star': ri((B, NB, 3), STAR_SIZE),
        'item_onehop_country': ri((B, NB, 1), COUNTRY_SIZE),
    }


def reference(params, user, item, user_self_cate, user_onehop_id, user_onehop_cate,
              item_self_cate, item_self_director, item_self_writer, item_self_star,
              item_self_country, item_onehop_id, item_onehop_cate, item_onehop_director,
              item_onehop_writer, item_onehop_star, item_onehop_country):
    return _forward(params, user, item, user_self_cate, user_onehop_id, user_onehop_cate,
                    item_self_cate, item_self_director, item_self_writer, item_self_star,
                    item_self_country, item_onehop_id, item_onehop_cate, item_onehop_director,
                    item_onehop_writer, item_onehop_star, item_onehop_country)

if __name__ == "__main__":
    import jax
    _d = setup_inputs()
    print(jax.jit(kernel)(*tuple(_d.values())))

</pallas_src>

<mosaic_0001>
#map = affine_map<(d0, d1) -> (0, 0)>
#map1 = affine_map<(d0, d1) -> (0)>
module attributes {stable_mosaic.version = 14 : i64} {
  func.func @run(%arg0: i32, %arg1: i32, %arg2: memref<30200x64xf32, #tpu.memory_space<hbm>>, %arg3: memref<1000000x64xf32, #tpu.memory_space<hbm>>, %arg4: memref<1000000x64xf32, #tpu.memory_space<hbm>>, %arg5: memref<1000000xf32, #tpu.memory_space<hbm>>, %arg6: memref<1000000xf32, #tpu.memory_space<hbm>>, %arg7: memref<655360xi32, #tpu.memory_space<hbm>>, %arg8: memref<32768xi32, #tpu.memory_space<hbm>>, %arg9: memref<81920xi32, #tpu.memory_space<hbm>>, %arg10: memref<81920xi32, #tpu.memory_space<hbm>>, %arg11: memref<4096xi32, #tpu.memory_space<hbm>>, %arg12: memref<4096xi32, #tpu.memory_space<hbm>>, %arg13: memref<655360x64xf32, #tpu.memory_space<hbm>>, %arg14: memref<32768x64xf32, #tpu.memory_space<hbm>>, %arg15: memref<81920x64xf32, #tpu.memory_space<hbm>>, %arg16: memref<81920x64xf32, #tpu.memory_space<hbm>>, %arg17: memref<4096x64xf32, #tpu.memory_space<hbm>>, %arg18: memref<4096x64xf32, #tpu.memory_space<hbm>>, %arg19: memref<4096xf32, #tpu.memory_space<hbm>>, %arg20: memref<4096xf32, #tpu.memory_space<hbm>>, %arg21: memref<512xi32, #tpu.memory_space<vmem>>, %arg22: memref<4x128x64xf32, #tpu.memory_space<vmem>>, %arg23: memref<128xf32, #tpu.memory_space<vmem>>, %arg24: memref<!tpu.dma_semaphore, #tpu.memory_space<semaphore_mem>>, %arg25: memref<!tpu.dma_semaphore, #tpu.memory_space<semaphore_mem>>) attributes {dimension_semantics = [#tpu.dimension_semantics<core_parallel>, #tpu.dimension_semantics<subcore_parallel>], iteration_bounds = array<i64: 2, 16>, scalar_prefetch = 0 : i64, scratch_operands = 5 : i64, tpu.core_type = #tpu.core_type<sc_vector_subcore>, window_params = [{transform_indices = #map}, {transform_indices = #map}, {transform_indices = #map}, {transform_indices = #map1}, {transform_indices = #map1}, {transform_indices = #map1}, {transform_indices = #map1}, {transform_indices = #map1}, {transform_indices = #map1}, {transform_indices = #map1}, {transform_indices = #map1}, {transform_indices = #map}, {transform_indices = #map}, {transform_indices = #map}, {transform_indices = #map}, {transform_indices = #map}, {transform_indices = #map}, {transform_indices = #map1}, {transform_indices = #map1}]} {
    %mul3A = arith.constant 2 : i32
    %mul3A_0 = arith.muli %arg1, %mul3A : i32
    %add3A = arith.addi %mul3A_0, %arg0 : i32
    %mul3A_1 = arith.constant 20480 : i32
    %mul3A_2 = arith.muli %add3A, %mul3A_1 : i32
    %scan3A = arith.constant 0 : i32
    %scan3A_3 = arith.constant 0 : i32
    %scan3A_4 = arith.constant 40 : i32
    %scan3A_5 = arith.addi %scan3A_3, %scan3A_4 : i32
    %scan3A_6 = arith.constant 1 : i32
    scf.for %scan3A_95 = %scan3A_3 to %scan3A_5 step %scan3A_6  : i32 {
      %mul3A_96 = arith.constant 512 : i32
      %mul3A_97 = arith.muli %scan3A_95, %mul3A_96 : i32
      %add3A_98 = arith.addi %mul3A_2, %mul3A_97 : i32
      "tpu.region"() ({
        %run_scoped3A_291 = tpu.sem_alloc : memref<!tpu.dma_semaphore, #tpu.memory_space<semaphore_mem>>
        %dma_start3A_292 = tpu.memref_slice %arg7[%add3A_98] : memref<655360xi32, #tpu.memory_space<hbm>> -> memref<512xi32, #tpu.memory_space<hbm>>
        %dma_start3A_293 = tpu.memref_slice %arg7[%add3A_98] : memref<655360xi32, #tpu.memory_space<hbm>> -> memref<512xi32, #tpu.memory_space<hbm>>
        tpu.enqueue_dma source(%dma_start3A_293 : memref<512xi32, #tpu.memory_space<hbm>>) target(%arg21 : memref<512xi32, #tpu.memory_space<vmem>>) target_semaphore(%run_scoped3A_291 : memref<!tpu.dma_semaphore, #tpu.memory_space<semaphore_mem>>)
        %dma_wait3A_294 = tpu.memref_slice %arg7[%add3A_98] : memref<655360xi32, #tpu.memory_space<hbm>> -> memref<512xi32, #tpu.memory_space<hbm>>
        %dma_wait3A_295 = tpu.memref_slice %arg7[%add3A_98] : memref<655360xi32, #tpu.memory_space<hbm>> -> memref<512xi32, #tpu.memory_space<hbm>>
        tpu.wait_dma2 semaphore(%run_scoped3A_291 : memref<!tpu.dma_semaphore, #tpu.memory_space<semaphore_mem>>) src(%dma_wait3A_295 : memref<512xi32, #tpu.memory_space<hbm>>) dst(%arg21 : memref<512xi32, #tpu.memory_space<vmem>>)
        tpu.yield
      }) : () -> ()
      %dma_start3A_99 = arith.constant 0 : i32
      %dma_start3A_100 = arith.constant 0 : i32
      %dma_start3A_101 = arith.constant 0 : i32
      %dma_start3A_102 = tpu.memref_slice %arg22[%dma_start3A_99, %dma_start3A_100, %dma_start3A_101] : memref<4x128x64xf32, #tpu.memory_space<vmem>> -> memref<1x128x64xf32, #tpu.memory_space<vmem>>
      %dma_start3A_103 = tpu.memref_squeeze %dma_start3A_102 : memref<1x128x64xf32, #tpu.memory_space<vmem>> -> memref<128x64xf32, #tpu.memory_space<vmem>>
      %dma_start3A_104 = arith.constant 0 : i32
      %dma_start3A_105 = tpu.memref_slice %arg21[%dma_start3A_104] : memref<512xi32, #tpu.memory_space<vmem>> -> memref<128xi32, #tpu.memory_space<vmem>>
      %dma_start3A_106 = arith.constant 0 : i32
      %dma_start3A_107 = arith.constant 0 : i32
      %dma_start3A_108 = tpu.memref_slice %arg2[%dma_start3A_106, %dma_start3A_107] : memref<30200x64xf32, #tpu.memory_space<hbm>> -> memref<30200x64xf32, #tpu.memory_space<hbm>>
      tpu.enqueue_indirect_dma source(%dma_start3A_108 : memref<30200x64xf32, #tpu.memory_space<hbm>>) target(%dma_start3A_103 : memref<128x64xf32, #tpu.memory_space<vmem>>) offsets(%dma_start3A_105 : memref<128xi32, #tpu.memory_space<vmem>>) semaphore(%arg24 : memref<!tpu.dma_semaphore, #tpu.memory_space<semaphore_mem>>)
      %dma_start3A_109 = arith.constant 1 : i32
      %dma_start3A_110 = arith.constant 0 : i32
      %dma_start3A_111 = arith.constant 0 : i32
      %dma_start3A_112 = tpu.memref_slice %arg22[%dma_start3A_109, %dma_start3A_110, %dma_start3A_111] : memref<4x128x64xf32, #tpu.memory_space<vmem>> -> memref<1x128x64xf32, #tpu.memory_space<vmem>>
      %dma_start3A_113 = tpu.memref_squeeze %dma_start3A_112 : memref<1x128x64xf32, #tpu.memory_space<vmem>> -> memref<128x64xf32, #tpu.memory_space<vmem>>
      %dma_start3A_114 = arith.constant 128 : i32
      %dma_start3A_115 = tpu.memref_slice %arg21[%dma_start3A_114] : memref<512xi32, #tpu.memory_space<vmem>> -> memref<128xi32, #tpu.memory_space<vmem>>
      %dma_start3A_116 = arith.constant 0 : i32
      %dma_start3A_117 = arith.constant 0 : i32
      %dma_start3A_118 = tpu.memref_slice %arg2[%dma_start3A_116, %dma_start3A_117] : memref<30200x64xf32, #tpu.memory_space<hbm>> -> memref<30200x64xf32, #tpu.memory_space<hbm>>
      tpu.enqueue_indirect_dma source(%dma_start3A_118 : memref<30200x64xf32, #tpu.memory_space<hbm>>) target(%dma_start3A_113 : memref<128x64xf32, #tpu.memory_space<vmem>>) offsets(%dma_start3A_115 : memref<128xi32, #tpu.memory_space<vmem>>) semaphore(%arg24 : memref<!tpu.dma_semaphore, #tpu.memory_space<semaphore_mem>>)
      %dma_start3A_119 = arith.constant 2 : i32
      %dma_start3A_120 = arith.constant 0 : i32
      %dma_start3A_121 = arith.constant 0 : i32
      %dma_start3A_122 = tpu.memref_slice %arg22[%dma_start3A_119, %dma_start3A_120, %dma_start3A_121] : memref<4x128x64xf32, #tpu.memory_space<vmem>> -> memref<1x128x64xf32, #tpu.memory_space<vmem>>
      %dma_start3A_123 = tpu.memref_squeeze %dma_start3A_122 : memref<1x128x64xf32, #tpu.memory_space<vmem>> -> memref<128x64xf32, #tpu.memory_space<vmem>>
      %dma_start3A_124 = arith.constant 256 : i32
      %dma_start3A_125 = tpu.memref_slice %arg21[%dma_start3A_124] : memref<512xi32, #tpu.memory_space<vmem>> -> memref<128xi32, #tpu.memory_space<vmem>>
      %dma_start3A_126 = arith.constant 0 : i32
      %dma_start3A_127 = arith.constant 0 : i32
      %dma_start3A_128 = tpu.memref_slice %arg2[%dma_start3A_126, %dma_start3A_127] : memref<30200x64xf32, #tpu.memory_space<hbm>> -> memref<30200x64xf32, #tpu.memory_space<hbm>>
      tpu.enqueue_indirect_dma source(%dma_start3A_128 : memref<30200x64xf32, #tpu.memory_space<hbm>>) target(%dma_start3A_123 : memref<128x64xf32, #tpu.memory_space<vmem>>) offsets(%dma_start3A_125 : memref<128xi32, #tpu.memory_space<vmem>>) semaphore(%arg24 : memref<!tpu.dma_semaphore, #tpu.memory_space<semaphore_mem>>)
      %dma_start3A_129 = arith.constant 3 : i32
      %dma_start3A_130 = arith.constant 0 : i32
      %dma_start3A_131 = arith.constant 0 : i32
      %dma_start3A_132 = tpu.memref_slice %arg22[%dma_start3A_129, %dma_start3A_130, %dma_start3A_131] : memref<4x128x64xf32, #tpu.memory_space<vmem>> -> memref<1x128x64xf32, #tpu.memory_space<vmem>>
      %dma_start3A_133 = tpu.memref_squeeze %dma_start3A_132 : memref<1x128x64xf32, #tpu.memory_space<vmem>> -> memref<128x64xf32, #tpu.memory_space<vmem>>
      %dma_start3A_134 = arith.constant 384 : i32
      %dma_start3A_135 = tpu.memref_slice %arg21[%dma_start3A_134] : memref<512xi32, #tpu.memory_space<vmem>> -> memref<128xi32, #tpu.memory_space<vmem>>
      %dma_start3A_136 = arith.constant 0 : i32
      %dma_start3A_137 = arith.constant 0 : i32
      %dma_start3A_138 = tpu.memref_slice %arg2[%dma_start3A_136, %dma_start3A_137] : memref<30200x64xf32, #tpu.memory_space<hbm>> -> memref<30200x64xf32, #tpu.memory_space<hbm>>
      tpu.enqueue_indirect_dma source(%dma_start3A_138 : memref<30200x64xf32, #tpu.memory_space<hbm>>) target(%dma_start3A_133 : memref<128x64xf32, #tpu.memory_space<vmem>>) offsets(%dma_start3A_135 : memref<128xi32, #tpu.memory_space<vmem>>) semaphore(%arg24 : memref<!tpu.dma_semaphore, #tpu.memory_space<semaphore_mem>>)
      %dma_wait3A_139 = arith.constant 0 : i32
      %dma_wait3A_140 = arith.constant 0 : i32
      %dma_wait3A_141 = arith.constant 0 : i32
      %dma_wait3A_142 = tpu.memref_slice %arg22[%dma_wait3A_139, %dma_wait3A_140, %dma_wait3A_141] : memref<4x128x64xf32, #tpu.memory_space<vmem>> -> memref<1x128x64xf32, #tpu.memory_space<vmem>>
      %dma_wait3A_143 = tpu.memref_squeeze %dma_wait3A_142 : memref<1x128x64xf32, #tpu.memory_space<vmem>> -> memref<128x64xf32, #tpu.memory_space<vmem>>
      %dma_wait3A_144 = arith.constant 0 : i32
      %dma_wait3A_145 = tpu.memref_slice %arg21[%dma_wait3A_144] : memref<512xi32, #tpu.memory_space<vmem>> -> memref<128xi32, #tpu.memory_space<vmem>>
      %dma_wait3A_146 = arith.constant 0 : i32
      %dma_wait3A_147 = arith.constant 0 : i32
      %dma_wait3A_148 = tpu.memref_slice %arg2[%dma_wait3A_146, %dma_wait3A_147] : memref<30200x64xf32, #tpu.memory_space<hbm>> -> memref<30200x64xf32, #tpu.memory_space<hbm>>
      tpu.wait_indirect_dma semaphore(%arg24 : memref<!tpu.dma_semaphore, #tpu.memory_space<semaphore_mem>>) src(%dma_wait3A_148 : memref<30200x64xf32, #tpu.memory_space<hbm>>) dst(%dma_wait3A_143 : memref<128x64xf32, #tpu.memory_space<vmem>>)
      %dma_wait3A_149 = arith.constant 1 : i32
      %dma_wait3A_150 = arith.constant 0 : i32
      %dma_wait3A_151 = arith.constant 0 : i32
      %dma_wait3A_152 = tpu.memref_slice %arg22[%dma_wait3A_149, %dma_wait3A_150, %dma_wait3A_151] : memref<4x128x64xf32, #tpu.memory_space<vmem>> -> memref<1x128x64xf32, #tpu.memory_space<vmem>>
      %dma_wait3A_153 = tpu.memref_squeeze %dma_wait3A_152 : memref<1x128x64xf32, #tpu.memory_space<vmem>> -> memref<128x64xf32, #tpu.memory_space<vmem>>
      %dma_wait3A_154 = arith.constant 128 : i32
      %dma_wait3A_155 = tpu.memref_slice %arg21[%dma_wait3A_154] : memref<512xi32, #tpu.memory_space<vmem>> -> memref<128xi32, #tpu.memory_space<vmem>>
      %dma_wait3A_156 = arith.constant 0 : i32
      %dma_wait3A_157 = arith.constant 0 : i32
      %dma_wait3A_158 = tpu.memref_slice %arg2[%dma_wait3A_156, %dma_wait3A_157] : memref<30200x64xf32, #tpu.memory_space<hbm>> -> memref<30200x64xf32, #tpu.memory_space<hbm>>
      tpu.wait_indirect_dma semaphore(%arg24 : memref<!tpu.dma_semaphore, #tpu.memory_space<semaphore_mem>>) src(%dma_wait3A_158 : memref<30200x64xf32, #tpu.memory_space<hbm>>) dst(%dma_wait3A_153 : memref<128x64xf32, #tpu.memory_space<vmem>>)
      %dma_wait3A_159 = arith.constant 2 : i32
      %dma_wait3A_160 = arith.constant 0 : i32
      %dma_wait3A_161 = arith.constant 0 : i32
      %dma_wait3A_162 = tpu.memref_slice %arg22[%dma_wait3A_159, %dma_wait3A_160, %dma_wait3A_161] : memref<4x128x64xf32, #tpu.memory_space<vmem>> -> memref<1x128x64xf32, #tpu.memory_space<vmem>>
      %dma_wait3A_163 = tpu.memref_squeeze %dma_wait3A_162 : memref<1x128x64xf32, #tpu.memory_space<vmem>> -> memref<128x64xf32, #tpu.memory_space<vmem>>
      %dma_wait3A_164 = arith.constant 256 : i32
      %dma_wait3A_165 = tpu.memref_slice %arg21[%dma_wait3A_164] : memref<512xi32, #tpu.memory_space<vmem>> -> memref<128xi32, #tpu.memory_space<vmem>>
      %dma_wait3A_166 = arith.constant 0 : i32
      %dma_wait3A_167 = arith.constant 0 : i32
      %dma_wait3A_168 = tpu.memref_slice %arg2[%dma_wait3A_166, %dma_wait3A_167] : memref<30200x64xf32, #tpu.memory_space<hbm>> -> memref<30200x64xf32, #tpu.memory_space<hbm>>
      tpu.wait_indirect_dma semaphore(%arg24 : memref<!tpu.dma_semaphore, #tpu.memory_space<semaphore_mem>>) src(%dma_wait3A_168 : memref<30200x64xf32, #tpu.memory_space<hbm>>) dst(%dma_wait3A_163 : memref<128x64xf32, #tpu.memory_space<vmem>>)
      %dma_wait3A_169 = arith.constant 3 : i32
      %dma_wait3A_170 = arith.constant 0 : i32
      %dma_wait3A_171 = arith.constant 0 : i32
      %dma_wait3A_172 = tpu.memref_slice %arg22[%dma_wait3A_169, %dma_wait3A_170, %dma_wait3A_171] : memref<4x128x64xf32, #tpu.memory_space<vmem>> -> memref<1x128x64xf32, #tpu.memory_space<vmem>>
      %dma_wait3A_173 = tpu.memref_squeeze %dma_wait3A_172 : memref<1x128x64xf32, #tpu.memory_space<vmem>> -> memref<128x64xf32, #tpu.memory_space<vmem>>
      %dma_wait3A_174 = arith.constant 384 : i32
      %dma_wait3A_175 = tpu.memref_slice %arg21[%dma_wait3A_174] : memref<512xi32, #tpu.memory_space<vmem>> -> memref<128xi32, #tpu.memory_space<vmem>>
      %dma_wait3A_176 = arith.constant 0 : i32
      %dma_wait3A_177 = arith.constant 0 : i32
      %dma_wait3A_178 = tpu.memref_slice %arg2[%dma_wait3A_176, %dma_wait3A_177] : memref<30200x64xf32, #tpu.memory_space<hbm>> -> memref<30200x64xf32, #tpu.memory_space<hbm>>
      tpu.wait_indirect_dma semaphore(%arg24 : memref<!tpu.dma_semaphore, #tpu.memory_space<semaphore_mem>>) src(%dma_wait3A_178 : memref<30200x64xf32, #tpu.memory_space<hbm>>) dst(%dma_wait3A_173 : memref<128x64xf32, #tpu.memory_space<vmem>>)
      %add3A_179 = arith.constant 0 : i32
      %add3A_180 = arith.addi %add3A_98, %add3A_179 : i32
      %dma_start3A_181 = arith.constant 0 : i32
      %dma_start3A_182 = arith.constant 0 : i32
      %dma_start3A_183 = arith.constant 0 : i32
      %dma_start3A_184 = tpu.memref_slice %arg22[%dma_start3A_181, %dma_start3A_182, %dma_start3A_183] : memref<4x128x64xf32, #tpu.memory_space<vmem>> -> memref<1x128x64xf32, #tpu.memory_space<vmem>>
      %dma_start3A_185 = tpu.memref_squeeze %dma_start3A_184 : memref<1x128x64xf32, #tpu.memory_space<vmem>> -> memref<128x64xf32, #tpu.memory_space<vmem>>
      %dma_start3A_186 = arith.constant 0 : i32
      %dma_start3A_187 = tpu.memref_slice %arg13[%add3A_180, %dma_start3A_186] : memref<655360x64xf32, #tpu.memory_space<hbm>> -> memref<128x64xf32, #tpu.memory_space<hbm>>
      %dma_start3A_188 = arith.constant 0 : i32
      %dma_start3A_189 = tpu.memref_slice %arg13[%add3A_180, %dma_start3A_188] : memref<655360x64xf32, #tpu.memory_space<hbm>> -> memref<128x64xf32, #tpu.memory_space<hbm>>
      %dma_start3A_190 = arith.constant 0 : i32
      %dma_start3A_191 = arith.constant 0 : i32
      %dma_start3A_192 = tpu.memref_slice %arg22[%dma_start3A_181, %dma_start3A_190, %dma_start3A_191] : memref<4x128x64xf32, #tpu.memory_space<vmem>> -> memref<1x128x64xf32, #tpu.memory_space<vmem>>
      %dma_start3A_193 = tpu.memref_squeeze %dma_start3A_192 : memref<1x128x64xf32, #tpu.memory_space<vmem>> -> memref<128x64xf32, #tpu.memory_space<vmem>>
      tpu.enqueue_dma source(%dma_start3A_193 : memref<128x64xf32, #tpu.memory_space<vmem>>) target(%dma_start3A_189 : memref<128x64xf32, #tpu.memory_space<hbm>>) target_semaphore(%arg25 : memref<!tpu.dma_semaphore, #tpu.memory_space<semaphore_mem>>)
      %add3A_194 = arith.constant 128 : i32
      %add3A_195 = arith.addi %add3A_98, %add3A_194 : i32
      %dma_start3A_196 = arith.constant 1 : i32
      %dma_start3A_197 = arith.constant 0 : i32
      %dma_start3A_198 = arith.constant 0 : i32
      %dma_start3A_199 = tpu.memref_slice %arg22[%dma_start3A_196, %dma_start3A_197, %dma_start3A_198] : memref<4x128x64xf32, #tpu.memory_space<vmem>> -> memref<1x128x64xf32, #tpu.memory_space<vmem>>
      %dma_start3A_200 = tpu.memref_squeeze %dma_start3A_199 : memref<1x128x64xf32, #tpu.memory_space<vmem>> -> memref<128x64xf32, #tpu.memory_space<vmem>>
      %dma_start3A_201 = arith.constant 0 : i32
      %dma_start3A_202 = tpu.memref_slice %arg13[%add3A_195, %dma_start3A_201] : memref<655360x64xf32, #tpu.memory_space<hbm>> -> memref<128x64xf32, #tpu.memory_space<hbm>>
      %dma_start3A_203 = arith.constant 0 : i32
      %dma_start3A_204 = tpu.memref_slice %arg13[%add3A_195, %dma_start3A_203] : memref<655360x64xf32, #tpu.memory_space<hbm>> -> memref<128x64xf32, #tpu.memory_space<hbm>>
      %dma_start3A_205 = arith.constant 0 : i32
      %dma_start3A_206 = arith.constant 0 : i32
      %dma_start3A_207 = tpu.memref_slice %arg22[%dma_start3A_196, %dma_start3A_205, %dma_start3A_206] : memref<4x128x64xf32, #tpu.memory_space<vmem>> -> memref<1x128x64xf32, #tpu.memory_space<vmem>>
      %dma_start3A_208 = tpu.memref_squeeze %dma_start3A_207 : memref<1x128x64xf32, #tpu.memory_space<vmem>> -> memref<128x64xf32, #tpu.memory_space<vmem>>
      tpu.enqueue_dma source(%dma_start3A_208 : memref<128x64xf32, #tpu.memory_space<vmem>>) target(%dma_start3A_204 : memref<128x64xf32, #tpu.memory_space<hbm>>) target_semaphore(%arg25 : memref<!tpu.dma_semaphore, #tpu.memory_space<semaphore_mem>>)
      %add3A_209 = arith.constant 256 : i32
      %add3A_210 = arith.addi %add3A_98, %add3A_209 : i32
      %dma_start3A_211 = arith.constant 2 : i32
      %dma_start3A_212 = arith.constant 0 : i32
      %dma_start3A_213 = arith.constant 0 : i32
      %dma_start3A_214 = tpu.memref_slice %arg22[%dma_start3A_211, %dma_start3A_212, %dma_start3A_213] : memref<4x128x64xf32, #tpu.memory_space<vmem>> -> memref<1x128x64xf32, #tpu.memory_space<vmem>>
      %dma_start3A_215 = tpu.memref_squeeze %dma_start3A_214 : memref<1x128x64xf32, #tpu.memory_space<vmem>> -> memref<128x64xf32, #tpu.memory_space<vmem>>
      %dma_start3A_216 = arith.constant 0 : i32
      %dma_start3A_217 = tpu.memref_slice %arg13[%add3A_210, %dma_start3A_216] : memref<655360x64xf32, #tpu.memory_space<hbm>> -> memref<128x64xf32, #tpu.memory_space<hbm>>
      %dma_start3A_218 = arith.constant 0 : i32
      %dma_start3A_219 = tpu.memref_slice %arg13[%add3A_210, %dma_start3A_218] : memref<655360x64xf32, #tpu.memory_space<hbm>> -> memref<128x64xf32, #tpu.memory_space<hbm>>
      %dma_start3A_220 = arith.constant 0 : i32
      %dma_start3A_221 = arith.constant 0 : i32
      %dma_start3A_222 = tpu.memref_slice %arg22[%dma_start3A_211, %dma_start3A_220, %dma_start3A_221] : memref<4x128x64xf32, #tpu.memory_space<vmem>> -> memref<1x128x64xf32, #tpu.memory_space<vmem>>
      %dma_start3A_223 = tpu.memref_squeeze %dma_start3A_222 : memref<1x128x64xf32, #tpu.memory_space<vmem>> -> memref<128x64xf32, #tpu.memory_space<vmem>>
      tpu.enqueue_dma source(%dma_start3A_223 : memref<128x64xf32, #tpu.memory_space<vmem>>) target(%dma_start3A_219 : memref<128x64xf32, #tpu.memory_space<hbm>>) target_semaphore(%arg25 : memref<!tpu.dma_semaphore, #tpu.memory_space<semaphore_mem>>)
      %add3A_224 = arith.constant 384 : i32
      %add3A_225 = arith.addi %add3A_98, %add3A_224 : i32
      %dma_start3A_226 = arith.constant 3 : i32
      %dma_start3A_227 = arith.constant 0 : i32
      %dma_start3A_228 = arith.constant 0 : i32
      %dma_start3A_229 = tpu.memref_slice %arg22[%dma_start3A_226, %dma_start3A_227, %dma_start3A_228] : memref<4x128x64xf32, #tpu.memory_space<vmem>> -> memref<1x128x64xf32, #tpu.memory_space<vmem>>
      %dma_start3A_230 = tpu.memref_squeeze %dma_start3A_229 : memref<1x128x64xf32, #tpu.memory_space<vmem>> -> memref<128x64xf32, #tpu.memory_space<vmem>>
      %dma_start3A_231 = arith.constant 0 : i32
      %dma_start3A_232 = tpu.memref_slice %arg13[%add3A_225, %dma_start3A_231] : memref<655360x64xf32, #tpu.memory_space<hbm>> -> memref<128x64xf32, #tpu.memory_space<hbm>>
      %dma_start3A_233 = arith.constant 0 : i32
      %dma_start3A_234 = tpu.memref_slice %arg13[%add3A_225, %dma_start3A_233] : memref<655360x64xf32, #tpu.memory_space<hbm>> -> memref<128x64xf32, #tpu.memory_space<hbm>>
      %dma_start3A_235 = arith.constant 0 : i32
      %dma_start3A_236 = arith.constant 0 : i32
      %dma_start3A_237 = tpu.memref_slice %arg22[%dma_start3A_226, %dma_start3A_235, %dma_start3A_236] : memref<4x128x64xf32, #tpu.memory_space<vmem>> -> memref<1x128x64xf32, #tpu.memory_space<vmem>>
      %dma_start3A_238 = tpu.memref_squeeze %dma_start3A_237 : memref<1x128x64xf32, #tpu.memory_space<vmem>> -> memref<128x64xf32, #tpu.memory_space<vmem>>
      tpu.enqueue_dma source(%dma_start3A_238 : memref<128x64xf32, #tpu.memory_space<vmem>>) target(%dma_start3A_234 : memref<128x64xf32, #tpu.memory_space<hbm>>) target_semaphore(%arg25 : memref<!tpu.dma_semaphore, #tpu.memory_space<semaphore_mem>>)
      %dma_wait3A_239 = arith.constant 0 : i32
      %dma_wait3A_240 = arith.constant 0 : i32
      %dma_wait3A_241 = arith.constant 0 : i32
      %dma_wait3A_242 = tpu.memref_slice %arg22[%dma_wait3A_239, %dma_wait3A_240, %dma_wait3A_241] : memref<4x128x64xf32, #tpu.memory_space<vmem>> -> memref<1x128x64xf32, #tpu.memory_space<vmem>>
      %dma_wait3A_243 = tpu.memref_squeeze %dma_wait3A_242 : memref<1x128x64xf32, #tpu.memory_space<vmem>> -> memref<128x64xf32, #tpu.memory_space<vmem>>
      %dma_wait3A_244 = arith.constant 0 : i32
      %dma_wait3A_245 = tpu.memref_slice %arg13[%add3A_180, %dma_wait3A_244] : memref<655360x64xf32, #tpu.memory_space<hbm>> -> memref<128x64xf32, #tpu.memory_space<hbm>>
      %dma_wait3A_246 = arith.constant 0 : i32
      %dma_wait3A_247 = tpu.memref_slice %arg13[%add3A_180, %dma_wait3A_246] : memref<655360x64xf32, #tpu.memory_space<hbm>> -> memref<128x64xf32, #tpu.memory_space<hbm>>
      %dma_wait3A_248 = arith.constant 0 : i32
      %dma_wait3A_249 = arith.constant 0 : i32
      %dma_wait3A_250 = tpu.memref_slice %arg22[%dma_wait3A_239, %dma_wait3A_248, %dma_wait3A_249] : memref<4x128x64xf32, #tpu.memory_space<vmem>> -> memref<1x128x64xf32, #tpu.memory_space<vmem>>
      %dma_wait3A_251 = tpu.memref_squeeze %dma_wait3A_250 : memref<1x128x64xf32, #tpu.memory_space<vmem>> -> memref<128x64xf32, #tpu.memory_space<vmem>>
      tpu.wait_dma2 semaphore(%arg25 : memref<!tpu.dma_semaphore, #tpu.memory_space<semaphore_mem>>) src(%dma_wait3A_251 : memref<128x64xf32, #tpu.memory_space<vmem>>) dst(%dma_wait3A_247 : memref<128x64xf32, #tpu.memory_space<hbm>>)
      %dma_wait3A_252 = arith.constant 1 : i32
      %dma_wait3A_253 = arith.constant 0 : i32
      %dma_wait3A_254 = arith.constant 0 : i32
      %dma_wait3A_255 = tpu.memref_slice %arg22[%dma_wait3A_252, %dma_wait3A_253, %dma_wait3A_254] : memref<4x128x64xf32, #tpu.memory_space<vmem>> -> memref<1x128x64xf32, #tpu.memory_space<vmem>>
      %dma_wait3A_256 = tpu.memref_squeeze %dma_wait3A_255 : memref<1x128x64xf32, #tpu.memory_space<vmem>> -> memref<128x64xf32, #tpu.memory_space<vmem>>
      %dma_wait3A_257 = arith.constant 0 : i32
      %dma_wait3A_258 = tpu.memref_slice %arg13[%add3A_195, %dma_wait3A_257] : memref<655360x64xf32, #tpu.memory_space<hbm>> -> memref<128x64xf32, #tpu.memory_space<hbm>>
      %dma_wait3A_259 = arith.constant 0 : i32
      %dma_wait3A_260 = tpu.memref_slice %arg13[%add3A_195, %dma_wait3A_259] : memref<655360x64xf32, #tpu.memory_space<hbm>> -> memref<128x64xf32, #tpu.memory_space<hbm>>
      %dma_wait3A_261 = arith.constant 0 : i32
      %dma_wait3A_262 = arith.constant 0 : i32
      %dma_wait3A_263 = tpu.memref_slice %arg22[%dma_wait3A_252, %dma_wait3A_261, %dma_wait3A_262] : memref<4x128x64xf32, #tpu.memory_space<vmem>> -> memref<1x128x64xf32, #tpu.memory_space<vmem>>
      %dma_wait3A_264 = tpu.memref_squeeze %dma_wait3A_263 : memref<1x128x64xf32, #tpu.memory_space<vmem>> -> memref<128x64xf32, #tpu.memory_space<vmem>>
      tpu.wait_dma2 semaphore(%arg25 : memref<!tpu.dma_semaphore, #tpu.memory_space<semaphore_mem>>) src(%dma_wait3A_264 : memref<128x64xf32, #tpu.memory_space<vmem>>) dst(%dma_wait3A_260 : memref<128x64xf32, #tpu.memory_space<hbm>>)
      %dma_wait3A_265 = arith.constant 2 : i32
      %dma_wait3A_266 = arith.constant 0 : i32
      %dma_wait3A_267 = arith.constant 0 : i32
      %dma_wait3A_268 = tpu.memref_slice %arg22[%dma_wait3A_265, %dma_wait3A_266, %dma_wait3A_267] : memref<4x128x64xf32, #tpu.memory_space<vmem>> -> memref<1x128x64xf32, #tpu.memory_space<vmem>>
      %dma_wait3A_269 = tpu.memref_squeeze %dma_wait3A_268 : memref<1x128x64xf32, #tpu.memory_space<vmem>> -> memref<128x64xf32, #tpu.memory_space<vmem>>
      %dma_wait3A_270 = arith.constant 0 : i32
      %dma_wait3A_271 = tpu.memref_slice %arg13[%add3A_210, %dma_wait3A_270] : memref<655360x64xf32, #tpu.memory_space<hbm>> -> memref<128x64xf32, #tpu.memory_space<hbm>>
      %dma_wait3A_272 = arith.constant 0 : i32
      %dma_wait3A_273 = tpu.memref_slice %arg13[%add3A_210, %dma_wait3A_272] : memref<655360x64xf32, #tpu.memory_space<hbm>> -> memref<128x64xf32, #tpu.memory_space<hbm>>
      %dma_wait3A_274 = arith.constant 0 : i32
      %dma_wait3A_275 = arith.constant 0 : i32
      %dma_wait3A_276 = tpu.memref_slice %arg22[%dma_wait3A_265, %dma_wait3A_274, %dma_wait3A_275] : memref<4x128x64xf32, #tpu.memory_space<vmem>> -> memref<1x128x64xf32, #tpu.memory_space<vmem>>
      %dma_wait3A_277 = tpu.memref_squeeze %dma_wait3A_276 : memref<1x128x64xf32, #tpu.memory_space<vmem>> -> memref<128x64xf32, #tpu.memory_space<vmem>>
      tpu.wait_dma2 semaphore(%arg25 : memref<!tpu.dma_semaphore, #tpu.memory_space<semaphore_mem>>) src(%dma_wait3A_277 : memref<128x64xf32, #tpu.memory_space<vmem>>) dst(%dma_wait3A_273 : memref<128x64xf32, #tpu.memory_space<hbm>>)
      %dma_wait3A_278 = arith.constant 3 : i32
      %dma_wait3A_279 = arith.constant 0 : i32
      %dma_wait3A_280 = arith.constant 0 : i32
      %dma_wait3A_281 = tpu.memref_slice %arg22[%dma_wait3A_278, %dma_wait3A_279, %dma_wait3A_280] : memref<4x128x64xf32, #tpu.memory_space<vmem>> -> memref<1x128x64xf32, #tpu.memory_space<vmem>>
      %dma_wait3A_282 = tpu.memref_squeeze %dma_wait3A_281 : memref<1x128x64xf32, #tpu.memory_space<vmem>> -> memref<128x64xf32, #tpu.memory_space<vmem>>
      %dma_wait3A_283 = arith.constant 0 : i32
      %dma_wait3A_284 = tpu.memref_slice %arg13[%add3A_225, %dma_wait3A_283] : memref<655360x64xf32, #tpu.memory_space<hbm>> -> memref<128x64xf32, #tpu.memory_space<hbm>>
      %dma_wait3A_285 = arith.constant 0 : i32
      %dma_wait3A_286 = tpu.memref_slice %arg13[%add3A_225, %dma_wait3A_285] : memref<655360x64xf32, #tpu.memory_space<hbm>> -> memref<128x64xf32, #tpu.memory_space<hbm>>
      %dma_wait3A_287 = arith.constant 0 : i32
      %dma_wait3A_288 = arith.constant 0 : i32
      %dma_wait3A_289 = tpu.memref_slice %arg22[%dma_wait3A_278, %dma_wait3A_287, %dma_wait3A_288] : memref<4x128x64xf32, #tpu.memory_space<vmem>> -> memref<1x128x64xf32, #tpu.memory_space<vmem>>
      %dma_wait3A_290 = tpu.memref_squeeze %dma_wait3A_289 : memref<1x128x64xf32, #tpu.memory_space<vmem>> -> memref<128x64xf32, #tpu.memory_space<vmem>>
      tpu.wait_dma2 semaphore(%arg25 : memref<!tpu.dma_semaphore, #tpu.memory_space<semaphore_mem>>) src(%dma_wait3A_290 : memref<128x64xf32, #tpu.memory_space<vmem>>) dst(%dma_wait3A_286 : memref<128x64xf32, #tpu.memory_space<hbm>>)
    }
    %scan3A_7 = arith.constant 40 : i32
    %mul3A_8 = arith.constant 1024 : i32
    %mul3A_9 = arith.muli %add3A, %mul3A_8 : i32
    %scan3A_10 = arith.constant 0 : i32
    %scan3A_11 = arith.constant 0 : i32
    %scan3A_12 = arith.constant 2 : i32
    %scan3A_13 = arith.addi %scan3A_11, %scan3A_12 : i32
    %scan3A_14 = arith.constant 1 : i32
    scf.for %scan3A_95 = %scan3A_11 to %scan3A_13 step %scan3A_14  : i32 {
      %mul3A_96 = arith.constant 512 : i32
      %mul3A_97 = arith.muli %scan3A_95, %mul3A_96 : i32
      %add3A_98 = arith.addi %mul3A_9, %mul3A_97 : i32
      "tpu.region"() ({
        %run_scoped3A_291 = tpu.sem_alloc : memref<!tpu.dma_semaphore, #tpu.memory_space<semaphore_mem>>
        %dma_start3A_292 = tpu.memref_slice %arg8[%add3A_98] : memref<32768xi32, #tpu.memory_space<hbm>> -> memref<512xi32, #tpu.memory_space<hbm>>
        %dma_start3A_293 = tpu.memref_slice %arg8[%add3A_98] : memref<32768xi32, #tpu.memory_space<hbm>> -> memref<512xi32, #tpu.memory_space<hbm>>
        tpu.enqueue_dma source(%dma_start3A_293 : memref<512xi32, #tpu.memory_space<hbm>>) target(%arg21 : memref<512xi32, #tpu.memory_space<vmem>>) target_semaphore(%run_scoped3A_291 : memref<!tpu.dma_semaphore, #tpu.memory_space<semaphore_mem>>)
        %dma_wait3A_294 = tpu.memref_slice %arg8[%add3A_98] : memref<32768xi32, #tpu.memory_space<hbm>> -> memref<512xi32, #tpu.memory_space<hbm>>
        %dma_wait3A_295 = tpu.memref_slice %arg8[%add3A_98] : memref<32768xi32, #tpu.memory_space<hbm>> -> memref<512xi32, #tpu.memory_space<hbm>>
        tpu.wait_dma2 semaphore(%run_scoped3A_291 : memref<!tpu.dma_semaphore, #tpu.memory_space<semaphore_mem>>) src(%dma_wait3A_295 : memref<512xi32, #tpu.memory_space<hbm>>) dst(%arg21 : memref<512xi32, #tpu.memory_space<vmem>>)
        tpu.yield
      }) : () -> ()
      %dma_start3A_99 = arith.constant 0 : i32
      %dma_start3A_100 = arith.constant 0 : i32
      %dma_start3A_101 = arith.constant 0 : i32
      %dma_start3A_102 = tpu.memref_slice %arg22[%dma_start3A_99, %dma_start3A_100, %dma_start3A_101] : memref<4x128x64xf32, #tpu.memory_space<vmem>> -> memref<1x128x64xf32, #tpu.memory_space<vmem>>
      %dma_start3A_103 = tpu.memref_squeeze %dma_start3A_102 : memref<1x128x64xf32, #tpu.memory_space<vmem>> -> memref<128x64xf32, #tpu.memory_space<vmem>>
      %dma_start3A_104 = arith.constant 0 : i32
      %dma_start3A_105 = tpu.memref_slice %arg21[%dma_start3A_104] : memref<512xi32, #tpu.memory_space<vmem>> -> memref<128xi32, #tpu.memory_space<vmem>>
      %dma_start3A_106 = arith.constant 0 : i32
      %dma_start3A_107 = arith.constant 0 : i32
      %dma_start3A_108 = tpu.memref_slice %arg2[%dma_start3A_106, %dma_start3A_107] : memref<30200x64xf32, #tpu.memory_space<hbm>> -> memref<30200x64xf32, #tpu.memory_space<hbm>>
      tpu.enqueue_indirect_dma source(%dma_start3A_108 : memref<30200x64xf32, #tpu.memory_space<hbm>>) target(%dma_start3A_103 : memref<128x64xf32, #tpu.memory_space<vmem>>) offsets(%dma_start3A_105 : memref<128xi32, #tpu.memory_space<vmem>>) semaphore(%arg24 : memref<!tpu.dma_semaphore, #tpu.memory_space<semaphore_mem>>)
      %dma_start3A_109 = arith.constant 1 : i32
      %dma_start3A_110 = arith.constant 0 : i32
      %dma_start3A_111 = arith.constant 0 : i32
      %dma_start3A_112 = tpu.memref_slice %arg22[%dma_start3A_109, %dma_start3A_110, %dma_start3A_111] : memref<4x128x64xf32, #tpu.memory_space<vmem>> -> memref<1x128x64xf32, #tpu.memory_space<vmem>>
      %dma_start3A_113 = tpu.memref_squeeze %dma_start3A_112 : memref<1x128x64xf32, #tpu.memory_space<vmem>> -> memref<128x64xf32, #tpu.memory_space<vmem>>
      %dma_start3A_114 = arith.constant 128 : i32
      %dma_start3A_115 = tpu.memref_slice %arg21[%dma_start3A_114] : memref<512xi32, #tpu.memory_space<vmem>> -> memref<128xi32, #tpu.memory_space<vmem>>
      %dma_start3A_116 = arith.constant 0 : i32
      %dma_start3A_117 = arith.constant 0 : i32
      %dma_start3A_118 = tpu.memref_slice %arg2[%dma_start3A_116, %dma_start3A_117] : memref<30200x64xf32, #tpu.memory_space<hbm>> -> memref<30200x64xf32, #tpu.memory_space<hbm>>
      tpu.enqueue_indirect_dma source(%dma_start3A_118 : memref<30200x64xf32, #tpu.memory_space<hbm>>) target(%dma_start3A_113 : memref<128x64xf32, #tpu.memory_space<vmem>>) offsets(%dma_start3A_115 : memref<128xi32, #tpu.memory_space<vmem>>) semaphore(%arg24 : memref<!tpu.dma_semaphore, #tpu.memory_space<semaphore_mem>>)
      %dma_start3A_119 = arith.constant 2 : i32
      %dma_start3A_120 = arith.constant 0 : i32
      %dma_start3A_121 = arith.constant 0 : i32
      %dma_start3A_122 = tpu.memref_slice %arg22[%dma_start3A_119, %dma_start3A_120, %dma_start3A_121] : memref<4x128x64xf32, #tpu.memory_space<vmem>> -> memref<1x128x64xf32, #tpu.memory_space<vmem>>
      %dma_start3A_123 = tpu.memref_squeeze %dma_start3A_122 : memref<1x128x64xf32, #tpu.memory_space<vmem>> -> memref<128x64xf32, #tpu.memory_space<vmem>>
      %dma_start3A_124 = arith.constant 256 : i32
      %dma_start3A_125 = tpu.memref_slice %arg21[%dma_start3A_124] : memref<512xi32, #tpu.memory_space<vmem>> -> memref<128xi32, #tpu.memory_space<vmem>>
      %dma_start3A_126 = arith.constant 0 : i32
      %dma_start3A_127 = arith.constant 0 : i32
      %dma_start3A_128 = tpu.memref_slice %arg2[%dma_start3A_126, %dma_start3A_127] : memref<30200x64xf32, #tpu.memory_space<hbm>> -> memref<30200x64xf32, #tpu.memory_space<hbm>>
      tpu.enqueue_indirect_dma source(%dma_start3A_128 : memref<30200x64xf32, #tpu.memory_space<hbm>>) target(%dma_start3A_123 : memref<128x64xf32, #tpu.memory_space<vmem>>) offsets(%dma_start3A_125 : memref<128xi32, #tpu.memory_space<vmem>>) semaphore(%arg24 : memref<!tpu.dma_semaphore, #tpu.memory_space<semaphore_mem>>)
      %dma_start3A_129 = arith.constant 3 : i32
      %dma_start3A_130 = arith.constant 0 : i32
      %dma_start3A_131 = arith.constant 0 : i32
      %dma_start3A_132 = tpu.memref_slice %arg22[%dma_start3A_129, %dma_start3A_130, %dma_start3A_131] : memref<4x128x64xf32, #tpu.memory_space<vmem>> -> memref<1x128x64xf32, #tpu.memory_space<vmem>>
      %dma_start3A_133 = tpu.memref_squeeze %dma_start3A_132 : memref<1x128x64xf32, #tpu.memory_space<vmem>> -> memref<128x64xf32, #tpu.memory_space<vmem>>
      %dma_start3A_134 = arith.constant 384 : i32
      %dma_start3A_135 = tpu.memref_slice %arg21[%dma_start3A_134] : memref<512xi32, #tpu.memory_space<vmem>> -> memref<128xi32, #tpu.memory_space<vmem>>
      %dma_start3A_136 = arith.constant 0 : i32
      %dma_start3A_137 = arith.constant 0 : i32
      %dma_start3A_138 = tpu.memref_slice %arg2[%dma_start3A_136, %dma_start3A_137] : memref<30200x64xf32, #tpu.memory_space<hbm>> -> memref<30200x64xf32, #tpu.memory_space<hbm>>
      tpu.enqueue_indirect_dma source(%dma_start3A_138 : memref<30200x64xf32, #tpu.memory_space<hbm>>) target(%dma_start3A_133 : memref<128x64xf32, #tpu.memory_space<vmem>>) offsets(%dma_start3A_135 : memref<128xi32, #tpu.memory_space<vmem>>) semaphore(%arg24 : memref<!tpu.dma_semaphore, #tpu.memory_space<semaphore_mem>>)
      %dma_wait3A_139 = arith.constant 0 : i32
      %dma_wait3A_140 = arith.constant 0 : i32
      %dma_wait3A_141 = arith.constant 0 : i32
      %dma_wait3A_142 = tpu.memref_slice %arg22[%dma_wait3A_139, %dma_wait3A_140, %dma_wait3A_141] : memref<4x128x64xf32, #tpu.memory_space<vmem>> -> memref<1x128x64xf32, #tpu.memory_space<vmem>>
      %dma_wait3A_143 = tpu.memref_squeeze %dma_wait3A_142 : memref<1x128x64xf32, #tpu.memory_space<vmem>> -> memref<128x64xf32, #tpu.memory_space<vmem>>
      %dma_wait3A_144 = arith.constant 0 : i32
      %dma_wait3A_145 = tpu.memref_slice %arg21[%dma_wait3A_144] : memref<512xi32, #tpu.memory_space<vmem>> -> memref<128xi32, #tpu.memory_space<vmem>>
      %dma_wait3A_146 = arith.constant 0 : i32
      %dma_wait3A_147 = arith.constant 0 : i32
      %dma_wait3A_148 = tpu.memref_slice %arg2[%dma_wait3A_146, %dma_wait3A_147] : memref<30200x64xf32, #tpu.memory_space<hbm>> -> memref<30200x64xf32, #tpu.memory_space<hbm>>
      tpu.wait_indirect_dma semaphore(%arg24 : memref<!tpu.dma_semaphore, #tpu.memory_space<semaphore_mem>>) src(%dma_wait3A_148 : memref<30200x64xf32, #tpu.memory_space<hbm>>) dst(%dma_wait3A_143 : memref<128x64xf32, #tpu.memory_space<vmem>>)
      %dma_wait3A_149 = arith.constant 1 : i32
      %dma_wait3A_150 = arith.constant 0 : i32
      %dma_wait3A_151 = arith.constant 0 : i32
      %dma_wait3A_152 = tpu.memref_slice %arg22[%dma_wait3A_149, %dma_wait3A_150, %dma_wait3A_151] : memref<4x128x64xf32, #tpu.memory_space<vmem>> -> memref<1x128x64xf32, #tpu.memory_space<vmem>>
      %dma_wait3A_153 = tpu.memref_squeeze %dma_wait3A_152 : memref<1x128x64xf32, #tpu.memory_space<vmem>> -> memref<128x64xf32, #tpu.memory_space<vmem>>
      %dma_wait3A_154 = arith.constant 128 : i32
      %dma_wait3A_155 = tpu.memref_slice %arg21[%dma_wait3A_154] : memref<512xi32, #tpu.memory_space<vmem>> -> memref<128xi32, #tpu.memory_space<vmem>>
      %dma_wait3A_156 = arith.constant 0 : i32
      %dma_wait3A_157 = arith.constant 0 : i32
      %dma_wait3A_158 = tpu.memref_slice %arg2[%dma_wait3A_156, %dma_wait3A_157] : memref<30200x64xf32, #tpu.memory_space<hbm>> -> memref<30200x64xf32, #tpu.memory_space<hbm>>
      tpu.wait_indirect_dma semaphore(%arg24 : memref<!tpu.dma_semaphore, #tpu.memory_space<semaphore_mem>>) src(%dma_wait3A_158 : memref<30200x64xf32, #tpu.memory_space<hbm>>) dst(%dma_wait3A_153 : memref<128x64xf32, #tpu.memory_space<vmem>>)
      %dma_wait3A_159 = arith.constant 2 : i32
      %dma_wait3A_160 = arith.constant 0 : i32
      %dma_wait3A_161 = arith.constant 0 : i32
      %dma_wait3A_162 = tpu.memref_slice %arg22[%dma_wait3A_159, %dma_wait3A_160, %dma_wait3A_161] : memref<4x128x64xf32, #tpu.memory_space<vmem>> -> memref<1x128x64xf32, #tpu.memory_space<vmem>>
      %dma_wait3A_163 = tpu.memref_squeeze %dma_wait3A_162 : memref<1x128x64xf32, #tpu.memory_space<vmem>> -> memref<128x64xf32, #tpu.memory_space<vmem>>
      %dma_wait3A_164 = arith.constant 256 : i32
      %dma_wait3A_165 = tpu.memref_slice %arg21[%dma_wait3A_164] : memref<512xi32, #tpu.memory_space<vmem>> -> memref<128xi32, #tpu.memory_space<vmem>>
      %dma_wait3A_166 = arith.constant 0 : i32
      %dma_wait3A_167 = arith.constant 0 : i32
      %dma_wait3A_168 = tpu.memref_slice %arg2[%dma_wait3A_166, %dma_wait3A_167] : memref<30200x64xf32, #tpu.memory_space<hbm>> -> memref<30200x64xf32, #tpu.memory_space<hbm>>
      tpu.wait_indirect_dma semaphore(%arg24 : memref<!tpu.dma_semaphore, #tpu.memory_space<semaphore_mem>>) src(%dma_wait3A_168 : memref<30200x64xf32, #tpu.memory_space<hbm>>) dst(%dma_wait3A_163 : memref<128x64xf32, #tpu.memory_space<vmem>>)
      %dma_wait3A_169 = arith.constant 3 : i32
      %dma_wait3A_170 = arith.constant 0 : i32
      %dma_wait3A_171 = arith.constant 0 : i32
      %dma_wait3A_172 = tpu.memref_slice %arg22[%dma_wait3A_169, %dma_wait3A_170, %dma_wait3A_171] : memref<4x128x64xf32, #tpu.memory_space<vmem>> -> memref<1x128x64xf32, #tpu.memory_space<vmem>>
      %dma_wait3A_173 = tpu.memref_squeeze %dma_wait3A_172 : memref<1x128x64xf32, #tpu.memory_space<vmem>> -> memref<128x64xf32, #tpu.memory_space<vmem>>
      %dma_wait3A_174 = arith.constant 384 : i32
      %dma_wait3A_175 = tpu.memref_slice %arg21[%dma_wait3A_174] : memref<512xi32, #tpu.memory_space<vmem>> -> memref<128xi32, #tpu.memory_space<vmem>>
      %dma_wait3A_176 = arith.constant 0 : i32
      %dma_wait3A_177 = arith.constant 0 : i32
      %dma_wait3A_178 = tpu.memref_slice %arg2[%dma_wait3A_176, %dma_wait3A_177] : memref<30200x64xf32, #tpu.memory_space<hbm>> -> memref<30200x64xf32, #tpu.memory_space<hbm>>
      tpu.wait_indirect_dma semaphore(%arg24 : memref<!tpu.dma_semaphore, #tpu.memory_space<semaphore_mem>>) src(%dma_wait3A_178 : memref<30200x64xf32, #tpu.memory_space<hbm>>) dst(%dma_wait3A_173 : memref<128x64xf32, #tpu.memory_space<vmem>>)
      %add3A_179 = arith.constant 0 : i32
      %add3A_180 = arith.addi %add3A_98, %add3A_179 : i32
      %dma_start3A_181 = arith.constant 0 : i32
      %dma_start3A_182 = arith.constant 0 : i32
      %dma_start3A_183 = arith.constant 0 : i32
      %dma_start3A_184 = tpu.memref_slice %arg22[%dma_start3A_181, %dma_start3A_182, %dma_start3A_183] : memref<4x128x64xf32, #tpu.memory_space<vmem>> -> memref<1x128x64xf32, #tpu.memory_space<vmem>>
      %dma_start3A_185 = tpu.memref_squeeze %dma_start3A_184 : memref<1x128x64xf32, #tpu.memory_space<vmem>> -> memref<128x64xf32, #tpu.memory_space<vmem>>
      %dma_start3A_186 = arith.constant 0 : i32
      %dma_start3A_187 = tpu.memref_slice %arg14[%add3A_180, %dma_start3A_186] : memref<32768x64xf32, #tpu.memory_space<hbm>> -> memref<128x64xf32, #tpu.memory_space<hbm>>
      %dma_start3A_188 = arith.constant 0 : i32
      %dma_start3A_189 = tpu.memref_slice %arg14[%add3A_180, %dma_start3A_188] : memref<32768x64xf32, #tpu.memory_space<hbm>> -> memref<128x64xf32, #tpu.memory_space<hbm>>
      %dma_start3A_190 = arith.constant 0 : i32
      %dma_start3A_191 = arith.constant 0 : i32
      %dma_start3A_192 = tpu.memref_slice %arg22[%dma_start3A_181, %dma_start3A_190, %dma_start3A_191] : memref<4x128x64xf32, #tpu.memory_space<vmem>> -> memref<1x128x64xf32, #tpu.memory_space<vmem>>
      %dma_start3A_193 = tpu.memref_squeeze %dma_start3A_192 : memref<1x128x64xf32, #tpu.memory_space<vmem>> -> memref<128x64xf32, #tpu.memory_space<vmem>>
      tpu.enqueue_dma source(%dma_start3A_193 : memref<128x64xf32, #tpu.memory_space<vmem>>) target(%dma_start3A_189 : memref<128x64xf32, #tpu.memory_space<hbm>>) target_semaphore(%arg25 : memref<!tpu.dma_semaphore, #tpu.memory_space<semaphore_mem>>)
      %add3A_194 = arith.constant 128 : i32
      %add3A_195 = arith.addi %add3A_98, %add3A_194 : i32
      %dma_start3A_196 = arith.constant 1 : i32
      %dma_start3A_197 = arith.constant 0 : i32
      %dma_start3A_198 = arith.constant 0 : i32
      %dma_start3A_199 = tpu.memref_slice %arg22[%dma_start3A_196, %dma_start3A_197, %dma_start3A_198] : memref<4x128x64xf32, #tpu.memory_space<vmem>> -> memref<1x128x64xf32, #tpu.memory_space<vmem>>
      %dma_start3A_200 = tpu.memref_squeeze %dma_start3A_199 : memref<1x128x64xf32, #tpu.memory_space<vmem>> -> memref<128x64xf32, #tpu.memory_space<vmem>>
      %dma_start3A_201 = arith.constant 0 : i32
      %dma_start3A_202 = tpu.memref_slice %arg14[%add3A_195, %dma_start3A_201] : memref<32768x64xf32, #tpu.memory_space<hbm>> -> memref<128x64xf32, #tpu.memory_space<hbm>>
      %dma_start3A_203 = arith.constant 0 : i32
      %dma_start3A_204 = tpu.memref_slice %arg14[%add3A_195, %dma_start3A_203] : memref<32768x64xf32, #tpu.memory_space<hbm>> -> memref<128x64xf32, #tpu.memory_space<hbm>>
      %dma_start3A_205 = arith.constant 0 : i32
      %dma_start3A_206 = arith.constant 0 : i32
      %dma_start3A_207 = tpu.memref_slice %arg22[%dma_start3A_196, %dma_start3A_205, %dma_start3A_206] : memref<4x128x64xf32, #tpu.memory_space<vmem>> -> memref<1x128x64xf32, #tpu.memory_space<vmem>>
      %dma_start3A_208 = tpu.memref_squeeze %dma_start3A_207 : memref<1x128x64xf32, #tpu.memory_space<vmem>> -> memref<128x64xf32, #tpu.memory_space<vmem>>
      tpu.enqueue_dma source(%dma_start3A_208 : memref<128x64xf32, #tpu.memory_space<vmem>>) target(%dma_start3A_204 : memref<128x64xf32, #tpu.memory_space<hbm>>) target_semaphore(%arg25 : memref<!tpu.dma_semaphore, #tpu.memory_space<semaphore_mem>>)
      %add3A_209 = arith.constant 256 : i32
      %add3A_210 = arith.addi %add3A_98, %add3A_209 : i32
      %dma_start3A_211 = arith.constant 2 : i32
      %dma_start3A_212 = arith.constant 0 : i32
      %dma_start3A_213 = arith.constant 0 : i32
      %dma_start3A_214 = tpu.memref_slice %arg22[%dma_start3A_211, %dma_start3A_212, %dma_start3A_213] : memref<4x128x64xf32, #tpu.memory_space<vmem>> -> memref<1x128x64xf32, #tpu.memory_space<vmem>>
      %dma_start3A_215 = tpu.memref_squeeze %dma_start3A_214 : memref<1x128x64xf32, #tpu.memory_space<vmem>> -> memref<128x64xf32, #tpu.memory_space<vmem>>
      %dma_start3A_216 = arith.constant 0 : i32
      %dma_start3A_217 = tpu.memref_slice %arg14[%add3A_210, %dma_start3A_216] : memref<32768x64xf32, #tpu.memory_space<hbm>> -> memref<128x64xf32, #tpu.memory_space<hbm>>
      %dma_start3A_218 = arith.constant 0 : i32
      %dma_start3A_219 = tpu.memref_slice %arg14[%add3A_210, %dma_start3A_218] : memref<32768x64xf32, #tpu.memory_space<hbm>> -> memref<128x64xf32, #tpu.memory_space<hbm>>
      %dma_start3A_220 = arith.constant 0 : i32
      %dma_start3A_221 = arith.constant 0 : i32
      %dma_start3A_222 = tpu.memref_slice %arg22[%dma_start3A_211, %dma_start3A_220, %dma_start3A_221] : memref<4x128x64xf32, #tpu.memory_space<vmem>> -> memref<1x128x64xf32, #tpu.memory_space<vmem>>
      %dma_start3A_223 = tpu.memref_squeeze %dma_start3A_222 : memref<1x128x64xf32, #tpu.memory_space<vmem>> -> memref<128x64xf32, #tpu.memory_space<vmem>>
      tpu.enqueue_dma source(%dma_start3A_223 : memref<128x64xf32, #tpu.memory_space<vmem>>) target(%dma_start3A_219 : memref<128x64xf32, #tpu.memory_space<hbm>>) target_semaphore(%arg25 : memref<!tpu.dma_semaphore, #tpu.memory_space<semaphore_mem>>)
      %add3A_224 = arith.constant 384 : i32
      %add3A_225 = arith.addi %add3A_98, %add3A_224 : i32
      %dma_start3A_226 = arith.constant 3 : i32
      %dma_start3A_227 = arith.constant 0 : i32
      %dma_start3A_228 = arith.constant 0 : i32
      %dma_start3A_229 = tpu.memref_slice %arg22[%dma_start3A_226, %dma_start3A_227, %dma_start3A_228] : memref<4x128x64xf32, #tpu.memory_space<vmem>> -> memref<1x128x64xf32, #tpu.memory_space<vmem>>
      %dma_start3A_230 = tpu.memref_squeeze %dma_start3A_229 : memref<1x128x64xf32, #tpu.memory_space<vmem>> -> memref<128x64xf32, #tpu.memory_space<vmem>>
      %dma_start3A_231 = arith.constant 0 : i32
      %dma_start3A_232 = tpu.memref_slice %arg14[%add3A_225, %dma_start3A_231] : memref<32768x64xf32, #tpu.memory_space<hbm>> -> memref<128x64xf32, #tpu.memory_space<hbm>>
      %dma_start3A_233 = arith.constant 0 : i32
      %dma_start3A_234 = tpu.memref_slice %arg14[%add3A_225, %dma_start3A_233] : memref<32768x64xf32, #tpu.memory_space<hbm>> -> memref<128x64xf32, #tpu.memory_space<hbm>>
      %dma_start3A_235 = arith.constant 0 : i32
      %dma_start3A_236 = arith.constant 0 : i32
      %dma_start3A_237 = tpu.memref_slice %arg22[%dma_start3A_226, %dma_start3A_235, %dma_start3A_236] : memref<4x128x64xf32, #tpu.memory_space<vmem>> -> memref<1x128x64xf32, #tpu.memory_space<vmem>>
      %dma_start3A_238 = tpu.memref_squeeze %dma_start3A_237 : memref<1x128x64xf32, #tpu.memory_space<vmem>> -> memref<128x64xf32, #tpu.memory_space<vmem>>
      tpu.enqueue_dma source(%dma_start3A_238 : memref<128x64xf32, #tpu.memory_space<vmem>>) target(%dma_start3A_234 : memref<128x64xf32, #tpu.memory_space<hbm>>) target_semaphore(%arg25 : memref<!tpu.dma_semaphore, #tpu.memory_space<semaphore_mem>>)
      %dma_wait3A_239 = arith.constant 0 : i32
      %dma_wait3A_240 = arith.constant 0 : i32
      %dma_wait3A_241 = arith.constant 0 : i32
      %dma_wait3A_242 = tpu.memref_slice %arg22[%dma_wait3A_239, %dma_wait3A_240, %dma_wait3A_241] : memref<4x128x64xf32, #tpu.memory_space<vmem>> -> memref<1x128x64xf32, #tpu.memory_space<vmem>>
      %dma_wait3A_243 = tpu.memref_squeeze %dma_wait3A_242 : memref<1x128x64xf32, #tpu.memory_space<vmem>> -> memref<128x64xf32, #tpu.memory_space<vmem>>
      %dma_wait3A_244 = arith.constant 0 : i32
      %dma_wait3A_245 = tpu.memref_slice %arg14[%add3A_180, %dma_wait3A_244] : memref<32768x64xf32, #tpu.memory_space<hbm>> -> memref<128x64xf32, #tpu.memory_space<hbm>>
      %dma_wait3A_246 = arith.constant 0 : i32
      %dma_wait3A_247 = tpu.memref_slice %arg14[%add3A_180, %dma_wait3A_246] : memref<32768x64xf32, #tpu.memory_space<hbm>> -> memref<128x64xf32, #tpu.memory_space<hbm>>
      %dma_wait3A_248 = arith.constant 0 : i32
      %dma_wait3A_249 = arith.constant 0 : i32
      %dma_wait3A_250 = tpu.memref_slice %arg22[%dma_wait3A_239, %dma_wait3A_248, %dma_wait3A_249] : memref<4x128x64xf32, #tpu.memory_space<vmem>> -> memref<1x128x64xf32, #tpu.memory_space<vmem>>
      %dma_wait3A_251 = tpu.memref_squeeze %dma_wait3A_250 : memref<1x128x64xf32, #tpu.memory_space<vmem>> -> memref<128x64xf32, #tpu.memory_space<vmem>>
      tpu.wait_dma2 semaphore(%arg25 : memref<!tpu.dma_semaphore, #tpu.memory_space<semaphore_mem>>) src(%dma_wait3A_251 : memref<128x64xf32, #tpu.memory_space<vmem>>) dst(%dma_wait3A_247 : memref<128x64xf32, #tpu.memory_space<hbm>>)
      %dma_wait3A_252 = arith.constant 1 : i32
      %dma_wait3A_253 = arith.constant 0 : i32
      %dma_wait3A_254 = arith.constant 0 : i32
      %dma_wait3A_255 = tpu.memref_slice %arg22[%dma_wait3A_252, %dma_wait3A_253, %dma_wait3A_254] : memref<4x128x64xf32, #tpu.memory_space<vmem>> -> memref<1x128x64xf32, #tpu.memory_space<vmem>>
      %dma_wait3A_256 = tpu.memref_squeeze %dma_wait3A_255 : memref<1x128x64xf32, #tpu.memory_space<vmem>> -> memref<128x64xf32, #tpu.memory_space<vmem>>
      %dma_wait3A_257 = arith.constant 0 : i32
      %dma_wait3A_258 = tpu.memref_slice %arg14[%add3A_195, %dma_wait3A_257] : memref<32768x64xf32, #tpu.memory_space<hbm>> -> memref<128x64xf32, #tpu.memory_space<hbm>>
      %dma_wait3A_259 = arith.constant 0 : i32
      %dma_wait3A_260 = tpu.memref_slice %arg14[%add3A_195, %dma_wait3A_259] : memref<32768x64xf32, #tpu.memory_space<hbm>> -> memref<128x64xf32, #tpu.memory_space<hbm>>
      %dma_wait3A_261 = arith.constant 0 : i32
      %dma_wait3A_262 = arith.constant 0 : i32
      %dma_wait3A_263 = tpu.memref_slice %arg22[%dma_wait3A_252, %dma_wait3A_261, %dma_wait3A_262] : memref<4x128x64xf32, #tpu.memory_space<vmem>> -> memref<1x128x64xf32, #tpu.memory_space<vmem>>
      %dma_wait3A_264 = tpu.memref_squeeze %dma_wait3A_263 : memref<1x128x64xf32, #tpu.memory_space<vmem>> -> memref<128x64xf32, #tpu.memory_space<vmem>>
      tpu.wait_dma2 semaphore(%arg25 : memref<!tpu.dma_semaphore, #tpu.memory_space<semaphore_mem>>) src(%dma_wait3A_264 : memref<128x64xf32, #tpu.memory_space<vmem>>) dst(%dma_wait3A_260 : memref<128x64xf32, #tpu.memory_space<hbm>>)
      %dma_wait3A_265 = arith.constant 2 : i32
      %dma_wait3A_266 = arith.constant 0 : i32
      %dma_wait3A_267 = arith.constant 0 : i32
      %dma_wait3A_268 = tpu.memref_slice %arg22[%dma_wait3A_265, %dma_wait3A_266, %dma_wait3A_267] : memref<4x128x64xf32, #tpu.memory_space<vmem>> -> memref<1x128x64xf32, #tpu.memory_space<vmem>>
      %dma_wait3A_269 = tpu.memref_squeeze %dma_wait3A_268 : memref<1x128x64xf32, #tpu.memory_space<vmem>> -> memref<128x64xf32, #tpu.memory_space<vmem>>
      %dma_wait3A_270 = arith.constant 0 : i32
      %dma_wait3A_271 = tpu.memref_slice %arg14[%add3A_210, %dma_wait3A_270] : memref<32768x64xf32, #tpu.memory_space<hbm>> -> memref<128x64xf32, #tpu.memory_space<hbm>>
      %dma_wait3A_272 = arith.constant 0 : i32
      %dma_wait3A_273 = tpu.memref_slice %arg14[%add3A_210, %dma_wait3A_272] : memref<32768x64xf32, #tpu.memory_space<hbm>> -> memref<128x64xf32, #tpu.memory_space<hbm>>
      %dma_wait3A_274 = arith.constant 0 : i32
      %dma_wait3A_275 = arith.constant 0 : i32
      %dma_wait3A_276 = tpu.memref_slice %arg22[%dma_wait3A_265, %dma_wait3A_274, %dma_wait3A_275] : memref<4x128x64xf32, #tpu.memory_space<vmem>> -> memref<1x128x64xf32, #tpu.memory_space<vmem>>
      %dma_wait3A_277 = tpu.memref_squeeze %dma_wait3A_276 : memref<1x128x64xf32, #tpu.memory_space<vmem>> -> memref<128x64xf32, #tpu.memory_space<vmem>>
      tpu.wait_dma2 semaphore(%arg25 : memref<!tpu.dma_semaphore, #tpu.memory_space<semaphore_mem>>) src(%dma_wait3A_277 : memref<128x64xf32, #tpu.memory_space<vmem>>) dst(%dma_wait3A_273 : memref<128x64xf32, #tpu.memory_space<hbm>>)
      %dma_wait3A_278 = arith.constant 3 : i32
      %dma_wait3A_279 = arith.constant 0 : i32
      %dma_wait3A_280 = arith.constant 0 : i32
      %dma_wait3A_281 = tpu.memref_slice %arg22[%dma_wait3A_278, %dma_wait3A_279, %dma_wait3A_280] : memref<4x128x64xf32, #tpu.memory_space<vmem>> -> memref<1x128x64xf32, #tpu.memory_space<vmem>>
      %dma_wait3A_282 = tpu.memref_squeeze %dma_wait3A_281 : memref<1x128x64xf32, #tpu.memory_space<vmem>> -> memref<128x64xf32, #tpu.memory_space<vmem>>
      %dma_wait3A_283 = arith.constant 0 : i32
      %dma_wait3A_284 = tpu.memref_slice %arg14[%add3A_225, %dma_wait3A_283] : memref<32768x64xf32, #tpu.memory_space<hbm>> -> memref<128x64xf32, #tpu.memory_space<hbm>>
      %dma_wait3A_285 = arith.constant 0 : i32
      %dma_wait3A_286 = tpu.memref_slice %arg14[%add3A_225, %dma_wait3A_285] : memref<32768x64xf32, #tpu.memory_space<hbm>> -> memref<128x64xf32, #tpu.memory_space<hbm>>
      %dma_wait3A_287 = arith.constant 0 : i32
      %dma_wait3A_288 = arith.constant 0 : i32
      %dma_wait3A_289 = tpu.memref_slice %arg22[%dma_wait3A_278, %dma_wait3A_287, %dma_wait3A_288] : memref<4x128x64xf32, #tpu.memory_space<vmem>> -> memref<1x128x64xf32, #tpu.memory_space<vmem>>
      %dma_wait3A_290 = tpu.memref_squeeze %dma_wait3A_289 : memref<1x128x64xf32, #tpu.memory_space<vmem>> -> memref<128x64xf32, #tpu.memory_space<vmem>>
      tpu.wait_dma2 semaphore(%arg25 : memref<!tpu.dma_semaphore, #tpu.memory_space<semaphore_mem>>) src(%dma_wait3A_290 : memref<128x64xf32, #tpu.memory_space<vmem>>) dst(%dma_wait3A_286 : memref<128x64xf32, #tpu.memory_space<hbm>>)
    }
    %scan3A_15 = arith.constant 2 : i32
    %mul3A_16 = arith.constant 2560 : i32
    %mul3A_17 = arith.muli %add3A, %mul3A_16 : i32
    %scan3A_18 = arith.constant 0 : i32
    %scan3A_19 = arith.constant 0 : i32
    %scan3A_20 = arith.constant 5 : i32
    %scan3A_21 = arith.addi %scan3A_19, %scan3A_20 : i32
    %scan3A_22 = arith.constant 1 : i32
    scf.for %scan3A_95 = %scan3A_19 to %scan3A_21 step %scan3A_22  : i32 {
      %mul3A_96 = arith.constant 512 : i32
      %mul3A_97 = arith.muli %scan3A_95, %mul3A_96 : i32
      %add3A_98 = arith.addi %mul3A_17, %mul3A_97 : i32
      "tpu.region"() ({
        %run_scoped3A_291 = tpu.sem_alloc : memref<!tpu.dma_semaphore, #tpu.memory_space<semaphore_mem>>
        %dma_start3A_292 = tpu.memref_slice %arg9[%add3A_98] : memref<81920xi32, #tpu.memory_space<hbm>> -> memref<512xi32, #tpu.memory_space<hbm>>
        %dma_start3A_293 = tpu.memref_slice %arg9[%add3A_98] : memref<81920xi32, #tpu.memory_space<hbm>> -> memref<512xi32, #tpu.memory_space<hbm>>
        tpu.enqueue_dma source(%dma_start3A_293 : memref<512xi32, #tpu.memory_space<hbm>>) target(%arg21 : memref<512xi32, #tpu.memory_space<vmem>>) target_semaphore(%run_scoped3A_291 : memref<!tpu.dma_semaphore, #tpu.memory_space<semaphore_mem>>)
        %dma_wait3A_294 = tpu.memref_slice %arg9[%add3A_98] : memref<81920xi32, #tpu.memory_space<hbm>> -> memref<512xi32, #tpu.memory_space<hbm>>
        %dma_wait3A_295 = tpu.memref_slice %arg9[%add3A_98] : memref<81920xi32, #tpu.memory_space<hbm>> -> memref<512xi32, #tpu.memory_space<hbm>>
        tpu.wait_dma2 semaphore(%run_scoped3A_291 : memref<!tpu.dma_semaphore, #tpu.memory_space<semaphore_mem>>) src(%dma_wait3A_295 : memref<512xi32, #tpu.memory_space<hbm>>) dst(%arg21 : memref<512xi32, #tpu.memory_space<vmem>>)
        tpu.yield
      }) : () -> ()
      %dma_start3A_99 = arith.constant 0 : i32
      %dma_start3A_100 = arith.constant 0 : i32
      %dma_start3A_101 = arith.constant 0 : i32
      %dma_start3A_102 = tpu.memref_slice %arg22[%dma_start3A_99, %dma_start3A_100, %dma_start3A_101] : memref<4x128x64xf32, #tpu.memory_space<vmem>> -> memref<1x128x64xf32, #tpu.memory_space<vmem>>
      %dma_start3A_103 = tpu.memref_squeeze %dma_start3A_102 : memref<1x128x64xf32, #tpu.memory_space<vmem>> -> memref<128x64xf32, #tpu.memory_space<vmem>>
      %dma_start3A_104 = arith.constant 0 : i32
      %dma_start3A_105 = tpu.memref_slice %arg21[%dma_start3A_104] : memref<512xi32, #tpu.memory_space<vmem>> -> memref<128xi32, #tpu.memory_space<vmem>>
      %dma_start3A_106 = arith.constant 0 : i32
      %dma_start3A_107 = arith.constant 0 : i32
      %dma_start3A_108 = tpu.memref_slice %arg3[%dma_start3A_106, %dma_start3A_107] : memref<1000000x64xf32, #tpu.memory_space<hbm>> -> memref<1000000x64xf32, #tpu.memory_space<hbm>>
      tpu.enqueue_indirect_dma source(%dma_start3A_108 : memref<1000000x64xf32, #tpu.memory_space<hbm>>) target(%dma_start3A_103 : memref<128x64xf32, #tpu.memory_space<vmem>>) offsets(%dma_start3A_105 : memref<128xi32, #tpu.memory_space<vmem>>) semaphore(%arg24 : memref<!tpu.dma_semaphore, #tpu.memory_space<semaphore_mem>>)
      %dma_start3A_109 = arith.constant 1 : i32
      %dma_start3A_110 = arith.constant 0 : i32
      %dma_start3A_111 = arith.constant 0 : i32
      %dma_start3A_112 = tpu.memref_slice %arg22[%dma_start3A_109, %dma_start3A_110, %dma_start3A_111] : memref<4x128x64xf32, #tpu.memory_space<vmem>> -> memref<1x128x64xf32, #tpu.memory_space<vmem>>
      %dma_start3A_113 = tpu.memref_squeeze %dma_start3A_112 : memref<1x128x64xf32, #tpu.memory_space<vmem>> -> memref<128x64xf32, #tpu.memory_space<vmem>>
      %dma_start3A_114 = arith.constant 128 : i32
      %dma_start3A_115 = tpu.memref_slice %arg21[%dma_start3A_114] : memref<512xi32, #tpu.memory_space<vmem>> -> memref<128xi32, #tpu.memory_space<vmem>>
      %dma_start3A_116 = arith.constant 0 : i32
      %dma_start3A_117 = arith.constant 0 : i32
      %dma_start3A_118 = tpu.memref_slice %arg3[%dma_start3A_116, %dma_start3A_117] : memref<1000000x64xf32, #tpu.memory_space<hbm>> -> memref<1000000x64xf32, #tpu.memory_space<hbm>>
      tpu.enqueue_indirect_dma source(%dma_start3A_118 : memref<1000000x64xf32, #tpu.memory_space<hbm>>) target(%dma_start3A_113 : memref<128x64xf32, #tpu.memory_space<vmem>>) offsets(%dma_start3A_115 : memref<128xi32, #tpu.memory_space<vmem>>) semaphore(%arg24 : memref<!tpu.dma_semaphore, #tpu.memory_space<semaphore_mem>>)
      %dma_start3A_119 = arith.constant 2 : i32
      %dma_start3A_120 = arith.constant 0 : i32
      %dma_start3A_121 = arith.constant 0 : i32
      %dma_start3A_122 = tpu.memref_slice %arg22[%dma_start3A_119, %dma_start3A_120, %dma_start3A_121] : memref<4x128x64xf32, #tpu.memory_space<vmem>> -> memref<1x128x64xf32, #tpu.memory_space<vmem>>
      %dma_start3A_123 = tpu.memref_squeeze %dma_start3A_122 : memref<1x128x64xf32, #tpu.memory_space<vmem>> -> memref<128x64xf32, #tpu.memory_space<vmem>>
      %dma_start3A_124 = arith.constant 256 : i32
      %dma_start3A_125 = tpu.memref_slice %arg21[%dma_start3A_124] : memref<512xi32, #tpu.memory_space<vmem>> -> memref<128xi32, #tpu.memory_space<vmem>>
      %dma_start3A_126 = arith.constant 0 : i32
      %dma_start3A_127 = arith.constant 0 : i32
      %dma_start3A_128 = tpu.memref_slice %arg3[%dma_start3A_126, %dma_start3A_127] : memref<1000000x64xf32, #tpu.memory_space<hbm>> -> memref<1000000x64xf32, #tpu.memory_space<hbm>>
      tpu.enqueue_indirect_dma source(%dma_start3A_128 : memref<1000000x64xf32, #tpu.memory_space<hbm>>) target(%dma_start3A_123 : memref<128x64xf32, #tpu.memory_space<vmem>>) offsets(%dma_start3A_125 : memref<128xi32, #tpu.memory_space<vmem>>) semaphore(%arg24 : memref<!tpu.dma_semaphore, #tpu.memory_space<semaphore_mem>>)
      %dma_start3A_129 = arith.constant 3 : i32
      %dma_start3A_130 = arith.constant 0 : i32
      %dma_start3A_131 = arith.constant 0 : i32
      %dma_start3A_132 = tpu.memref_slice %arg22[%dma_start3A_129, %dma_start3A_130, %dma_start3A_131] : memref<4x128x64xf32, #tpu.memory_space<vmem>> -> memref<1x128x64xf32, #tpu.memory_space<vmem>>
      %dma_start3A_133 = tpu.memref_squeeze %dma_start3A_132 : memref<1x128x64xf32, #tpu.memory_space<vmem>> -> memref<128x64xf32, #tpu.memory_space<vmem>>
      %dma_start3A_134 = arith.constant 384 : i32
      %dma_start3A_135 = tpu.memref_slice %arg21[%dma_start3A_134] : memref<512xi32, #tpu.memory_space<vmem>> -> memref<128xi32, #tpu.memory_space<vmem>>
      %dma_start3A_136 = arith.constant 0 : i32
      %dma_start3A_137 = arith.constant 0 : i32
      %dma_start3A_138 = tpu.memref_slice %arg3[%dma_start3A_136, %dma_start3A_137] : memref<1000000x64xf32, #tpu.memory_space<hbm>> -> memref<1000000x64xf32, #tpu.memory_space<hbm>>
      tpu.enqueue_indirect_dma source(%dma_start3A_138 : memref<1000000x64xf32, #tpu.memory_space<hbm>>) target(%dma_start3A_133 : memref<128x64xf32, #tpu.memory_space<vmem>>) offsets(%dma_start3A_135 : memref<128xi32, #tpu.memory_space<vmem>>) semaphore(%arg24 : memref<!tpu.dma_semaphore, #tpu.memory_space<semaphore_mem>>)
      %dma_wait3A_139 = arith.constant 0 : i32
      %dma_wait3A_140 = arith.constant 0 : i32
      %dma_wait3A_141 = arith.constant 0 : i32
      %dma_wait3A_142 = tpu.memref_slice %arg22[%dma_wait3A_139, %dma_wait3A_140, %dma_wait3A_141] : memref<4x128x64xf32, #tpu.memory_space<vmem>> -> memref<1x128x64xf32, #tpu.memory_space<vmem>>
      %dma_wait3A_143 = tpu.memref_squeeze %dma_wait3A_142 : memref<1x128x64xf32, #tpu.memory_space<vmem>> -> memref<128x64xf32, #tpu.memory_space<vmem>>
      %dma_wait3A_144 = arith.constant 0 : i32
      %dma_wait3A_145 = tpu.memref_slice %arg21[%dma_wait3A_144] : memref<512xi32, #tpu.memory_space<vmem>> -> memref<128xi32, #tpu.memory_space<vmem>>
      %dma_wait3A_146 = arith.constant 0 : i32
      %dma_wait3A_147 = arith.constant 0 : i32
      %dma_wait3A_148 = tpu.memref_slice %arg3[%dma_wait3A_146, %dma_wait3A_147] : memref<1000000x64xf32, #tpu.memory_space<hbm>> -> memref<1000000x64xf32, #tpu.memory_space<hbm>>
      tpu.wait_indirect_dma semaphore(%arg24 : memref<!tpu.dma_semaphore, #tpu.memory_space<semaphore_mem>>) src(%dma_wait3A_148 : memref<1000000x64xf32, #tpu.memory_space<hbm>>) dst(%dma_wait3A_143 : memref<128x64xf32, #tpu.memory_space<vmem>>)
      %dma_wait3A_149 = arith.constant 1 : i32
      %dma_wait3A_150 = arith.constant 0 : i32
      %dma_wait3A_151 = arith.constant 0 : i32
      %dma_wait3A_152 = tpu.memref_slice %arg22[%dma_wait3A_149, %dma_wait3A_150, %dma_wait3A_151] : memref<4x128x64xf32, #tpu.memory_space<vmem>> -> memref<1x128x64xf32, #tpu.memory_space<vmem>>
      %dma_wait3A_153 = tpu.memref_squeeze %dma_wait3A_152 : memref<1x128x64xf32, #tpu.memory_space<vmem>> -> memref<128x64xf32, #tpu.memory_space<vmem>>
      %dma_wait3A_154 = arith.constant 128 : i32
      %dma_wait3A_155 = tpu.memref_slice %arg21[%dma_wait3A_154] : memref<512xi32, #tpu.memory_space<vmem>> -> memref<128xi32, #tpu.memory_space<vmem>>
      %dma_wait3A_156 = arith.constant 0 : i32
      %dma_wait3A_157 = arith.constant 0 : i32
      %dma_wait3A_158 = tpu.memref_slice %arg3[%dma_wait3A_156, %dma_wait3A_157] : memref<1000000x64xf32, #tpu.memory_space<hbm>> -> memref<1000000x64xf32, #tpu.memory_space<hbm>>
      tpu.wait_indirect_dma semaphore(%arg24 : memref<!tpu.dma_semaphore, #tpu.memory_space<semaphore_mem>>) src(%dma_wait3A_158 : memref<1000000x64xf32, #tpu.memory_space<hbm>>) dst(%dma_wait3A_153 : memref<128x64xf32, #tpu.memory_space<vmem>>)
      %dma_wait3A_159 = arith.constant 2 : i32
      %dma_wait3A_160 = arith.constant 0 : i32
      %dma_wait3A_161 = arith.constant 0 : i32
      %dma_wait3A_162 = tpu.memref_slice %arg22[%dma_wait3A_159, %dma_wait3A_160, %dma_wait3A_161] : memref<4x128x64xf32, #tpu.memory_space<vmem>> -> memref<1x128x64xf32, #tpu.memory_space<vmem>>
      %dma_wait3A_163 = tpu.memref_squeeze %dma_wait3A_162 : memref<1x128x64xf32, #tpu.memory_space<vmem>> -> memref<128x64xf32, #tpu.memory_space<vmem>>
      %dma_wait3A_164 = arith.constant 256 : i32
      %dma_wait3A_165 = tpu.memref_slice %arg21[%dma_wait3A_164] : memref<512xi32, #tpu.memory_space<vmem>> -> memref<128xi32, #tpu.memory_space<vmem>>
      %dma_wait3A_166 = arith.constant 0 : i32
      %dma_wait3A_167 = arith.constant 0 : i32
      %dma_wait3A_168 = tpu.memref_slice %arg3[%dma_wait3A_166, %dma_wait3A_167] : memref<1000000x64xf32, #tpu.memory_space<hbm>> -> memref<1000000x64xf32, #tpu.memory_space<hbm>>
      tpu.wait_indirect_dma semaphore(%arg24 : memref<!tpu.dma_semaphore, #tpu.memory_space<semaphore_mem>>) src(%dma_wait3A_168 : memref<1000000x64xf32, #tpu.memory_space<hbm>>) dst(%dma_wait3A_163 : memref<128x64xf32, #tpu.memory_space<vmem>>)
      %dma_wait3A_169 = arith.constant 3 : i32
      %dma_wait3A_170 = arith.constant 0 : i32
      %dma_wait3A_171 = arith.constant 0 : i32
      %dma_wait3A_172 = tpu.memref_slice %arg22[%dma_wait3A_169, %dma_wait3A_170, %dma_wait3A_171] : memref<4x128x64xf32, #tpu.memory_space<vmem>> -> memref<1x128x64xf32, #tpu.memory_space<vmem>>
      %dma_wait3A_173 = tpu.memref_squeeze %dma_wait3A_172 : memref<1x128x64xf32, #tpu.memory_space<vmem>> -> memref<128x64xf32, #tpu.memory_space<vmem>>
      %dma_wait3A_174 = arith.constant 384 : i32
      %dma_wait3A_175 = tpu.memref_slice %arg21[%dma_wait3A_174] : memref<512xi32, #tpu.memory_space<vmem>> -> memref<128xi32, #tpu.memory_space<vmem>>
      %dma_wait3A_176 = arith.constant 0 : i32
      %dma_wait3A_177 = arith.constant 0 : i32
      %dma_wait3A_178 = tpu.memref_slice %arg3[%dma_wait3A_176, %dma_wait3A_177] : memref<1000000x64xf32, #tpu.memory_space<hbm>> -> memref<1000000x64xf32, #tpu.memory_space<hbm>>
      tpu.wait_indirect_dma semaphore(%arg24 : memref<!tpu.dma_semaphore, #tpu.memory_space<semaphore_mem>>) src(%dma_wait3A_178 : memref<1000000x64xf32, #tpu.memory_space<hbm>>) dst(%dma_wait3A_173 : memref<128x64xf32, #tpu.memory_space<vmem>>)
      %add3A_179 = arith.constant 0 : i32
      %add3A_180 = arith.addi %add3A_98, %add3A_179 : i32
      %dma_start3A_181 = arith.constant 0 : i32
      %dma_start3A_182 = arith.constant 0 : i32
      %dma_start3A_183 = arith.constant 0 : i32
      %dma_start3A_184 = tpu.memref_slice %arg22[%dma_start3A_181, %dma_start3A_182, %dma_start3A_183] : memref<4x128x64xf32, #tpu.memory_space<vmem>> -> memref<1x128x64xf32, #tpu.memory_space<vmem>>
      %dma_start3A_185 = tpu.memref_squeeze %dma_start3A_184 : memref<1x128x64xf32, #tpu.memory_space<vmem>> -> memref<128x64xf32, #tpu.memory_space<vmem>>
      %dma_start3A_186 = arith.constant 0 : i32
      %dma_start3A_187 = tpu.memref_slice %arg15[%add3A_180, %dma_start3A_186] : memref<81920x64xf32, #tpu.memory_space<hbm>> -> memref<128x64xf32, #tpu.memory_space<hbm>>
      %dma_start3A_188 = arith.constant 0 : i32
      %dma_start3A_189 = tpu.memref_slice %arg15[%add3A_180, %dma_start3A_188] : memref<81920x64xf32, #tpu.memory_space<hbm>> -> memref<128x64xf32, #tpu.memory_space<hbm>>
      %dma_start3A_190 = arith.constant 0 : i32
      %dma_start3A_191 = arith.constant 0 : i32
      %dma_start3A_192 = tpu.memref_slice %arg22[%dma_start3A_181, %dma_start3A_190, %dma_start3A_191] : memref<4x128x64xf32, #tpu.memory_space<vmem>> -> memref<1x128x64xf32, #tpu.memory_space<vmem>>
      %dma_start3A_193 = tpu.memref_squeeze %dma_start3A_192 : memref<1x128x64xf32, #tpu.memory_space<vmem>> -> memref<128x64xf32, #tpu.memory_space<vmem>>
      tpu.enqueue_dma source(%dma_start3A_193 : memref<128x64xf32, #tpu.memory_space<vmem>>) target(%dma_start3A_189 : memref<128x64xf32, #tpu.memory_space<hbm>>) target_semaphore(%arg25 : memref<!tpu.dma_semaphore, #tpu.memory_space<semaphore_mem>>)
      %add3A_194 = arith.constant 128 : i32
      %add3A_195 = arith.addi %add3A_98, %add3A_194 : i32
      %dma_start3A_196 = arith.constant 1 : i32
      %dma_start3A_197 = arith.constant 0 : i32
      %dma_start3A_198 = arith.constant 0 : i32
      %dma_start3A_199 = tpu.memref_slice %arg22[%dma_start3A_196, %dma_start3A_197, %dma_start3A_198] : memref<4x128x64xf32, #tpu.memory_space<vmem>> -> memref<1x128x64xf32, #tpu.memory_space<vmem>>
      %dma_start3A_200 = tpu.memref_squeeze %dma_start3A_199 : memref<1x128x64xf32, #tpu.memory_space<vmem>> -> memref<128x64xf32, #tpu.memory_space<vmem>>
      %dma_start3A_201 = arith.constant 0 : i32
      %dma_start3A_202 = tpu.memref_slice %arg15[%add3A_195, %dma_start3A_201] : memref<81920x64xf32, #tpu.memory_space<hbm>> -> memref<128x64xf32, #tpu.memory_space<hbm>>
      %dma_start3A_203 = arith.constant 0 : i32
      %dma_start3A_204 = tpu.memref_slice %arg15[%add3A_195, %dma_start3A_203] : memref<81920x64xf32, #tpu.memory_space<hbm>> -> memref<128x64xf32, #tpu.memory_space<hbm>>
      %dma_start3A_205 = arith.constant 0 : i32
      %dma_start3A_206 = arith.constant 0 : i32
      %dma_start3A_207 = tpu.memref_slice %arg22[%dma_start3A_196, %dma_start3A_205, %dma_start3A_206] : memref<4x128x64xf32, #tpu.memory_space<vmem>> -> memref<1x128x64xf32, #tpu.memory_space<vmem>>
      %dma_start3A_208 = tpu.memref_squeeze %dma_start3A_207 : memref<1x128x64xf32, #tpu.memory_space<vmem>> -> memref<128x64xf32, #tpu.memory_space<vmem>>
      tpu.enqueue_dma source(%dma_start3A_208 : memref<128x64xf32, #tpu.memory_space<vmem>>) target(%dma_start3A_204 : memref<128x64xf32, #tpu.memory_space<hbm>>) target_semaphore(%arg25 : memref<!tpu.dma_semaphore, #tpu.memory_space<semaphore_mem>>)
      %add3A_209 = arith.constant 256 : i32
      %add3A_210 = arith.addi %add3A_98, %add3A_209 : i32
      %dma_start3A_211 = arith.constant 2 : i32
      %dma_start3A_212 = arith.constant 0 : i32
      %dma_start3A_213 = arith.constant 0 : i32
      %dma_start3A_214 = tpu.memref_slice %arg22[%dma_start3A_211, %dma_start3A_212, %dma_start3A_213] : memref<4x128x64xf32, #tpu.memory_space<vmem>> -> memref<1x128x64xf32, #tpu.memory_space<vmem>>
      %dma_start3A_215 = tpu.memref_squeeze %dma_start3A_214 : memref<1x128x64xf32, #tpu.memory_space<vmem>> -> memref<128x64xf32, #tpu.memory_space<vmem>>
      %dma_start3A_216 = arith.constant 0 : i32
      %dma_start3A_217 = tpu.memref_slice %arg15[%add3A_210, %dma_start3A_216] : memref<81920x64xf32, #tpu.memory_space<hbm>> -> memref<128x64xf32, #tpu.memory_space<hbm>>
      %dma_start3A_218 = arith.constant 0 : i32
      %dma_start3A_219 = tpu.memref_slice %arg15[%add3A_210, %dma_start3A_218] : memref<81920x64xf32, #tpu.memory_space<hbm>> -> memref<128x64xf32, #tpu.memory_space<hbm>>
      %dma_start3A_220 = arith.constant 0 : i32
      %dma_start3A_221 = arith.constant 0 : i32
      %dma_start3A_222 = tpu.memref_slice %arg22[%dma_start3A_211, %dma_start3A_220, %dma_start3A_221] : memref<4x128x64xf32, #tpu.memory_space<vmem>> -> memref<1x128x64xf32, #tpu.memory_space<vmem>>
      %dma_start3A_223 = tpu.memref_squeeze %dma_start3A_222 : memref<1x128x64xf32, #tpu.memory_space<vmem>> -> memref<128x64xf32, #tpu.memory_space<vmem>>
      tpu.enqueue_dma source(%dma_start3A_223 : memref<128x64xf32, #tpu.memory_space<vmem>>) target(%dma_start3A_219 : memref<128x64xf32, #tpu.memory_space<hbm>>) target_semaphore(%arg25 : memref<!tpu.dma_semaphore, #tpu.memory_space<semaphore_mem>>)
      %add3A_224 = arith.constant 384 : i32
      %add3A_225 = arith.addi %add3A_98, %add3A_224 : i32
      %dma_start3A_226 = arith.constant 3 : i32
      %dma_start3A_227 = arith.constant 0 : i32
      %dma_start3A_228 = arith.constant 0 : i32
      %dma_start3A_229 = tpu.memref_slice %arg22[%dma_start3A_226, %dma_start3A_227, %dma_start3A_228] : memref<4x128x64xf32, #tpu.memory_space<vmem>> -> memref<1x128x64xf32, #tpu.memory_space<vmem>>
      %dma_start3A_230 = tpu.memref_squeeze %dma_start3A_229 : memref<1x128x64xf32, #tpu.memory_space<vmem>> -> memref<128x64xf32, #tpu.memory_space<vmem>>
      %dma_start3A_231 = arith.constant 0 : i32
      %dma_start3A_232 = tpu.memref_slice %arg15[%add3A_225, %dma_start3A_231] : memref<81920x64xf32, #tpu.memory_space<hbm>> -> memref<128x64xf32, #tpu.memory_space<hbm>>
      %dma_start3A_233 = arith.constant 0 : i32
      %dma_start3A_234 = tpu.memref_slice %arg15[%add3A_225, %dma_start3A_233] : memref<81920x64xf32, #tpu.memory_space<hbm>> -> memref<128x64xf32, #tpu.memory_space<hbm>>
      %dma_start3A_235 = arith.constant 0 : i32
      %dma_start3A_236 = arith.constant 0 : i32
      %dma_start3A_237 = tpu.memref_slice %arg22[%dma_start3A_226, %dma_start3A_235, %dma_start3A_236] : memref<4x128x64xf32, #tpu.memory_space<vmem>> -> memref<1x128x64xf32, #tpu.memory_space<vmem>>
      %dma_start3A_238 = tpu.memref_squeeze %dma_start3A_237 : memref<1x128x64xf32, #tpu.memory_space<vmem>> -> memref<128x64xf32, #tpu.memory_space<vmem>>
      tpu.enqueue_dma source(%dma_start3A_238 : memref<128x64xf32, #tpu.memory_space<vmem>>) target(%dma_start3A_234 : memref<128x64xf32, #tpu.memory_space<hbm>>) target_semaphore(%arg25 : memref<!tpu.dma_semaphore, #tpu.memory_space<semaphore_mem>>)
      %dma_wait3A_239 = arith.constant 0 : i32
      %dma_wait3A_240 = arith.constant 0 : i32
      %dma_wait3A_241 = arith.constant 0 : i32
      %dma_wait3A_242 = tpu.memref_slice %arg22[%dma_wait3A_239, %dma_wait3A_240, %dma_wait3A_241] : memref<4x128x64xf32, #tpu.memory_space<vmem>> -> memref<1x128x64xf32, #tpu.memory_space<vmem>>
      %dma_wait3A_243 = tpu.memref_squeeze %dma_wait3A_242 : memref<1x128x64xf32, #tpu.memory_space<vmem>> -> memref<128x64xf32, #tpu.memory_space<vmem>>
      %dma_wait3A_244 = arith.constant 0 : i32
      %dma_wait3A_245 = tpu.memref_slice %arg15[%add3A_180, %dma_wait3A_244] : memref<81920x64xf32, #tpu.memory_space<hbm>> -> memref<128x64xf32, #tpu.memory_space<hbm>>
      %dma_wait3A_246 = arith.constant 0 : i32
      %dma_wait3A_247 = tpu.memref_slice %arg15[%add3A_180, %dma_wait3A_246] : memref<81920x64xf32, #tpu.memory_space<hbm>> -> memref<128x64xf32, #tpu.memory_space<hbm>>
      %dma_wait3A_248 = arith.constant 0 : i32
      %dma_wait3A_249 = arith.constant 0 : i32
      %dma_wait3A_250 = tpu.memref_slice %arg22[%dma_wait3A_239, %dma_wait3A_248, %dma_wait3A_249] : memref<4x128x64xf32, #tpu.memory_space<vmem>> -> memref<1x128x64xf32, #tpu.memory_space<vmem>>
      %dma_wait3A_251 = tpu.memref_squeeze %dma_wait3A_250 : memref<1x128x64xf32, #tpu.memory_space<vmem>> -> memref<128x64xf32, #tpu.memory_space<vmem>>
      tpu.wait_dma2 semaphore(%arg25 : memref<!tpu.dma_semaphore, #tpu.memory_space<semaphore_mem>>) src(%dma_wait3A_251 : memref<128x64xf32, #tpu.memory_space<vmem>>) dst(%dma_wait3A_247 : memref<128x64xf32, #tpu.memory_space<hbm>>)
      %dma_wait3A_252 = arith.constant 1 : i32
      %dma_wait3A_253 = arith.constant 0 : i32
      %dma_wait3A_254 = arith.constant 0 : i32
      %dma_wait3A_255 = tpu.memref_slice %arg22[%dma_wait3A_252, %dma_wait3A_253, %dma_wait3A_254] : memref<4x128x64xf32, #tpu.memory_space<vmem>> -> memref<1x128x64xf32, #tpu.memory_space<vmem>>
      %dma_wait3A_256 = tpu.memref_squeeze %dma_wait3A_255 : memref<1x128x64xf32, #tpu.memory_space<vmem>> -> memref<128x64xf32, #tpu.memory_space<vmem>>
      %dma_wait3A_257 = arith.constant 0 : i32
      %dma_wait3A_258 = tpu.memref_slice %arg15[%add3A_195, %dma_wait3A_257] : memref<81920x64xf32, #tpu.memory_space<hbm>> -> memref<128x64xf32, #tpu.memory_space<hbm>>
      %dma_wait3A_259 = arith.constant 0 : i32
      %dma_wait3A_260 = tpu.memref_slice %arg15[%add3A_195, %dma_wait3A_259] : memref<81920x64xf32, #tpu.memory_space<hbm>> -> memref<128x64xf32, #tpu.memory_space<hbm>>
      %dma_wait3A_261 = arith.constant 0 : i32
      %dma_wait3A_262 = arith.constant 0 : i32
      %dma_wait3A_263 = tpu.memref_slice %arg22[%dma_wait3A_252, %dma_wait3A_261, %dma_wait3A_262] : memref<4x128x64xf32, #tpu.memory_space<vmem>> -> memref<1x128x64xf32, #tpu.memory_space<vmem>>
      %dma_wait3A_264 = tpu.memref_squeeze %dma_wait3A_263 : memref<1x128x64xf32, #tpu.memory_space<vmem>> -> memref<128x64xf32, #tpu.memory_space<vmem>>
      tpu.wait_dma2 semaphore(%arg25 : memref<!tpu.dma_semaphore, #tpu.memory_space<semaphore_mem>>) src(%dma_wait3A_264 : memref<128x64xf32, #tpu.memory_space<vmem>>) dst(%dma_wait3A_260 : memref<128x64xf32, #tpu.memory_space<hbm>>)
      %dma_wait3A_265 = arith.constant 2 : i32
      %dma_wait3A_266 = arith.constant 0 : i32
      %dma_wait3A_267 = arith.constant 0 : i32
      %dma_wait3A_268 = tpu.memref_slice %arg22[%dma_wait3A_265, %dma_wait3A_266, %dma_wait3A_267] : memref<4x128x64xf32, #tpu.memory_space<vmem>> -> memref<1x128x64xf32, #tpu.memory_space<vmem>>
      %dma_wait3A_269 = tpu.memref_squeeze %dma_wait3A_268 : memref<1x128x64xf32, #tpu.memory_space<vmem>> -> memref<128x64xf32, #tpu.memory_space<vmem>>
      %dma_wait3A_270 = arith.constant 0 : i32
      %dma_wait3A_271 = tpu.memref_slice %arg15[%add3A_210, %dma_wait3A_270] : memref<81920x64xf32, #tpu.memory_space<hbm>> -> memref<128x64xf32, #tpu.memory_space<hbm>>
      %dma_wait3A_272 = arith.constant 0 : i32
      %dma_wait3A_273 = tpu.memref_slice %arg15[%add3A_210, %dma_wait3A_272] : memref<81920x64xf32, #tpu.memory_space<hbm>> -> memref<128x64xf32, #tpu.memory_space<hbm>>
      %dma_wait3A_274 = arith.constant 0 : i32
      %dma_wait3A_275 = arith.constant 0 : i32
      %dma_wait3A_276 = tpu.memref_slice %arg22[%dma_wait3A_265, %dma_wait3A_274, %dma_wait3A_275] : memref<4x128x64xf32, #tpu.memory_space<vmem>> -> memref<1x128x64xf32, #tpu.memory_space<vmem>>
      %dma_wait3A_277 = tpu.memref_squeeze %dma_wait3A_276 : memref<1x128x64xf32, #tpu.memory_space<vmem>> -> memref<128x64xf32, #tpu.memory_space<vmem>>
      tpu.wait_dma2 semaphore(%arg25 : memref<!tpu.dma_semaphore, #tpu.memory_space<semaphore_mem>>) src(%dma_wait3A_277 : memref<128x64xf32, #tpu.memory_space<vmem>>) dst(%dma_wait3A_273 : memref<128x64xf32, #tpu.memory_space<hbm>>)
      %dma_wait3A_278 = arith.constant 3 : i32
      %dma_wait3A_279 = arith.constant 0 : i32
      %dma_wait3A_280 = arith.constant 0 : i32
      %dma_wait3A_281 = tpu.memref_slice %arg22[%dma_wait3A_278, %dma_wait3A_279, %dma_wait3A_280] : memref<4x128x64xf32, #tpu.memory_space<vmem>> -> memref<1x128x64xf32, #tpu.memory_space<vmem>>
      %dma_wait3A_282 = tpu.memref_squeeze %dma_wait3A_281 : memref<1x128x64xf32, #tpu.memory_space<vmem>> -> memref<128x64xf32, #tpu.memory_space<vmem>>
      %dma_wait3A_283 = arith.constant 0 : i32
      %dma_wait3A_284 = tpu.memref_slice %arg15[%add3A_225, %dma_wait3A_283] : memref<81920x64xf32, #tpu.memory_space<hbm>> -> memref<128x64xf32, #tpu.memory_space<hbm>>
      %dma_wait3A_285 = arith.constant 0 : i32
      %dma_wait3A_286 = tpu.memref_slice %arg15[%add3A_225, %dma_wait3A_285] : memref<81920x64xf32, #tpu.memory_space<hbm>> -> memref<128x64xf32, #tpu.memory_space<hbm>>
      %dma_wait3A_287 = arith.constant 0 : i32
      %dma_wait3A_288 = arith.constant 0 : i32
      %dma_wait3A_289 = tpu.memref_slice %arg22[%dma_wait3A_278, %dma_wait3A_287, %dma_wait3A_288] : memref<4x128x64xf32, #tpu.memory_space<vmem>> -> memref<1x128x64xf32, #tpu.memory_space<vmem>>
      %dma_wait3A_290 = tpu.memref_squeeze %dma_wait3A_289 : memref<1x128x64xf32, #tpu.memory_space<vmem>> -> memref<128x64xf32, #tpu.memory_space<vmem>>
      tpu.wait_dma2 semaphore(%arg25 : memref<!tpu.dma_semaphore, #tpu.memory_space<semaphore_mem>>) src(%dma_wait3A_290 : memref<128x64xf32, #tpu.memory_space<vmem>>) dst(%dma_wait3A_286 : memref<128x64xf32, #tpu.memory_space<hbm>>)
    }
    %scan3A_23 = arith.constant 5 : i32
    %mul3A_24 = arith.constant 2560 : i32
    %mul3A_25 = arith.muli %add3A, %mul3A_24 : i32
    %scan3A_26 = arith.constant 0 : i32
    %scan3A_27 = arith.constant 0 : i32
    %scan3A_28 = arith.constant 5 : i32
    %scan3A_29 = arith.addi %scan3A_27, %scan3A_28 : i32
    %scan3A_30 = arith.constant 1 : i32
    scf.for %scan3A_95 = %scan3A_27 to %scan3A_29 step %scan3A_30  : i32 {
      %mul3A_96 = arith.constant 512 : i32
      %mul3A_97 = arith.muli %scan3A_95, %mul3A_96 : i32
      %add3A_98 = arith.addi %mul3A_25, %mul3A_97 : i32
      "tpu.region"() ({
        %run_scoped3A_291 = tpu.sem_alloc : memref<!tpu.dma_semaphore, #tpu.memory_space<semaphore_mem>>
        %dma_start3A_292 = tpu.memref_slice %arg10[%add3A_98] : memref<81920xi32, #tpu.memory_space<hbm>> -> memref<512xi32, #tpu.memory_space<hbm>>
        %dma_start3A_293 = tpu.memref_slice %arg10[%add3A_98] : memref<81920xi32, #tpu.memory_space<hbm>> -> memref<512xi32, #tpu.memory_space<hbm>>
        tpu.enqueue_dma source(%dma_start3A_293 : memref<512xi32, #tpu.memory_space<hbm>>) target(%arg21 : memref<512xi32, #tpu.memory_space<vmem>>) target_semaphore(%run_scoped3A_291 : memref<!tpu.dma_semaphore, #tpu.memory_space<semaphore_mem>>)
        %dma_wait3A_294 = tpu.memref_slice %arg10[%add3A_98] : memref<81920xi32, #tpu.memory_space<hbm>> -> memref<512xi32, #tpu.memory_space<hbm>>
        %dma_wait3A_295 = tpu.memref_slice %arg10[%add3A_98] : memref<81920xi32, #tpu.memory_space<hbm>> -> memref<512xi32, #tpu.memory_space<hbm>>
        tpu.wait_dma2 semaphore(%run_scoped3A_291 : memref<!tpu.dma_semaphore, #tpu.memory_space<semaphore_mem>>) src(%dma_wait3A_295 : memref<512xi32, #tpu.memory_space<hbm>>) dst(%arg21 : memref<512xi32, #tpu.memory_space<vmem>>)
        tpu.yield
      }) : () -> ()
      %dma_start3A_99 = arith.constant 0 : i32
      %dma_start3A_100 = arith.constant 0 : i32
      %dma_start3A_101 = arith.constant 0 : i32
      %dma_start3A_102 = tpu.memref_slice %arg22[%dma_start3A_99, %dma_start3A_100, %dma_start3A_101] : memref<4x128x64xf32, #tpu.memory_space<vmem>> -> memref<1x128x64xf32, #tpu.memory_space<vmem>>
      %dma_start3A_103 = tpu.memref_squeeze %dma_start3A_102 : memref<1x128x64xf32, #tpu.memory_space<vmem>> -> memref<128x64xf32, #tpu.memory_space<vmem>>
      %dma_start3A_104 = arith.constant 0 : i32
      %dma_start3A_105 = tpu.memref_slice %arg21[%dma_start3A_104] : memref<512xi32, #tpu.memory_space<vmem>> -> memref<128xi32, #tpu.memory_space<vmem>>
      %dma_start3A_106 = arith.constant 0 : i32
      %dma_start3A_107 = arith.constant 0 : i32
      %dma_start3A_108 = tpu.memref_slice %arg3[%dma_start3A_106, %dma_start3A_107] : memref<1000000x64xf32, #tpu.memory_space<hbm>> -> memref<1000000x64xf32, #tpu.memory_space<hbm>>
      tpu.enqueue_indirect_dma source(%dma_start3A_108 : memref<1000000x64xf32, #tpu.memory_space<hbm>>) target(%dma_start3A_103 : memref<128x64xf32, #tpu.memory_space<vmem>>) offsets(%dma_start3A_105 : memref<128xi32, #tpu.memory_space<vmem>>) semaphore(%arg24 : memref<!tpu.dma_semaphore, #tpu.memory_space<semaphore_mem>>)
      %dma_start3A_109 = arith.constant 1 : i32
      %dma_start3A_110 = arith.constant 0 : i32
      %dma_start3A_111 = arith.constant 0 : i32
      %dma_start3A_112 = tpu.memref_slice %arg22[%dma_start3A_109, %dma_start3A_110, %dma_start3A_111] : memref<4x128x64xf32, #tpu.memory_space<vmem>> -> memref<1x128x64xf32, #tpu.memory_space<vmem>>
      %dma_start3A_113 = tpu.memref_squeeze %dma_start3A_112 : memref<1x128x64xf32, #tpu.memory_space<vmem>> -> memref<128x64xf32, #tpu.memory_space<vmem>>
      %dma_start3A_114 = arith.constant 128 : i32
      %dma_start3A_115 = tpu.memref_slice %arg21[%dma_start3A_114] : memref<512xi32, #tpu.memory_space<vmem>> -> memref<128xi32, #tpu.memory_space<vmem>>
      %dma_start3A_116 = arith.constant 0 : i32
      %dma_start3A_117 = arith.constant 0 : i32
      %dma_start3A_118 = tpu.memref_slice %arg3[%dma_start3A_116, %dma_start3A_117] : memref<1000000x64xf32, #tpu.memory_space<hbm>> -> memref<1000000x64xf32, #tpu.memory_space<hbm>>
      tpu.enqueue_indirect_dma source(%dma_start3A_118 : memref<1000000x64xf32, #tpu.memory_space<hbm>>) target(%dma_start3A_113 : memref<128x64xf32, #tpu.memory_space<vmem>>) offsets(%dma_start3A_115 : memref<128xi32, #tpu.memory_space<vmem>>) semaphore(%arg24 : memref<!tpu.dma_semaphore, #tpu.memory_space<semaphore_mem>>)
      %dma_start3A_119 = arith.constant 2 : i32
      %dma_start3A_120 = arith.constant 0 : i32
      %dma_start3A_121 = arith.constant 0 : i32
      %dma_start3A_122 = tpu.memref_slice %arg22[%dma_start3A_119, %dma_start3A_120, %dma_start3A_121] : memref<4x128x64xf32, #tpu.memory_space<vmem>> -> memref<1x128x64xf32, #tpu.memory_space<vmem>>
      %dma_start3A_123 = tpu.memref_squeeze %dma_start3A_122 : memref<1x128x64xf32, #tpu.memory_space<vmem>> -> memref<128x64xf32, #tpu.memory_space<vmem>>
      %dma_start3A_124 = arith.constant 256 : i32
      %dma_start3A_125 = tpu.memref_slice %arg21[%dma_start3A_124] : memref<512xi32, #tpu.memory_space<vmem>> -> memref<128xi32, #tpu.memory_space<vmem>>
      %dma_start3A_126 = arith.constant 0 : i32
      %dma_start3A_127 = arith.constant 0 : i32
      %dma_start3A_128 = tpu.memref_slice %arg3[%dma_start3A_126, %dma_start3A_127] : memref<1000000x64xf32, #tpu.memory_space<hbm>> -> memref<1000000x64xf32, #tpu.memory_space<hbm>>
      tpu.enqueue_indirect_dma source(%dma_start3A_128 : memref<1000000x64xf32, #tpu.memory_space<hbm>>) target(%dma_start3A_123 : memref<128x64xf32, #tpu.memory_space<vmem>>) offsets(%dma_start3A_125 : memref<128xi32, #tpu.memory_space<vmem>>) semaphore(%arg24 : memref<!tpu.dma_semaphore, #tpu.memory_space<semaphore_mem>>)
      %dma_start3A_129 = arith.constant 3 : i32
      %dma_start3A_130 = arith.constant 0 : i32
      %dma_start3A_131 = arith.constant 0 : i32
      %dma_start3A_132 = tpu.memref_slice %arg22[%dma_start3A_129, %dma_start3A_130, %dma_start3A_131] : memref<4x128x64xf32, #tpu.memory_space<vmem>> -> memref<1x128x64xf32, #tpu.memory_space<vmem>>
      %dma_start3A_133 = tpu.memref_squeeze %dma_start3A_132 : memref<1x128x64xf32, #tpu.memory_space<vmem>> -> memref<128x64xf32, #tpu.memory_space<vmem>>
      %dma_start3A_134 = arith.constant 384 : i32
      %dma_start3A_135 = tpu.memref_slice %arg21[%dma_start3A_134] : memref<512xi32, #tpu.memory_space<vmem>> -> memref<128xi32, #tpu.memory_space<vmem>>
      %dma_start3A_136 = arith.constant 0 : i32
      %dma_start3A_137 = arith.constant 0 : i32
      %dma_start3A_138 = tpu.memref_slice %arg3[%dma_start3A_136, %dma_start3A_137] : memref<1000000x64xf32, #tpu.memory_space<hbm>> -> memref<1000000x64xf32, #tpu.memory_space<hbm>>
      tpu.enqueue_indirect_dma source(%dma_start3A_138 : memref<1000000x64xf32, #tpu.memory_space<hbm>>) target(%dma_start3A_133 : memref<128x64xf32, #tpu.memory_space<vmem>>) offsets(%dma_start3A_135 : memref<128xi32, #tpu.memory_space<vmem>>) semaphore(%arg24 : memref<!tpu.dma_semaphore, #tpu.memory_space<semaphore_mem>>)
      %dma_wait3A_139 = arith.constant 0 : i32
      %dma_wait3A_140 = arith.constant 0 : i32
      %dma_wait3A_141 = arith.constant 0 : i32
      %dma_wait3A_142 = tpu.memref_slice %arg22[%dma_wait3A_139, %dma_wait3A_140, %dma_wait3A_141] : memref<4x128x64xf32, #tpu.memory_space<vmem>> -> memref<1x128x64xf32, #tpu.memory_space<vmem>>
      %dma_wait3A_143 = tpu.memref_squeeze %dma_wait3A_142 : memref<1x128x64xf32, #tpu.memory_space<vmem>> -> memref<128x64xf32, #tpu.memory_space<vmem>>
      %dma_wait3A_144 = arith.constant 0 : i32
      %dma_wait3A_145 = tpu.memref_slice %arg21[%dma_wait3A_144] : memref<512xi32, #tpu.memory_space<vmem>> -> memref<128xi32, #tpu.memory_space<vmem>>
      %dma_wait3A_146 = arith.constant 0 : i32
      %dma_wait3A_147 = arith.constant 0 : i32
      %dma_wait3A_148 = tpu.memref_slice %arg3[%dma_wait3A_146, %dma_wait3A_147] : memref<1000000x64xf32, #tpu.memory_space<hbm>> -> memref<1000000x64xf32, #tpu.memory_space<hbm>>
      tpu.wait_indirect_dma semaphore(%arg24 : memref<!tpu.dma_semaphore, #tpu.memory_space<semaphore_mem>>) src(%dma_wait3A_148 : memref<1000000x64xf32, #tpu.memory_space<hbm>>) dst(%dma_wait3A_143 : memref<128x64xf32, #tpu.memory_space<vmem>>)
      %dma_wait3A_149 = arith.constant 1 : i32
      %dma_wait3A_150 = arith.constant 0 : i32
      %dma_wait3A_151 = arith.constant 0 : i32
      %dma_wait3A_152 = tpu.memref_slice %arg22[%dma_wait3A_149, %dma_wait3A_150, %dma_wait3A_151] : memref<4x128x64xf32, #tpu.memory_space<vmem>> -> memref<1x128x64xf32, #tpu.memory_space<vmem>>
      %dma_wait3A_153 = tpu.memref_squeeze %dma_wait3A_152 : memref<1x128x64xf32, #tpu.memory_space<vmem>> -> memref<128x64xf32, #tpu.memory_space<vmem>>
      %dma_wait3A_154 = arith.constant 128 : i32
      %dma_wait3A_155 = tpu.memref_slice %arg21[%dma_wait3A_154] : memref<512xi32, #tpu.memory_space<vmem>> -> memref<128xi32, #tpu.memory_space<vmem>>
      %dma_wait3A_156 = arith.constant 0 : i32
      %dma_wait3A_157 = arith.constant 0 : i32
      %dma_wait3A_158 = tpu.memref_slice %arg3[%dma_wait3A_156, %dma_wait3A_157] : memref<1000000x64xf32, #tpu.memory_space<hbm>> -> memref<1000000x64xf32, #tpu.memory_space<hbm>>
      tpu.wait_indirect_dma semaphore(%arg24 : memref<!tpu.dma_semaphore, #tpu.memory_space<semaphore_mem>>) src(%dma_wait3A_158 : memref<1000000x64xf32, #tpu.memory_space<hbm>>) dst(%dma_wait3A_153 : memref<128x64xf32, #tpu.memory_space<vmem>>)
      %dma_wait3A_159 = arith.constant 2 : i32
      %dma_wait3A_160 = arith.constant 0 : i32
      %dma_wait3A_161 = arith.constant 0 : i32
      %dma_wait3A_162 = tpu.memref_slice %arg22[%dma_wait3A_159, %dma_wait3A_160, %dma_wait3A_161] : memref<4x128x64xf32, #tpu.memory_space<vmem>> -> memref<1x128x64xf32, #tpu.memory_space<vmem>>
      %dma_wait3A_163 = tpu.memref_squeeze %dma_wait3A_162 : memref<1x128x64xf32, #tpu.memory_space<vmem>> -> memref<128x64xf32, #tpu.memory_space<vmem>>
      %dma_wait3A_164 = arith.constant 256 : i32
      %dma_wait3A_165 = tpu.memref_slice %arg21[%dma_wait3A_164] : memref<512xi32, #tpu.memory_space<vmem>> -> memref<128xi32, #tpu.memory_space<vmem>>
      %dma_wait3A_166 = arith.constant 0 : i32
      %dma_wait3A_167 = arith.constant 0 : i32
      %dma_wait3A_168 = tpu.memref_slice %arg3[%dma_wait3A_166, %dma_wait3A_167] : memref<1000000x64xf32, #tpu.memory_space<hbm>> -> memref<1000000x64xf32, #tpu.memory_space<hbm>>
      tpu.wait_indirect_dma semaphore(%arg24 : memref<!tpu.dma_semaphore, #tpu.memory_space<semaphore_mem>>) src(%dma_wait3A_168 : memref<1000000x64xf32, #tpu.memory_space<hbm>>) dst(%dma_wait3A_163 : memref<128x64xf32, #tpu.memory_space<vmem>>)
      %dma_wait3A_169 = arith.constant 3 : i32
      %dma_wait3A_170 = arith.constant 0 : i32
      %dma_wait3A_171 = arith.constant 0 : i32
      %dma_wait3A_172 = tpu.memref_slice %arg22[%dma_wait3A_169, %dma_wait3A_170, %dma_wait3A_171] : memref<4x128x64xf32, #tpu.memory_space<vmem>> -> memref<1x128x64xf32, #tpu.memory_space<vmem>>
      %dma_wait3A_173 = tpu.memref_squeeze %dma_wait3A_172 : memref<1x128x64xf32, #tpu.memory_space<vmem>> -> memref<128x64xf32, #tpu.memory_space<vmem>>
      %dma_wait3A_174 = arith.constant 384 : i32
      %dma_wait3A_175 = tpu.memref_slice %arg21[%dma_wait3A_174] : memref<512xi32, #tpu.memory_space<vmem>> -> memref<128xi32, #tpu.memory_space<vmem>>
      %dma_wait3A_176 = arith.constant 0 : i32
      %dma_wait3A_177 = arith.constant 0 : i32
      %dma_wait3A_178 = tpu.memref_slice %arg3[%dma_wait3A_176, %dma_wait3A_177] : memref<1000000x64xf32, #tpu.memory_space<hbm>> -> memref<1000000x64xf32, #tpu.memory_space<hbm>>
      tpu.wait_indirect_dma semaphore(%arg24 : memref<!tpu.dma_semaphore, #tpu.memory_space<semaphore_mem>>) src(%dma_wait3A_178 : memref<1000000x64xf32, #tpu.memory_space<hbm>>) dst(%dma_wait3A_173 : memref<128x64xf32, #tpu.memory_space<vmem>>)
      %add3A_179 = arith.constant 0 : i32
      %add3A_180 = arith.addi %add3A_98, %add3A_179 : i32
      %dma_start3A_181 = arith.constant 0 : i32
      %dma_start3A_182 = arith.constant 0 : i32
      %dma_start3A_183 = arith.constant 0 : i32
      %dma_start3A_184 = tpu.memref_slice %arg22[%dma_start3A_181, %dma_start3A_182, %dma_start3A_183] : memref<4x128x64xf32, #tpu.memory_space<vmem>> -> memref<1x128x64xf32, #tpu.memory_space<vmem>>
      %dma_start3A_185 = tpu.memref_squeeze %dma_start3A_184 : memref<1x128x64xf32, #tpu.memory_space<vmem>> -> memref<128x64xf32, #tpu.memory_space<vmem>>
      %dma_start3A_186 = arith.constant 0 : i32
      %dma_start3A_187 = tpu.memref_slice %arg16[%add3A_180, %dma_start3A_186] : memref<81920x64xf32, #tpu.memory_space<hbm>> -> memref<128x64xf32, #tpu.memory_space<hbm>>
      %dma_start3A_188 = arith.constant 0 : i32
      %dma_start3A_189 = tpu.memref_slice %arg16[%add3A_180, %dma_start3A_188] : memref<81920x64xf32, #tpu.memory_space<hbm>> -> memref<128x64xf32, #tpu.memory_space<hbm>>
      %dma_start3A_190 = arith.constant 0 : i32
      %dma_start3A_191 = arith.constant 0 : i32
      %dma_start3A_192 = tpu.memref_slice %arg22[%dma_start3A_181, %dma_start3A_190, %dma_start3A_191] : memref<4x128x64xf32, #tpu.memory_space<vmem>> -> memref<1x128x64xf32, #tpu.memory_space<vmem>>
      %dma_start3A_193 = tpu.memref_squeeze %dma_start3A_192 : memref<1x128x64xf32, #tpu.memory_space<vmem>> -> memref<128x64xf32, #tpu.memory_space<vmem>>
      tpu.enqueue_dma source(%dma_start3A_193 : memref<128x64xf32, #tpu.memory_space<vmem>>) target(%dma_start3A_189 : memref<128x64xf32, #tpu.memory_space<hbm>>) target_semaphore(%arg25 : memref<!tpu.dma_semaphore, #tpu.memory_space<semaphore_mem>>)
      %add3A_194 = arith.constant 128 : i32
      %add3A_195 = arith.addi %add3A_98, %add3A_194 : i32
      %dma_start3A_196 = arith.constant 1 : i32
      %dma_start3A_197 = arith.constant 0 : i32
      %dma_start3A_198 = arith.constant 0 : i32
      %dma_start3A_199 = tpu.memref_slice %arg22[%dma_start3A_196, %dma_start3A_197, %dma_start3A_198] : memref<4x128x64xf32, #tpu.memory_space<vmem>> -> memref<1x128x64xf32, #tpu.memory_space<vmem>>
      %dma_start3A_200 = tpu.memref_squeeze %dma_start3A_199 : memref<1x128x64xf32, #tpu.memory_space<vmem>> -> memref<128x64xf32, #tpu.memory_space<vmem>>
      %dma_start3A_201 = arith.constant 0 : i32
      %dma_start3A_202 = tpu.memref_slice %arg16[%add3A_195, %dma_start3A_201] : memref<81920x64xf32, #tpu.memory_space<hbm>> -> memref<128x64xf32, #tpu.memory_space<hbm>>
      %dma_start3A_203 = arith.constant 0 : i32
      %dma_start3A_204 = tpu.memref_slice %arg16[%add3A_195, %dma_start3A_203] : memref<81920x64xf32, #tpu.memory_space<hbm>> -> memref<128x64xf32, #tpu.memory_space<hbm>>
      %dma_start3A_205 = arith.constant 0 : i32
      %dma_start3A_206 = arith.constant 0 : i32
      %dma_start3A_207 = tpu.memref_slice %arg22[%dma_start3A_196, %dma_start3A_205, %dma_start3A_206] : memref<4x128x64xf32, #tpu.memory_space<vmem>> -> memref<1x128x64xf32, #tpu.memory_space<vmem>>
      %dma_start3A_208 = tpu.memref_squeeze %dma_start3A_207 : memref<1x128x64xf32, #tpu.memory_space<vmem>> -> memref<128x64xf32, #tpu.memory_space<vmem>>
      tpu.enqueue_dma source(%dma_start3A_208 : memref<128x64xf32, #tpu.memory_space<vmem>>) target(%dma_start3A_204 : memref<128x64xf32, #tpu.memory_space<hbm>>) target_semaphore(%arg25 : memref<!tpu.dma_semaphore, #tpu.memory_space<semaphore_mem>>)
      %add3A_209 = arith.constant 256 : i32
      %add3A_210 = arith.addi %add3A_98, %add3A_209 : i32
      %dma_start3A_211 = arith.constant 2 : i32
      %dma_start3A_212 = arith.constant 0 : i32
      %dma_start3A_213 = arith.constant 0 : i32
      %dma_start3A_214 = tpu.memref_slice %arg22[%dma_start3A_211, %dma_start3A_212, %dma_start3A_213] : memref<4x128x64xf32, #tpu.memory_space<vmem>> -> memref<1x128x64xf32, #tpu.memory_space<vmem>>
      %dma_start3A_215 = tpu.memref_squeeze %dma_start3A_214 : memref<1x128x64xf32, #tpu.memory_space<vmem>> -> memref<128x64xf32, #tpu.memory_space<vmem>>
      %dma_start3A_216 = arith.constant 0 : i32
      %dma_start3A_217 = tpu.memref_slice %arg16[%add3A_210, %dma_start3A_216] : memref<81920x64xf32, #tpu.memory_space<hbm>> -> memref<128x64xf32, #tpu.memory_space<hbm>>
      %dma_start3A_218 = arith.constant 0 : i32
      %dma_start3A_219 = tpu.memref_slice %arg16[%add3A_210, %dma_start3A_218] : memref<81920x64xf32, #tpu.memory_space<hbm>> -> memref<128x64xf32, #tpu.memory_space<hbm>>
      %dma_start3A_220 = arith.constant 0 : i32
      %dma_start3A_221 = arith.constant 0 : i32
      %dma_start3A_222 = tpu.memref_slice %arg22[%dma_start3A_211, %dma_start3A_220, %dma_start3A_221] : memref<4x128x64xf32, #tpu.memory_space<vmem>> -> memref<1x128x64xf32, #tpu.memory_space<vmem>>
      %dma_start3A_223 = tpu.memref_squeeze %dma_start3A_222 : memref<1x128x64xf32, #tpu.memory_space<vmem>> -> memref<128x64xf32, #tpu.memory_space<vmem>>
      tpu.enqueue_dma source(%dma_start3A_223 : memref<128x64xf32, #tpu.memory_space<vmem>>) target(%dma_start3A_219 : memref<128x64xf32, #tpu.memory_space<hbm>>) target_semaphore(%arg25 : memref<!tpu.dma_semaphore, #tpu.memory_space<semaphore_mem>>)
      %add3A_224 = arith.constant 384 : i32
      %add3A_225 = arith.addi %add3A_98, %add3A_224 : i32
      %dma_start3A_226 = arith.constant 3 : i32
      %dma_start3A_227 = arith.constant 0 : i32
      %dma_start3A_228 = arith.constant 0 : i32
      %dma_start3A_229 = tpu.memref_slice %arg22[%dma_start3A_226, %dma_start3A_227, %dma_start3A_228] : memref<4x128x64xf32, #tpu.memory_space<vmem>> -> memref<1x128x64xf32, #tpu.memory_space<vmem>>
      %dma_start3A_230 = tpu.memref_squeeze %dma_start3A_229 : memref<1x128x64xf32, #tpu.memory_space<vmem>> -> memref<128x64xf32, #tpu.memory_space<vmem>>
      %dma_start3A_231 = arith.constant 0 : i32
      %dma_start3A_232 = tpu.memref_slice %arg16[%add3A_225, %dma_start3A_231] : memref<81920x64xf32, #tpu.memory_space<hbm>> -> memref<128x64xf32, #tpu.memory_space<hbm>>
      %dma_start3A_233 = arith.constant 0 : i32
      %dma_start3A_234 = tpu.memref_slice %arg16[%add3A_225, %dma_start3A_233] : memref<81920x64xf32, #tpu.memory_space<hbm>> -> memref<128x64xf32, #tpu.memory_space<hbm>>
      %dma_start3A_235 = arith.constant 0 : i32
      %dma_start3A_236 = arith.constant 0 : i32
      %dma_start3A_237 = tpu.memref_slice %arg22[%dma_start3A_226, %dma_start3A_235, %dma_start3A_236] : memref<4x128x64xf32, #tpu.memory_space<vmem>> -> memref<1x128x64xf32, #tpu.memory_space<vmem>>
      %dma_start3A_238 = tpu.memref_squeeze %dma_start3A_237 : memref<1x128x64xf32, #tpu.memory_space<vmem>> -> memref<128x64xf32, #tpu.memory_space<vmem>>
      tpu.enqueue_dma source(%dma_start3A_238 : memref<128x64xf32, #tpu.memory_space<vmem>>) target(%dma_start3A_234 : memref<128x64xf32, #tpu.memory_space<hbm>>) target_semaphore(%arg25 : memref<!tpu.dma_semaphore, #tpu.memory_space<semaphore_mem>>)
      %dma_wait3A_239 = arith.constant 0 : i32
      %dma_wait3A_240 = arith.constant 0 : i32
      %dma_wait3A_241 = arith.constant 0 : i32
      %dma_wait3A_242 = tpu.memref_slice %arg22[%dma_wait3A_239, %dma_wait3A_240, %dma_wait3A_241] : memref<4x128x64xf32, #tpu.memory_space<vmem>> -> memref<1x128x64xf32, #tpu.memory_space<vmem>>
      %dma_wait3A_243 = tpu.memref_squeeze %dma_wait3A_242 : memref<1x128x64xf32, #tpu.memory_space<vmem>> -> memref<128x64xf32, #tpu.memory_space<vmem>>
      %dma_wait3A_244 = arith.constant 0 : i32
      %dma_wait3A_245 = tpu.memref_slice %arg16[%add3A_180, %dma_wait3A_244] : memref<81920x64xf32, #tpu.memory_space<hbm>> -> memref<128x64xf32, #tpu.memory_space<hbm>>
      %dma_wait3A_246 = arith.constant 0 : i32
      %dma_wait3A_247 = tpu.memref_slice %arg16[%add3A_180, %dma_wait3A_246] : memref<81920x64xf32, #tpu.memory_space<hbm>> -> memref<128x64xf32, #tpu.memory_space<hbm>>
      %dma_wait3A_248 = arith.constant 0 : i32
      %dma_wait3A_249 = arith.constant 0 : i32
      %dma_wait3A_250 = tpu.memref_slice %arg22[%dma_wait3A_239, %dma_wait3A_248, %dma_wait3A_249] : memref<4x128x64xf32, #tpu.memory_space<vmem>> -> memref<1x128x64xf32, #tpu.memory_space<vmem>>
      %dma_wait3A_251 = tpu.memref_squeeze %dma_wait3A_250 : memref<1x128x64xf32, #tpu.memory_space<vmem>> -> memref<128x64xf32, #tpu.memory_space<vmem>>
      tpu.wait_dma2 semaphore(%arg25 : memref<!tpu.dma_semaphore, #tpu.memory_space<semaphore_mem>>) src(%dma_wait3A_251 : memref<128x64xf32, #tpu.memory_space<vmem>>) dst(%dma_wait3A_247 : memref<128x64xf32, #tpu.memory_space<hbm>>)
      %dma_wait3A_252 = arith.constant 1 : i32
      %dma_wait3A_253 = arith.constant 0 : i32
      %dma_wait3A_254 = arith.constant 0 : i32
      %dma_wait3A_255 = tpu.memref_slice %arg22[%dma_wait3A_252, %dma_wait3A_253, %dma_wait3A_254] : memref<4x128x64xf32, #tpu.memory_space<vmem>> -> memref<1x128x64xf32, #tpu.memory_space<vmem>>
      %dma_wait3A_256 = tpu.memref_squeeze %dma_wait3A_255 : memref<1x128x64xf32, #tpu.memory_space<vmem>> -> memref<128x64xf32, #tpu.memory_space<vmem>>
      %dma_wait3A_257 = arith.constant 0 : i32
      %dma_wait3A_258 = tpu.memref_slice %arg16[%add3A_195, %dma_wait3A_257] : memref<81920x64xf32, #tpu.memory_space<hbm>> -> memref<128x64xf32, #tpu.memory_space<hbm>>
      %dma_wait3A_259 = arith.constant 0 : i32
      %dma_wait3A_260 = tpu.memref_slice %arg16[%add3A_195, %dma_wait3A_259] : memref<81920x64xf32, #tpu.memory_space<hbm>> -> memref<128x64xf32, #tpu.memory_space<hbm>>
      %dma_wait3A_261 = arith.constant 0 : i32
      %dma_wait3A_262 = arith.constant 0 : i32
      %dma_wait3A_263 = tpu.memref_slice %arg22[%dma_wait3A_252, %dma_wait3A_261, %dma_wait3A_262] : memref<4x128x64xf32, #tpu.memory_space<vmem>> -> memref<1x128x64xf32, #tpu.memory_space<vmem>>
      %dma_wait3A_264 = tpu.memref_squeeze %dma_wait3A_263 : memref<1x128x64xf32, #tpu.memory_space<vmem>> -> memref<128x64xf32, #tpu.memory_space<vmem>>
      tpu.wait_dma2 semaphore(%arg25 : memref<!tpu.dma_semaphore, #tpu.memory_space<semaphore_mem>>) src(%dma_wait3A_264 : memref<128x64xf32, #tpu.memory_space<vmem>>) dst(%dma_wait3A_260 : memref<128x64xf32, #tpu.memory_space<hbm>>)
      %dma_wait3A_265 = arith.constant 2 : i32
      %dma_wait3A_266 = arith.constant 0 : i32
      %dma_wait3A_267 = arith.constant 0 : i32
      %dma_wait3A_268 = tpu.memref_slice %arg22[%dma_wait3A_265, %dma_wait3A_266, %dma_wait3A_267] : memref<4x128x64xf32, #tpu.memory_space<vmem>> -> memref<1x128x64xf32, #tpu.memory_space<vmem>>
      %dma_wait3A_269 = tpu.memref_squeeze %dma_wait3A_268 : memref<1x128x64xf32, #tpu.memory_space<vmem>> -> memref<128x64xf32, #tpu.memory_space<vmem>>
      %dma_wait3A_270 = arith.constant 0 : i32
      %dma_wait3A_271 = tpu.memref_slice %arg16[%add3A_210, %dma_wait3A_270] : memref<81920x64xf32, #tpu.memory_space<hbm>> -> memref<128x64xf32, #tpu.memory_space<hbm>>
      %dma_wait3A_272 = arith.constant 0 : i32
      %dma_wait3A_273 = tpu.memref_slice %arg16[%add3A_210, %dma_wait3A_272] : memref<81920x64xf32, #tpu.memory_space<hbm>> -> memref<128x64xf32, #tpu.memory_space<hbm>>
      %dma_wait3A_274 = arith.constant 0 : i32
      %dma_wait3A_275 = arith.constant 0 : i32
      %dma_wait3A_276 = tpu.memref_slice %arg22[%dma_wait3A_265, %dma_wait3A_274, %dma_wait3A_275] : memref<4x128x64xf32, #tpu.memory_space<vmem>> -> memref<1x128x64xf32, #tpu.memory_space<vmem>>
      %dma_wait3A_277 = tpu.memref_squeeze %dma_wait3A_276 : memref<1x128x64xf32, #tpu.memory_space<vmem>> -> memref<128x64xf32, #tpu.memory_space<vmem>>
      tpu.wait_dma2 semaphore(%arg25 : memref<!tpu.dma_semaphore, #tpu.memory_space<semaphore_mem>>) src(%dma_wait3A_277 : memref<128x64xf32, #tpu.memory_space<vmem>>) dst(%dma_wait3A_273 : memref<128x64xf32, #tpu.memory_space<hbm>>)
      %dma_wait3A_278 = arith.constant 3 : i32
      %dma_wait3A_279 = arith.constant 0 : i32
      %dma_wait3A_280 = arith.constant 0 : i32
      %dma_wait3A_281 = tpu.memref_slice %arg22[%dma_wait3A_278, %dma_wait3A_279, %dma_wait3A_280] : memref<4x128x64xf32, #tpu.memory_space<vmem>> -> memref<1x128x64xf32, #tpu.memory_space<vmem>>
      %dma_wait3A_282 = tpu.memref_squeeze %dma_wait3A_281 : memref<1x128x64xf32, #tpu.memory_space<vmem>> -> memref<128x64xf32, #tpu.memory_space<vmem>>
      %dma_wait3A_283 = arith.constant 0 : i32
      %dma_wait3A_284 = tpu.memref_slice %arg16[%add3A_225, %dma_wait3A_283] : memref<81920x64xf32, #tpu.memory_space<hbm>> -> memref<128x64xf32, #tpu.memory_space<hbm>>
      %dma_wait3A_285 = arith.constant 0 : i32
      %dma_wait3A_286 = tpu.memref_slice %arg16[%add3A_225, %dma_wait3A_285] : memref<81920x64xf32, #tpu.memory_space<hbm>> -> memref<128x64xf32, #tpu.memory_space<hbm>>
      %dma_wait3A_287 = arith.constant 0 : i32
      %dma_wait3A_288 = arith.constant 0 : i32
      %dma_wait3A_289 = tpu.memref_slice %arg22[%dma_wait3A_278, %dma_wait3A_287, %dma_wait3A_288] : memref<4x128x64xf32, #tpu.memory_space<vmem>> -> memref<1x128x64xf32, #tpu.memory_space<vmem>>
      %dma_wait3A_290 = tpu.memref_squeeze %dma_wait3A_289 : memref<1x128x64xf32, #tpu.memory_space<vmem>> -> memref<128x64xf32, #tpu.memory_space<vmem>>
      tpu.wait_dma2 semaphore(%arg25 : memref<!tpu.dma_semaphore, #tpu.memory_space<semaphore_mem>>) src(%dma_wait3A_290 : memref<128x64xf32, #tpu.memory_space<vmem>>) dst(%dma_wait3A_286 : memref<128x64xf32, #tpu.memory_space<hbm>>)
    }
    %scan3A_31 = arith.constant 5 : i32
    %mul3A_32 = arith.constant 128 : i32
    %mul3A_33 = arith.muli %add3A, %mul3A_32 : i32
    "tpu.region"() ({
      %run_scoped3A_95 = tpu.sem_alloc : memref<!tpu.dma_semaphore, #tpu.memory_space<semaphore_mem>>
      %dma_start3A_96 = arith.constant 0 : i32
      %dma_start3A_97 = tpu.memref_slice %arg21[%dma_start3A_96] : memref<512xi32, #tpu.memory_space<vmem>> -> memref<128xi32, #tpu.memory_space<vmem>>
      %dma_start3A_98 = tpu.memref_slice %arg11[%mul3A_33] : memref<4096xi32, #tpu.memory_space<hbm>> -> memref<128xi32, #tpu.memory_space<hbm>>
      %dma_start3A_99 = arith.constant 0 : i32
      %dma_start3A_100 = tpu.memref_slice %arg21[%dma_start3A_99] : memref<512xi32, #tpu.memory_space<vmem>> -> memref<128xi32, #tpu.memory_space<vmem>>
      %dma_start3A_101 = tpu.memref_slice %arg11[%mul3A_33] : memref<4096xi32, #tpu.memory_space<hbm>> -> memref<128xi32, #tpu.memory_space<hbm>>
      tpu.enqueue_dma source(%dma_start3A_101 : memref<128xi32, #tpu.memory_space<hbm>>) target(%dma_start3A_100 : memref<128xi32, #tpu.memory_space<vmem>>) target_semaphore(%run_scoped3A_95 : memref<!tpu.dma_semaphore, #tpu.memory_space<semaphore_mem>>)
      %dma_wait3A_102 = arith.constant 0 : i32
      %dma_wait3A_103 = tpu.memref_slice %arg21[%dma_wait3A_102] : memref<512xi32, #tpu.memory_space<vmem>> -> memref<128xi32, #tpu.memory_space<vmem>>
      %dma_wait3A_104 = tpu.memref_slice %arg11[%mul3A_33] : memref<4096xi32, #tpu.memory_space<hbm>> -> memref<128xi32, #tpu.memory_space<hbm>>
      %dma_wait3A_105 = arith.constant 0 : i32
      %dma_wait3A_106 = tpu.memref_slice %arg21[%dma_wait3A_105] : memref<512xi32, #tpu.memory_space<vmem>> -> memref<128xi32, #tpu.memory_space<vmem>>
      %dma_wait3A_107 = tpu.memref_slice %arg11[%mul3A_33] : memref<4096xi32, #tpu.memory_space<hbm>> -> memref<128xi32, #tpu.memory_space<hbm>>
      tpu.wait_dma2 semaphore(%run_scoped3A_95 : memref<!tpu.dma_semaphore, #tpu.memory_space<semaphore_mem>>) src(%dma_wait3A_107 : memref<128xi32, #tpu.memory_space<hbm>>) dst(%dma_wait3A_106 : memref<128xi32, #tpu.memory_space<vmem>>)
      tpu.yield
    }) : () -> ()
    %dma_start3A = arith.constant 0 : i32
    %dma_start3A_34 = arith.constant 0 : i32
    %dma_start3A_35 = arith.constant 0 : i32
    %dma_start3A_36 = tpu.memref_slice %arg22[%dma_start3A, %dma_start3A_34, %dma_start3A_35] : memref<4x128x64xf32, #tpu.memory_space<vmem>> -> memref<1x128x64xf32, #tpu.memory_space<vmem>>
    %dma_start3A_37 = tpu.memref_squeeze %dma_start3A_36 : memref<1x128x64xf32, #tpu.memory_space<vmem>> -> memref<128x64xf32, #tpu.memory_space<vmem>>
    %dma_start3A_38 = arith.constant 0 : i32
    %dma_start3A_39 = tpu.memref_slice %arg21[%dma_start3A_38] : memref<512xi32, #tpu.memory_space<vmem>> -> memref<128xi32, #tpu.memory_space<vmem>>
    %dma_start3A_40 = arith.constant 0 : i32
    %dma_start3A_41 = arith.constant 0 : i32
    %dma_start3A_42 = tpu.memref_slice %arg3[%dma_start3A_40, %dma_start3A_41] : memref<1000000x64xf32, #tpu.memory_space<hbm>> -> memref<1000000x64xf32, #tpu.memory_space<hbm>>
    tpu.enqueue_indirect_dma source(%dma_start3A_42 : memref<1000000x64xf32, #tpu.memory_space<hbm>>) target(%dma_start3A_37 : memref<128x64xf32, #tpu.memory_space<vmem>>) offsets(%dma_start3A_39 : memref<128xi32, #tpu.memory_space<vmem>>) semaphore(%arg24 : memref<!tpu.dma_semaphore, #tpu.memory_space<semaphore_mem>>)
    %dma_wait3A = arith.constant 0 : i32
    %dma_wait3A_43 = arith.constant 0 : i32
    %dma_wait3A_44 = arith.constant 0 : i32
    %dma_wait3A_45 = tpu.memref_slice %arg22[%dma_wait3A, %dma_wait3A_43, %dma_wait3A_44] : memref<4x128x64xf32, #tpu.memory_space<vmem>> -> memref<1x128x64xf32, #tpu.memory_space<vmem>>
    %dma_wait3A_46 = tpu.memref_squeeze %dma_wait3A_45 : memref<1x128x64xf32, #tpu.memory_space<vmem>> -> memref<128x64xf32, #tpu.memory_space<vmem>>
    %dma_wait3A_47 = arith.constant 0 : i32
    %dma_wait3A_48 = tpu.memref_slice %arg21[%dma_wait3A_47] : memref<512xi32, #tpu.memory_space<vmem>> -> memref<128xi32, #tpu.memory_space<vmem>>
    %dma_wait3A_49 = arith.constant 0 : i32
    %dma_wait3A_50 = arith.constant 0 : i32
    %dma_wait3A_51 = tpu.memref_slice %arg3[%dma_wait3A_49, %dma_wait3A_50] : memref<1000000x64xf32, #tpu.memory_space<hbm>> -> memref<1000000x64xf32, #tpu.memory_space<hbm>>
    tpu.wait_indirect_dma semaphore(%arg24 : memref<!tpu.dma_semaphore, #tpu.memory_space<semaphore_mem>>) src(%dma_wait3A_51 : memref<1000000x64xf32, #tpu.memory_space<hbm>>) dst(%dma_wait3A_46 : memref<128x64xf32, #tpu.memory_space<vmem>>)
    %run_scoped3A = arith.constant 0 : i32
    "tpu.region"() ({
      %run_scoped3A_95 = tpu.sem_alloc : memref<!tpu.dma_semaphore, #tpu.memory_space<semaphore_mem>>
      %dma_start3A_96 = arith.constant 0 : i32
      %dma_start3A_97 = arith.constant 0 : i32
      %dma_start3A_98 = tpu.memref_slice %arg22[%run_scoped3A, %dma_start3A_96, %dma_start3A_97] : memref<4x128x64xf32, #tpu.memory_space<vmem>> -> memref<1x128x64xf32, #tpu.memory_space<vmem>>
      %dma_start3A_99 = tpu.memref_squeeze %dma_start3A_98 : memref<1x128x64xf32, #tpu.memory_space<vmem>> -> memref<128x64xf32, #tpu.memory_space<vmem>>
      %dma_start3A_100 = arith.constant 0 : i32
      %dma_start3A_101 = tpu.memref_slice %arg17[%mul3A_33, %dma_start3A_100] : memref<4096x64xf32, #tpu.memory_space<hbm>> -> memref<128x64xf32, #tpu.memory_space<hbm>>
      %dma_start3A_102 = arith.constant 0 : i32
      %dma_start3A_103 = tpu.memref_slice %arg17[%mul3A_33, %dma_start3A_102] : memref<4096x64xf32, #tpu.memory_space<hbm>> -> memref<128x64xf32, #tpu.memory_space<hbm>>
      %dma_start3A_104 = arith.constant 0 : i32
      %dma_start3A_105 = arith.constant 0 : i32
      %dma_start3A_106 = tpu.memref_slice %arg22[%run_scoped3A, %dma_start3A_104, %dma_start3A_105] : memref<4x128x64xf32, #tpu.memory_space<vmem>> -> memref<1x128x64xf32, #tpu.memory_space<vmem>>
      %dma_start3A_107 = tpu.memref_squeeze %dma_start3A_106 : memref<1x128x64xf32, #tpu.memory_space<vmem>> -> memref<128x64xf32, #tpu.memory_space<vmem>>
      tpu.enqueue_dma source(%dma_start3A_107 : memref<128x64xf32, #tpu.memory_space<vmem>>) target(%dma_start3A_103 : memref<128x64xf32, #tpu.memory_space<hbm>>) target_semaphore(%run_scoped3A_95 : memref<!tpu.dma_semaphore, #tpu.memory_space<semaphore_mem>>)
      %dma_wait3A_108 = arith.constant 0 : i32
      %dma_wait3A_109 = arith.constant 0 : i32
      %dma_wait3A_110 = tpu.memref_slice %arg22[%run_scoped3A, %dma_wait3A_108, %dma_wait3A_109] : memref<4x128x64xf32, #tpu.memory_space<vmem>> -> memref<1x128x64xf32, #tpu.memory_space<vmem>>
      %dma_wait3A_111 = tpu.memref_squeeze %dma_wait3A_110 : memref<1x128x64xf32, #tpu.memory_space<vmem>> -> memref<128x64xf32, #tpu.memory_space<vmem>>
      %dma_wait3A_112 = arith.constant 0 : i32
      %dma_wait3A_113 = tpu.memref_slice %arg17[%mul3A_33, %dma_wait3A_112] : memref<4096x64xf32, #tpu.memory_space<hbm>> -> memref<128x64xf32, #tpu.memory_space<hbm>>
      %dma_wait3A_114 = arith.constant 0 : i32
      %dma_wait3A_115 = tpu.memref_slice %arg17[%mul3A_33, %dma_wait3A_114] : memref<4096x64xf32, #tpu.memory_space<hbm>> -> memref<128x64xf32, #tpu.memory_space<hbm>>
      %dma_wait3A_116 = arith.constant 0 : i32
      %dma_wait3A_117 = arith.constant 0 : i32
      %dma_wait3A_118 = tpu.memref_slice %arg22[%run_scoped3A, %dma_wait3A_116, %dma_wait3A_117] : memref<4x128x64xf32, #tpu.memory_space<vmem>> -> memref<1x128x64xf32, #tpu.memory_space<vmem>>
      %dma_wait3A_119 = tpu.memref_squeeze %dma_wait3A_118 : memref<1x128x64xf32, #tpu.memory_space<vmem>> -> memref<128x64xf32, #tpu.memory_space<vmem>>
      tpu.wait_dma2 semaphore(%run_scoped3A_95 : memref<!tpu.dma_semaphore, #tpu.memory_space<semaphore_mem>>) src(%dma_wait3A_119 : memref<128x64xf32, #tpu.memory_space<vmem>>) dst(%dma_wait3A_115 : memref<128x64xf32, #tpu.memory_space<hbm>>)
      tpu.yield
    }) : () -> ()
    %mul3A_52 = arith.constant 128 : i32
    %mul3A_53 = arith.muli %add3A, %mul3A_52 : i32
    "tpu.region"() ({
      %run_scoped3A_95 = tpu.sem_alloc : memref<!tpu.dma_semaphore, #tpu.memory_space<semaphore_mem>>
      %dma_start3A_96 = arith.constant 0 : i32
      %dma_start3A_97 = tpu.memref_slice %arg21[%dma_start3A_96] : memref<512xi32, #tpu.memory_space<vmem>> -> memref<128xi32, #tpu.memory_space<vmem>>
      %dma_start3A_98 = tpu.memref_slice %arg12[%mul3A_53] : memref<4096xi32, #tpu.memory_space<hbm>> -> memref<128xi32, #tpu.memory_space<hbm>>
      %dma_start3A_99 = arith.constant 0 : i32
      %dma_start3A_100 = tpu.memref_slice %arg21[%dma_start3A_99] : memref<512xi32, #tpu.memory_space<vmem>> -> memref<128xi32, #tpu.memory_space<vmem>>
      %dma_start3A_101 = tpu.memref_slice %arg12[%mul3A_53] : memref<4096xi32, #tpu.memory_space<hbm>> -> memref<128xi32, #tpu.memory_space<hbm>>
      tpu.enqueue_dma source(%dma_start3A_101 : memref<128xi32, #tpu.memory_space<hbm>>) target(%dma_start3A_100 : memref<128xi32, #tpu.memory_space<vmem>>) target_semaphore(%run_scoped3A_95 : memref<!tpu.dma_semaphore, #tpu.memory_space<semaphore_mem>>)
      %dma_wait3A_102 = arith.constant 0 : i32
      %dma_wait3A_103 = tpu.memref_slice %arg21[%dma_wait3A_102] : memref<512xi32, #tpu.memory_space<vmem>> -> memref<128xi32, #tpu.memory_space<vmem>>
      %dma_wait3A_104 = tpu.memref_slice %arg12[%mul3A_53] : memref<4096xi32, #tpu.memory_space<hbm>> -> memref<128xi32, #tpu.memory_space<hbm>>
      %dma_wait3A_105 = arith.constant 0 : i32
      %dma_wait3A_106 = tpu.memref_slice %arg21[%dma_wait3A_105] : memref<512xi32, #tpu.memory_space<vmem>> -> memref<128xi32, #tpu.memory_space<vmem>>
      %dma_wait3A_107 = tpu.memref_slice %arg12[%mul3A_53] : memref<4096xi32, #tpu.memory_space<hbm>> -> memref<128xi32, #tpu.memory_space<hbm>>
      tpu.wait_dma2 semaphore(%run_scoped3A_95 : memref<!tpu.dma_semaphore, #tpu.memory_space<semaphore_mem>>) src(%dma_wait3A_107 : memref<128xi32, #tpu.memory_space<hbm>>) dst(%dma_wait3A_106 : memref<128xi32, #tpu.memory_space<vmem>>)
      tpu.yield
    }) : () -> ()
    %dma_start3A_54 = arith.constant 0 : i32
    %dma_start3A_55 = arith.constant 0 : i32
    %dma_start3A_56 = arith.constant 0 : i32
    %dma_start3A_57 = tpu.memref_slice %arg22[%dma_start3A_54, %dma_start3A_55, %dma_start3A_56] : memref<4x128x64xf32, #tpu.memory_space<vmem>> -> memref<1x128x64xf32, #tpu.memory_space<vmem>>
    %dma_start3A_58 = tpu.memref_squeeze %dma_start3A_57 : memref<1x128x64xf32, #tpu.memory_space<vmem>> -> memref<128x64xf32, #tpu.memory_space<vmem>>
    %dma_start3A_59 = arith.constant 0 : i32
    %dma_start3A_60 = tpu.memref_slice %arg21[%dma_start3A_59] : memref<512xi32, #tpu.memory_space<vmem>> -> memref<128xi32, #tpu.memory_space<vmem>>
    %dma_start3A_61 = arith.constant 0 : i32
    %dma_start3A_62 = arith.constant 0 : i32
    %dma_start3A_63 = tpu.memref_slice %arg4[%dma_start3A_61, %dma_start3A_62] : memref<1000000x64xf32, #tpu.memory_space<hbm>> -> memref<1000000x64xf32, #tpu.memory_space<hbm>>
    tpu.enqueue_indirect_dma source(%dma_start3A_63 : memref<1000000x64xf32, #tpu.memory_space<hbm>>) target(%dma_start3A_58 : memref<128x64xf32, #tpu.memory_space<vmem>>) offsets(%dma_start3A_60 : memref<128xi32, #tpu.memory_space<vmem>>) semaphore(%arg24 : memref<!tpu.dma_semaphore, #tpu.memory_space<semaphore_mem>>)
    %dma_wait3A_64 = arith.constant 0 : i32
    %dma_wait3A_65 = arith.constant 0 : i32
    %dma_wait3A_66 = arith.constant 0 : i32
    %dma_wait3A_67 = tpu.memref_slice %arg22[%dma_wait3A_64, %dma_wait3A_65, %dma_wait3A_66] : memref<4x128x64xf32, #tpu.memory_space<vmem>> -> memref<1x128x64xf32, #tpu.memory_space<vmem>>
    %dma_wait3A_68 = tpu.memref_squeeze %dma_wait3A_67 : memref<1x128x64xf32, #tpu.memory_space<vmem>> -> memref<128x64xf32, #tpu.memory_space<vmem>>
    %dma_wait3A_69 = arith.constant 0 : i32
    %dma_wait3A_70 = tpu.memref_slice %arg21[%dma_wait3A_69] : memref<512xi32, #tpu.memory_space<vmem>> -> memref<128xi32, #tpu.memory_space<vmem>>
    %dma_wait3A_71 = arith.constant 0 : i32
    %dma_wait3A_72 = arith.constant 0 : i32
    %dma_wait3A_73 = tpu.memref_slice %arg4[%dma_wait3A_71, %dma_wait3A_72] : memref<1000000x64xf32, #tpu.memory_space<hbm>> -> memref<1000000x64xf32, #tpu.memory_space<hbm>>
    tpu.wait_indirect_dma semaphore(%arg24 : memref<!tpu.dma_semaphore, #tpu.memory_space<semaphore_mem>>) src(%dma_wait3A_73 : memref<1000000x64xf32, #tpu.memory_space<hbm>>) dst(%dma_wait3A_68 : memref<128x64xf32, #tpu.memory_space<vmem>>)
    %run_scoped3A_74 = arith.constant 0 : i32
    "tpu.region"() ({
      %run_scoped3A_95 = tpu.sem_alloc : memref<!tpu.dma_semaphore, #tpu.memory_space<semaphore_mem>>
      %dma_start3A_96 = arith.constant 0 : i32
      %dma_start3A_97 = arith.constant 0 : i32
      %dma_start3A_98 = tpu.memref_slice %arg22[%run_scoped3A_74, %dma_start3A_96, %dma_start3A_97] : memref<4x128x64xf32, #tpu.memory_space<vmem>> -> memref<1x128x64xf32, #tpu.memory_space<vmem>>
      %dma_start3A_99 = tpu.memref_squeeze %dma_start3A_98 : memref<1x128x64xf32, #tpu.memory_space<vmem>> -> memref<128x64xf32, #tpu.memory_space<vmem>>
      %dma_start3A_100 = arith.constant 0 : i32
      %dma_start3A_101 = tpu.memref_slice %arg18[%mul3A_53, %dma_start3A_100] : memref<4096x64xf32, #tpu.memory_space<hbm>> -> memref<128x64xf32, #tpu.memory_space<hbm>>
      %dma_start3A_102 = arith.constant 0 : i32
      %dma_start3A_103 = tpu.memref_slice %arg18[%mul3A_53, %dma_start3A_102] : memref<4096x64xf32, #tpu.memory_space<hbm>> -> memref<128x64xf32, #tpu.memory_space<hbm>>
      %dma_start3A_104 = arith.constant 0 : i32
      %dma_start3A_105 = arith.constant 0 : i32
      %dma_start3A_106 = tpu.memref_slice %arg22[%run_scoped3A_74, %dma_start3A_104, %dma_start3A_105] : memref<4x128x64xf32, #tpu.memory_space<vmem>> -> memref<1x128x64xf32, #tpu.memory_space<vmem>>
      %dma_start3A_107 = tpu.memref_squeeze %dma_start3A_106 : memref<1x128x64xf32, #tpu.memory_space<vmem>> -> memref<128x64xf32, #tpu.memory_space<vmem>>
      tpu.enqueue_dma source(%dma_start3A_107 : memref<128x64xf32, #tpu.memory_space<vmem>>) target(%dma_start3A_103 : memref<128x64xf32, #tpu.memory_space<hbm>>) target_semaphore(%run_scoped3A_95 : memref<!tpu.dma_semaphore, #tpu.memory_space<semaphore_mem>>)
      %dma_wait3A_108 = arith.constant 0 : i32
      %dma_wait3A_109 = arith.constant 0 : i32
      %dma_wait3A_110 = tpu.memref_slice %arg22[%run_scoped3A_74, %dma_wait3A_108, %dma_wait3A_109] : memref<4x128x64xf32, #tpu.memory_space<vmem>> -> memref<1x128x64xf32, #tpu.memory_space<vmem>>
      %dma_wait3A_111 = tpu.memref_squeeze %dma_wait3A_110 : memref<1x128x64xf32, #tpu.memory_space<vmem>> -> memref<128x64xf32, #tpu.memory_space<vmem>>
      %dma_wait3A_112 = arith.constant 0 : i32
      %dma_wait3A_113 = tpu.memref_slice %arg18[%mul3A_53, %dma_wait3A_112] : memref<4096x64xf32, #tpu.memory_space<hbm>> -> memref<128x64xf32, #tpu.memory_space<hbm>>
      %dma_wait3A_114 = arith.constant 0 : i32
      %dma_wait3A_115 = tpu.memref_slice %arg18[%mul3A_53, %dma_wait3A_114] : memref<4096x64xf32, #tpu.memory_space<hbm>> -> memref<128x64xf32, #tpu.memory_space<hbm>>
      %dma_wait3A_116 = arith.constant 0 : i32
      %dma_wait3A_117 = arith.constant 0 : i32
      %dma_wait3A_118 = tpu.memref_slice %arg22[%run_scoped3A_74, %dma_wait3A_116, %dma_wait3A_117] : memref<4x128x64xf32, #tpu.memory_space<vmem>> -> memref<1x128x64xf32, #tpu.memory_space<vmem>>
      %dma_wait3A_119 = tpu.memref_squeeze %dma_wait3A_118 : memref<1x128x64xf32, #tpu.memory_space<vmem>> -> memref<128x64xf32, #tpu.memory_space<vmem>>
      tpu.wait_dma2 semaphore(%run_scoped3A_95 : memref<!tpu.dma_semaphore, #tpu.memory_space<semaphore_mem>>) src(%dma_wait3A_119 : memref<128x64xf32, #tpu.memory_space<vmem>>) dst(%dma_wait3A_115 : memref<128x64xf32, #tpu.memory_space<hbm>>)
      tpu.yield
    }) : () -> ()
    %mul3A_75 = arith.constant 128 : i32
    %mul3A_76 = arith.muli %add3A, %mul3A_75 : i32
    "tpu.region"() ({
      %run_scoped3A_95 = tpu.sem_alloc : memref<!tpu.dma_semaphore, #tpu.memory_space<semaphore_mem>>
      %dma_start3A_96 = arith.constant 0 : i32
      %dma_start3A_97 = tpu.memref_slice %arg21[%dma_start3A_96] : memref<512xi32, #tpu.memory_space<vmem>> -> memref<128xi32, #tpu.memory_space<vmem>>
      %dma_start3A_98 = tpu.memref_slice %arg12[%mul3A_76] : memref<4096xi32, #tpu.memory_space<hbm>> -> memref<128xi32, #tpu.memory_space<hbm>>
      %dma_start3A_99 = arith.constant 0 : i32
      %dma_start3A_100 = tpu.memref_slice %arg21[%dma_start3A_99] : memref<512xi32, #tpu.memory_space<vmem>> -> memref<128xi32, #tpu.memory_space<vmem>>
      %dma_start3A_101 = tpu.memref_slice %arg12[%mul3A_76] : memref<4096xi32, #tpu.memory_space<hbm>> -> memref<128xi32, #tpu.memory_space<hbm>>
      tpu.enqueue_dma source(%dma_start3A_101 : memref<128xi32, #tpu.memory_space<hbm>>) target(%dma_start3A_100 : memref<128xi32, #tpu.memory_space<vmem>>) target_semaphore(%run_scoped3A_95 : memref<!tpu.dma_semaphore, #tpu.memory_space<semaphore_mem>>)
      %dma_wait3A_102 = arith.constant 0 : i32
      %dma_wait3A_103 = tpu.memref_slice %arg21[%dma_wait3A_102] : memref<512xi32, #tpu.memory_space<vmem>> -> memref<128xi32, #tpu.memory_space<vmem>>
      %dma_wait3A_104 = tpu.memref_slice %arg12[%mul3A_76] : memref<4096xi32, #tpu.memory_space<hbm>> -> memref<128xi32, #tpu.memory_space<hbm>>
      %dma_wait3A_105 = arith.constant 0 : i32
      %dma_wait3A_106 = tpu.memref_slice %arg21[%dma_wait3A_105] : memref<512xi32, #tpu.memory_space<vmem>> -> memref<128xi32, #tpu.memory_space<vmem>>
      %dma_wait3A_107 = tpu.memref_slice %arg12[%mul3A_76] : memref<4096xi32, #tpu.memory_space<hbm>> -> memref<128xi32, #tpu.memory_space<hbm>>
      tpu.wait_dma2 semaphore(%run_scoped3A_95 : memref<!tpu.dma_semaphore, #tpu.memory_space<semaphore_mem>>) src(%dma_wait3A_107 : memref<128xi32, #tpu.memory_space<hbm>>) dst(%dma_wait3A_106 : memref<128xi32, #tpu.memory_space<vmem>>)
      tpu.yield
    }) : () -> ()
    %dma_start3A_77 = arith.constant 0 : i32
    %dma_start3A_78 = tpu.memref_slice %arg21[%dma_start3A_77] : memref<512xi32, #tpu.memory_space<vmem>> -> memref<128xi32, #tpu.memory_space<vmem>>
    %dma_start3A_79 = arith.constant 0 : i32
    %dma_start3A_80 = tpu.memref_slice %arg5[%dma_start3A_79] : memref<1000000xf32, #tpu.memory_space<hbm>> -> memref<1000000xf32, #tpu.memory_space<hbm>>
    tpu.enqueue_indirect_dma source(%dma_start3A_80 : memref<1000000xf32, #tpu.memory_space<hbm>>) target(%arg23 : memref<128xf32, #tpu.memory_space<vmem>>) offsets(%dma_start3A_78 : memref<128xi32, #tpu.memory_space<vmem>>) semaphore(%arg24 : memref<!tpu.dma_semaphore, #tpu.memory_space<semaphore_mem>>)
    %dma_wait3A_81 = arith.constant 0 : i32
    %dma_wait3A_82 = tpu.memref_slice %arg21[%dma_wait3A_81] : memref<512xi32, #tpu.memory_space<vmem>> -> memref<128xi32, #tpu.memory_space<vmem>>
    %dma_wait3A_83 = arith.constant 0 : i32
    %dma_wait3A_84 = tpu.memref_slice %arg5[%dma_wait3A_83] : memref<1000000xf32, #tpu.memory_space<hbm>> -> memref<1000000xf32, #tpu.memory_space<hbm>>
    tpu.wait_indirect_dma semaphore(%arg24 : memref<!tpu.dma_semaphore, #tpu.memory_space<semaphore_mem>>) src(%dma_wait3A_84 : memref<1000000xf32, #tpu.memory_space<hbm>>) dst(%arg23 : memref<128xf32, #tpu.memory_space<vmem>>)
    "tpu.region"() ({
      %run_scoped3A_95 = tpu.sem_alloc : memref<!tpu.dma_semaphore, #tpu.memory_space<semaphore_mem>>
      %dma_start3A_96 = tpu.memref_slice %arg19[%mul3A_76] : memref<4096xf32, #tpu.memory_space<hbm>> -> memref<128xf32, #tpu.memory_space<hbm>>
      %dma_start3A_97 = tpu.memref_slice %arg19[%mul3A_76] : memref<4096xf32, #tpu.memory_space<hbm>> -> memref<128xf32, #tpu.memory_space<hbm>>
      tpu.enqueue_dma source(%arg23 : memref<128xf32, #tpu.memory_space<vmem>>) target(%dma_start3A_97 : memref<128xf32, #tpu.memory_space<hbm>>) target_semaphore(%run_scoped3A_95 : memref<!tpu.dma_semaphore, #tpu.memory_space<semaphore_mem>>)
      %dma_wait3A_98 = tpu.memref_slice %arg19[%mul3A_76] : memref<4096xf32, #tpu.memory_space<hbm>> -> memref<128xf32, #tpu.memory_space<hbm>>
      %dma_wait3A_99 = tpu.memref_slice %arg19[%mul3A_76] : memref<4096xf32, #tpu.memory_space<hbm>> -> memref<128xf32, #tpu.memory_space<hbm>>
      tpu.wait_dma2 semaphore(%run_scoped3A_95 : memref<!tpu.dma_semaphore, #tpu.memory_space<semaphore_mem>>) src(%arg23 : memref<128xf32, #tpu.memory_space<vmem>>) dst(%dma_wait3A_99 : memref<128xf32, #tpu.memory_space<hbm>>)
      tpu.yield
    }) : () -> ()
    %mul3A_85 = arith.constant 128 : i32
    %mul3A_86 = arith.muli %add3A, %mul3A_85 : i32
    "tpu.region"() ({
      %run_scoped3A_95 = tpu.sem_alloc : memref<!tpu.dma_semaphore, #tpu.memory_space<semaphore_mem>>
      %dma_start3A_96 = arith.constant 0 : i32
      %dma_start3A_97 = tpu.memref_slice %arg21[%dma_start3A_96] : memref<512xi32, #tpu.memory_space<vmem>> -> memref<128xi32, #tpu.memory_space<vmem>>
      %dma_start3A_98 = tpu.memref_slice %arg11[%mul3A_86] : memref<4096xi32, #tpu.memory_space<hbm>> -> memref<128xi32, #tpu.memory_space<hbm>>
      %dma_start3A_99 = arith.constant 0 : i32
      %dma_start3A_100 = tpu.memref_slice %arg21[%dma_start3A_99] : memref<512xi32, #tpu.memory_space<vmem>> -> memref<128xi32, #tpu.memory_space<vmem>>
      %dma_start3A_101 = tpu.memref_slice %arg11[%mul3A_86] : memref<4096xi32, #tpu.memory_space<hbm>> -> memref<128xi32, #tpu.memory_space<hbm>>
      tpu.enqueue_dma source(%dma_start3A_101 : memref<128xi32, #tpu.memory_space<hbm>>) target(%dma_start3A_100 : memref<128xi32, #tpu.memory_space<vmem>>) target_semaphore(%run_scoped3A_95 : memref<!tpu.dma_semaphore, #tpu.memory_space<semaphore_mem>>)
      %dma_wait3A_102 = arith.constant 0 : i32
      %dma_wait3A_103 = tpu.memref_slice %arg21[%dma_wait3A_102] : memref<512xi32, #tpu.memory_space<vmem>> -> memref<128xi32, #tpu.memory_space<vmem>>
      %dma_wait3A_104 = tpu.memref_slice %arg11[%mul3A_86] : memref<4096xi32, #tpu.memory_space<hbm>> -> memref<128xi32, #tpu.memory_space<hbm>>
      %dma_wait3A_105 = arith.constant 0 : i32
      %dma_wait3A_106 = tpu.memref_slice %arg21[%dma_wait3A_105] : memref<512xi32, #tpu.memory_space<vmem>> -> memref<128xi32, #tpu.memory_space<vmem>>
      %dma_wait3A_107 = tpu.memref_slice %arg11[%mul3A_86] : memref<4096xi32, #tpu.memory_space<hbm>> -> memref<128xi32, #tpu.memory_space<hbm>>
      tpu.wait_dma2 semaphore(%run_scoped3A_95 : memref<!tpu.dma_semaphore, #tpu.memory_space<semaphore_mem>>) src(%dma_wait3A_107 : memref<128xi32, #tpu.memory_space<hbm>>) dst(%dma_wait3A_106 : memref<128xi32, #tpu.memory_space<vmem>>)
      tpu.yield
    }) : () -> ()
    %dma_start3A_87 = arith.constant 0 : i32
    %dma_start3A_88 = tpu.memref_slice %arg21[%dma_start3A_87] : memref<512xi32, #tpu.memory_space<vmem>> -> memref<128xi32, #tpu.memory_space<vmem>>
    %dma_start3A_89 = arith.constant 0 : i32
    %dma_start3A_90 = tpu.memref_slice %arg6[%dma_start3A_89] : memref<1000000xf32, #tpu.memory_space<hbm>> -> memref<1000000xf32, #tpu.memory_space<hbm>>
    tpu.enqueue_indirect_dma source(%dma_start3A_90 : memref<1000000xf32, #tpu.memory_space<hbm>>) target(%arg23 : memref<128xf32, #tpu.memory_space<vmem>>) offsets(%dma_start3A_88 : memref<128xi32, #tpu.memory_space<vmem>>) semaphore(%arg24 : memref<!tpu.dma_semaphore, #tpu.memory_space<semaphore_mem>>)
    %dma_wait3A_91 = arith.constant 0 : i32
    %dma_wait3A_92 = tpu.memref_slice %arg21[%dma_wait3A_91] : memref<512xi32, #tpu.memory_space<vmem>> -> memref<128xi32, #tpu.memory_space<vmem>>
    %dma_wait3A_93 = arith.constant 0 : i32
    %dma_wait3A_94 = tpu.memref_slice %arg6[%dma_wait3A_93] : memref<1000000xf32, #tpu.memory_space<hbm>> -> memref<1000000xf32, #tpu.memory_space<hbm>>
    tpu.wait_indirect_dma semaphore(%arg24 : memref<!tpu.dma_semaphore, #tpu.memory_space<semaphore_mem>>) src(%dma_wait3A_94 : memref<1000000xf32, #tpu.memory_space<hbm>>) dst(%arg23 : memref<128xf32, #tpu.memory_space<vmem>>)
    "tpu.region"() ({
      %run_scoped3A_95 = tpu.sem_alloc : memref<!tpu.dma_semaphore, #tpu.memory_space<semaphore_mem>>
      %dma_start3A_96 = tpu.memref_slice %arg20[%mul3A_86] : memref<4096xf32, #tpu.memory_space<hbm>> -> memref<128xf32, #tpu.memory_space<hbm>>
      %dma_start3A_97 = tpu.memref_slice %arg20[%mul3A_86] : memref<4096xf32, #tpu.memory_space<hbm>> -> memref<128xf32, #tpu.memory_space<hbm>>
      tpu.enqueue_dma source(%arg23 : memref<128xf32, #tpu.memory_space<vmem>>) target(%dma_start3A_97 : memref<128xf32, #tpu.memory_space<hbm>>) target_semaphore(%run_scoped3A_95 : memref<!tpu.dma_semaphore, #tpu.memory_space<semaphore_mem>>)
      %dma_wait3A_98 = tpu.memref_slice %arg20[%mul3A_86] : memref<4096xf32, #tpu.memory_space<hbm>> -> memref<128xf32, #tpu.memory_space<hbm>>
      %dma_wait3A_99 = tpu.memref_slice %arg20[%mul3A_86] : memref<4096xf32, #tpu.memory_space<hbm>> -> memref<128xf32, #tpu.memory_space<hbm>>
      tpu.wait_dma2 semaphore(%run_scoped3A_95 : memref<!tpu.dma_semaphore, #tpu.memory_space<semaphore_mem>>) src(%arg23 : memref<128xf32, #tpu.memory_space<vmem>>) dst(%dma_wait3A_99 : memref<128xf32, #tpu.memory_space<hbm>>)
      tpu.yield
    }) : () -> ()
    return
  }
}

module attributes {stable_mosaic.version = 14 : i64} {
  func.func @body(%arg0: i32, %arg1: memref<64x128xf32, #tpu.memory_space<vmem>>, %arg2: memref<20x64x128xf32, #tpu.memory_space<vmem>>, %arg3: memref<20x64x128xf32, #tpu.memory_space<vmem>>, %arg4: memref<64x128xf32, #tpu.memory_space<vmem>>, %arg5: memref<8x20x64x128xf32, #tpu.memory_space<vmem>>, %arg6: memref<8x64x128xf32, #tpu.memory_space<vmem>>, %arg7: memref<64x2xf32, #tpu.memory_space<vmem>>, %arg8: memref<64x2xf32, #tpu.memory_space<vmem>>, %arg9: memref<64x6xi32, #tpu.memory_space<vmem>>, %arg10: memref<20x64x6xi32, #tpu.memory_space<vmem>>, %arg11: memref<64x6xi32, #tpu.memory_space<vmem>>, %arg12: memref<20x64x6xi32, #tpu.memory_space<vmem>>, %arg13: memref<25x64xf32, #tpu.memory_space<vmem>>, %arg14: memref<2x64xf32, #tpu.memory_space<vmem>>, %arg15: memref<7x64xf32, #tpu.memory_space<vmem>>, %arg16: memref<21x64xf32, #tpu.memory_space<vmem>>, %arg17: memref<1x1xf32, #tpu.memory_space<vmem>>, %arg18: memref<64x64xf32, #tpu.memory_space<vmem>>, %arg19: memref<1x64xf32, #tpu.memory_space<vmem>>, %arg20: memref<64x64xf32, #tpu.memory_space<vmem>>, %arg21: memref<1x64xf32, #tpu.memory_space<vmem>>, %arg22: memref<64x64xf32, #tpu.memory_space<vmem>>, %arg23: memref<1x64xf32, #tpu.memory_space<vmem>>, %arg24: memref<64x64xf32, #tpu.memory_space<vmem>>, %arg25: memref<1x64xf32, #tpu.memory_space<vmem>>, %arg26: memref<64x64xf32, #tpu.memory_space<vmem>>, %arg27: memref<1x64xf32, #tpu.memory_space<vmem>>, %arg28: memref<64x64xf32, #tpu.memory_space<vmem>>, %arg29: memref<1x64xf32, #tpu.memory_space<vmem>>, %arg30: memref<64x64xf32, #tpu.memory_space<vmem>>, %arg31: memref<1x64xf32, #tpu.memory_space<vmem>>, %arg32: memref<64x64xf32, #tpu.memory_space<vmem>>, %arg33: memref<1x64xf32, #tpu.memory_space<vmem>>, %arg34: memref<128x64xf32, #tpu.memory_space<vmem>>, %arg35: memref<1x64xf32, #tpu.memory_space<vmem>>, %arg36: memref<128x64xf32, #tpu.memory_space<vmem>>, %arg37: memref<1x64xf32, #tpu.memory_space<vmem>>, %arg38: memref<128x64xf32, #tpu.memory_space<vmem>>, %arg39: memref<1x64xf32, #tpu.memory_space<vmem>>, %arg40: memref<128x64xf32, #tpu.memory_space<vmem>>, %arg41: memref<1x64xf32, #tpu.memory_space<vmem>>, %arg42: memref<128x64xf32, #tpu.memory_space<vmem>>, %arg43: memref<1x64xf32, #tpu.memory_space<vmem>>, %arg44: memref<128x64xf32, #tpu.memory_space<vmem>>, %arg45: memref<1x64xf32, #tpu.memory_space<vmem>>, %arg46: memref<128x64xf32, #tpu.memory_space<vmem>>, %arg47: memref<1x64xf32, #tpu.memory_space<vmem>>, %arg48: memref<128x64xf32, #tpu.memory_space<vmem>>, %arg49: memref<1x64xf32, #tpu.memory_space<vmem>>, %arg50: memref<1x128xf32, #tpu.memory_space<vmem>>, %arg51: memref<1x1xf32, #tpu.memory_space<vmem>>, %arg52: memref<64x2xf32, #tpu.memory_space<vmem>>) attributes {dimension_semantics = [#tpu.dimension_semantics<arbitrary>], iteration_bounds = array<i64: 32>, scalar_prefetch = 0 : i64, scratch_operands = 0 : i64, tpu.core_type = #tpu.core_type<tc>, window_params = [{transform_indices = @transform_0, window_bounds = array<i64: 64, 128>}, {transform_indices = @transform_1, window_bounds = array<i64: 20, 64, 128>}, {transform_indices = @transform_2, window_bounds = array<i64: 20, 64, 128>}, {transform_indices = @transform_3, window_bounds = array<i64: 64, 128>}, {transform_indices = @transform_4, window_bounds = array<i64: 8, 20, 64, 128>}, {transform_indices = @transform_5, window_bounds = array<i64: 8, 64, 128>}, {transform_indices = @transform_6, window_bounds = array<i64: 64, 2>}, {transform_indices = @transform_7, window_bounds = array<i64: 64, 2>}, {transform_indices = @transform_8, window_bounds = array<i64: 64, 6>}, {transform_indices = @transform_9, window_bounds = array<i64: 20, 64, 6>}, {transform_indices = @transform_10, window_bounds = array<i64: 64, 6>}, {transform_indices = @transform_11, window_bounds = array<i64: 20, 64, 6>}, {pipeline_mode = #tpu.pipeline_mode<synchronous>, transform_indices = @transform_12, window_bounds = array<i64: 25, 64>}, {pipeline_mode = #tpu.pipeline_mode<synchronous>, transform_indices = @transform_13, window_bounds = array<i64: 2, 64>}, {pipeline_mode = #tpu.pipeline_mode<synchronous>, transform_indices = @transform_14, window_bounds = array<i64: 7, 64>}, {pipeline_mode = #tpu.pipeline_mode<synchronous>, transform_indices = @transform_15, window_bounds = array<i64: 21, 64>}, {pipeline_mode = #tpu.pipeline_mode<synchronous>, transform_indices = @transform_16, window_bounds = array<i64: 1, 1>}, {pipeline_mode = #tpu.pipeline_mode<synchronous>, transform_indices = @transform_17, window_bounds = array<i64: 64, 64>}, {pipeline_mode = #tpu.pipeline_mode<synchronous>, transform_indices = @transform_18, window_bounds = array<i64: 1, 64>}, {pipeline_mode = #tpu.pipeline_mode<synchronous>, transform_indices = @transform_19, window_bounds = array<i64: 64, 64>}, {pipeline_mode = #tpu.pipeline_mode<synchronous>, transform_indices = @transform_20, window_bounds = array<i64: 1, 64>}, {pipeline_mode = #tpu.pipeline_mode<synchronous>, transform_indices = @transform_21, window_bounds = array<i64: 64, 64>}, {pipeline_mode = #tpu.pipeline_mode<synchronous>, transform_indices = @transform_22, window_bounds = array<i64: 1, 64>}, {pipeline_mode = #tpu.pipeline_mode<synchronous>, transform_indices = @transform_23, window_bounds = array<i64: 64, 64>}, {pipeline_mode = #tpu.pipeline_mode<synchronous>, transform_indices = @transform_24, window_bounds = array<i64: 1, 64>}, {pipeline_mode = #tpu.pipeline_mode<synchronous>, transform_indices = @transform_25, window_bounds = array<i64: 64, 64>}, {pipeline_mode = #tpu.pipeline_mode<synchronous>, transform_indices = @transform_26, window_bounds = array<i64: 1, 64>}, {pipeline_mode = #tpu.pipeline_mode<synchronous>, transform_indices = @transform_27, window_bounds = array<i64: 64, 64>}, {pipeline_mode = #tpu.pipeline_mode<synchronous>, transform_indices = @transform_28, window_bounds = array<i64: 1, 64>}, {pipeline_mode = #tpu.pipeline_mode<synchronous>, transform_indices = @transform_29, window_bounds = array<i64: 64, 64>}, {pipeline_mode = #tpu.pipeline_mode<synchronous>, transform_indices = @transform_30, window_bounds = array<i64: 1, 64>}, {pipeline_mode = #tpu.pipeline_mode<synchronous>, transform_indices = @transform_31, window_bounds = array<i64: 64, 64>}, {pipeline_mode = #tpu.pipeline_mode<synchronous>, transform_indices = @transform_32, window_bounds = array<i64: 1, 64>}, {pipeline_mode = #tpu.pipeline_mode<synchronous>, transform_indices = @transform_33, window_bounds = array<i64: 128, 64>}, {pipeline_mode = #tpu.pipeline_mode<synchronous>, transform_indices = @transform_34, window_bounds = array<i64: 1, 64>}, {pipeline_mode = #tpu.pipeline_mode<synchronous>, transform_indices = @transform_35, window_bounds = array<i64: 128, 64>}, {pipeline_mode = #tpu.pipeline_mode<synchronous>, transform_indices = @transform_36, window_bounds = array<i64: 1, 64>}, {pipeline_mode = #tpu.pipeline_mode<synchronous>, transform_indices = @transform_37, window_bounds = array<i64: 128, 64>}, {pipeline_mode = #tpu.pipeline_mode<synchronous>, transform_indices = @transform_38, window_bounds = array<i64: 1, 64>}, {pipeline_mode = #tpu.pipeline_mode<synchronous>, transform_indices = @transform_39, window_bounds = array<i64: 128, 64>}, {pipeline_mode = #tpu.pipeline_mode<synchronous>, transform_indices = @transform_40, window_bounds = array<i64: 1, 64>}, {pipeline_mode = #tpu.pipeline_mode<synchronous>, transform_indices = @transform_41, window_bounds = array<i64: 128, 64>}, {pipeline_mode = #tpu.pipeline_mode<synchronous>, transform_indices = @transform_42, window_bounds = array<i64: 1, 64>}, {pipeline_mode = #tpu.pipeline_mode<synchronous>, transform_indices = @transform_43, window_bounds = array<i64: 128, 64>}, {pipeline_mode = #tpu.pipeline_mode<synchronous>, transform_indices = @transform_44, window_bounds = array<i64: 1, 64>}, {pipeline_mode = #tpu.pipeline_mode<synchronous>, transform_indices = @transform_45, window_bounds = array<i64: 128, 64>}, {pipeline_mode = #tpu.pipeline_mode<synchronous>, transform_indices = @transform_46, window_bounds = array<i64: 1, 64>}, {pipeline_mode = #tpu.pipeline_mode<synchronous>, transform_indices = @transform_47, window_bounds = array<i64: 128, 64>}, {pipeline_mode = #tpu.pipeline_mode<synchronous>, transform_indices = @transform_48, window_bounds = array<i64: 1, 64>}, {pipeline_mode = #tpu.pipeline_mode<synchronous>, transform_indices = @transform_49, window_bounds = array<i64: 1, 128>}, {pipeline_mode = #tpu.pipeline_mode<synchronous>, transform_indices = @transform_50, window_bounds = array<i64: 1, 1>}, {transform_indices = @transform_51, window_bounds = array<i64: 64, 2>}]} {
    %get3A = arith.constant 0 : index
    %get3A_0 = arith.constant 0 : index
    %get3A_1 = vector.load %arg18[%get3A, %get3A_0] : memref<64x64xf32, #tpu.memory_space<vmem>>, vector<64x64xf32>
    %get3A_2 = arith.constant 0 : index
    %get3A_3 = arith.constant 0 : index
    %get3A_4 = vector.load %arg19[%get3A_2, %get3A_3] : memref<1x64xf32, #tpu.memory_space<vmem>>, vector<1x64xf32>
    %get3A_5 = arith.constant 0 : index
    %get3A_6 = arith.constant 0 : index
    %get3A_7 = vector.load %arg20[%get3A_5, %get3A_6] : memref<64x64xf32, #tpu.memory_space<vmem>>, vector<64x64xf32>
    %get3A_8 = arith.constant 0 : index
    %get3A_9 = arith.constant 0 : index
    %get3A_10 = vector.load %arg21[%get3A_8, %get3A_9] : memref<1x64xf32, #tpu.memory_space<vmem>>, vector<1x64xf32>
    %get3A_11 = arith.constant 0 : index
    %get3A_12 = arith.constant 0 : index
    %get3A_13 = vector.load %arg22[%get3A_11, %get3A_12] : memref<64x64xf32, #tpu.memory_space<vmem>>, vector<64x64xf32>
    %get3A_14 = arith.constant 0 : index
    %get3A_15 = arith.constant 0 : index
    %get3A_16 = vector.load %arg23[%get3A_14, %get3A_15] : memref<1x64xf32, #tpu.memory_space<vmem>>, vector<1x64xf32>
    %get3A_17 = arith.constant 0 : index
    %get3A_18 = arith.constant 0 : index
    %get3A_19 = vector.load %arg24[%get3A_17, %get3A_18] : memref<64x64xf32, #tpu.memory_space<vmem>>, vector<64x64xf32>
    %get3A_20 = arith.constant 0 : index
    %get3A_21 = arith.constant 0 : index
    %get3A_22 = vector.load %arg25[%get3A_20, %get3A_21] : memref<1x64xf32, #tpu.memory_space<vmem>>, vector<1x64xf32>
    %get3A_23 = arith.constant 0 : index
    %get3A_24 = arith.constant 0 : index
    %get3A_25 = vector.load %arg26[%get3A_23, %get3A_24] : memref<64x64xf32, #tpu.memory_space<vmem>>, vector<64x64xf32>
    %get3A_26 = arith.constant 0 : index
    %get3A_27 = arith.constant 0 : index
    %get3A_28 = vector.load %arg27[%get3A_26, %get3A_27] : memref<1x64xf32, #tpu.memory_space<vmem>>, vector<1x64xf32>
    %get3A_29 = arith.constant 0 : index
    %get3A_30 = arith.constant 0 : index
    %get3A_31 = vector.load %arg28[%get3A_29, %get3A_30] : memref<64x64xf32, #tpu.memory_space<vmem>>, vector<64x64xf32>
    %get3A_32 = arith.constant 0 : index
    %get3A_33 = arith.constant 0 : index
    %get3A_34 = vector.load %arg29[%get3A_32, %get3A_33] : memref<1x64xf32, #tpu.memory_space<vmem>>, vector<1x64xf32>
    %get3A_35 = arith.constant 0 : index
    %get3A_36 = arith.constant 0 : index
    %get3A_37 = vector.load %arg30[%get3A_35, %get3A_36] : memref<64x64xf32, #tpu.memory_space<vmem>>, vector<64x64xf32>
    %get3A_38 = arith.constant 0 : index
    %get3A_39 = arith.constant 0 : index
    %get3A_40 = vector.load %arg31[%get3A_38, %get3A_39] : memref<1x64xf32, #tpu.memory_space<vmem>>, vector<1x64xf32>
    %get3A_41 = arith.constant 0 : index
    %get3A_42 = arith.constant 0 : index
    %get3A_43 = vector.load %arg32[%get3A_41, %get3A_42] : memref<64x64xf32, #tpu.memory_space<vmem>>, vector<64x64xf32>
    %get3A_44 = arith.constant 0 : index
    %get3A_45 = arith.constant 0 : index
    %get3A_46 = vector.load %arg33[%get3A_44, %get3A_45] : memref<1x64xf32, #tpu.memory_space<vmem>>, vector<1x64xf32>
    %get3A_47 = arith.constant 0 : index
    %get3A_48 = arith.constant 0 : index
    %get3A_49 = vector.load %arg34[%get3A_47, %get3A_48] : memref<128x64xf32, #tpu.memory_space<vmem>>, vector<128x64xf32>
    %get3A_50 = arith.constant 0 : index
    %get3A_51 = arith.constant 0 : index
    %get3A_52 = vector.load %arg35[%get3A_50, %get3A_51] : memref<1x64xf32, #tpu.memory_space<vmem>>, vector<1x64xf32>
    %get3A_53 = arith.constant 0 : index
    %get3A_54 = arith.constant 0 : index
    %get3A_55 = vector.load %arg36[%get3A_53, %get3A_54] : memref<128x64xf32, #tpu.memory_space<vmem>>, vector<128x64xf32>
    %get3A_56 = arith.constant 0 : index
    %get3A_57 = arith.constant 0 : index
    %get3A_58 = vector.load %arg37[%get3A_56, %get3A_57] : memref<1x64xf32, #tpu.memory_space<vmem>>, vector<1x64xf32>
    %get3A_59 = arith.constant 0 : index
    %get3A_60 = arith.constant 0 : index
    %get3A_61 = vector.load %arg38[%get3A_59, %get3A_60] : memref<128x64xf32, #tpu.memory_space<vmem>>, vector<128x64xf32>
    %get3A_62 = arith.constant 0 : index
    %get3A_63 = arith.constant 0 : index
    %get3A_64 = vector.load %arg39[%get3A_62, %get3A_63] : memref<1x64xf32, #tpu.memory_space<vmem>>, vector<1x64xf32>
    %get3A_65 = arith.constant 0 : index
    %get3A_66 = arith.constant 0 : index
    %get3A_67 = vector.load %arg40[%get3A_65, %get3A_66] : memref<128x64xf32, #tpu.memory_space<vmem>>, vector<128x64xf32>
    %get3A_68 = arith.constant 0 : index
    %get3A_69 = arith.constant 0 : index
    %get3A_70 = vector.load %arg41[%get3A_68, %get3A_69] : memref<1x64xf32, #tpu.memory_space<vmem>>, vector<1x64xf32>
    %get3A_71 = arith.constant 0 : index
    %get3A_72 = arith.constant 0 : index
    %get3A_73 = vector.load %arg42[%get3A_71, %get3A_72] : memref<128x64xf32, #tpu.memory_space<vmem>>, vector<128x64xf32>
    %get3A_74 = arith.constant 0 : index
    %get3A_75 = arith.constant 0 : index
    %get3A_76 = vector.load %arg43[%get3A_74, %get3A_75] : memref<1x64xf32, #tpu.memory_space<vmem>>, vector<1x64xf32>
    %get3A_77 = arith.constant 0 : index
    %get3A_78 = arith.constant 0 : index
    %get3A_79 = vector.load %arg44[%get3A_77, %get3A_78] : memref<128x64xf32, #tpu.memory_space<vmem>>, vector<128x64xf32>
    %get3A_80 = arith.constant 0 : index
    %get3A_81 = arith.constant 0 : index
    %get3A_82 = vector.load %arg45[%get3A_80, %get3A_81] : memref<1x64xf32, #tpu.memory_space<vmem>>, vector<1x64xf32>
    %get3A_83 = arith.constant 0 : index
    %get3A_84 = arith.constant 0 : index
    %get3A_85 = vector.load %arg46[%get3A_83, %get3A_84] : memref<128x64xf32, #tpu.memory_space<vmem>>, vector<128x64xf32>
    %get3A_86 = arith.constant 0 : index
    %get3A_87 = arith.constant 0 : index
    %get3A_88 = vector.load %arg47[%get3A_86, %get3A_87] : memref<1x64xf32, #tpu.memory_space<vmem>>, vector<1x64xf32>
    %get3A_89 = arith.constant 0 : index
    %get3A_90 = arith.constant 0 : index
    %get3A_91 = vector.load %arg48[%get3A_89, %get3A_90] : memref<128x64xf32, #tpu.memory_space<vmem>>, vector<128x64xf32>
    %get3A_92 = arith.constant 0 : index
    %get3A_93 = arith.constant 0 : index
    %get3A_94 = vector.load %arg49[%get3A_92, %get3A_93] : memref<1x64xf32, #tpu.memory_space<vmem>>, vector<1x64xf32>
    %get3A_95 = arith.constant 0 : index
    %get3A_96 = arith.constant 0 : index
    %get3A_97 = vector.load %arg50[%get3A_95, %get3A_96] : memref<1x128xf32, #tpu.memory_space<vmem>>, vector<1x128xf32>
    %get3A_98 = arith.constant 0 : index
    %get3A_99 = arith.constant 0 : index
    %get3A_100 = vector.load %arg51[%get3A_98, %get3A_99] : memref<1x1xf32, #tpu.memory_space<vmem>>, vector<1x1xf32>
    %get3A_101 = arith.constant 0 : index
    %get3A_102 = arith.constant 0 : index
    %get3A_103 = vector.load %arg13[%get3A_101, %get3A_102] : memref<25x64xf32, #tpu.memory_space<vmem>>, vector<25x64xf32>
    %mul3A = arith.mulf %get3A_103, %get3A_103 : vector<25x64xf32>
    %get3A_104 = arith.constant 0 : index
    %get3A_105 = arith.constant 0 : index
    %get3A_106 = arith.constant 0 : index
    %get3A_107 = vector.load %arg6[%get3A_104, %get3A_105, %get3A_106] : memref<8x64x128xf32, #tpu.memory_space<vmem>>, vector<8x64x128xf32>
    %reduce_sum3A = arith.constant dense<0.000000e+00> : vector<64x128xf32>
    %reduce_sum3A_108 = vector.multi_reduction <add>, %get3A_107, %reduce_sum3A [0] : vector<8x64x128xf32> to vector<64x128xf32>
    %mul3A_109 = arith.mulf %get3A_107, %get3A_107 : vector<8x64x128xf32>
    %reduce_sum3A_110 = arith.constant dense<0.000000e+00> : vector<64x128xf32>
    %reduce_sum3A_111 = vector.multi_reduction <add>, %mul3A_109, %reduce_sum3A_110 [0] : vector<8x64x128xf32> to vector<64x128xf32>
    %get3A_112 = arith.constant 0 : index
    %get3A_113 = arith.constant 0 : index
    %get3A_114 = vector.load %arg9[%get3A_112, %get3A_113] : memref<64x6xi32, #tpu.memory_space<vmem>>, vector<64x6xi32>
    %iota3A = tpu.iota {dimensions = array<i32: 1>} : vector<64x50xi32>
    %lt3A = arith.constant 25 : i32
    %lt3A_115 = vector.broadcast %lt3A : i32 to vector<64x50xi32>
    %lt3A_116 = arith.cmpi slt, %iota3A, %lt3A_115 : vector<64x50xi32>
    %sub3A = arith.constant 25 : i32
    %sub3A_117 = vector.broadcast %sub3A : i32 to vector<64x50xi32>
    %sub3A_118 = arith.subi %iota3A, %sub3A_117 : vector<64x50xi32>
    %select_n3A = arith.select %lt3A_116, %iota3A, %sub3A_118 : vector<64x50xi1>, vector<64x50xi32>
    %lt3A_119 = arith.constant 25 : i32
    %lt3A_120 = vector.broadcast %lt3A_119 : i32 to vector<64x50xi32>
    %lt3A_121 = arith.cmpi slt, %iota3A, %lt3A_120 : vector<64x50xi32>
    %broadcast_in_dim3A = arith.constant 0.000000e+00 : f32
    %broadcast_in_dim3A_122 = vector.broadcast %broadcast_in_dim3A : f32 to vector<64x50xf32>
    %slice3A = vector.extract_strided_slice %get3A_114 {offsets = [0, 0], sizes = [64, 1], strides = [1, 1]} : vector<64x6xi32> to vector<64x1xi32>
    %eq3A = vector.broadcast %slice3A : vector<64x1xi32> to vector<64x50xi32>
    %eq3A_123 = arith.cmpi eq, %eq3A, %select_n3A : vector<64x50xi32>
    %and3A = arith.andi %lt3A_121, %eq3A_123 : vector<64x50xi1>
    %jit3A = arith.constant 1.000000e+00 : f32
    %jit3A_124 = arith.constant 0.000000e+00 : f32
    %broadcast_in_dim3A_125 = vector.broadcast %jit3A : f32 to vector<64x50xf32>
    %broadcast_in_dim3A_126 = vector.broadcast %jit3A_124 : f32 to vector<64x50xf32>
    %select_n3A_127 = arith.select %and3A, %broadcast_in_dim3A_125, %broadcast_in_dim3A_126 : vector<64x50xi1>, vector<64x50xf32>
    %add3A = arith.addf %broadcast_in_dim3A_122, %select_n3A_127 : vector<64x50xf32>
    %not3A = arith.constant dense<true> : vector<64x50xi1>
    %not3A_128 = arith.xori %lt3A_121, %not3A : vector<64x50xi1>
    %slice3A_129 = vector.extract_strided_slice %get3A_114 {offsets = [0, 3], sizes = [64, 1], strides = [1, 1]} : vector<64x6xi32> to vector<64x1xi32>
    %eq3A_130 = vector.broadcast %slice3A_129 : vector<64x1xi32> to vector<64x50xi32>
    %eq3A_131 = arith.cmpi eq, %eq3A_130, %select_n3A : vector<64x50xi32>
    %and3A_132 = arith.andi %not3A_128, %eq3A_131 : vector<64x50xi1>
    %jit3A_133 = arith.constant 1.000000e+00 : f32
    %jit3A_134 = arith.constant 0.000000e+00 : f32
    %broadcast_in_dim3A_135 = vector.broadcast %jit3A_133 : f32 to vector<64x50xf32>
    %broadcast_in_dim3A_136 = vector.broadcast %jit3A_134 : f32 to vector<64x50xf32>
    %select_n3A_137 = arith.select %and3A_132, %broadcast_in_dim3A_135, %broadcast_in_dim3A_136 : vector<64x50xi1>, vector<64x50xf32>
    %add3A_138 = arith.addf %add3A, %select_n3A_137 : vector<64x50xf32>
    %slice3A_139 = vector.extract_strided_slice %get3A_114 {offsets = [0, 1], sizes = [64, 1], strides = [1, 1]} : vector<64x6xi32> to vector<64x1xi32>
    %eq3A_140 = vector.broadcast %slice3A_139 : vector<64x1xi32> to vector<64x50xi32>
    %eq3A_141 = arith.cmpi eq, %eq3A_140, %select_n3A : vector<64x50xi32>
    %and3A_142 = arith.andi %lt3A_121, %eq3A_141 : vector<64x50xi1>
    %jit3A_143 = arith.constant 1.000000e+00 : f32
    %jit3A_144 = arith.constant 0.000000e+00 : f32
    %broadcast_in_dim3A_145 = vector.broadcast %jit3A_143 : f32 to vector<64x50xf32>
    %broadcast_in_dim3A_146 = vector.broadcast %jit3A_144 : f32 to vector<64x50xf32>
    %select_n3A_147 = arith.select %and3A_142, %broadcast_in_dim3A_145, %broadcast_in_dim3A_146 : vector<64x50xi1>, vector<64x50xf32>
    %add3A_148 = arith.addf %add3A_138, %select_n3A_147 : vector<64x50xf32>
    %not3A_149 = arith.constant dense<true> : vector<64x50xi1>
    %not3A_150 = arith.xori %lt3A_121, %not3A_149 : vector<64x50xi1>
    %slice3A_151 = vector.extract_strided_slice %get3A_114 {offsets = [0, 4], sizes = [64, 1], strides = [1, 1]} : vector<64x6xi32> to vector<64x1xi32>
    %eq3A_152 = vector.broadcast %slice3A_151 : vector<64x1xi32> to vector<64x50xi32>
    %eq3A_153 = arith.cmpi eq, %eq3A_152, %select_n3A : vector<64x50xi32>
    %and3A_154 = arith.andi %not3A_150, %eq3A_153 : vector<64x50xi1>
    %jit3A_155 = arith.constant 1.000000e+00 : f32
    %jit3A_156 = arith.constant 0.000000e+00 : f32
    %broadcast_in_dim3A_157 = vector.broadcast %jit3A_155 : f32 to vector<64x50xf32>
    %broadcast_in_dim3A_158 = vector.broadcast %jit3A_156 : f32 to vector<64x50xf32>
    %select_n3A_159 = arith.select %and3A_154, %broadcast_in_dim3A_157, %broadcast_in_dim3A_158 : vector<64x50xi1>, vector<64x50xf32>
    %add3A_160 = arith.addf %add3A_148, %select_n3A_159 : vector<64x50xf32>
    %slice3A_161 = vector.extract_strided_slice %get3A_114 {offsets = [0, 2], sizes = [64, 1], strides = [1, 1]} : vector<64x6xi32> to vector<64x1xi32>
    %eq3A_162 = vector.broadcast %slice3A_161 : vector<64x1xi32> to vector<64x50xi32>
    %eq3A_163 = arith.cmpi eq, %eq3A_162, %select_n3A : vector<64x50xi32>
    %and3A_164 = arith.andi %lt3A_121, %eq3A_163 : vector<64x50xi1>
    %jit3A_165 = arith.constant 1.000000e+00 : f32
    %jit3A_166 = arith.constant 0.000000e+00 : f32
    %broadcast_in_dim3A_167 = vector.broadcast %jit3A_165 : f32 to vector<64x50xf32>
    %broadcast_in_dim3A_168 = vector.broadcast %jit3A_166 : f32 to vector<64x50xf32>
    %select_n3A_169 = arith.select %and3A_164, %broadcast_in_dim3A_167, %broadcast_in_dim3A_168 : vector<64x50xi1>, vector<64x50xf32>
    %add3A_170 = arith.addf %add3A_160, %select_n3A_169 : vector<64x50xf32>
    %not3A_171 = arith.constant dense<true> : vector<64x50xi1>
    %not3A_172 = arith.xori %lt3A_121, %not3A_171 : vector<64x50xi1>
    %slice3A_173 = vector.extract_strided_slice %get3A_114 {offsets = [0, 5], sizes = [64, 1], strides = [1, 1]} : vector<64x6xi32> to vector<64x1xi32>
    %eq3A_174 = vector.broadcast %slice3A_173 : vector<64x1xi32> to vector<64x50xi32>
    %eq3A_175 = arith.cmpi eq, %eq3A_174, %select_n3A : vector<64x50xi32>
    %and3A_176 = arith.andi %not3A_172, %eq3A_175 : vector<64x50xi1>
    %jit3A_177 = arith.constant 1.000000e+00 : f32
    %jit3A_178 = arith.constant 0.000000e+00 : f32
    %broadcast_in_dim3A_179 = vector.broadcast %jit3A_177 : f32 to vector<64x50xf32>
    %broadcast_in_dim3A_180 = vector.broadcast %jit3A_178 : f32 to vector<64x50xf32>
    %select_n3A_181 = arith.select %and3A_176, %broadcast_in_dim3A_179, %broadcast_in_dim3A_180 : vector<64x50xi1>, vector<64x50xf32>
    %add3A_182 = arith.addf %add3A_170, %select_n3A_181 : vector<64x50xf32>
    %broadcast_in_dim3A_183 = arith.constant 0.000000e+00 : f32
    %broadcast_in_dim3A_184 = vector.broadcast %broadcast_in_dim3A_183 : f32 to vector<25x64xf32>
    %concatenate3A = tpu.concatenate %get3A_103, %broadcast_in_dim3A_184 in 1 : vector<25x64xf32>, vector<25x64xf32> -> vector<25x128xf32>
    %concatenate3A_185 = tpu.concatenate %broadcast_in_dim3A_184, %get3A_103 in 1 : vector<25x64xf32>, vector<25x64xf32> -> vector<25x128xf32>
    %concatenate3A_186 = tpu.concatenate %concatenate3A, %concatenate3A_185 in 0 : vector<25x128xf32>, vector<25x128xf32> -> vector<50x128xf32>
    %dot_general3A = arith.constant dense<0.000000e+00> : vector<64x128xf32>
    %dot_general3A_187 = tpu.matmul %add3A_182, %concatenate3A_186, %dot_general3A {dimension_numbers = #tpu.dot_dimension_numbers<[1], [0], [0], [1], [0, 0, 1, 1], [], []>, transpose_lhs_hint = false} : vector<64x50xf32>, vector<50x128xf32>, vector<64x128xf32> -> vector<64x128xf32>
    %add3A_188 = arith.addf %reduce_sum3A_108, %dot_general3A_187 : vector<64x128xf32>
    %broadcast_in_dim3A_189 = arith.constant 0.000000e+00 : f32
    %broadcast_in_dim3A_190 = vector.broadcast %broadcast_in_dim3A_189 : f32 to vector<25x64xf32>
    %concatenate3A_191 = tpu.concatenate %mul3A, %broadcast_in_dim3A_190 in 1 : vector<25x64xf32>, vector<25x64xf32> -> vector<25x128xf32>
    %concatenate3A_192 = tpu.concatenate %broadcast_in_dim3A_190, %mul3A in 1 : vector<25x64xf32>, vector<25x64xf32> -> vector<25x128xf32>
    %concatenate3A_193 = tpu.concatenate %concatenate3A_191, %concatenate3A_192 in 0 : vector<25x128xf32>, vector<25x128xf32> -> vector<50x128xf32>
    %dot_general3A_194 = arith.constant dense<0.000000e+00> : vector<64x128xf32>
    %dot_general3A_195 = tpu.matmul %add3A_182, %concatenate3A_193, %dot_general3A_194 {dimension_numbers = #tpu.dot_dimension_numbers<[1], [0], [0], [1], [0, 0, 1, 1], [], []>, transpose_lhs_hint = false} : vector<64x50xf32>, vector<50x128xf32>, vector<64x128xf32> -> vector<64x128xf32>
    %add3A_196 = arith.addf %reduce_sum3A_111, %dot_general3A_195 : vector<64x128xf32>
    %mul3A_197 = arith.mulf %add3A_188, %add3A_188 : vector<64x128xf32>
    %sub3A_198 = arith.subf %mul3A_197, %add3A_196 : vector<64x128xf32>
    %mul3A_199 = arith.constant 5.000000e-01 : f32
    %mul3A_200 = vector.broadcast %mul3A_199 : f32 to vector<64x128xf32>
    %mul3A_201 = arith.mulf %mul3A_200, %sub3A_198 : vector<64x128xf32>
    %broadcast_in_dim3A_202 = arith.constant 0.000000e+00 : f32
    %broadcast_in_dim3A_203 = vector.broadcast %broadcast_in_dim3A_202 : f32 to vector<64x64xf32>
    %concatenate3A_204 = tpu.concatenate %get3A_1, %broadcast_in_dim3A_203 in 1 : vector<64x64xf32>, vector<64x64xf32> -> vector<64x128xf32>
    %concatenate3A_205 = tpu.concatenate %broadcast_in_dim3A_203, %get3A_1 in 1 : vector<64x64xf32>, vector<64x64xf32> -> vector<64x128xf32>
    %concatenate3A_206 = tpu.concatenate %concatenate3A_204, %concatenate3A_205 in 0 : vector<64x128xf32>, vector<64x128xf32> -> vector<128x128xf32>
    %dot_general3A_207 = arith.constant dense<0.000000e+00> : vector<64x128xf32>
    %dot_general3A_208 = tpu.matmul %mul3A_201, %concatenate3A_206, %dot_general3A_207 {dimension_numbers = #tpu.dot_dimension_numbers<[1], [0], [0], [1], [0, 0, 1, 1], [], []>, transpose_lhs_hint = false} : vector<64x128xf32>, vector<128x128xf32>, vector<64x128xf32> -> vector<64x128xf32>
    %concatenate3A_209 = tpu.concatenate %get3A_4, %get3A_4 in 1 : vector<1x64xf32>, vector<1x64xf32> -> vector<1x128xf32>
    %add3A_210 = vector.broadcast %concatenate3A_209 : vector<1x128xf32> to vector<64x128xf32>
    %add3A_211 = arith.addf %dot_general3A_208, %add3A_210 : vector<64x128xf32>
    %ge3A = arith.constant 0.000000e+00 : f32
    %ge3A_212 = vector.broadcast %ge3A : f32 to vector<64x128xf32>
    %ge3A_213 = arith.cmpf oge, %add3A_211, %ge3A_212 : vector<64x128xf32>
    %mul3A_214 = arith.constant 0.00999999977 : f32
    %mul3A_215 = vector.broadcast %mul3A_214 : f32 to vector<64x128xf32>
    %mul3A_216 = arith.mulf %mul3A_215, %add3A_211 : vector<64x128xf32>
    %select_n3A_217 = arith.select %ge3A_213, %add3A_211, %mul3A_216 : vector<64x128xi1>, vector<64x128xf32>
    %broadcast_in_dim3A_218 = arith.constant 0.000000e+00 : f32
    %broadcast_in_dim3A_219 = vector.broadcast %broadcast_in_dim3A_218 : f32 to vector<64x64xf32>
    %concatenate3A_220 = tpu.concatenate %get3A_7, %broadcast_in_dim3A_219 in 1 : vector<64x64xf32>, vector<64x64xf32> -> vector<64x128xf32>
    %concatenate3A_221 = tpu.concatenate %broadcast_in_dim3A_219, %get3A_7 in 1 : vector<64x64xf32>, vector<64x64xf32> -> vector<64x128xf32>
    %concatenate3A_222 = tpu.concatenate %concatenate3A_220, %concatenate3A_221 in 0 : vector<64x128xf32>, vector<64x128xf32> -> vector<128x128xf32>
    %dot_general3A_223 = arith.constant dense<0.000000e+00> : vector<64x128xf32>
    %dot_general3A_224 = tpu.matmul %add3A_188, %concatenate3A_222, %dot_general3A_223 {dimension_numbers = #tpu.dot_dimension_numbers<[1], [0], [0], [1], [0, 0, 1, 1], [], []>, transpose_lhs_hint = false} : vector<64x128xf32>, vector<128x128xf32>, vector<64x128xf32> -> vector<64x128xf32>
    %concatenate3A_225 = tpu.concatenate %get3A_10, %get3A_10 in 1 : vector<1x64xf32>, vector<1x64xf32> -> vector<1x128xf32>
    %add3A_226 = vector.broadcast %concatenate3A_225 : vector<1x128xf32> to vector<64x128xf32>
    %add3A_227 = arith.addf %dot_general3A_224, %add3A_226 : vector<64x128xf32>
    %ge3A_228 = arith.constant 0.000000e+00 : f32
    %ge3A_229 = vector.broadcast %ge3A_228 : f32 to vector<64x128xf32>
    %ge3A_230 = arith.cmpf oge, %add3A_227, %ge3A_229 : vector<64x128xf32>
    %mul3A_231 = arith.constant 0.00999999977 : f32
    %mul3A_232 = vector.broadcast %mul3A_231 : f32 to vector<64x128xf32>
    %mul3A_233 = arith.mulf %mul3A_232, %add3A_227 : vector<64x128xf32>
    %select_n3A_234 = arith.select %ge3A_230, %add3A_227, %mul3A_233 : vector<64x128xi1>, vector<64x128xf32>
    %add3A_235 = arith.addf %select_n3A_217, %select_n3A_234 : vector<64x128xf32>
    %get3A_236 = arith.constant 0 : index
    %get3A_237 = arith.constant 0 : index
    %get3A_238 = vector.load %arg4[%get3A_236, %get3A_237] : memref<64x128xf32, #tpu.memory_space<vmem>>, vector<64x128xf32>
    %slice3A_239 = vector.extract_strided_slice %get3A_49 {offsets = [0, 0], sizes = [64, 64], strides = [1, 1]} : vector<128x64xf32> to vector<64x64xf32>
    %broadcast_in_dim3A_240 = arith.constant 0.000000e+00 : f32
    %broadcast_in_dim3A_241 = vector.broadcast %broadcast_in_dim3A_240 : f32 to vector<64x64xf32>
    %concatenate3A_242 = tpu.concatenate %slice3A_239, %broadcast_in_dim3A_241 in 1 : vector<64x64xf32>, vector<64x64xf32> -> vector<64x128xf32>
    %concatenate3A_243 = tpu.concatenate %broadcast_in_dim3A_241, %slice3A_239 in 1 : vector<64x64xf32>, vector<64x64xf32> -> vector<64x128xf32>
    %concatenate3A_244 = tpu.concatenate %concatenate3A_242, %concatenate3A_243 in 0 : vector<64x128xf32>, vector<64x128xf32> -> vector<128x128xf32>
    %dot_general3A_245 = arith.constant dense<0.000000e+00> : vector<64x128xf32>
    %dot_general3A_246 = tpu.matmul %get3A_238, %concatenate3A_244, %dot_general3A_245 {dimension_numbers = #tpu.dot_dimension_numbers<[1], [0], [0], [1], [0, 0, 1, 1], [], []>, transpose_lhs_hint = false} : vector<64x128xf32>, vector<128x128xf32>, vector<64x128xf32> -> vector<64x128xf32>
    %slice3A_247 = vector.extract_strided_slice %get3A_49 {offsets = [64, 0], sizes = [64, 64], strides = [1, 1]} : vector<128x64xf32> to vector<64x64xf32>
    %broadcast_in_dim3A_248 = arith.constant 0.000000e+00 : f32
    %broadcast_in_dim3A_249 = vector.broadcast %broadcast_in_dim3A_248 : f32 to vector<64x64xf32>
    %concatenate3A_250 = tpu.concatenate %slice3A_247, %broadcast_in_dim3A_249 in 1 : vector<64x64xf32>, vector<64x64xf32> -> vector<64x128xf32>
    %concatenate3A_251 = tpu.concatenate %broadcast_in_dim3A_249, %slice3A_247 in 1 : vector<64x64xf32>, vector<64x64xf32> -> vector<64x128xf32>
    %concatenate3A_252 = tpu.concatenate %concatenate3A_250, %concatenate3A_251 in 0 : vector<64x128xf32>, vector<64x128xf32> -> vector<128x128xf32>
    %dot_general3A_253 = arith.constant dense<0.000000e+00> : vector<64x128xf32>
    %dot_general3A_254 = tpu.matmul %add3A_235, %concatenate3A_252, %dot_general3A_253 {dimension_numbers = #tpu.dot_dimension_numbers<[1], [0], [0], [1], [0, 0, 1, 1], [], []>, transpose_lhs_hint = false} : vector<64x128xf32>, vector<128x128xf32>, vector<64x128xf32> -> vector<64x128xf32>
    %add3A_255 = arith.addf %dot_general3A_246, %dot_general3A_254 : vector<64x128xf32>
    %concatenate3A_256 = tpu.concatenate %get3A_52, %get3A_52 in 1 : vector<1x64xf32>, vector<1x64xf32> -> vector<1x128xf32>
    %add3A_257 = vector.broadcast %concatenate3A_256 : vector<1x128xf32> to vector<64x128xf32>
    %add3A_258 = arith.addf %add3A_255, %add3A_257 : vector<64x128xf32>
    %max3A = arith.constant 0.000000e+00 : f32
    %max3A_259 = vector.broadcast %max3A : f32 to vector<64x128xf32>
    %max3A_260 = arith.maximumf %add3A_258, %max3A_259 : vector<64x128xf32>
    %get3A_261 = arith.constant 0 : index
    %get3A_262 = arith.constant 0 : index
    %get3A_263 = arith.constant 0 : index
    %get3A_264 = arith.constant 0 : index
    %get3A_265 = vector.load %arg5[%get3A_261, %get3A_262, %get3A_263, %get3A_264] : memref<8x20x64x128xf32, #tpu.memory_space<vmem>>, vector<8x20x64x128xf32>
    %reshape3A = vector.shape_cast %get3A_265 : vector<8x20x64x128xf32> to vector<8x1280x128xf32>
    %reduce_sum3A_266 = arith.constant dense<0.000000e+00> : vector<1280x128xf32>
    %reduce_sum3A_267 = vector.multi_reduction <add>, %reshape3A, %reduce_sum3A_266 [0] : vector<8x1280x128xf32> to vector<1280x128xf32>
    %mul3A_268 = arith.mulf %reshape3A, %reshape3A : vector<8x1280x128xf32>
    %reduce_sum3A_269 = arith.constant dense<0.000000e+00> : vector<1280x128xf32>
    %reduce_sum3A_270 = vector.multi_reduction <add>, %mul3A_268, %reduce_sum3A_269 [0] : vector<8x1280x128xf32> to vector<1280x128xf32>
    %get3A_271 = arith.constant 0 : index
    %get3A_272 = arith.constant 0 : index
    %get3A_273 = arith.constant 0 : index
    %get3A_274 = vector.load %arg10[%get3A_271, %get3A_272, %get3A_273] : memref<20x64x6xi32, #tpu.memory_space<vmem>>, vector<20x64x6xi32>
    %reshape3A_275 = vector.shape_cast %get3A_274 : vector<20x64x6xi32> to vector<1280x6xi32>
    %iota3A_276 = tpu.iota {dimensions = array<i32: 1>} : vector<1280x50xi32>
    %lt3A_277 = arith.constant 25 : i32
    %lt3A_278 = vector.broadcast %lt3A_277 : i32 to vector<1280x50xi32>
    %lt3A_279 = arith.cmpi slt, %iota3A_276, %lt3A_278 : vector<1280x50xi32>
    %sub3A_280 = arith.constant 25 : i32
    %sub3A_281 = vector.broadcast %sub3A_280 : i32 to vector<1280x50xi32>
    %sub3A_282 = arith.subi %iota3A_276, %sub3A_281 : vector<1280x50xi32>
    %select_n3A_283 = arith.select %lt3A_279, %iota3A_276, %sub3A_282 : vector<1280x50xi1>, vector<1280x50xi32>
    %lt3A_284 = arith.constant 25 : i32
    %lt3A_285 = vector.broadcast %lt3A_284 : i32 to vector<1280x50xi32>
    %lt3A_286 = arith.cmpi slt, %iota3A_276, %lt3A_285 : vector<1280x50xi32>
    %broadcast_in_dim3A_287 = arith.constant 0.000000e+00 : f32
    %broadcast_in_dim3A_288 = vector.broadcast %broadcast_in_dim3A_287 : f32 to vector<1280x50xf32>
    %slice3A_289 = vector.extract_strided_slice %reshape3A_275 {offsets = [0, 0], sizes = [1280, 1], strides = [1, 1]} : vector<1280x6xi32> to vector<1280x1xi32>
    %eq3A_290 = vector.broadcast %slice3A_289 : vector<1280x1xi32> to vector<1280x50xi32>
    %eq3A_291 = arith.cmpi eq, %eq3A_290, %select_n3A_283 : vector<1280x50xi32>
    %and3A_292 = arith.andi %lt3A_286, %eq3A_291 : vector<1280x50xi1>
    %jit3A_293 = arith.constant 1.000000e+00 : f32
    %jit3A_294 = arith.constant 0.000000e+00 : f32
    %broadcast_in_dim3A_295 = vector.broadcast %jit3A_293 : f32 to vector<1280x50xf32>
    %broadcast_in_dim3A_296 = vector.broadcast %jit3A_294 : f32 to vector<1280x50xf32>
    %select_n3A_297 = arith.select %and3A_292, %broadcast_in_dim3A_295, %broadcast_in_dim3A_296 : vector<1280x50xi1>, vector<1280x50xf32>
    %add3A_298 = arith.addf %broadcast_in_dim3A_288, %select_n3A_297 : vector<1280x50xf32>
    %not3A_299 = arith.constant dense<true> : vector<1280x50xi1>
    %not3A_300 = arith.xori %lt3A_286, %not3A_299 : vector<1280x50xi1>
    %slice3A_301 = vector.extract_strided_slice %reshape3A_275 {offsets = [0, 3], sizes = [1280, 1], strides = [1, 1]} : vector<1280x6xi32> to vector<1280x1xi32>
    %eq3A_302 = vector.broadcast %slice3A_301 : vector<1280x1xi32> to vector<1280x50xi32>
    %eq3A_303 = arith.cmpi eq, %eq3A_302, %select_n3A_283 : vector<1280x50xi32>
    %and3A_304 = arith.andi %not3A_300, %eq3A_303 : vector<1280x50xi1>
    %jit3A_305 = arith.constant 1.000000e+00 : f32
    %jit3A_306 = arith.constant 0.000000e+00 : f32
    %broadcast_in_dim3A_307 = vector.broadcast %jit3A_305 : f32 to vector<1280x50xf32>
    %broadcast_in_dim3A_308 = vector.broadcast %jit3A_306 : f32 to vector<1280x50xf32>
    %select_n3A_309 = arith.select %and3A_304, %broadcast_in_dim3A_307, %broadcast_in_dim3A_308 : vector<1280x50xi1>, vector<1280x50xf32>
    %add3A_310 = arith.addf %add3A_298, %select_n3A_309 : vector<1280x50xf32>
    %slice3A_311 = vector.extract_strided_slice %reshape3A_275 {offsets = [0, 1], sizes = [1280, 1], strides = [1, 1]} : vector<1280x6xi32> to vector<1280x1xi32>
    %eq3A_312 = vector.broadcast %slice3A_311 : vector<1280x1xi32> to vector<1280x50xi32>
    %eq3A_313 = arith.cmpi eq, %eq3A_312, %select_n3A_283 : vector<1280x50xi32>
    %and3A_314 = arith.andi %lt3A_286, %eq3A_313 : vector<1280x50xi1>
    %jit3A_315 = arith.constant 1.000000e+00 : f32
    %jit3A_316 = arith.constant 0.000000e+00 : f32
    %broadcast_in_dim3A_317 = vector.broadcast %jit3A_315 : f32 to vector<1280x50xf32>
    %broadcast_in_dim3A_318 = vector.broadcast %jit3A_316 : f32 to vector<1280x50xf32>
    %select_n3A_319 = arith.select %and3A_314, %broadcast_in_dim3A_317, %broadcast_in_dim3A_318 : vector<1280x50xi1>, vector<1280x50xf32>
    %add3A_320 = arith.addf %add3A_310, %select_n3A_319 : vector<1280x50xf32>
    %not3A_321 = arith.constant dense<true> : vector<1280x50xi1>
    %not3A_322 = arith.xori %lt3A_286, %not3A_321 : vector<1280x50xi1>
    %slice3A_323 = vector.extract_strided_slice %reshape3A_275 {offsets = [0, 4], sizes = [1280, 1], strides = [1, 1]} : vector<1280x6xi32> to vector<1280x1xi32>
    %eq3A_324 = vector.broadcast %slice3A_323 : vector<1280x1xi32> to vector<1280x50xi32>
    %eq3A_325 = arith.cmpi eq, %eq3A_324, %select_n3A_283 : vector<1280x50xi32>
    %and3A_326 = arith.andi %not3A_322, %eq3A_325 : vector<1280x50xi1>
    %jit3A_327 = arith.constant 1.000000e+00 : f32
    %jit3A_328 = arith.constant 0.000000e+00 : f32
    %broadcast_in_dim3A_329 = vector.broadcast %jit3A_327 : f32 to vector<1280x50xf32>
    %broadcast_in_dim3A_330 = vector.broadcast %jit3A_328 : f32 to vector<1280x50xf32>
    %select_n3A_331 = arith.select %and3A_326, %broadcast_in_dim3A_329, %broadcast_in_dim3A_330 : vector<1280x50xi1>, vector<1280x50xf32>
    %add3A_332 = arith.addf %add3A_320, %select_n3A_331 : vector<1280x50xf32>
    %slice3A_333 = vector.extract_strided_slice %reshape3A_275 {offsets = [0, 2], sizes = [1280, 1], strides = [1, 1]} : vector<1280x6xi32> to vector<1280x1xi32>
    %eq3A_334 = vector.broadcast %slice3A_333 : vector<1280x1xi32> to vector<1280x50xi32>
    %eq3A_335 = arith.cmpi eq, %eq3A_334, %select_n3A_283 : vector<1280x50xi32>
    %and3A_336 = arith.andi %lt3A_286, %eq3A_335 : vector<1280x50xi1>
    %jit3A_337 = arith.constant 1.000000e+00 : f32
    %jit3A_338 = arith.constant 0.000000e+00 : f32
    %broadcast_in_dim3A_339 = vector.broadcast %jit3A_337 : f32 to vector<1280x50xf32>
    %broadcast_in_dim3A_340 = vector.broadcast %jit3A_338 : f32 to vector<1280x50xf32>
    %select_n3A_341 = arith.select %and3A_336, %broadcast_in_dim3A_339, %broadcast_in_dim3A_340 : vector<1280x50xi1>, vector<1280x50xf32>
    %add3A_342 = arith.addf %add3A_332, %select_n3A_341 : vector<1280x50xf32>
    %not3A_343 = arith.constant dense<true> : vector<1280x50xi1>
    %not3A_344 = arith.xori %lt3A_286, %not3A_343 : vector<1280x50xi1>
    %slice3A_345 = vector.extract_strided_slice %reshape3A_275 {offsets = [0, 5], sizes = [1280, 1], strides = [1, 1]} : vector<1280x6xi32> to vector<1280x1xi32>
    %eq3A_346 = vector.broadcast %slice3A_345 : vector<1280x1xi32> to vector<1280x50xi32>
    %eq3A_347 = arith.cmpi eq, %eq3A_346, %select_n3A_283 : vector<1280x50xi32>
    %and3A_348 = arith.andi %not3A_344, %eq3A_347 : vector<1280x50xi1>
    %jit3A_349 = arith.constant 1.000000e+00 : f32
    %jit3A_350 = arith.constant 0.000000e+00 : f32
    %broadcast_in_dim3A_351 = vector.broadcast %jit3A_349 : f32 to vector<1280x50xf32>
    %broadcast_in_dim3A_352 = vector.broadcast %jit3A_350 : f32 to vector<1280x50xf32>
    %select_n3A_353 = arith.select %and3A_348, %broadcast_in_dim3A_351, %broadcast_in_dim3A_352 : vector<1280x50xi1>, vector<1280x50xf32>
    %add3A_354 = arith.addf %add3A_342, %select_n3A_353 : vector<1280x50xf32>
    %broadcast_in_dim3A_355 = arith.constant 0.000000e+00 : f32
    %broadcast_in_dim3A_356 = vector.broadcast %broadcast_in_dim3A_355 : f32 to vector<25x64xf32>
    %concatenate3A_357 = tpu.concatenate %get3A_103, %broadcast_in_dim3A_356 in 1 : vector<25x64xf32>, vector<25x64xf32> -> vector<25x128xf32>
    %concatenate3A_358 = tpu.concatenate %broadcast_in_dim3A_356, %get3A_103 in 1 : vector<25x64xf32>, vector<25x64xf32> -> vector<25x128xf32>
    %concatenate3A_359 = tpu.concatenate %concatenate3A_357, %concatenate3A_358 in 0 : vector<25x128xf32>, vector<25x128xf32> -> vector<50x128xf32>
    %dot_general3A_360 = arith.constant dense<0.000000e+00> : vector<1280x128xf32>
    %dot_general3A_361 = tpu.matmul %add3A_354, %concatenate3A_359, %dot_general3A_360 {dimension_numbers = #tpu.dot_dimension_numbers<[1], [0], [0], [1], [0, 0, 1, 1], [], []>, transpose_lhs_hint = false} : vector<1280x50xf32>, vector<50x128xf32>, vector<1280x128xf32> -> vector<1280x128xf32>
    %add3A_362 = arith.addf %reduce_sum3A_267, %dot_general3A_361 : vector<1280x128xf32>
    %broadcast_in_dim3A_363 = arith.constant 0.000000e+00 : f32
    %broadcast_in_dim3A_364 = vector.broadcast %broadcast_in_dim3A_363 : f32 to vector<25x64xf32>
    %concatenate3A_365 = tpu.concatenate %mul3A, %broadcast_in_dim3A_364 in 1 : vector<25x64xf32>, vector<25x64xf32> -> vector<25x128xf32>
    %concatenate3A_366 = tpu.concatenate %broadcast_in_dim3A_364, %mul3A in 1 : vector<25x64xf32>, vector<25x64xf32> -> vector<25x128xf32>
    %concatenate3A_367 = tpu.concatenate %concatenate3A_365, %concatenate3A_366 in 0 : vector<25x128xf32>, vector<25x128xf32> -> vector<50x128xf32>
    %dot_general3A_368 = arith.constant dense<0.000000e+00> : vector<1280x128xf32>
    %dot_general3A_369 = tpu.matmul %add3A_354, %concatenate3A_367, %dot_general3A_368 {dimension_numbers = #tpu.dot_dimension_numbers<[1], [0], [0], [1], [0, 0, 1, 1], [], []>, transpose_lhs_hint = false} : vector<1280x50xf32>, vector<50x128xf32>, vector<1280x128xf32> -> vector<1280x128xf32>
    %add3A_370 = arith.addf %reduce_sum3A_270, %dot_general3A_369 : vector<1280x128xf32>
    %mul3A_371 = arith.mulf %add3A_362, %add3A_362 : vector<1280x128xf32>
    %sub3A_372 = arith.subf %mul3A_371, %add3A_370 : vector<1280x128xf32>
    %mul3A_373 = arith.constant 5.000000e-01 : f32
    %mul3A_374 = vector.broadcast %mul3A_373 : f32 to vector<1280x128xf32>
    %mul3A_375 = arith.mulf %mul3A_374, %sub3A_372 : vector<1280x128xf32>
    %broadcast_in_dim3A_376 = arith.constant 0.000000e+00 : f32
    %broadcast_in_dim3A_377 = vector.broadcast %broadcast_in_dim3A_376 : f32 to vector<64x64xf32>
    %concatenate3A_378 = tpu.concatenate %get3A_13, %broadcast_in_dim3A_377 in 1 : vector<64x64xf32>, vector<64x64xf32> -> vector<64x128xf32>
    %concatenate3A_379 = tpu.concatenate %broadcast_in_dim3A_377, %get3A_13 in 1 : vector<64x64xf32>, vector<64x64xf32> -> vector<64x128xf32>
    %concatenate3A_380 = tpu.concatenate %concatenate3A_378, %concatenate3A_379 in 0 : vector<64x128xf32>, vector<64x128xf32> -> vector<128x128xf32>
    %dot_general3A_381 = arith.constant dense<0.000000e+00> : vector<1280x128xf32>
    %dot_general3A_382 = tpu.matmul %mul3A_375, %concatenate3A_380, %dot_general3A_381 {dimension_numbers = #tpu.dot_dimension_numbers<[1], [0], [0], [1], [0, 0, 1, 1], [], []>, transpose_lhs_hint = false} : vector<1280x128xf32>, vector<128x128xf32>, vector<1280x128xf32> -> vector<1280x128xf32>
    %concatenate3A_383 = tpu.concatenate %get3A_16, %get3A_16 in 1 : vector<1x64xf32>, vector<1x64xf32> -> vector<1x128xf32>
    %add3A_384 = vector.broadcast %concatenate3A_383 : vector<1x128xf32> to vector<1280x128xf32>
    %add3A_385 = arith.addf %dot_general3A_382, %add3A_384 : vector<1280x128xf32>
    %ge3A_386 = arith.constant 0.000000e+00 : f32
    %ge3A_387 = vector.broadcast %ge3A_386 : f32 to vector<1280x128xf32>
    %ge3A_388 = arith.cmpf oge, %add3A_385, %ge3A_387 : vector<1280x128xf32>
    %mul3A_389 = arith.constant 0.00999999977 : f32
    %mul3A_390 = vector.broadcast %mul3A_389 : f32 to vector<1280x128xf32>
    %mul3A_391 = arith.mulf %mul3A_390, %add3A_385 : vector<1280x128xf32>
    %select_n3A_392 = arith.select %ge3A_388, %add3A_385, %mul3A_391 : vector<1280x128xi1>, vector<1280x128xf32>
    %broadcast_in_dim3A_393 = arith.constant 0.000000e+00 : f32
    %broadcast_in_dim3A_394 = vector.broadcast %broadcast_in_dim3A_393 : f32 to vector<64x64xf32>
    %concatenate3A_395 = tpu.concatenate %get3A_19, %broadcast_in_dim3A_394 in 1 : vector<64x64xf32>, vector<64x64xf32> -> vector<64x128xf32>
    %concatenate3A_396 = tpu.concatenate %broadcast_in_dim3A_394, %get3A_19 in 1 : vector<64x64xf32>, vector<64x64xf32> -> vector<64x128xf32>
    %concatenate3A_397 = tpu.concatenate %concatenate3A_395, %concatenate3A_396 in 0 : vector<64x128xf32>, vector<64x128xf32> -> vector<128x128xf32>
    %dot_general3A_398 = arith.constant dense<0.000000e+00> : vector<1280x128xf32>
    %dot_general3A_399 = tpu.matmul %add3A_362, %concatenate3A_397, %dot_general3A_398 {dimension_numbers = #tpu.dot_dimension_numbers<[1], [0], [0], [1], [0, 0, 1, 1], [], []>, transpose_lhs_hint = false} : vector<1280x128xf32>, vector<128x128xf32>, vector<1280x128xf32> -> vector<1280x128xf32>
    %concatenate3A_400 = tpu.concatenate %get3A_22, %get3A_22 in 1 : vector<1x64xf32>, vector<1x64xf32> -> vector<1x128xf32>
    %add3A_401 = vector.broadcast %concatenate3A_400 : vector<1x128xf32> to vector<1280x128xf32>
    %add3A_402 = arith.addf %dot_general3A_399, %add3A_401 : vector<1280x128xf32>
    %ge3A_403 = arith.constant 0.000000e+00 : f32
    %ge3A_404 = vector.broadcast %ge3A_403 : f32 to vector<1280x128xf32>
    %ge3A_405 = arith.cmpf oge, %add3A_402, %ge3A_404 : vector<1280x128xf32>
    %mul3A_406 = arith.constant 0.00999999977 : f32
    %mul3A_407 = vector.broadcast %mul3A_406 : f32 to vector<1280x128xf32>
    %mul3A_408 = arith.mulf %mul3A_407, %add3A_402 : vector<1280x128xf32>
    %select_n3A_409 = arith.select %ge3A_405, %add3A_402, %mul3A_408 : vector<1280x128xi1>, vector<1280x128xf32>
    %add3A_410 = arith.addf %select_n3A_392, %select_n3A_409 : vector<1280x128xf32>
    %get3A_411 = arith.constant 0 : index
    %get3A_412 = arith.constant 0 : index
    %get3A_413 = arith.constant 0 : index
    %get3A_414 = vector.load %arg2[%get3A_411, %get3A_412, %get3A_413] : memref<20x64x128xf32, #tpu.memory_space<vmem>>, vector<20x64x128xf32>
    %reshape3A_415 = vector.shape_cast %get3A_414 : vector<20x64x128xf32> to vector<1280x128xf32>
    %slice3A_416 = vector.extract_strided_slice %get3A_55 {offsets = [0, 0], sizes = [64, 64], strides = [1, 1]} : vector<128x64xf32> to vector<64x64xf32>
    %broadcast_in_dim3A_417 = arith.constant 0.000000e+00 : f32
    %broadcast_in_dim3A_418 = vector.broadcast %broadcast_in_dim3A_417 : f32 to vector<64x64xf32>
    %concatenate3A_419 = tpu.concatenate %slice3A_416, %broadcast_in_dim3A_418 in 1 : vector<64x64xf32>, vector<64x64xf32> -> vector<64x128xf32>
    %concatenate3A_420 = tpu.concatenate %broadcast_in_dim3A_418, %slice3A_416 in 1 : vector<64x64xf32>, vector<64x64xf32> -> vector<64x128xf32>
    %concatenate3A_421 = tpu.concatenate %concatenate3A_419, %concatenate3A_420 in 0 : vector<64x128xf32>, vector<64x128xf32> -> vector<128x128xf32>
    %dot_general3A_422 = arith.constant dense<0.000000e+00> : vector<1280x128xf32>
    %dot_general3A_423 = tpu.matmul %reshape3A_415, %concatenate3A_421, %dot_general3A_422 {dimension_numbers = #tpu.dot_dimension_numbers<[1], [0], [0], [1], [0, 0, 1, 1], [], []>, transpose_lhs_hint = false} : vector<1280x128xf32>, vector<128x128xf32>, vector<1280x128xf32> -> vector<1280x128xf32>
    %slice3A_424 = vector.extract_strided_slice %get3A_55 {offsets = [64, 0], sizes = [64, 64], strides = [1, 1]} : vector<128x64xf32> to vector<64x64xf32>
    %broadcast_in_dim3A_425 = arith.constant 0.000000e+00 : f32
    %broadcast_in_dim3A_426 = vector.broadcast %broadcast_in_dim3A_425 : f32 to vector<64x64xf32>
    %concatenate3A_427 = tpu.concatenate %slice3A_424, %broadcast_in_dim3A_426 in 1 : vector<64x64xf32>, vector<64x64xf32> -> vector<64x128xf32>
    %concatenate3A_428 = tpu.concatenate %broadcast_in_dim3A_426, %slice3A_424 in 1 : vector<64x64xf32>, vector<64x64xf32> -> vector<64x128xf32>
    %concatenate3A_429 = tpu.concatenate %concatenate3A_427, %concatenate3A_428 in 0 : vector<64x128xf32>, vector<64x128xf32> -> vector<128x128xf32>
    %dot_general3A_430 = arith.constant dense<0.000000e+00> : vector<1280x128xf32>
    %dot_general3A_431 = tpu.matmul %add3A_410, %concatenate3A_429, %dot_general3A_430 {dimension_numbers = #tpu.dot_dimension_numbers<[1], [0], [0], [1], [0, 0, 1, 1], [], []>, transpose_lhs_hint = false} : vector<1280x128xf32>, vector<128x128xf32>, vector<1280x128xf32> -> vector<1280x128xf32>
    %add3A_432 = arith.addf %dot_general3A_423, %dot_general3A_431 : vector<1280x128xf32>
    %concatenate3A_433 = tpu.concatenate %get3A_58, %get3A_58 in 1 : vector<1x64xf32>, vector<1x64xf32> -> vector<1x128xf32>
    %add3A_434 = vector.broadcast %concatenate3A_433 : vector<1x128xf32> to vector<1280x128xf32>
    %add3A_435 = arith.addf %add3A_432, %add3A_434 : vector<1280x128xf32>
    %max3A_436 = arith.constant 0.000000e+00 : f32
    %max3A_437 = vector.broadcast %max3A_436 : f32 to vector<1280x128xf32>
    %max3A_438 = arith.maximumf %add3A_435, %max3A_437 : vector<1280x128xf32>
    %reshape3A_439 = vector.shape_cast %max3A_438 : vector<1280x128xf32> to vector<20x64x128xf32>
    %reduce_sum3A_440 = arith.constant dense<0.000000e+00> : vector<64x128xf32>
    %reduce_sum3A_441 = vector.multi_reduction <add>, %reshape3A_439, %reduce_sum3A_440 [0] : vector<20x64x128xf32> to vector<64x128xf32>
    %mul3A_442 = arith.constant 5.000000e-02 : f32
    %mul3A_443 = vector.broadcast %mul3A_442 : f32 to vector<64x128xf32>
    %mul3A_444 = arith.mulf %reduce_sum3A_441, %mul3A_443 : vector<64x128xf32>
    %slice3A_445 = vector.extract_strided_slice %get3A_73 {offsets = [0, 0], sizes = [64, 64], strides = [1, 1]} : vector<128x64xf32> to vector<64x64xf32>
    %broadcast_in_dim3A_446 = arith.constant 0.000000e+00 : f32
    %broadcast_in_dim3A_447 = vector.broadcast %broadcast_in_dim3A_446 : f32 to vector<64x64xf32>
    %concatenate3A_448 = tpu.concatenate %slice3A_445, %broadcast_in_dim3A_447 in 1 : vector<64x64xf32>, vector<64x64xf32> -> vector<64x128xf32>
    %concatenate3A_449 = tpu.concatenate %broadcast_in_dim3A_447, %slice3A_445 in 1 : vector<64x64xf32>, vector<64x64xf32> -> vector<64x128xf32>
    %concatenate3A_450 = tpu.concatenate %concatenate3A_448, %concatenate3A_449 in 0 : vector<64x128xf32>, vector<64x128xf32> -> vector<128x128xf32>
    %dot_general3A_451 = arith.constant dense<0.000000e+00> : vector<64x128xf32>
    %dot_general3A_452 = tpu.matmul %max3A_260, %concatenate3A_450, %dot_general3A_451 {dimension_numbers = #tpu.dot_dimension_numbers<[1], [0], [0], [1], [0, 0, 1, 1], [], []>, transpose_lhs_hint = false} : vector<64x128xf32>, vector<128x128xf32>, vector<64x128xf32> -> vector<64x128xf32>
    %slice3A_453 = vector.extract_strided_slice %get3A_73 {offsets = [64, 0], sizes = [64, 64], strides = [1, 1]} : vector<128x64xf32> to vector<64x64xf32>
    %broadcast_in_dim3A_454 = arith.constant 0.000000e+00 : f32
    %broadcast_in_dim3A_455 = vector.broadcast %broadcast_in_dim3A_454 : f32 to vector<64x64xf32>
    %concatenate3A_456 = tpu.concatenate %slice3A_453, %broadcast_in_dim3A_455 in 1 : vector<64x64xf32>, vector<64x64xf32> -> vector<64x128xf32>
    %concatenate3A_457 = tpu.concatenate %broadcast_in_dim3A_455, %slice3A_453 in 1 : vector<64x64xf32>, vector<64x64xf32> -> vector<64x128xf32>
    %concatenate3A_458 = tpu.concatenate %concatenate3A_456, %concatenate3A_457 in 0 : vector<64x128xf32>, vector<64x128xf32> -> vector<128x128xf32>
    %dot_general3A_459 = arith.constant dense<0.000000e+00> : vector<64x128xf32>
    %dot_general3A_460 = tpu.matmul %mul3A_444, %concatenate3A_458, %dot_general3A_459 {dimension_numbers = #tpu.dot_dimension_numbers<[1], [0], [0], [1], [0, 0, 1, 1], [], []>, transpose_lhs_hint = false} : vector<64x128xf32>, vector<128x128xf32>, vector<64x128xf32> -> vector<64x128xf32>
    %add3A_461 = arith.addf %dot_general3A_452, %dot_general3A_460 : vector<64x128xf32>
    %concatenate3A_462 = tpu.concatenate %get3A_76, %get3A_76 in 1 : vector<1x64xf32>, vector<1x64xf32> -> vector<1x128xf32>
    %add3A_463 = vector.broadcast %concatenate3A_462 : vector<1x128xf32> to vector<64x128xf32>
    %add3A_464 = arith.addf %add3A_461, %add3A_463 : vector<64x128xf32>
    %neg3A = arith.constant 0.000000e+00 : f32
    %neg3A_465 = vector.broadcast %neg3A : f32 to vector<64x128xf32>
    %neg3A_466 = arith.subf %neg3A_465, %add3A_464 : vector<64x128xf32>
    %exp3A = math.exp %neg3A_466 : vector<64x128xf32>
    %add3A_467 = arith.constant 1.000000e+00 : f32
    %add3A_468 = vector.broadcast %add3A_467 : f32 to vector<64x128xf32>
    %add3A_469 = arith.addf %add3A_468, %exp3A : vector<64x128xf32>
    %div3A = arith.constant 1.000000e+00 : f32
    %div3A_470 = vector.broadcast %div3A : f32 to vector<64x128xf32>
    %div3A_471 = arith.divf %div3A_470, %add3A_469 : vector<64x128xf32>
    %slice3A_472 = vector.extract_strided_slice %get3A_79 {offsets = [0, 0], sizes = [64, 64], strides = [1, 1]} : vector<128x64xf32> to vector<64x64xf32>
    %broadcast_in_dim3A_473 = arith.constant 0.000000e+00 : f32
    %broadcast_in_dim3A_474 = vector.broadcast %broadcast_in_dim3A_473 : f32 to vector<64x64xf32>
    %concatenate3A_475 = tpu.concatenate %slice3A_472, %broadcast_in_dim3A_474 in 1 : vector<64x64xf32>, vector<64x64xf32> -> vector<64x128xf32>
    %concatenate3A_476 = tpu.concatenate %broadcast_in_dim3A_474, %slice3A_472 in 1 : vector<64x64xf32>, vector<64x64xf32> -> vector<64x128xf32>
    %concatenate3A_477 = tpu.concatenate %concatenate3A_475, %concatenate3A_476 in 0 : vector<64x128xf32>, vector<64x128xf32> -> vector<128x128xf32>
    %dot_general3A_478 = arith.constant dense<0.000000e+00> : vector<64x128xf32>
    %dot_general3A_479 = tpu.matmul %max3A_260, %concatenate3A_477, %dot_general3A_478 {dimension_numbers = #tpu.dot_dimension_numbers<[1], [0], [0], [1], [0, 0, 1, 1], [], []>, transpose_lhs_hint = false} : vector<64x128xf32>, vector<128x128xf32>, vector<64x128xf32> -> vector<64x128xf32>
    %slice3A_480 = vector.extract_strided_slice %get3A_79 {offsets = [64, 0], sizes = [64, 64], strides = [1, 1]} : vector<128x64xf32> to vector<64x64xf32>
    %broadcast_in_dim3A_481 = arith.constant 0.000000e+00 : f32
    %broadcast_in_dim3A_482 = vector.broadcast %broadcast_in_dim3A_481 : f32 to vector<64x64xf32>
    %concatenate3A_483 = tpu.concatenate %slice3A_480, %broadcast_in_dim3A_482 in 1 : vector<64x64xf32>, vector<64x64xf32> -> vector<64x128xf32>
    %concatenate3A_484 = tpu.concatenate %broadcast_in_dim3A_482, %slice3A_480 in 1 : vector<64x64xf32>, vector<64x64xf32> -> vector<64x128xf32>
    %concatenate3A_485 = tpu.concatenate %concatenate3A_483, %concatenate3A_484 in 0 : vector<64x128xf32>, vector<64x128xf32> -> vector<128x128xf32>
    %dot_general3A_486 = arith.constant dense<0.000000e+00> : vector<64x128xf32>
    %dot_general3A_487 = tpu.matmul %mul3A_444, %concatenate3A_485, %dot_general3A_486 {dimension_numbers = #tpu.dot_dimension_numbers<[1], [0], [0], [1], [0, 0, 1, 1], [], []>, transpose_lhs_hint = false} : vector<64x128xf32>, vector<128x128xf32>, vector<64x128xf32> -> vector<64x128xf32>
    %add3A_488 = arith.addf %dot_general3A_479, %dot_general3A_487 : vector<64x128xf32>
    %concatenate3A_489 = tpu.concatenate %get3A_82, %get3A_82 in 1 : vector<1x64xf32>, vector<1x64xf32> -> vector<1x128xf32>
    %add3A_490 = vector.broadcast %concatenate3A_489 : vector<1x128xf32> to vector<64x128xf32>
    %add3A_491 = arith.addf %add3A_488, %add3A_490 : vector<64x128xf32>
    %neg3A_492 = arith.constant 0.000000e+00 : f32
    %neg3A_493 = vector.broadcast %neg3A_492 : f32 to vector<64x128xf32>
    %neg3A_494 = arith.subf %neg3A_493, %add3A_491 : vector<64x128xf32>
    %exp3A_495 = math.exp %neg3A_494 : vector<64x128xf32>
    %add3A_496 = arith.constant 1.000000e+00 : f32
    %add3A_497 = vector.broadcast %add3A_496 : f32 to vector<64x128xf32>
    %add3A_498 = arith.addf %add3A_497, %exp3A_495 : vector<64x128xf32>
    %div3A_499 = arith.constant 1.000000e+00 : f32
    %div3A_500 = vector.broadcast %div3A_499 : f32 to vector<64x128xf32>
    %div3A_501 = arith.divf %div3A_500, %add3A_498 : vector<64x128xf32>
    %sub3A_502 = arith.constant 1.000000e+00 : f32
    %sub3A_503 = vector.broadcast %sub3A_502 : f32 to vector<64x128xf32>
    %sub3A_504 = arith.subf %sub3A_503, %div3A_501 : vector<64x128xf32>
    %mul3A_505 = arith.mulf %max3A_260, %sub3A_504 : vector<64x128xf32>
    %mul3A_506 = arith.mulf %mul3A_444, %div3A_471 : vector<64x128xf32>
    %add3A_507 = arith.addf %mul3A_505, %mul3A_506 : vector<64x128xf32>
    %get3A_508 = arith.constant 0 : index
    %get3A_509 = arith.constant 0 : index
    %get3A_510 = vector.load %arg11[%get3A_508, %get3A_509] : memref<64x6xi32, #tpu.memory_space<vmem>>, vector<64x6xi32>
    %get3A_511 = arith.constant 0 : index
    %get3A_512 = arith.constant 0 : index
    %get3A_513 = vector.load %arg14[%get3A_511, %get3A_512] : memref<2x64xf32, #tpu.memory_space<vmem>>, vector<2x64xf32>
    %slice3A_514 = vector.extract_strided_slice %get3A_510 {offsets = [0, 0], sizes = [64, 1], strides = [1, 1]} : vector<64x6xi32> to vector<64x1xi32>
    %slice3A_515 = vector.extract_strided_slice %get3A_510 {offsets = [0, 3], sizes = [64, 1], strides = [1, 1]} : vector<64x6xi32> to vector<64x1xi32>
    %concatenate3A_516 = tpu.concatenate %slice3A_514, %slice3A_515 in 1 : vector<64x1xi32>, vector<64x1xi32> -> vector<64x2xi32>
    %iota3A_517 = tpu.iota {dimensions = array<i32: 1>} : vector<64x4xi32>
    %lt3A_518 = arith.constant 2 : i32
    %lt3A_519 = vector.broadcast %lt3A_518 : i32 to vector<64x4xi32>
    %lt3A_520 = arith.cmpi slt, %iota3A_517, %lt3A_519 : vector<64x4xi32>
    %sub3A_521 = arith.constant 2 : i32
    %sub3A_522 = vector.broadcast %sub3A_521 : i32 to vector<64x4xi32>
    %sub3A_523 = arith.subi %iota3A_517, %sub3A_522 : vector<64x4xi32>
    %select_n3A_524 = arith.select %lt3A_520, %iota3A_517, %sub3A_523 : vector<64x4xi1>, vector<64x4xi32>
    %lt3A_525 = arith.constant 2 : i32
    %lt3A_526 = vector.broadcast %lt3A_525 : i32 to vector<64x4xi32>
    %lt3A_527 = arith.cmpi slt, %iota3A_517, %lt3A_526 : vector<64x4xi32>
    %broadcast_in_dim3A_528 = arith.constant 0.000000e+00 : f32
    %broadcast_in_dim3A_529 = vector.broadcast %broadcast_in_dim3A_528 : f32 to vector<64x4xf32>
    %slice3A_530 = vector.extract_strided_slice %concatenate3A_516 {offsets = [0, 0], sizes = [64, 1], strides = [1, 1]} : vector<64x2xi32> to vector<64x1xi32>
    %eq3A_531 = vector.broadcast %slice3A_530 : vector<64x1xi32> to vector<64x4xi32>
    %eq3A_532 = arith.cmpi eq, %eq3A_531, %select_n3A_524 : vector<64x4xi32>
    %and3A_533 = arith.andi %lt3A_527, %eq3A_532 : vector<64x4xi1>
    %jit3A_534 = arith.constant 1.000000e+00 : f32
    %jit3A_535 = arith.constant 0.000000e+00 : f32
    %broadcast_in_dim3A_536 = vector.broadcast %jit3A_534 : f32 to vector<64x4xf32>
    %broadcast_in_dim3A_537 = vector.broadcast %jit3A_535 : f32 to vector<64x4xf32>
    %select_n3A_538 = arith.select %and3A_533, %broadcast_in_dim3A_536, %broadcast_in_dim3A_537 : vector<64x4xi1>, vector<64x4xf32>
    %add3A_539 = arith.addf %broadcast_in_dim3A_529, %select_n3A_538 : vector<64x4xf32>
    %not3A_540 = arith.constant dense<true> : vector<64x4xi1>
    %not3A_541 = arith.xori %lt3A_527, %not3A_540 : vector<64x4xi1>
    %slice3A_542 = vector.extract_strided_slice %concatenate3A_516 {offsets = [0, 1], sizes = [64, 1], strides = [1, 1]} : vector<64x2xi32> to vector<64x1xi32>
    %eq3A_543 = vector.broadcast %slice3A_542 : vector<64x1xi32> to vector<64x4xi32>
    %eq3A_544 = arith.cmpi eq, %eq3A_543, %select_n3A_524 : vector<64x4xi32>
    %and3A_545 = arith.andi %not3A_541, %eq3A_544 : vector<64x4xi1>
    %jit3A_546 = arith.constant 1.000000e+00 : f32
    %jit3A_547 = arith.constant 0.000000e+00 : f32
    %broadcast_in_dim3A_548 = vector.broadcast %jit3A_546 : f32 to vector<64x4xf32>
    %broadcast_in_dim3A_549 = vector.broadcast %jit3A_547 : f32 to vector<64x4xf32>
    %select_n3A_550 = arith.select %and3A_545, %broadcast_in_dim3A_548, %broadcast_in_dim3A_549 : vector<64x4xi1>, vector<64x4xf32>
    %add3A_551 = arith.addf %add3A_539, %select_n3A_550 : vector<64x4xf32>
    %broadcast_in_dim3A_552 = arith.constant 0.000000e+00 : f32
    %broadcast_in_dim3A_553 = vector.broadcast %broadcast_in_dim3A_552 : f32 to vector<2x64xf32>
    %concatenate3A_554 = tpu.concatenate %get3A_513, %broadcast_in_dim3A_553 in 1 : vector<2x64xf32>, vector<2x64xf32> -> vector<2x128xf32>
    %concatenate3A_555 = tpu.concatenate %broadcast_in_dim3A_553, %get3A_513 in 1 : vector<2x64xf32>, vector<2x64xf32> -> vector<2x128xf32>
    %concatenate3A_556 = tpu.concatenate %concatenate3A_554, %concatenate3A_555 in 0 : vector<2x128xf32>, vector<2x128xf32> -> vector<4x128xf32>
    %dot_general3A_557 = arith.constant dense<0.000000e+00> : vector<64x128xf32>
    %dot_general3A_558 = tpu.matmul %add3A_551, %concatenate3A_556, %dot_general3A_557 {dimension_numbers = #tpu.dot_dimension_numbers<[1], [0], [0], [1], [0, 0, 1, 1], [], []>, transpose_lhs_hint = false} : vector<64x4xf32>, vector<4x128xf32>, vector<64x128xf32> -> vector<64x128xf32>
    %mul3A_559 = arith.mulf %get3A_513, %get3A_513 : vector<2x64xf32>
    %broadcast_in_dim3A_560 = arith.constant 0.000000e+00 : f32
    %broadcast_in_dim3A_561 = vector.broadcast %broadcast_in_dim3A_560 : f32 to vector<2x64xf32>
    %concatenate3A_562 = tpu.concatenate %mul3A_559, %broadcast_in_dim3A_561 in 1 : vector<2x64xf32>, vector<2x64xf32> -> vector<2x128xf32>
    %concatenate3A_563 = tpu.concatenate %broadcast_in_dim3A_561, %mul3A_559 in 1 : vector<2x64xf32>, vector<2x64xf32> -> vector<2x128xf32>
    %concatenate3A_564 = tpu.concatenate %concatenate3A_562, %concatenate3A_563 in 0 : vector<2x128xf32>, vector<2x128xf32> -> vector<4x128xf32>
    %dot_general3A_565 = arith.constant dense<0.000000e+00> : vector<64x128xf32>
    %dot_general3A_566 = tpu.matmul %add3A_551, %concatenate3A_564, %dot_general3A_565 {dimension_numbers = #tpu.dot_dimension_numbers<[1], [0], [0], [1], [0, 0, 1, 1], [], []>, transpose_lhs_hint = false} : vector<64x4xf32>, vector<4x128xf32>, vector<64x128xf32> -> vector<64x128xf32>
    %get3A_567 = arith.constant 0 : index
    %get3A_568 = arith.constant 0 : index
    %get3A_569 = vector.load %arg15[%get3A_567, %get3A_568] : memref<7x64xf32, #tpu.memory_space<vmem>>, vector<7x64xf32>
    %slice3A_570 = vector.extract_strided_slice %get3A_510 {offsets = [0, 1], sizes = [64, 1], strides = [1, 1]} : vector<64x6xi32> to vector<64x1xi32>
    %slice3A_571 = vector.extract_strided_slice %get3A_510 {offsets = [0, 4], sizes = [64, 1], strides = [1, 1]} : vector<64x6xi32> to vector<64x1xi32>
    %concatenate3A_572 = tpu.concatenate %slice3A_570, %slice3A_571 in 1 : vector<64x1xi32>, vector<64x1xi32> -> vector<64x2xi32>
    %iota3A_573 = tpu.iota {dimensions = array<i32: 1>} : vector<64x14xi32>
    %lt3A_574 = arith.constant 7 : i32
    %lt3A_575 = vector.broadcast %lt3A_574 : i32 to vector<64x14xi32>
    %lt3A_576 = arith.cmpi slt, %iota3A_573, %lt3A_575 : vector<64x14xi32>
    %sub3A_577 = arith.constant 7 : i32
    %sub3A_578 = vector.broadcast %sub3A_577 : i32 to vector<64x14xi32>
    %sub3A_579 = arith.subi %iota3A_573, %sub3A_578 : vector<64x14xi32>
    %select_n3A_580 = arith.select %lt3A_576, %iota3A_573, %sub3A_579 : vector<64x14xi1>, vector<64x14xi32>
    %lt3A_581 = arith.constant 7 : i32
    %lt3A_582 = vector.broadcast %lt3A_581 : i32 to vector<64x14xi32>
    %lt3A_583 = arith.cmpi slt, %iota3A_573, %lt3A_582 : vector<64x14xi32>
    %broadcast_in_dim3A_584 = arith.constant 0.000000e+00 : f32
    %broadcast_in_dim3A_585 = vector.broadcast %broadcast_in_dim3A_584 : f32 to vector<64x14xf32>
    %slice3A_586 = vector.extract_strided_slice %concatenate3A_572 {offsets = [0, 0], sizes = [64, 1], strides = [1, 1]} : vector<64x2xi32> to vector<64x1xi32>
    %eq3A_587 = vector.broadcast %slice3A_586 : vector<64x1xi32> to vector<64x14xi32>
    %eq3A_588 = arith.cmpi eq, %eq3A_587, %select_n3A_580 : vector<64x14xi32>
    %and3A_589 = arith.andi %lt3A_583, %eq3A_588 : vector<64x14xi1>
    %jit3A_590 = arith.constant 1.000000e+00 : f32
    %jit3A_591 = arith.constant 0.000000e+00 : f32
    %broadcast_in_dim3A_592 = vector.broadcast %jit3A_590 : f32 to vector<64x14xf32>
    %broadcast_in_dim3A_593 = vector.broadcast %jit3A_591 : f32 to vector<64x14xf32>
    %select_n3A_594 = arith.select %and3A_589, %broadcast_in_dim3A_592, %broadcast_in_dim3A_593 : vector<64x14xi1>, vector<64x14xf32>
    %add3A_595 = arith.addf %broadcast_in_dim3A_585, %select_n3A_594 : vector<64x14xf32>
    %not3A_596 = arith.constant dense<true> : vector<64x14xi1>
    %not3A_597 = arith.xori %lt3A_583, %not3A_596 : vector<64x14xi1>
    %slice3A_598 = vector.extract_strided_slice %concatenate3A_572 {offsets = [0, 1], sizes = [64, 1], strides = [1, 1]} : vector<64x2xi32> to vector<64x1xi32>
    %eq3A_599 = vector.broadcast %slice3A_598 : vector<64x1xi32> to vector<64x14xi32>
    %eq3A_600 = arith.cmpi eq, %eq3A_599, %select_n3A_580 : vector<64x14xi32>
    %and3A_601 = arith.andi %not3A_597, %eq3A_600 : vector<64x14xi1>
    %jit3A_602 = arith.constant 1.000000e+00 : f32
    %jit3A_603 = arith.constant 0.000000e+00 : f32
    %broadcast_in_dim3A_604 = vector.broadcast %jit3A_602 : f32 to vector<64x14xf32>
    %broadcast_in_dim3A_605 = vector.broadcast %jit3A_603 : f32 to vector<64x14xf32>
    %select_n3A_606 = arith.select %and3A_601, %broadcast_in_dim3A_604, %broadcast_in_dim3A_605 : vector<64x14xi1>, vector<64x14xf32>
    %add3A_607 = arith.addf %add3A_595, %select_n3A_606 : vector<64x14xf32>
    %broadcast_in_dim3A_608 = arith.constant 0.000000e+00 : f32
    %broadcast_in_dim3A_609 = vector.broadcast %broadcast_in_dim3A_608 : f32 to vector<7x64xf32>
    %concatenate3A_610 = tpu.concatenate %get3A_569, %broadcast_in_dim3A_609 in 1 : vector<7x64xf32>, vector<7x64xf32> -> vector<7x128xf32>
    %concatenate3A_611 = tpu.concatenate %broadcast_in_dim3A_609, %get3A_569 in 1 : vector<7x64xf32>, vector<7x64xf32> -> vector<7x128xf32>
    %concatenate3A_612 = tpu.concatenate %concatenate3A_610, %concatenate3A_611 in 0 : vector<7x128xf32>, vector<7x128xf32> -> vector<14x128xf32>
    %dot_general3A_613 = arith.constant dense<0.000000e+00> : vector<64x128xf32>
    %dot_general3A_614 = tpu.matmul %add3A_607, %concatenate3A_612, %dot_general3A_613 {dimension_numbers = #tpu.dot_dimension_numbers<[1], [0], [0], [1], [0, 0, 1, 1], [], []>, transpose_lhs_hint = false} : vector<64x14xf32>, vector<14x128xf32>, vector<64x128xf32> -> vector<64x128xf32>
    %mul3A_615 = arith.mulf %get3A_569, %get3A_569 : vector<7x64xf32>
    %broadcast_in_dim3A_616 = arith.constant 0.000000e+00 : f32
    %broadcast_in_dim3A_617 = vector.broadcast %broadcast_in_dim3A_616 : f32 to vector<7x64xf32>
    %concatenate3A_618 = tpu.concatenate %mul3A_615, %broadcast_in_dim3A_617 in 1 : vector<7x64xf32>, vector<7x64xf32> -> vector<7x128xf32>
    %concatenate3A_619 = tpu.concatenate %broadcast_in_dim3A_617, %mul3A_615 in 1 : vector<7x64xf32>, vector<7x64xf32> -> vector<7x128xf32>
    %concatenate3A_620 = tpu.concatenate %concatenate3A_618, %concatenate3A_619 in 0 : vector<7x128xf32>, vector<7x128xf32> -> vector<14x128xf32>
    %dot_general3A_621 = arith.constant dense<0.000000e+00> : vector<64x128xf32>
    %dot_general3A_622 = tpu.matmul %add3A_607, %concatenate3A_620, %dot_general3A_621 {dimension_numbers = #tpu.dot_dimension_numbers<[1], [0], [0], [1], [0, 0, 1, 1], [], []>, transpose_lhs_hint = false} : vector<64x14xf32>, vector<14x128xf32>, vector<64x128xf32> -> vector<64x128xf32>
    %get3A_623 = arith.constant 0 : index
    %get3A_624 = arith.constant 0 : index
    %get3A_625 = vector.load %arg16[%get3A_623, %get3A_624] : memref<21x64xf32, #tpu.memory_space<vmem>>, vector<21x64xf32>
    %slice3A_626 = vector.extract_strided_slice %get3A_510 {offsets = [0, 2], sizes = [64, 1], strides = [1, 1]} : vector<64x6xi32> to vector<64x1xi32>
    %slice3A_627 = vector.extract_strided_slice %get3A_510 {offsets = [0, 5], sizes = [64, 1], strides = [1, 1]} : vector<64x6xi32> to vector<64x1xi32>
    %concatenate3A_628 = tpu.concatenate %slice3A_626, %slice3A_627 in 1 : vector<64x1xi32>, vector<64x1xi32> -> vector<64x2xi32>
    %iota3A_629 = tpu.iota {dimensions = array<i32: 1>} : vector<64x42xi32>
    %lt3A_630 = arith.constant 21 : i32
    %lt3A_631 = vector.broadcast %lt3A_630 : i32 to vector<64x42xi32>
    %lt3A_632 = arith.cmpi slt, %iota3A_629, %lt3A_631 : vector<64x42xi32>
    %sub3A_633 = arith.constant 21 : i32
    %sub3A_634 = vector.broadcast %sub3A_633 : i32 to vector<64x42xi32>
    %sub3A_635 = arith.subi %iota3A_629, %sub3A_634 : vector<64x42xi32>
    %select_n3A_636 = arith.select %lt3A_632, %iota3A_629, %sub3A_635 : vector<64x42xi1>, vector<64x42xi32>
    %lt3A_637 = arith.constant 21 : i32
    %lt3A_638 = vector.broadcast %lt3A_637 : i32 to vector<64x42xi32>
    %lt3A_639 = arith.cmpi slt, %iota3A_629, %lt3A_638 : vector<64x42xi32>
    %broadcast_in_dim3A_640 = arith.constant 0.000000e+00 : f32
    %broadcast_in_dim3A_641 = vector.broadcast %broadcast_in_dim3A_640 : f32 to vector<64x42xf32>
    %slice3A_642 = vector.extract_strided_slice %concatenate3A_628 {offsets = [0, 0], sizes = [64, 1], strides = [1, 1]} : vector<64x2xi32> to vector<64x1xi32>
    %eq3A_643 = vector.broadcast %slice3A_642 : vector<64x1xi32> to vector<64x42xi32>
    %eq3A_644 = arith.cmpi eq, %eq3A_643, %select_n3A_636 : vector<64x42xi32>
    %and3A_645 = arith.andi %lt3A_639, %eq3A_644 : vector<64x42xi1>
    %jit3A_646 = arith.constant 1.000000e+00 : f32
    %jit3A_647 = arith.constant 0.000000e+00 : f32
    %broadcast_in_dim3A_648 = vector.broadcast %jit3A_646 : f32 to vector<64x42xf32>
    %broadcast_in_dim3A_649 = vector.broadcast %jit3A_647 : f32 to vector<64x42xf32>
    %select_n3A_650 = arith.select %and3A_645, %broadcast_in_dim3A_648, %broadcast_in_dim3A_649 : vector<64x42xi1>, vector<64x42xf32>
    %add3A_651 = arith.addf %broadcast_in_dim3A_641, %select_n3A_650 : vector<64x42xf32>
    %not3A_652 = arith.constant dense<true> : vector<64x42xi1>
    %not3A_653 = arith.xori %lt3A_639, %not3A_652 : vector<64x42xi1>
    %slice3A_654 = vector.extract_strided_slice %concatenate3A_628 {offsets = [0, 1], sizes = [64, 1], strides = [1, 1]} : vector<64x2xi32> to vector<64x1xi32>
    %eq3A_655 = vector.broadcast %slice3A_654 : vector<64x1xi32> to vector<64x42xi32>
    %eq3A_656 = arith.cmpi eq, %eq3A_655, %select_n3A_636 : vector<64x42xi32>
    %and3A_657 = arith.andi %not3A_653, %eq3A_656 : vector<64x42xi1>
    %jit3A_658 = arith.constant 1.000000e+00 : f32
    %jit3A_659 = arith.constant 0.000000e+00 : f32
    %broadcast_in_dim3A_660 = vector.broadcast %jit3A_658 : f32 to vector<64x42xf32>
    %broadcast_in_dim3A_661 = vector.broadcast %jit3A_659 : f32 to vector<64x42xf32>
    %select_n3A_662 = arith.select %and3A_657, %broadcast_in_dim3A_660, %broadcast_in_dim3A_661 : vector<64x42xi1>, vector<64x42xf32>
    %add3A_663 = arith.addf %add3A_651, %select_n3A_662 : vector<64x42xf32>
    %broadcast_in_dim3A_664 = arith.constant 0.000000e+00 : f32
    %broadcast_in_dim3A_665 = vector.broadcast %broadcast_in_dim3A_664 : f32 to vector<21x64xf32>
    %concatenate3A_666 = tpu.concatenate %get3A_625, %broadcast_in_dim3A_665 in 1 : vector<21x64xf32>, vector<21x64xf32> -> vector<21x128xf32>
    %concatenate3A_667 = tpu.concatenate %broadcast_in_dim3A_665, %get3A_625 in 1 : vector<21x64xf32>, vector<21x64xf32> -> vector<21x128xf32>
    %concatenate3A_668 = tpu.concatenate %concatenate3A_666, %concatenate3A_667 in 0 : vector<21x128xf32>, vector<21x128xf32> -> vector<42x128xf32>
    %dot_general3A_669 = arith.constant dense<0.000000e+00> : vector<64x128xf32>
    %dot_general3A_670 = tpu.matmul %add3A_663, %concatenate3A_668, %dot_general3A_669 {dimension_numbers = #tpu.dot_dimension_numbers<[1], [0], [0], [1], [0, 0, 1, 1], [], []>, transpose_lhs_hint = false} : vector<64x42xf32>, vector<42x128xf32>, vector<64x128xf32> -> vector<64x128xf32>
    %mul3A_671 = arith.mulf %get3A_625, %get3A_625 : vector<21x64xf32>
    %broadcast_in_dim3A_672 = arith.constant 0.000000e+00 : f32
    %broadcast_in_dim3A_673 = vector.broadcast %broadcast_in_dim3A_672 : f32 to vector<21x64xf32>
    %concatenate3A_674 = tpu.concatenate %mul3A_671, %broadcast_in_dim3A_673 in 1 : vector<21x64xf32>, vector<21x64xf32> -> vector<21x128xf32>
    %concatenate3A_675 = tpu.concatenate %broadcast_in_dim3A_673, %mul3A_671 in 1 : vector<21x64xf32>, vector<21x64xf32> -> vector<21x128xf32>
    %concatenate3A_676 = tpu.concatenate %concatenate3A_674, %concatenate3A_675 in 0 : vector<21x128xf32>, vector<21x128xf32> -> vector<42x128xf32>
    %dot_general3A_677 = arith.constant dense<0.000000e+00> : vector<64x128xf32>
    %dot_general3A_678 = tpu.matmul %add3A_663, %concatenate3A_676, %dot_general3A_677 {dimension_numbers = #tpu.dot_dimension_numbers<[1], [0], [0], [1], [0, 0, 1, 1], [], []>, transpose_lhs_hint = false} : vector<64x42xf32>, vector<42x128xf32>, vector<64x128xf32> -> vector<64x128xf32>
    %add3A_679 = arith.addf %dot_general3A_558, %dot_general3A_614 : vector<64x128xf32>
    %add3A_680 = arith.addf %add3A_679, %dot_general3A_670 : vector<64x128xf32>
    %add3A_681 = arith.addf %dot_general3A_566, %dot_general3A_622 : vector<64x128xf32>
    %add3A_682 = arith.addf %add3A_681, %dot_general3A_678 : vector<64x128xf32>
    %mul3A_683 = arith.mulf %add3A_680, %add3A_680 : vector<64x128xf32>
    %sub3A_684 = arith.subf %mul3A_683, %add3A_682 : vector<64x128xf32>
    %mul3A_685 = arith.constant 5.000000e-01 : f32
    %mul3A_686 = vector.broadcast %mul3A_685 : f32 to vector<64x128xf32>
    %mul3A_687 = arith.mulf %mul3A_686, %sub3A_684 : vector<64x128xf32>
    %broadcast_in_dim3A_688 = arith.constant 0.000000e+00 : f32
    %broadcast_in_dim3A_689 = vector.broadcast %broadcast_in_dim3A_688 : f32 to vector<64x64xf32>
    %concatenate3A_690 = tpu.concatenate %get3A_25, %broadcast_in_dim3A_689 in 1 : vector<64x64xf32>, vector<64x64xf32> -> vector<64x128xf32>
    %concatenate3A_691 = tpu.concatenate %broadcast_in_dim3A_689, %get3A_25 in 1 : vector<64x64xf32>, vector<64x64xf32> -> vector<64x128xf32>
    %concatenate3A_692 = tpu.concatenate %concatenate3A_690, %concatenate3A_691 in 0 : vector<64x128xf32>, vector<64x128xf32> -> vector<128x128xf32>
    %dot_general3A_693 = arith.constant dense<0.000000e+00> : vector<64x128xf32>
    %dot_general3A_694 = tpu.matmul %mul3A_687, %concatenate3A_692, %dot_general3A_693 {dimension_numbers = #tpu.dot_dimension_numbers<[1], [0], [0], [1], [0, 0, 1, 1], [], []>, transpose_lhs_hint = false} : vector<64x128xf32>, vector<128x128xf32>, vector<64x128xf32> -> vector<64x128xf32>
    %concatenate3A_695 = tpu.concatenate %get3A_28, %get3A_28 in 1 : vector<1x64xf32>, vector<1x64xf32> -> vector<1x128xf32>
    %add3A_696 = vector.broadcast %concatenate3A_695 : vector<1x128xf32> to vector<64x128xf32>
    %add3A_697 = arith.addf %dot_general3A_694, %add3A_696 : vector<64x128xf32>
    %ge3A_698 = arith.constant 0.000000e+00 : f32
    %ge3A_699 = vector.broadcast %ge3A_698 : f32 to vector<64x128xf32>
    %ge3A_700 = arith.cmpf oge, %add3A_697, %ge3A_699 : vector<64x128xf32>
    %mul3A_701 = arith.constant 0.00999999977 : f32
    %mul3A_702 = vector.broadcast %mul3A_701 : f32 to vector<64x128xf32>
    %mul3A_703 = arith.mulf %mul3A_702, %add3A_697 : vector<64x128xf32>
    %select_n3A_704 = arith.select %ge3A_700, %add3A_697, %mul3A_703 : vector<64x128xi1>, vector<64x128xf32>
    %broadcast_in_dim3A_705 = arith.constant 0.000000e+00 : f32
    %broadcast_in_dim3A_706 = vector.broadcast %broadcast_in_dim3A_705 : f32 to vector<64x64xf32>
    %concatenate3A_707 = tpu.concatenate %get3A_31, %broadcast_in_dim3A_706 in 1 : vector<64x64xf32>, vector<64x64xf32> -> vector<64x128xf32>
    %concatenate3A_708 = tpu.concatenate %broadcast_in_dim3A_706, %get3A_31 in 1 : vector<64x64xf32>, vector<64x64xf32> -> vector<64x128xf32>
    %concatenate3A_709 = tpu.concatenate %concatenate3A_707, %concatenate3A_708 in 0 : vector<64x128xf32>, vector<64x128xf32> -> vector<128x128xf32>
    %dot_general3A_710 = arith.constant dense<0.000000e+00> : vector<64x128xf32>
    %dot_general3A_711 = tpu.matmul %add3A_680, %concatenate3A_709, %dot_general3A_710 {dimension_numbers = #tpu.dot_dimension_numbers<[1], [0], [0], [1], [0, 0, 1, 1], [], []>, transpose_lhs_hint = false} : vector<64x128xf32>, vector<128x128xf32>, vector<64x128xf32> -> vector<64x128xf32>
    %concatenate3A_712 = tpu.concatenate %get3A_34, %get3A_34 in 1 : vector<1x64xf32>, vector<1x64xf32> -> vector<1x128xf32>
    %add3A_713 = vector.broadcast %concatenate3A_712 : vector<1x128xf32> to vector<64x128xf32>
    %add3A_714 = arith.addf %dot_general3A_711, %add3A_713 : vector<64x128xf32>
    %ge3A_715 = arith.constant 0.000000e+00 : f32
    %ge3A_716 = vector.broadcast %ge3A_715 : f32 to vector<64x128xf32>
    %ge3A_717 = arith.cmpf oge, %add3A_714, %ge3A_716 : vector<64x128xf32>
    %mul3A_718 = arith.constant 0.00999999977 : f32
    %mul3A_719 = vector.broadcast %mul3A_718 : f32 to vector<64x128xf32>
    %mul3A_720 = arith.mulf %mul3A_719, %add3A_714 : vector<64x128xf32>
    %select_n3A_721 = arith.select %ge3A_717, %add3A_714, %mul3A_720 : vector<64x128xi1>, vector<64x128xf32>
    %add3A_722 = arith.addf %select_n3A_704, %select_n3A_721 : vector<64x128xf32>
    %get3A_723 = arith.constant 0 : index
    %get3A_724 = arith.constant 0 : index
    %get3A_725 = vector.load %arg1[%get3A_723, %get3A_724] : memref<64x128xf32, #tpu.memory_space<vmem>>, vector<64x128xf32>
    %slice3A_726 = vector.extract_strided_slice %get3A_61 {offsets = [0, 0], sizes = [64, 64], strides = [1, 1]} : vector<128x64xf32> to vector<64x64xf32>
    %broadcast_in_dim3A_727 = arith.constant 0.000000e+00 : f32
    %broadcast_in_dim3A_728 = vector.broadcast %broadcast_in_dim3A_727 : f32 to vector<64x64xf32>
    %concatenate3A_729 = tpu.concatenate %slice3A_726, %broadcast_in_dim3A_728 in 1 : vector<64x64xf32>, vector<64x64xf32> -> vector<64x128xf32>
    %concatenate3A_730 = tpu.concatenate %broadcast_in_dim3A_728, %slice3A_726 in 1 : vector<64x64xf32>, vector<64x64xf32> -> vector<64x128xf32>
    %concatenate3A_731 = tpu.concatenate %concatenate3A_729, %concatenate3A_730 in 0 : vector<64x128xf32>, vector<64x128xf32> -> vector<128x128xf32>
    %dot_general3A_732 = arith.constant dense<0.000000e+00> : vector<64x128xf32>
    %dot_general3A_733 = tpu.matmul %get3A_725, %concatenate3A_731, %dot_general3A_732 {dimension_numbers = #tpu.dot_dimension_numbers<[1], [0], [0], [1], [0, 0, 1, 1], [], []>, transpose_lhs_hint = false} : vector<64x128xf32>, vector<128x128xf32>, vector<64x128xf32> -> vector<64x128xf32>
    %slice3A_734 = vector.extract_strided_slice %get3A_61 {offsets = [64, 0], sizes = [64, 64], strides = [1, 1]} : vector<128x64xf32> to vector<64x64xf32>
    %broadcast_in_dim3A_735 = arith.constant 0.000000e+00 : f32
    %broadcast_in_dim3A_736 = vector.broadcast %broadcast_in_dim3A_735 : f32 to vector<64x64xf32>
    %concatenate3A_737 = tpu.concatenate %slice3A_734, %broadcast_in_dim3A_736 in 1 : vector<64x64xf32>, vector<64x64xf32> -> vector<64x128xf32>
    %concatenate3A_738 = tpu.concatenate %broadcast_in_dim3A_736, %slice3A_734 in 1 : vector<64x64xf32>, vector<64x64xf32> -> vector<64x128xf32>
    %concatenate3A_739 = tpu.concatenate %concatenate3A_737, %concatenate3A_738 in 0 : vector<64x128xf32>, vector<64x128xf32> -> vector<128x128xf32>
    %dot_general3A_740 = arith.constant dense<0.000000e+00> : vector<64x128xf32>
    %dot_general3A_741 = tpu.matmul %add3A_722, %concatenate3A_739, %dot_general3A_740 {dimension_numbers = #tpu.dot_dimension_numbers<[1], [0], [0], [1], [0, 0, 1, 1], [], []>, transpose_lhs_hint = false} : vector<64x128xf32>, vector<128x128xf32>, vector<64x128xf32> -> vector<64x128xf32>
    %add3A_742 = arith.addf %dot_general3A_733, %dot_general3A_741 : vector<64x128xf32>
    %concatenate3A_743 = tpu.concatenate %get3A_64, %get3A_64 in 1 : vector<1x64xf32>, vector<1x64xf32> -> vector<1x128xf32>
    %add3A_744 = vector.broadcast %concatenate3A_743 : vector<1x128xf32> to vector<64x128xf32>
    %add3A_745 = arith.addf %add3A_742, %add3A_744 : vector<64x128xf32>
    %max3A_746 = arith.constant 0.000000e+00 : f32
    %max3A_747 = vector.broadcast %max3A_746 : f32 to vector<64x128xf32>
    %max3A_748 = arith.maximumf %add3A_745, %max3A_747 : vector<64x128xf32>
    %get3A_749 = arith.constant 0 : index
    %get3A_750 = arith.constant 0 : index
    %get3A_751 = arith.constant 0 : index
    %get3A_752 = vector.load %arg12[%get3A_749, %get3A_750, %get3A_751] : memref<20x64x6xi32, #tpu.memory_space<vmem>>, vector<20x64x6xi32>
    %reshape3A_753 = vector.shape_cast %get3A_752 : vector<20x64x6xi32> to vector<1280x6xi32>
    %iota3A_754 = tpu.iota {dimensions = array<i32: 1>} : vector<1280x50xi32>
    %lt3A_755 = arith.constant 25 : i32
    %lt3A_756 = vector.broadcast %lt3A_755 : i32 to vector<1280x50xi32>
    %lt3A_757 = arith.cmpi slt, %iota3A_754, %lt3A_756 : vector<1280x50xi32>
    %sub3A_758 = arith.constant 25 : i32
    %sub3A_759 = vector.broadcast %sub3A_758 : i32 to vector<1280x50xi32>
    %sub3A_760 = arith.subi %iota3A_754, %sub3A_759 : vector<1280x50xi32>
    %select_n3A_761 = arith.select %lt3A_757, %iota3A_754, %sub3A_760 : vector<1280x50xi1>, vector<1280x50xi32>
    %lt3A_762 = arith.constant 25 : i32
    %lt3A_763 = vector.broadcast %lt3A_762 : i32 to vector<1280x50xi32>
    %lt3A_764 = arith.cmpi slt, %iota3A_754, %lt3A_763 : vector<1280x50xi32>
    %broadcast_in_dim3A_765 = arith.constant 0.000000e+00 : f32
    %broadcast_in_dim3A_766 = vector.broadcast %broadcast_in_dim3A_765 : f32 to vector<1280x50xf32>
    %slice3A_767 = vector.extract_strided_slice %reshape3A_753 {offsets = [0, 0], sizes = [1280, 1], strides = [1, 1]} : vector<1280x6xi32> to vector<1280x1xi32>
    %eq3A_768 = vector.broadcast %slice3A_767 : vector<1280x1xi32> to vector<1280x50xi32>
    %eq3A_769 = arith.cmpi eq, %eq3A_768, %select_n3A_761 : vector<1280x50xi32>
    %and3A_770 = arith.andi %lt3A_764, %eq3A_769 : vector<1280x50xi1>
    %jit3A_771 = arith.constant 1.000000e+00 : f32
    %jit3A_772 = arith.constant 0.000000e+00 : f32
    %broadcast_in_dim3A_773 = vector.broadcast %jit3A_771 : f32 to vector<1280x50xf32>
    %broadcast_in_dim3A_774 = vector.broadcast %jit3A_772 : f32 to vector<1280x50xf32>
    %select_n3A_775 = arith.select %and3A_770, %broadcast_in_dim3A_773, %broadcast_in_dim3A_774 : vector<1280x50xi1>, vector<1280x50xf32>
    %add3A_776 = arith.addf %broadcast_in_dim3A_766, %select_n3A_775 : vector<1280x50xf32>
    %not3A_777 = arith.constant dense<true> : vector<1280x50xi1>
    %not3A_778 = arith.xori %lt3A_764, %not3A_777 : vector<1280x50xi1>
    %slice3A_779 = vector.extract_strided_slice %reshape3A_753 {offsets = [0, 3], sizes = [1280, 1], strides = [1, 1]} : vector<1280x6xi32> to vector<1280x1xi32>
    %eq3A_780 = vector.broadcast %slice3A_779 : vector<1280x1xi32> to vector<1280x50xi32>
    %eq3A_781 = arith.cmpi eq, %eq3A_780, %select_n3A_761 : vector<1280x50xi32>
    %and3A_782 = arith.andi %not3A_778, %eq3A_781 : vector<1280x50xi1>
    %jit3A_783 = arith.constant 1.000000e+00 : f32
    %jit3A_784 = arith.constant 0.000000e+00 : f32
    %broadcast_in_dim3A_785 = vector.broadcast %jit3A_783 : f32 to vector<1280x50xf32>
    %broadcast_in_dim3A_786 = vector.broadcast %jit3A_784 : f32 to vector<1280x50xf32>
    %select_n3A_787 = arith.select %and3A_782, %broadcast_in_dim3A_785, %broadcast_in_dim3A_786 : vector<1280x50xi1>, vector<1280x50xf32>
    %add3A_788 = arith.addf %add3A_776, %select_n3A_787 : vector<1280x50xf32>
    %slice3A_789 = vector.extract_strided_slice %reshape3A_753 {offsets = [0, 1], sizes = [1280, 1], strides = [1, 1]} : vector<1280x6xi32> to vector<1280x1xi32>
    %eq3A_790 = vector.broadcast %slice3A_789 : vector<1280x1xi32> to vector<1280x50xi32>
    %eq3A_791 = arith.cmpi eq, %eq3A_790, %select_n3A_761 : vector<1280x50xi32>
    %and3A_792 = arith.andi %lt3A_764, %eq3A_791 : vector<1280x50xi1>
    %jit3A_793 = arith.constant 1.000000e+00 : f32
    %jit3A_794 = arith.constant 0.000000e+00 : f32
    %broadcast_in_dim3A_795 = vector.broadcast %jit3A_793 : f32 to vector<1280x50xf32>
    %broadcast_in_dim3A_796 = vector.broadcast %jit3A_794 : f32 to vector<1280x50xf32>
    %select_n3A_797 = arith.select %and3A_792, %broadcast_in_dim3A_795, %broadcast_in_dim3A_796 : vector<1280x50xi1>, vector<1280x50xf32>
    %add3A_798 = arith.addf %add3A_788, %select_n3A_797 : vector<1280x50xf32>
    %not3A_799 = arith.constant dense<true> : vector<1280x50xi1>
    %not3A_800 = arith.xori %lt3A_764, %not3A_799 : vector<1280x50xi1>
    %slice3A_801 = vector.extract_strided_slice %reshape3A_753 {offsets = [0, 4], sizes = [1280, 1], strides = [1, 1]} : vector<1280x6xi32> to vector<1280x1xi32>
    %eq3A_802 = vector.broadcast %slice3A_801 : vector<1280x1xi32> to vector<1280x50xi32>
    %eq3A_803 = arith.cmpi eq, %eq3A_802, %select_n3A_761 : vector<1280x50xi32>
    %and3A_804 = arith.andi %not3A_800, %eq3A_803 : vector<1280x50xi1>
    %jit3A_805 = arith.constant 1.000000e+00 : f32
    %jit3A_806 = arith.constant 0.000000e+00 : f32
    %broadcast_in_dim3A_807 = vector.broadcast %jit3A_805 : f32 to vector<1280x50xf32>
    %broadcast_in_dim3A_808 = vector.broadcast %jit3A_806 : f32 to vector<1280x50xf32>
    %select_n3A_809 = arith.select %and3A_804, %broadcast_in_dim3A_807, %broadcast_in_dim3A_808 : vector<1280x50xi1>, vector<1280x50xf32>
    %add3A_810 = arith.addf %add3A_798, %select_n3A_809 : vector<1280x50xf32>
    %slice3A_811 = vector.extract_strided_slice %reshape3A_753 {offsets = [0, 2], sizes = [1280, 1], strides = [1, 1]} : vector<1280x6xi32> to vector<1280x1xi32>
    %eq3A_812 = vector.broadcast %slice3A_811 : vector<1280x1xi32> to vector<1280x50xi32>
    %eq3A_813 = arith.cmpi eq, %eq3A_812, %select_n3A_761 : vector<1280x50xi32>
    %and3A_814 = arith.andi %lt3A_764, %eq3A_813 : vector<1280x50xi1>
    %jit3A_815 = arith.constant 1.000000e+00 : f32
    %jit3A_816 = arith.constant 0.000000e+00 : f32
    %broadcast_in_dim3A_817 = vector.broadcast %jit3A_815 : f32 to vector<1280x50xf32>
    %broadcast_in_dim3A_818 = vector.broadcast %jit3A_816 : f32 to vector<1280x50xf32>
    %select_n3A_819 = arith.select %and3A_814, %broadcast_in_dim3A_817, %broadcast_in_dim3A_818 : vector<1280x50xi1>, vector<1280x50xf32>
    %add3A_820 = arith.addf %add3A_810, %select_n3A_819 : vector<1280x50xf32>
    %not3A_821 = arith.constant dense<true> : vector<1280x50xi1>
    %not3A_822 = arith.xori %lt3A_764, %not3A_821 : vector<1280x50xi1>
    %slice3A_823 = vector.extract_strided_slice %reshape3A_753 {offsets = [0, 5], sizes = [1280, 1], strides = [1, 1]} : vector<1280x6xi32> to vector<1280x1xi32>
    %eq3A_824 = vector.broadcast %slice3A_823 : vector<1280x1xi32> to vector<1280x50xi32>
    %eq3A_825 = arith.cmpi eq, %eq3A_824, %select_n3A_761 : vector<1280x50xi32>
    %and3A_826 = arith.andi %not3A_822, %eq3A_825 : vector<1280x50xi1>
    %jit3A_827 = arith.constant 1.000000e+00 : f32
    %jit3A_828 = arith.constant 0.000000e+00 : f32
    %broadcast_in_dim3A_829 = vector.broadcast %jit3A_827 : f32 to vector<1280x50xf32>
    %broadcast_in_dim3A_830 = vector.broadcast %jit3A_828 : f32 to vector<1280x50xf32>
    %select_n3A_831 = arith.select %and3A_826, %broadcast_in_dim3A_829, %broadcast_in_dim3A_830 : vector<1280x50xi1>, vector<1280x50xf32>
    %add3A_832 = arith.addf %add3A_820, %select_n3A_831 : vector<1280x50xf32>
    %broadcast_in_dim3A_833 = arith.constant 0.000000e+00 : f32
    %broadcast_in_dim3A_834 = vector.broadcast %broadcast_in_dim3A_833 : f32 to vector<25x64xf32>
    %concatenate3A_835 = tpu.concatenate %get3A_103, %broadcast_in_dim3A_834 in 1 : vector<25x64xf32>, vector<25x64xf32> -> vector<25x128xf32>
    %concatenate3A_836 = tpu.concatenate %broadcast_in_dim3A_834, %get3A_103 in 1 : vector<25x64xf32>, vector<25x64xf32> -> vector<25x128xf32>
    %concatenate3A_837 = tpu.concatenate %concatenate3A_835, %concatenate3A_836 in 0 : vector<25x128xf32>, vector<25x128xf32> -> vector<50x128xf32>
    %dot_general3A_838 = arith.constant dense<0.000000e+00> : vector<1280x128xf32>
    %dot_general3A_839 = tpu.matmul %add3A_832, %concatenate3A_837, %dot_general3A_838 {dimension_numbers = #tpu.dot_dimension_numbers<[1], [0], [0], [1], [0, 0, 1, 1], [], []>, transpose_lhs_hint = false} : vector<1280x50xf32>, vector<50x128xf32>, vector<1280x128xf32> -> vector<1280x128xf32>
    %broadcast_in_dim3A_840 = arith.constant 0.000000e+00 : f32
    %broadcast_in_dim3A_841 = vector.broadcast %broadcast_in_dim3A_840 : f32 to vector<25x64xf32>
    %concatenate3A_842 = tpu.concatenate %mul3A, %broadcast_in_dim3A_841 in 1 : vector<25x64xf32>, vector<25x64xf32> -> vector<25x128xf32>
    %concatenate3A_843 = tpu.concatenate %broadcast_in_dim3A_841, %mul3A in 1 : vector<25x64xf32>, vector<25x64xf32> -> vector<25x128xf32>
    %concatenate3A_844 = tpu.concatenate %concatenate3A_842, %concatenate3A_843 in 0 : vector<25x128xf32>, vector<25x128xf32> -> vector<50x128xf32>
    %dot_general3A_845 = arith.constant dense<0.000000e+00> : vector<1280x128xf32>
    %dot_general3A_846 = tpu.matmul %add3A_832, %concatenate3A_844, %dot_general3A_845 {dimension_numbers = #tpu.dot_dimension_numbers<[1], [0], [0], [1], [0, 0, 1, 1], [], []>, transpose_lhs_hint = false} : vector<1280x50xf32>, vector<50x128xf32>, vector<1280x128xf32> -> vector<1280x128xf32>
    %mul3A_847 = arith.mulf %dot_general3A_839, %dot_general3A_839 : vector<1280x128xf32>
    %sub3A_848 = arith.subf %mul3A_847, %dot_general3A_846 : vector<1280x128xf32>
    %mul3A_849 = arith.constant 5.000000e-01 : f32
    %mul3A_850 = vector.broadcast %mul3A_849 : f32 to vector<1280x128xf32>
    %mul3A_851 = arith.mulf %mul3A_850, %sub3A_848 : vector<1280x128xf32>
    %broadcast_in_dim3A_852 = arith.constant 0.000000e+00 : f32
    %broadcast_in_dim3A_853 = vector.broadcast %broadcast_in_dim3A_852 : f32 to vector<64x64xf32>
    %concatenate3A_854 = tpu.concatenate %get3A_37, %broadcast_in_dim3A_853 in 1 : vector<64x64xf32>, vector<64x64xf32> -> vector<64x128xf32>
    %concatenate3A_855 = tpu.concatenate %broadcast_in_dim3A_853, %get3A_37 in 1 : vector<64x64xf32>, vector<64x64xf32> -> vector<64x128xf32>
    %concatenate3A_856 = tpu.concatenate %concatenate3A_854, %concatenate3A_855 in 0 : vector<64x128xf32>, vector<64x128xf32> -> vector<128x128xf32>
    %dot_general3A_857 = arith.constant dense<0.000000e+00> : vector<1280x128xf32>
    %dot_general3A_858 = tpu.matmul %mul3A_851, %concatenate3A_856, %dot_general3A_857 {dimension_numbers = #tpu.dot_dimension_numbers<[1], [0], [0], [1], [0, 0, 1, 1], [], []>, transpose_lhs_hint = false} : vector<1280x128xf32>, vector<128x128xf32>, vector<1280x128xf32> -> vector<1280x128xf32>
    %concatenate3A_859 = tpu.concatenate %get3A_40, %get3A_40 in 1 : vector<1x64xf32>, vector<1x64xf32> -> vector<1x128xf32>
    %add3A_860 = vector.broadcast %concatenate3A_859 : vector<1x128xf32> to vector<1280x128xf32>
    %add3A_861 = arith.addf %dot_general3A_858, %add3A_860 : vector<1280x128xf32>
    %ge3A_862 = arith.constant 0.000000e+00 : f32
    %ge3A_863 = vector.broadcast %ge3A_862 : f32 to vector<1280x128xf32>
    %ge3A_864 = arith.cmpf oge, %add3A_861, %ge3A_863 : vector<1280x128xf32>
    %mul3A_865 = arith.constant 0.00999999977 : f32
    %mul3A_866 = vector.broadcast %mul3A_865 : f32 to vector<1280x128xf32>
    %mul3A_867 = arith.mulf %mul3A_866, %add3A_861 : vector<1280x128xf32>
    %select_n3A_868 = arith.select %ge3A_864, %add3A_861, %mul3A_867 : vector<1280x128xi1>, vector<1280x128xf32>
    %broadcast_in_dim3A_869 = arith.constant 0.000000e+00 : f32
    %broadcast_in_dim3A_870 = vector.broadcast %broadcast_in_dim3A_869 : f32 to vector<64x64xf32>
    %concatenate3A_871 = tpu.concatenate %get3A_43, %broadcast_in_dim3A_870 in 1 : vector<64x64xf32>, vector<64x64xf32> -> vector<64x128xf32>
    %concatenate3A_872 = tpu.concatenate %broadcast_in_dim3A_870, %get3A_43 in 1 : vector<64x64xf32>, vector<64x64xf32> -> vector<64x128xf32>
    %concatenate3A_873 = tpu.concatenate %concatenate3A_871, %concatenate3A_872 in 0 : vector<64x128xf32>, vector<64x128xf32> -> vector<128x128xf32>
    %dot_general3A_874 = arith.constant dense<0.000000e+00> : vector<1280x128xf32>
    %dot_general3A_875 = tpu.matmul %dot_general3A_839, %concatenate3A_873, %dot_general3A_874 {dimension_numbers = #tpu.dot_dimension_numbers<[1], [0], [0], [1], [0, 0, 1, 1], [], []>, transpose_lhs_hint = false} : vector<1280x128xf32>, vector<128x128xf32>, vector<1280x128xf32> -> vector<1280x128xf32>
    %concatenate3A_876 = tpu.concatenate %get3A_46, %get3A_46 in 1 : vector<1x64xf32>, vector<1x64xf32> -> vector<1x128xf32>
    %add3A_877 = vector.broadcast %concatenate3A_876 : vector<1x128xf32> to vector<1280x128xf32>
    %add3A_878 = arith.addf %dot_general3A_875, %add3A_877 : vector<1280x128xf32>
    %ge3A_879 = arith.constant 0.000000e+00 : f32
    %ge3A_880 = vector.broadcast %ge3A_879 : f32 to vector<1280x128xf32>
    %ge3A_881 = arith.cmpf oge, %add3A_878, %ge3A_880 : vector<1280x128xf32>
    %mul3A_882 = arith.constant 0.00999999977 : f32
    %mul3A_883 = vector.broadcast %mul3A_882 : f32 to vector<1280x128xf32>
    %mul3A_884 = arith.mulf %mul3A_883, %add3A_878 : vector<1280x128xf32>
    %select_n3A_885 = arith.select %ge3A_881, %add3A_878, %mul3A_884 : vector<1280x128xi1>, vector<1280x128xf32>
    %add3A_886 = arith.addf %select_n3A_868, %select_n3A_885 : vector<1280x128xf32>
    %get3A_887 = arith.constant 0 : index
    %get3A_888 = arith.constant 0 : index
    %get3A_889 = arith.constant 0 : index
    %get3A_890 = vector.load %arg3[%get3A_887, %get3A_888, %get3A_889] : memref<20x64x128xf32, #tpu.memory_space<vmem>>, vector<20x64x128xf32>
    %reshape3A_891 = vector.shape_cast %get3A_890 : vector<20x64x128xf32> to vector<1280x128xf32>
    %slice3A_892 = vector.extract_strided_slice %get3A_67 {offsets = [0, 0], sizes = [64, 64], strides = [1, 1]} : vector<128x64xf32> to vector<64x64xf32>
    %broadcast_in_dim3A_893 = arith.constant 0.000000e+00 : f32
    %broadcast_in_dim3A_894 = vector.broadcast %broadcast_in_dim3A_893 : f32 to vector<64x64xf32>
    %concatenate3A_895 = tpu.concatenate %slice3A_892, %broadcast_in_dim3A_894 in 1 : vector<64x64xf32>, vector<64x64xf32> -> vector<64x128xf32>
    %concatenate3A_896 = tpu.concatenate %broadcast_in_dim3A_894, %slice3A_892 in 1 : vector<64x64xf32>, vector<64x64xf32> -> vector<64x128xf32>
    %concatenate3A_897 = tpu.concatenate %concatenate3A_895, %concatenate3A_896 in 0 : vector<64x128xf32>, vector<64x128xf32> -> vector<128x128xf32>
    %dot_general3A_898 = arith.constant dense<0.000000e+00> : vector<1280x128xf32>
    %dot_general3A_899 = tpu.matmul %reshape3A_891, %concatenate3A_897, %dot_general3A_898 {dimension_numbers = #tpu.dot_dimension_numbers<[1], [0], [0], [1], [0, 0, 1, 1], [], []>, transpose_lhs_hint = false} : vector<1280x128xf32>, vector<128x128xf32>, vector<1280x128xf32> -> vector<1280x128xf32>
    %slice3A_900 = vector.extract_strided_slice %get3A_67 {offsets = [64, 0], sizes = [64, 64], strides = [1, 1]} : vector<128x64xf32> to vector<64x64xf32>
    %broadcast_in_dim3A_901 = arith.constant 0.000000e+00 : f32
    %broadcast_in_dim3A_902 = vector.broadcast %broadcast_in_dim3A_901 : f32 to vector<64x64xf32>
    %concatenate3A_903 = tpu.concatenate %slice3A_900, %broadcast_in_dim3A_902 in 1 : vector<64x64xf32>, vector<64x64xf32> -> vector<64x128xf32>
    %concatenate3A_904 = tpu.concatenate %broadcast_in_dim3A_902, %slice3A_900 in 1 : vector<64x64xf32>, vector<64x64xf32> -> vector<64x128xf32>
    %concatenate3A_905 = tpu.concatenate %concatenate3A_903, %concatenate3A_904 in 0 : vector<64x128xf32>, vector<64x128xf32> -> vector<128x128xf32>
    %dot_general3A_906 = arith.constant dense<0.000000e+00> : vector<1280x128xf32>
    %dot_general3A_907 = tpu.matmul %add3A_886, %concatenate3A_905, %dot_general3A_906 {dimension_numbers = #tpu.dot_dimension_numbers<[1], [0], [0], [1], [0, 0, 1, 1], [], []>, transpose_lhs_hint = false} : vector<1280x128xf32>, vector<128x128xf32>, vector<1280x128xf32> -> vector<1280x128xf32>
    %add3A_908 = arith.addf %dot_general3A_899, %dot_general3A_907 : vector<1280x128xf32>
    %concatenate3A_909 = tpu.concatenate %get3A_70, %get3A_70 in 1 : vector<1x64xf32>, vector<1x64xf32> -> vector<1x128xf32>
    %add3A_910 = vector.broadcast %concatenate3A_909 : vector<1x128xf32> to vector<1280x128xf32>
    %add3A_911 = arith.addf %add3A_908, %add3A_910 : vector<1280x128xf32>
    %max3A_912 = arith.constant 0.000000e+00 : f32
    %max3A_913 = vector.broadcast %max3A_912 : f32 to vector<1280x128xf32>
    %max3A_914 = arith.maximumf %add3A_911, %max3A_913 : vector<1280x128xf32>
    %reshape3A_915 = vector.shape_cast %max3A_914 : vector<1280x128xf32> to vector<20x64x128xf32>
    %reduce_sum3A_916 = arith.constant dense<0.000000e+00> : vector<64x128xf32>
    %reduce_sum3A_917 = vector.multi_reduction <add>, %reshape3A_915, %reduce_sum3A_916 [0] : vector<20x64x128xf32> to vector<64x128xf32>
    %mul3A_918 = arith.constant 5.000000e-02 : f32
    %mul3A_919 = vector.broadcast %mul3A_918 : f32 to vector<64x128xf32>
    %mul3A_920 = arith.mulf %reduce_sum3A_917, %mul3A_919 : vector<64x128xf32>
    %slice3A_921 = vector.extract_strided_slice %get3A_85 {offsets = [0, 0], sizes = [64, 64], strides = [1, 1]} : vector<128x64xf32> to vector<64x64xf32>
    %broadcast_in_dim3A_922 = arith.constant 0.000000e+00 : f32
    %broadcast_in_dim3A_923 = vector.broadcast %broadcast_in_dim3A_922 : f32 to vector<64x64xf32>
    %concatenate3A_924 = tpu.concatenate %slice3A_921, %broadcast_in_dim3A_923 in 1 : vector<64x64xf32>, vector<64x64xf32> -> vector<64x128xf32>
    %concatenate3A_925 = tpu.concatenate %broadcast_in_dim3A_923, %slice3A_921 in 1 : vector<64x64xf32>, vector<64x64xf32> -> vector<64x128xf32>
    %concatenate3A_926 = tpu.concatenate %concatenate3A_924, %concatenate3A_925 in 0 : vector<64x128xf32>, vector<64x128xf32> -> vector<128x128xf32>
    %dot_general3A_927 = arith.constant dense<0.000000e+00> : vector<64x128xf32>
    %dot_general3A_928 = tpu.matmul %max3A_748, %concatenate3A_926, %dot_general3A_927 {dimension_numbers = #tpu.dot_dimension_numbers<[1], [0], [0], [1], [0, 0, 1, 1], [], []>, transpose_lhs_hint = false} : vector<64x128xf32>, vector<128x128xf32>, vector<64x128xf32> -> vector<64x128xf32>
    %slice3A_929 = vector.extract_strided_slice %get3A_85 {offsets = [64, 0], sizes = [64, 64], strides = [1, 1]} : vector<128x64xf32> to vector<64x64xf32>
    %broadcast_in_dim3A_930 = arith.constant 0.000000e+00 : f32
    %broadcast_in_dim3A_931 = vector.broadcast %broadcast_in_dim3A_930 : f32 to vector<64x64xf32>
    %concatenate3A_932 = tpu.concatenate %slice3A_929, %broadcast_in_dim3A_931 in 1 : vector<64x64xf32>, vector<64x64xf32> -> vector<64x128xf32>
    %concatenate3A_933 = tpu.concatenate %broadcast_in_dim3A_931, %slice3A_929 in 1 : vector<64x64xf32>, vector<64x64xf32> -> vector<64x128xf32>
    %concatenate3A_934 = tpu.concatenate %concatenate3A_932, %concatenate3A_933 in 0 : vector<64x128xf32>, vector<64x128xf32> -> vector<128x128xf32>
    %dot_general3A_935 = arith.constant dense<0.000000e+00> : vector<64x128xf32>
    %dot_general3A_936 = tpu.matmul %mul3A_920, %concatenate3A_934, %dot_general3A_935 {dimension_numbers = #tpu.dot_dimension_numbers<[1], [0], [0], [1], [0, 0, 1, 1], [], []>, transpose_lhs_hint = false} : vector<64x128xf32>, vector<128x128xf32>, vector<64x128xf32> -> vector<64x128xf32>
    %add3A_937 = arith.addf %dot_general3A_928, %dot_general3A_936 : vector<64x128xf32>
    %concatenate3A_938 = tpu.concatenate %get3A_88, %get3A_88 in 1 : vector<1x64xf32>, vector<1x64xf32> -> vector<1x128xf32>
    %add3A_939 = vector.broadcast %concatenate3A_938 : vector<1x128xf32> to vector<64x128xf32>
    %add3A_940 = arith.addf %add3A_937, %add3A_939 : vector<64x128xf32>
    %neg3A_941 = arith.constant 0.000000e+00 : f32
    %neg3A_942 = vector.broadcast %neg3A_941 : f32 to vector<64x128xf32>
    %neg3A_943 = arith.subf %neg3A_942, %add3A_940 : vector<64x128xf32>
    %exp3A_944 = math.exp %neg3A_943 : vector<64x128xf32>
    %add3A_945 = arith.constant 1.000000e+00 : f32
    %add3A_946 = vector.broadcast %add3A_945 : f32 to vector<64x128xf32>
    %add3A_947 = arith.addf %add3A_946, %exp3A_944 : vector<64x128xf32>
    %div3A_948 = arith.constant 1.000000e+00 : f32
    %div3A_949 = vector.broadcast %div3A_948 : f32 to vector<64x128xf32>
    %div3A_950 = arith.divf %div3A_949, %add3A_947 : vector<64x128xf32>
    %slice3A_951 = vector.extract_strided_slice %get3A_91 {offsets = [0, 0], sizes = [64, 64], strides = [1, 1]} : vector<128x64xf32> to vector<64x64xf32>
    %broadcast_in_dim3A_952 = arith.constant 0.000000e+00 : f32
    %broadcast_in_dim3A_953 = vector.broadcast %broadcast_in_dim3A_952 : f32 to vector<64x64xf32>
    %concatenate3A_954 = tpu.concatenate %slice3A_951, %broadcast_in_dim3A_953 in 1 : vector<64x64xf32>, vector<64x64xf32> -> vector<64x128xf32>
    %concatenate3A_955 = tpu.concatenate %broadcast_in_dim3A_953, %slice3A_951 in 1 : vector<64x64xf32>, vector<64x64xf32> -> vector<64x128xf32>
    %concatenate3A_956 = tpu.concatenate %concatenate3A_954, %concatenate3A_955 in 0 : vector<64x128xf32>, vector<64x128xf32> -> vector<128x128xf32>
    %dot_general3A_957 = arith.constant dense<0.000000e+00> : vector<64x128xf32>
    %dot_general3A_958 = tpu.matmul %max3A_748, %concatenate3A_956, %dot_general3A_957 {dimension_numbers = #tpu.dot_dimension_numbers<[1], [0], [0], [1], [0, 0, 1, 1], [], []>, transpose_lhs_hint = false} : vector<64x128xf32>, vector<128x128xf32>, vector<64x128xf32> -> vector<64x128xf32>
    %slice3A_959 = vector.extract_strided_slice %get3A_91 {offsets = [64, 0], sizes = [64, 64], strides = [1, 1]} : vector<128x64xf32> to vector<64x64xf32>
    %broadcast_in_dim3A_960 = arith.constant 0.000000e+00 : f32
    %broadcast_in_dim3A_961 = vector.broadcast %broadcast_in_dim3A_960 : f32 to vector<64x64xf32>
    %concatenate3A_962 = tpu.concatenate %slice3A_959, %broadcast_in_dim3A_961 in 1 : vector<64x64xf32>, vector<64x64xf32> -> vector<64x128xf32>
    %concatenate3A_963 = tpu.concatenate %broadcast_in_dim3A_961, %slice3A_959 in 1 : vector<64x64xf32>, vector<64x64xf32> -> vector<64x128xf32>
    %concatenate3A_964 = tpu.concatenate %concatenate3A_962, %concatenate3A_963 in 0 : vector<64x128xf32>, vector<64x128xf32> -> vector<128x128xf32>
    %dot_general3A_965 = arith.constant dense<0.000000e+00> : vector<64x128xf32>
    %dot_general3A_966 = tpu.matmul %mul3A_920, %concatenate3A_964, %dot_general3A_965 {dimension_numbers = #tpu.dot_dimension_numbers<[1], [0], [0], [1], [0, 0, 1, 1], [], []>, transpose_lhs_hint = false} : vector<64x128xf32>, vector<128x128xf32>, vector<64x128xf32> -> vector<64x128xf32>
    %add3A_967 = arith.addf %dot_general3A_958, %dot_general3A_966 : vector<64x128xf32>
    %concatenate3A_968 = tpu.concatenate %get3A_94, %get3A_94 in 1 : vector<1x64xf32>, vector<1x64xf32> -> vector<1x128xf32>
    %add3A_969 = vector.broadcast %concatenate3A_968 : vector<1x128xf32> to vector<64x128xf32>
    %add3A_970 = arith.addf %add3A_967, %add3A_969 : vector<64x128xf32>
    %neg3A_971 = arith.constant 0.000000e+00 : f32
    %neg3A_972 = vector.broadcast %neg3A_971 : f32 to vector<64x128xf32>
    %neg3A_973 = arith.subf %neg3A_972, %add3A_970 : vector<64x128xf32>
    %exp3A_974 = math.exp %neg3A_973 : vector<64x128xf32>
    %add3A_975 = arith.constant 1.000000e+00 : f32
    %add3A_976 = vector.broadcast %add3A_975 : f32 to vector<64x128xf32>
    %add3A_977 = arith.addf %add3A_976, %exp3A_974 : vector<64x128xf32>
    %div3A_978 = arith.constant 1.000000e+00 : f32
    %div3A_979 = vector.broadcast %div3A_978 : f32 to vector<64x128xf32>
    %div3A_980 = arith.divf %div3A_979, %add3A_977 : vector<64x128xf32>
    %sub3A_981 = arith.constant 1.000000e+00 : f32
    %sub3A_982 = vector.broadcast %sub3A_981 : f32 to vector<64x128xf32>
    %sub3A_983 = arith.subf %sub3A_982, %div3A_980 : vector<64x128xf32>
    %mul3A_984 = arith.mulf %max3A_748, %sub3A_983 : vector<64x128xf32>
    %mul3A_985 = arith.mulf %mul3A_920, %div3A_950 : vector<64x128xf32>
    %add3A_986 = arith.addf %mul3A_984, %mul3A_985 : vector<64x128xf32>
    %slice3A_987 = vector.extract_strided_slice %get3A_97 {offsets = [0, 0], sizes = [1, 64], strides = [1, 1]} : vector<1x128xf32> to vector<1x64xf32>
    %slice3A_988 = vector.extract_strided_slice %get3A_97 {offsets = [0, 64], sizes = [1, 64], strides = [1, 1]} : vector<1x128xf32> to vector<1x64xf32>
    %squeeze3A = vector.extract %get3A_100[0, 0] : f32 from vector<1x1xf32>
    %get3A_989 = arith.constant 0 : index
    %get3A_990 = arith.constant 0 : index
    %get3A_991 = vector.load %arg17[%get3A_989, %get3A_990] : memref<1x1xf32, #tpu.memory_space<vmem>>, vector<1x1xf32>
    %get3A_992 = vector.extract %get3A_991[0, 0] : f32 from vector<1x1xf32>
    %add3A_993 = arith.addf %squeeze3A, %get3A_992 : f32
    %slice3A_994 = vector.extract_strided_slice %add3A_986 {offsets = [0, 0], sizes = [64, 64], strides = [1, 1]} : vector<64x128xf32> to vector<64x64xf32>
    %mul3A_995 = vector.broadcast %slice3A_987 : vector<1x64xf32> to vector<64x64xf32>
    %mul3A_996 = arith.mulf %slice3A_994, %mul3A_995 : vector<64x64xf32>
    %reduce_sum3A_997 = arith.constant dense<0.000000e+00> : vector<64xf32>
    %reduce_sum3A_998 = vector.multi_reduction <add>, %mul3A_996, %reduce_sum3A_997 [1] : vector<64x64xf32> to vector<64xf32>
    %slice3A_999 = vector.extract_strided_slice %add3A_507 {offsets = [0, 0], sizes = [64, 64], strides = [1, 1]} : vector<64x128xf32> to vector<64x64xf32>
    %mul3A_1000 = vector.broadcast %slice3A_988 : vector<1x64xf32> to vector<64x64xf32>
    %mul3A_1001 = arith.mulf %slice3A_999, %mul3A_1000 : vector<64x64xf32>
    %reduce_sum3A_1002 = arith.constant dense<0.000000e+00> : vector<64xf32>
    %reduce_sum3A_1003 = vector.multi_reduction <add>, %mul3A_1001, %reduce_sum3A_1002 [1] : vector<64x64xf32> to vector<64xf32>
    %add3A_1004 = arith.addf %reduce_sum3A_998, %reduce_sum3A_1003 : vector<64xf32>
    %get3A_1005 = arith.constant 0 : index
    %get3A_1006 = arith.constant 0 : index
    %get3A_1007 = vector.load %arg7[%get3A_1005, %get3A_1006] : memref<64x2xf32, #tpu.memory_space<vmem>>, vector<64x1xf32>
    %get3A_1008 = vector.shape_cast %get3A_1007 : vector<64x1xf32> to vector<64xf32>
    %add3A_1009 = arith.addf %add3A_1004, %get3A_1008 : vector<64xf32>
    %get3A_1010 = arith.constant 0 : index
    %get3A_1011 = arith.constant 0 : index
    %get3A_1012 = vector.load %arg8[%get3A_1010, %get3A_1011] : memref<64x2xf32, #tpu.memory_space<vmem>>, vector<64x1xf32>
    %get3A_1013 = vector.shape_cast %get3A_1012 : vector<64x1xf32> to vector<64xf32>
    %add3A_1014 = arith.addf %add3A_1009, %get3A_1013 : vector<64xf32>
    %add3A_1015 = vector.broadcast %add3A_993 : f32 to vector<64xf32>
    %add3A_1016 = arith.addf %add3A_1014, %add3A_1015 : vector<64xf32>
    %slice3A_1017 = vector.extract_strided_slice %add3A_986 {offsets = [0, 64], sizes = [64, 64], strides = [1, 1]} : vector<64x128xf32> to vector<64x64xf32>
    %mul3A_1018 = vector.broadcast %slice3A_987 : vector<1x64xf32> to vector<64x64xf32>
    %mul3A_1019 = arith.mulf %slice3A_1017, %mul3A_1018 : vector<64x64xf32>
    %reduce_sum3A_1020 = arith.constant dense<0.000000e+00> : vector<64xf32>
    %reduce_sum3A_1021 = vector.multi_reduction <add>, %mul3A_1019, %reduce_sum3A_1020 [1] : vector<64x64xf32> to vector<64xf32>
    %slice3A_1022 = vector.extract_strided_slice %add3A_507 {offsets = [0, 64], sizes = [64, 64], strides = [1, 1]} : vector<64x128xf32> to vector<64x64xf32>
    %mul3A_1023 = vector.broadcast %slice3A_988 : vector<1x64xf32> to vector<64x64xf32>
    %mul3A_1024 = arith.mulf %slice3A_1022, %mul3A_1023 : vector<64x64xf32>
    %reduce_sum3A_1025 = arith.constant dense<0.000000e+00> : vector<64xf32>
    %reduce_sum3A_1026 = vector.multi_reduction <add>, %mul3A_1024, %reduce_sum3A_1025 [1] : vector<64x64xf32> to vector<64xf32>
    %add3A_1027 = arith.addf %reduce_sum3A_1021, %reduce_sum3A_1026 : vector<64xf32>
    %get3A_1028 = arith.constant 0 : index
    %get3A_1029 = arith.constant 1 : index
    %get3A_1030 = vector.load %arg7[%get3A_1028, %get3A_1029] : memref<64x2xf32, #tpu.memory_space<vmem>>, vector<64x1xf32>
    %get3A_1031 = vector.shape_cast %get3A_1030 : vector<64x1xf32> to vector<64xf32>
    %add3A_1032 = arith.addf %add3A_1027, %get3A_1031 : vector<64xf32>
    %get3A_1033 = arith.constant 0 : index
    %get3A_1034 = arith.constant 1 : index
    %get3A_1035 = vector.load %arg8[%get3A_1033, %get3A_1034] : memref<64x2xf32, #tpu.memory_space<vmem>>, vector<64x1xf32>
    %get3A_1036 = vector.shape_cast %get3A_1035 : vector<64x1xf32> to vector<64xf32>
    %add3A_1037 = arith.addf %add3A_1032, %get3A_1036 : vector<64xf32>
    %add3A_1038 = vector.broadcast %add3A_993 : f32 to vector<64xf32>
    %add3A_1039 = arith.addf %add3A_1037, %add3A_1038 : vector<64xf32>
    %stack3A = vector.shape_cast %add3A_1016 : vector<64xf32> to vector<64x1xf32>
    %stack3A_1040 = vector.shape_cast %add3A_1039 : vector<64xf32> to vector<64x1xf32>
    %stack3A_1041 = tpu.concatenate %stack3A, %stack3A_1040 in 1 : vector<64x1xf32>, vector<64x1xf32> -> vector<64x2xf32>
    %swap3A = arith.constant 0 : index
    %swap3A_1042 = arith.constant 0 : index
    %swap3A_1043 = vector.load %arg52[%swap3A, %swap3A_1042] : memref<64x2xf32, #tpu.memory_space<vmem>>, vector<64x2xf32>
    tpu.vector_store %arg52[%swap3A, %swap3A_1042], %stack3A_1041 {strides = array<i32>} : memref<64x2xf32, #tpu.memory_space<vmem>>, vector<64x2xf32>,
    return
  }
  func.func @transform_0(%arg0: i32) -> (i32, i32) {
    %c0_i32 = arith.constant 0 : i32
    %c0_i32_0 = arith.constant 0 : i32
    return %arg0, %c0_i32 : i32, i32
  }
  func.func @transform_1(%arg0: i32) -> (i32, i32, i32) {
    %c0_i32 = arith.constant 0 : i32
    %c0_i32_0 = arith.constant 0 : i32
    %c0_i32_1 = arith.constant 0 : i32
    return %c0_i32, %arg0, %c0_i32_0 : i32, i32, i32
  }
  func.func @transform_2(%arg0: i32) -> (i32, i32, i32) {
    %c0_i32 = arith.constant 0 : i32
    %c0_i32_0 = arith.constant 0 : i32
    %c0_i32_1 = arith.constant 0 : i32
    return %c0_i32, %arg0, %c0_i32_0 : i32, i32, i32
  }
  func.func @transform_3(%arg0: i32) -> (i32, i32) {
    %c0_i32 = arith.constant 0 : i32
    %c0_i32_0 = arith.constant 0 : i32
    return %arg0, %c0_i32 : i32, i32
  }
  func.func @transform_4(%arg0: i32) -> (i32, i32, i32, i32) {
    %c0_i32 = arith.constant 0 : i32
    %c0_i32_0 = arith.constant 0 : i32
    %c0_i32_1 = arith.constant 0 : i32
    %c0_i32_2 = arith.constant 0 : i32
    return %c0_i32, %c0_i32_0, %arg0, %c0_i32_1 : i32, i32, i32, i32
  }
  func.func @transform_5(%arg0: i32) -> (i32, i32, i32) {
    %c0_i32 = arith.constant 0 : i32
    %c0_i32_0 = arith.constant 0 : i32
    %c0_i32_1 = arith.constant 0 : i32
    return %c0_i32, %arg0, %c0_i32_0 : i32, i32, i32
  }
  func.func @transform_6(%arg0: i32) -> (i32, i32) {
    %c0_i32 = arith.constant 0 : i32
    %c0_i32_0 = arith.constant 0 : i32
    return %arg0, %c0_i32 : i32, i32
  }
  func.func @transform_7(%arg0: i32) -> (i32, i32) {
    %c0_i32 = arith.constant 0 : i32
    %c0_i32_0 = arith.constant 0 : i32
    return %arg0, %c0_i32 : i32, i32
  }
  func.func @transform_8(%arg0: i32) -> (i32, i32) {
    %c0_i32 = arith.constant 0 : i32
    %c0_i32_0 = arith.constant 0 : i32
    return %arg0, %c0_i32 : i32, i32
  }
  func.func @transform_9(%arg0: i32) -> (i32, i32, i32) {
    %c0_i32 = arith.constant 0 : i32
    %c0_i32_0 = arith.constant 0 : i32
    %c0_i32_1 = arith.constant 0 : i32
    return %c0_i32, %arg0, %c0_i32_0 : i32, i32, i32
  }
  func.func @transform_10(%arg0: i32) -> (i32, i32) {
    %c0_i32 = arith.constant 0 : i32
    %c0_i32_0 = arith.constant 0 : i32
    return %arg0, %c0_i32 : i32, i32
  }
  func.func @transform_11(%arg0: i32) -> (i32, i32, i32) {
    %c0_i32 = arith.constant 0 : i32
    %c0_i32_0 = arith.constant 0 : i32
    %c0_i32_1 = arith.constant 0 : i32
    return %c0_i32, %arg0, %c0_i32_0 : i32, i32, i32
  }
  func.func @transform_12(%arg0: i32) -> (i32, i32) {
    %c0_i32 = arith.constant 0 : i32
    %c0_i32_0 = arith.constant 0 : i32
    %c0_i32_1 = arith.constant 0 : i32
    return %c0_i32, %c0_i32_0 : i32, i32
  }
  func.func @transform_13(%arg0: i32) -> (i32, i32) {
    %c0_i32 = arith.constant 0 : i32
    %c0_i32_0 = arith.constant 0 : i32
    %c0_i32_1 = arith.constant 0 : i32
    return %c0_i32, %c0_i32_0 : i32, i32
  }
  func.func @transform_14(%arg0: i32) -> (i32, i32) {
    %c0_i32 = arith.constant 0 : i32
    %c0_i32_0 = arith.constant 0 : i32
    %c0_i32_1 = arith.constant 0 : i32
    return %c0_i32, %c0_i32_0 : i32, i32
  }
  func.func @transform_15(%arg0: i32) -> (i32, i32) {
    %c0_i32 = arith.constant 0 : i32
    %c0_i32_0 = arith.constant 0 : i32
    %c0_i32_1 = arith.constant 0 : i32
    return %c0_i32, %c0_i32_0 : i32, i32
  }
  func.func @transform_16(%arg0: i32) -> (i32, i32) {
    %c0_i32 = arith.constant 0 : i32
    %c0_i32_0 = arith.constant 0 : i32
    %c0_i32_1 = arith.constant 0 : i32
    return %c0_i32, %c0_i32_0 : i32, i32
  }
  func.func @transform_17(%arg0: i32) -> (i32, i32) {
    %c0_i32 = arith.constant 0 : i32
    %c0_i32_0 = arith.constant 0 : i32
    %c0_i32_1 = arith.constant 0 : i32
    return %c0_i32, %c0_i32_0 : i32, i32
  }
  func.func @transform_18(%arg0: i32) -> (i32, i32) {
    %c0_i32 = arith.constant 0 : i32
    %c0_i32_0 = arith.constant 0 : i32
    %c0_i32_1 = arith.constant 0 : i32
    return %c0_i32, %c0_i32_0 : i32, i32
  }
  func.func @transform_19(%arg0: i32) -> (i32, i32) {
    %c0_i32 = arith.constant 0 : i32
    %c0_i32_0 = arith.constant 0 : i32
    %c0_i32_1 = arith.constant 0 : i32
    return %c0_i32, %c0_i32_0 : i32, i32
  }
  func.func @transform_20(%arg0: i32) -> (i32, i32) {
    %c0_i32 = arith.constant 0 : i32
    %c0_i32_0 = arith.constant 0 : i32
    %c0_i32_1 = arith.constant 0 : i32
    return %c0_i32, %c0_i32_0 : i32, i32
  }
  func.func @transform_21(%arg0: i32) -> (i32, i32) {
    %c0_i32 = arith.constant 0 : i32
    %c0_i32_0 = arith.constant 0 : i32
    %c0_i32_1 = arith.constant 0 : i32
    return %c0_i32, %c0_i32_0 : i32, i32
  }
  func.func @transform_22(%arg0: i32) -> (i32, i32) {
    %c0_i32 = arith.constant 0 : i32
    %c0_i32_0 = arith.constant 0 : i32
    %c0_i32_1 = arith.constant 0 : i32
    return %c0_i32, %c0_i32_0 : i32, i32
  }
  func.func @transform_23(%arg0: i32) -> (i32, i32) {
    %c0_i32 = arith.constant 0 : i32
    %c0_i32_0 = arith.constant 0 : i32
    %c0_i32_1 = arith.constant 0 : i32
    return %c0_i32, %c0_i32_0 : i32, i32
  }
  func.func @transform_24(%arg0: i32) -> (i32, i32) {
    %c0_i32 = arith.constant 0 : i32
    %c0_i32_0 = arith.constant 0 : i32
    %c0_i32_1 = arith.constant 0 : i32
    return %c0_i32, %c0_i32_0 : i32, i32
  }
  func.func @transform_25(%arg0: i32) -> (i32, i32) {
    %c0_i32 = arith.constant 0 : i32
    %c0_i32_0 = arith.constant 0 : i32
    %c0_i32_1 = arith.constant 0 : i32
    return %c0_i32, %c0_i32_0 : i32, i32
  }
  func.func @transform_26(%arg0: i32) -> (i32, i32) {
    %c0_i32 = arith.constant 0 : i32
    %c0_i32_0 = arith.constant 0 : i32
    %c0_i32_1 = arith.constant 0 : i32
    return %c0_i32, %c0_i32_0 : i32, i32
  }
  func.func @transform_27(%arg0: i32) -> (i32, i32) {
    %c0_i32 = arith.constant 0 : i32
    %c0_i32_0 = arith.constant 0 : i32
    %c0_i32_1 = arith.constant 0 : i32
    return %c0_i32, %c0_i32_0 : i32, i32
  }
  func.func @transform_28(%arg0: i32) -> (i32, i32) {
    %c0_i32 = arith.constant 0 : i32
    %c0_i32_0 = arith.constant 0 : i32
    %c0_i32_1 = arith.constant 0 : i32
    return %c0_i32, %c0_i32_0 : i32, i32
  }
  func.func @transform_29(%arg0: i32) -> (i32, i32) {
    %c0_i32 = arith.constant 0 : i32
    %c0_i32_0 = arith.constant 0 : i32
    %c0_i32_1 = arith.constant 0 : i32
    return %c0_i32, %c0_i32_0 : i32, i32
  }
  func.func @transform_30(%arg0: i32) -> (i32, i32) {
    %c0_i32 = arith.constant 0 : i32
    %c0_i32_0 = arith.constant 0 : i32
    %c0_i32_1 = arith.constant 0 : i32
    return %c0_i32, %c0_i32_0 : i32, i32
  }
  func.func @transform_31(%arg0: i32) -> (i32, i32) {
    %c0_i32 = arith.constant 0 : i32
    %c0_i32_0 = arith.constant 0 : i32
    %c0_i32_1 = arith.constant 0 : i32
    return %c0_i32, %c0_i32_0 : i32, i32
  }
  func.func @transform_32(%arg0: i32) -> (i32, i32) {
    %c0_i32 = arith.constant 0 : i32
    %c0_i32_0 = arith.constant 0 : i32
    %c0_i32_1 = arith.constant 0 : i32
    return %c0_i32, %c0_i32_0 : i32, i32
  }
  func.func @transform_33(%arg0: i32) -> (i32, i32) {
    %c0_i32 = arith.constant 0 : i32
    %c0_i32_0 = arith.constant 0 : i32
    %c0_i32_1 = arith.constant 0 : i32
    return %c0_i32, %c0_i32_0 : i32, i32
  }
  func.func @transform_34(%arg0: i32) -> (i32, i32) {
    %c0_i32 = arith.constant 0 : i32
    %c0_i32_0 = arith.constant 0 : i32
    %c0_i32_1 = arith.constant 0 : i32
    return %c0_i32, %c0_i32_0 : i32, i32
  }
  func.func @transform_35(%arg0: i32) -> (i32, i32) {
    %c0_i32 = arith.constant 0 : i32
    %c0_i32_0 = arith.constant 0 : i32
    %c0_i32_1 = arith.constant 0 : i32
    return %c0_i32, %c0_i32_0 : i32, i32
  }
  func.func @transform_36(%arg0: i32) -> (i32, i32) {
    %c0_i32 = arith.constant 0 : i32
    %c0_i32_0 = arith.constant 0 : i32
    %c0_i32_1 = arith.constant 0 : i32
    return %c0_i32, %c0_i32_0 : i32, i32
  }
  func.func @transform_37(%arg0: i32) -> (i32, i32) {
    %c0_i32 = arith.constant 0 : i32
    %c0_i32_0 = arith.constant 0 : i32
    %c0_i32_1 = arith.constant 0 : i32
    return %c0_i32, %c0_i32_0 : i32, i32
  }
  func.func @transform_38(%arg0: i32) -> (i32, i32) {
    %c0_i32 = arith.constant 0 : i32
    %c0_i32_0 = arith.constant 0 : i32
    %c0_i32_1 = arith.constant 0 : i32
    return %c0_i32, %c0_i32_0 : i32, i32
  }
  func.func @transform_39(%arg0: i32) -> (i32, i32) {
    %c0_i32 = arith.constant 0 : i32
    %c0_i32_0 = arith.constant 0 : i32
    %c0_i32_1 = arith.constant 0 : i32
    return %c0_i32, %c0_i32_0 : i32, i32
  }
  func.func @transform_40(%arg0: i32) -> (i32, i32) {
    %c0_i32 = arith.constant 0 : i32
    %c0_i32_0 = arith.constant 0 : i32
    %c0_i32_1 = arith.constant 0 : i32
    return %c0_i32, %c0_i32_0 : i32, i32
  }
  func.func @transform_41(%arg0: i32) -> (i32, i32) {
    %c0_i32 = arith.constant 0 : i32
    %c0_i32_0 = arith.constant 0 : i32
    %c0_i32_1 = arith.constant 0 : i32
    return %c0_i32, %c0_i32_0 : i32, i32
  }
  func.func @transform_42(%arg0: i32) -> (i32, i32) {
    %c0_i32 = arith.constant 0 : i32
    %c0_i32_0 = arith.constant 0 : i32
    %c0_i32_1 = arith.constant 0 : i32
    return %c0_i32, %c0_i32_0 : i32, i32
  }
  func.func @transform_43(%arg0: i32) -> (i32, i32) {
    %c0_i32 = arith.constant 0 : i32
    %c0_i32_0 = arith.constant 0 : i32
    %c0_i32_1 = arith.constant 0 : i32
    return %c0_i32, %c0_i32_0 : i32, i32
  }
  func.func @transform_44(%arg0: i32) -> (i32, i32) {
    %c0_i32 = arith.constant 0 : i32
    %c0_i32_0 = arith.constant 0 : i32
    %c0_i32_1 = arith.constant 0 : i32
    return %c0_i32, %c0_i32_0 : i32, i32
  }
  func.func @transform_45(%arg0: i32) -> (i32, i32) {
    %c0_i32 = arith.constant 0 : i32
    %c0_i32_0 = arith.constant 0 : i32
    %c0_i32_1 = arith.constant 0 : i32
    return %c0_i32, %c0_i32_0 : i32, i32
  }
  func.func @transform_46(%arg0: i32) -> (i32, i32) {
    %c0_i32 = arith.constant 0 : i32
    %c0_i32_0 = arith.constant 0 : i32
    %c0_i32_1 = arith.constant 0 : i32
    return %c0_i32, %c0_i32_0 : i32, i32
  }
  func.func @transform_47(%arg0: i32) -> (i32, i32) {
    %c0_i32 = arith.constant 0 : i32
    %c0_i32_0 = arith.constant 0 : i32
    %c0_i32_1 = arith.constant 0 : i32
    return %c0_i32, %c0_i32_0 : i32, i32
  }
  func.func @transform_48(%arg0: i32) -> (i32, i32) {
    %c0_i32 = arith.constant 0 : i32
    %c0_i32_0 = arith.constant 0 : i32
    %c0_i32_1 = arith.constant 0 : i32
    return %c0_i32, %c0_i32_0 : i32, i32
  }
  func.func @transform_49(%arg0: i32) -> (i32, i32) {
    %c0_i32 = arith.constant 0 : i32
    %c0_i32_0 = arith.constant 0 : i32
    %c0_i32_1 = arith.constant 0 : i32
    return %c0_i32, %c0_i32_0 : i32, i32
  }
  func.func @transform_50(%arg0: i32) -> (i32, i32) {
    %c0_i32 = arith.constant 0 : i32
    %c0_i32_0 = arith.constant 0 : i32
    %c0_i32_1 = arith.constant 0 : i32
    return %c0_i32, %c0_i32_0 : i32, i32
  }
  func.func @transform_51(%arg0: i32) -> (i32, i32) {
    %c0_i32 = arith.constant 0 : i32
    %c0_i32_0 = arith.constant 0 : i32
    return %arg0, %c0_i32 : i32, i32
  }
}

</mosaic_0001>

<sc_bundles>
// kernel: kernel.4.cloned.1.call-start
scs
__scs_entry_jumppad:
0x0: {  	(pc) =	sbr.rel $0x88, $3  }
0x1: {  	(tag) =	ssettag $0x0;
	lr =	simm.s32 $0x1  }
0x2: {  	[smem:$0x3F62] =	sst lr;
	_ =	strace $0xD0000000  }
0x3: {  	_ = 	snop  }
0x4: {  	_ = 	snop  }
0x5: {  	_ = 	snop  }
0x6: {  	_ = 	snop  }
0x7: {  	_ = 	snop  }
__scs_overlays_trampoline_lowered:
0x8: {  	[smem:$0x3F71] =	sst s0  }
0x9: {  	[smem:$0x3F72] =	sst s1  }
0xa: {  	[smem:$0x3F73] =	sst s2  }
0xb: {  	[smem:$0x3F74] =	sst s3  }
0xc: {  	[smem:$0x3F75] =	sst s4  }
0xd: {  	[smem:$0x3F76] =	sst s5  }
0xe: {  	[smem:$0x3F77] =	sst s6  }
0xf: {  	[smem:$0x3F78] =	sst s7  }
0x10: {  	[smem:$0x3F79] =	sst s8  }
0x11: {  	[smem:$0x3F7A] =	sst s9;
	s0 =	simm.s32 @!p0 $0x0  }
0x12: {  	s1 =	sld [smem:$0x3F60];
	s0 =	simm.s32 @p0 $0x1  }
0x13: {  	[smem:$0x3F7B] =	sst s0;
	s0 =	simm.s32 @!p1 $0x0  }
0x14: {  	s2 =	sld [smem:$0x3F5F];
	s0 =	simm.s32 @p1 $0x1  }
0x15: {  	[smem:$0x3F7C] =	sst s0;
	s0 =	simm.s32 @!p2 $0x0  }
0x16: {  	s3 =	sld [smem:$0x3FDB];
	s0 =	simm.s32 @p2 $0x1  }
0x17: {  	s4 =	simm.s32 $0x1BF5;
	[smem:$0x3F7E] =	sst s0  }
0x18: {  	s0 =	sld [smem:$0x3F61];
	_ =	swait.ge [sflag:s4], $0x0  }
0x19: {  	s7 =	sld [smem:$0x3F62]  }
0x1a: {  	s8 =	sadd.s32 $0xFFFFE003, lr  }
0x1b: {  	s9 =	sadd.s32 $0xFFFFFEF7, lr;
	s5 =	simm.s32 $0xFFFFFFFF;
	p2 =	slt.u32 s8, $0xFFFFF086  }
0x1c: {  	p1 =	slt.u32 s9, $0xF7A;
	s5 =	simm.s32 @!p2 $0x0  }
0x1d: {  	s5 =	simm.s32 @p1 $0x1;
	p0 =	seq.s32 s7, s2  }
0x1e: {  	s7 =	smul.u32 @!p0 $0xF7A, s2;
	p2 =	seq.s32 @!p0 s5, $0x0  }
0x1f: {  	s9 =	smul.u32 $0xF7A, s1;
	s8 =	simm.s32 @!p0 $0x1BF5;
	p2 =	por !p2, p0  }
0x20: {  	[sflag:s8] =	ssyncset.s32 @!p0 $0xFFFFF086;
	s6 =	sadd.s32 @!p0 s3, s7;
	s7 =	simm.s32 @!p0 $0x108  }
0x21: {  	s3 =	sadd.s32 s3, s9;
	s6 =	sadd.s32 @!p0 $0x88, s6;
	s7 =	simm.s32 @p2 $0x1082  }
0x22: {  	[simem:s7], [sflag:s8] =	dma.local @!p0 [hbm:s6], $0xF7A  }
0x23: {  	s9 =	sor.u32 $0xD0000000, s2;
	s6 =	simm.s32 $0x108;
	_ =	swait.ge @!p0 [sflag:s8], $0x0  }
0x24: {  	s3 =	sadd.s32 $0x88, s3;
	s6 =	simm.s32 @!p1 $0x1082;
	[sflag:s4] =	ssyncset.s32 $0xFFFFF086  }
0x25: {  	[simem:s6], [sflag:s4] =	dma.local [hbm:s3], $0xF7A  }
0x26: {  	[smem:$0x3F62] =	sst s1;
	(tag) =	ssettag s2;
	_ =	strace s9  }
0x27: {  	s1 =	sld [smem:$0x3F72]  }
0x28: {  	s2 =	sld [smem:$0x3F73]  }
0x29: {  	s4 =	sld [smem:$0x3F75]  }
0x2a: {  	p0 =	seq.s32 s5, $0x0;
	s5 =	sld [smem:$0x3F76]  }
0x2b: {  	s6 =	sld [smem:$0x3F77]  }
0x2c: {  	s7 =	sld [smem:$0x3F78]  }
0x2d: {  	s3 =	simm.s32 $0x108;
	s8 =	sld [smem:$0x3F79]  }
0x2e: {  	s3 =	simm.s32 @!p0 $0x1082;
	s9 =	sld [smem:$0x3F7A]  }
0x2f: {  	lr =	sadd.s32 s0, s3;
	s0 =	sld [smem:$0x3F71]  }
0x30: {  	s3 =	sld [smem:$0x3F74]  }
0x31: {  	[smem:$0x3F7D] =	sst s10  }
0x32: {  	s10 =	sld [smem:$0x3F7B];
	_ =	sdelay $0x3  }
0x33: {  	p0 =	seq.s32 s10, $0x1;
	s10 =	sld [smem:$0x3F7D];
	_ =	sdelay $0x3  }
0x34: {  	[smem:$0x3F7D] =	sst s10  }
0x35: {  	s10 =	sld [smem:$0x3F7C];
	_ =	sdelay $0x3  }
0x36: {  	p1 =	seq.s32 s10, $0x1;
	s10 =	sld [smem:$0x3F7D];
	_ =	sdelay $0x3  }
0x37: {  	[smem:$0x3F7D] =	sst s10  }
0x38: {  	s10 =	sld [smem:$0x3F7E]  }
0x39: {  	_ = 	snop;
	(pc) =	sbr.ind lr, $3  }
0x3a: {  	_ = 	snop  }
0x3b: {  	_ = 	snop  }
0x3c: {  	p2 =	seq.s32 s10, $0x1;
	s10 =	sld [smem:$0x3F7D]  }
0x3d: {  	_ =	shalt  }
0x3e: {  	_ =	shalt  }
0x3f: {  	_ =	shalt  }
0x40: {  	_ =	shalt  }
0x41: {  	_ =	shalt  }
0x42: {  	_ =	shalt  }
0x43: {  	_ =	shalt  }
0x44: {  	_ =	shalt  }
0x45: {  	_ =	shalt  }
0x46: {  	_ =	shalt  }
0x47: {  	_ =	shalt  }
0x48: {  	_ =	shalt  }
0x49: {  	_ =	shalt  }
0x4a: {  	_ =	shalt  }
0x4b: {  	_ =	shalt  }
0x4c: {  	_ =	shalt  }
0x4d: {  	_ =	shalt  }
0x4e: {  	_ =	shalt  }
0x4f: {  	_ =	shalt  }
0x50: {  	_ =	shalt  }
0x51: {  	_ =	shalt  }
0x52: {  	_ =	shalt  }
0x53: {  	_ =	shalt  }
0x54: {  	_ =	shalt  }
0x55: {  	_ =	shalt  }
0x56: {  	_ =	shalt  }
0x57: {  	_ =	shalt  }
0x58: {  	_ =	shalt  }
0x59: {  	_ =	shalt  }
0x5a: {  	_ =	shalt  }
0x5b: {  	_ =	shalt  }
0x5c: {  	_ =	shalt  }
0x5d: {  	_ =	shalt  }
0x5e: {  	_ =	shalt  }
0x5f: {  	_ =	shalt  }
0x60: {  	_ =	shalt  }
0x61: {  	_ =	shalt  }
0x62: {  	_ =	shalt  }
0x63: {  	_ =	shalt  }
0x64: {  	_ =	shalt  }
0x65: {  	_ =	shalt  }
0x66: {  	_ =	shalt  }
0x67: {  	_ =	shalt  }
0x68: {  	_ =	shalt  }
0x69: {  	_ =	shalt  }
0x6a: {  	_ =	shalt  }
0x6b: {  	_ =	shalt  }
0x6c: {  	_ =	shalt  }
0x6d: {  	_ =	shalt  }
0x6e: {  	_ =	shalt  }
0x6f: {  	_ =	shalt  }
0x70: {  	_ =	shalt  }
0x71: {  	_ =	shalt  }
0x72: {  	_ =	shalt  }
0x73: {  	_ =	shalt  }
0x74: {  	_ =	shalt  }
0x75: {  	_ =	shalt  }
0x76: {  	_ =	shalt  }
0x77: {  	_ =	shalt  }
0x78: {  	_ =	shalt  }
0x79: {  	_ =	shalt  }
0x7a: {  	_ =	shalt  }
0x7b: {  	_ =	shalt  }
0x7c: {  	_ =	shalt  }
0x7d: {  	_ =	shalt  }
0x7e: {  	_ =	shalt  }
0x7f: {  	_ =	shalt  }
0x80: {  	_ =	shalt  }
0x81: {  	_ =	shalt  }
0x82: {  	_ =	shalt  }
0x83: {  	_ =	shalt  }
0x84: {  	_ =	shalt  }
0x85: {  	_ =	shalt  }
0x86: {  	_ =	shalt  }
0x87: {  	_ =	shalt  }
.Lfunc_end0:
.L_simem_size_0:
called_computation.2_lowered:
.L_overlay_start_0:
0x88: {  	s2 =	sld [smem:$0x3FD9]  }
0x89: {  	s3 =	sld [smem:$0x3FFE];
	_ =	sdelay $0x1  }
0x8a: {  	s1 =	srdreg.scid  }
0x8b: {  	s0 =	sand.u32 $0x1, s1  }
0x8c: {  	s17 =	sshll.u32 s0, $0xA;
	s2 =	sadd.s32 s3, s2  }
0x8d: {  	s2 =	sadd.s32 s2, s17  }
0x8e: {  	[smem:$0x3F89] =	sst s2  }
0x8f: {  	_ = 	snop  }
0x90: {  	s2 =	sld [smem:$0x3F9A]  }
0x91: {  	s18 =	sld [smem:$0x3F99]  }
0x92: {  	s4 =	sld [smem:$0x3FD0];
	(tm) =	ssettm $0x1  }
0x93: {  	s5 =	sld [smem:$0x3FFB];
	_ =	sdelay $0x3  }
0x94: {  	_ =	strace s5  }
0x95: {  	s5 =	sld [smem:$0x3FFC];
	_ =	sdelay $0x3  }
0x96: {  	_ =	strace s5  }
0x97: {  	s5 =	sld [smem:$0x3FFD];
	_ =	sdelay $0x3  }
0x98: {  	_ =	strace s5  }
0x99: {  	_ =	strace $0x8FFFFFFF  }
0x9a: {  	s19 =	sld [smem:$0x3FDB];
	_ =	sdelay $0x1  }
0x9b: {  	s6 =	simm.s32 $_scs_section_size  }
0x9c: {  	s7 =	simm.s32 $_size__tile_overlayer_lowered;
	s8 =	simm.s32 $_tile_overlayer_lowered  }
0x9d: {  	s22 =	simm.s32 $0x1BFF;
	s21 =	sshll.u32 s8, $0x1;
	s5 =	sadd.s32 s6, s19  }
0x9e: {  	s9 =	simm.s32 $0x0;
	s20 =	sshll.u32 s7, $0x1;
	s7 =	sadd.s32 s21, s5  }
0x9f: {  	[timem:s9], [sflag:s22] =	dma.local [hbm:s7], s20  }
0xa0: {  	_ =	swait.ge [sflag:s22], s20  }
0xa1: {  	s6 =	ssub.s32 $0x0, s20;
	[sflag:s22] =	ssyncset.done $0x0  }
0xa2: {  	[sflag:s22] =	ssyncadd.s32 s6;
	_ =	sdelay $0x1  }
0xa3: {  	s23 =	simm.s32 $0x1B8B  }
0xa4: {  	_ =	swait.ge [sflag:s23], $0x1  }
0xa5: {  	[sflag:s23] =	ssyncset.done $0x0  }
0xa6: {  	s25 =	simm.s32 $0x1B8E;
	s24 =	sld [smem:$0x3FFE];
	[sflag:s23] =	ssyncadd.s32 $0xFFFFFFFF  }
0xa7: {  	s26 =	simm.s32 $execute0_lowered;
	[smem:$0x3FD2] =	sst s25  }
0xa8: {  	s7 =	sshll.u32 s26, $0x1;
	_ =	strace $0x8000004C;
	[dreg:$0x1] =	wrdreg $0xFFFFFFFF  }
0xa9: {  	s28 =	simm.s32 $_size_execute0_lowered;
	s5 =	sadd.s32 s5, s7;
	[dreg:$0x0] =	wrdreg $0x0  }
0xaa: {  	s7 =	sshll.u32 s28, $0x1;
	[dreg:$0x2] =	wrdreg s5  }
0xab: {  	[dreg:$0x3] =	wrdreg s7  }
0xac: {  	[dreg:$0x4] =	wrdreg $0xC0  }
0xad: {  	_ =	task [dreg:s9], $0x5FFFF  }
0xae: {  	[dreg:$0x1] =	wrdreg $0xFFFFFFFF  }
0xaf: {  	[dreg:$0x0] =	wrdreg $0x60  }
0xb0: {  	[dreg:$0x2] =	wrdreg s24  }
0xb1: {  	[dreg:$0x3] =	wrdreg s18  }
0xb2: {  	[dreg:$0x4] =	wrdreg s2  }
0xb3: {  	[dreg:$0x5] =	wrdreg s4  }
0xb4: {  	[dreg:$0x6] =	wrdreg $0x9  }
0xb5: {  	_ =	task.clear_ibuf [dreg:s9], $0x7FFFF;
	_ =	strace $0x9000004C  }
0xb6: {  	s29 =	simm.s32 $0x9;
	_ =	strace $0x8000004E  }
0xb7: {  	_ =	swait.ge [sflag:s29], $0x1  }
0xb8: {  	[sflag:s29] =	ssyncadd.s32 $0xFFFFFFFF  }
0xb9: {  	_ =	strace $0x9000004E  }
0xba: {  	_ =	sfence  }
0xbb: {  	s30 =	sld [smem:$0x0];
	_ =	sdelay $0x2  }
0xbc: {  	s31 =	sshll.u32 s1, $0xD;
	s1 =	sshrl.u32 s1, $0x2  }
0xbd: {  	s3 =	sand.u32 $0x4000, s31;
	s1 =	sadd.s32 s1, s30  }
0xbe: {  	s0 =	sor.u32 s3, s0;
	s1 =	sshll.u32 s1, $0x11  }
0xbf: {  	s0 =	sor.u32 s1, s0  }
0xc0: {  	s0 =	sadd.s32 $0x8F2B, s0  }
0xc1: {  	[sflag:s0] =	ssyncadd.remote.s32 $0x1  }
0xc2: {  	_ =	sfence.sel $0xFFFF  }
0xc3: {  	[dreg:$0x0] =	wrdreg $0xFFFFFFFF;
	(pc) =	sbr.abs _section_cstart, $3  }
0xc4: {  	[dreg:$0x1] =	wrdreg $0xFFFFFFFF  }
0xc5: {  	_ =	task.clear_ibuf [dreg:s9], $0x2FFFF;
	_ =	strace $0x9FFFFFFF  }
0xc6: {  	(tm) =	ssettm $0x7FFFFFFF  }
0xc7: {  	_ =	shalt  }
tec
execute0_lowered:
.L_overlay_start_1:
0x0: {  	(tag) =	ssettag $0x1  }
0x1: {  	s0 =	rddreg [dreg:$0x0]  }
0x2: {  	s1 =	rddreg [dreg:$0x1]  }
0x3: {  	s5 =	rddreg [dreg:$0x2]  }
0x4: {  	s2 =	simm.s32 $0x0;
	s3 =	srdreg.scid;
	s13 =	stileid.u32  }
0x5: {  	s7 =	sand.u32 $0x1, s3;
	s8 =	smul.u32 $0xA000, s13;
	s3 =	sadd.s32 $0x1E8DA00, s0  }
0x6: {  	[smem:$0x7FF] =	sst s2;
	s10 =	smul.u32 $0x1400, s13;
	s11 =	sadd.s32 $0x1F1FE00, s0  }
0x7: {  	s6 =	rddreg [dreg:$0x3];
	s19 =	sadd.s32 $0x1EE7400, s0;
	s20 =	sadd.s32 $0x1EC8A00, s0  }
0x8: {  	s4 =	sadd.s32 $0x9200, s0;
	s22 =	smul.u32 $0x50000, s13;
	s23 =	sadd.s32 $0x1F0AE00, s0  }
0x9: {  	s13 =	sshll.u32 s13, $0x1;
	s15 =	sadd.s32 $0x7AA600, s0;
	s30 =	sadd.s32 $0x7AAA00, s0  }
0xa: {  	_ =	strace $0x8000004D;
	s9 =	smul.u32 $0x5000, s7;
	[dreg:$0x5] =	wrdreg s11  }
0xb: {  	s18 =	smul.u32 $0xA00, s7;
	[dreg:$0x6] =	wrdreg s19;
	s13 =	sor.u32 s7, s13  }
0xc: {  	[dreg:$0x7] =	wrdreg s20;
	s14 =	sadd.s32 s22, s0;
	s24 =	sshll.u32 s13, $0xA  }
0xd: {  	s17 =	sshll.u32 s13, $0x4;
	s20 =	sshll.u32 s13, $0x7;
	s8 =	sadd.s32 s9, s8  }
0xe: {  	s9 =	sadd.s32 s18, s10;
	s16 =	sadd.s32 s24, s0;
	s18 =	ssub.s32 $0x2, s7  }
0xf: {  	s25 =	sadd.s32 s23, s20;
	s11 =	sadd.s32 s5, s17;
	s6 =	sadd.s32 s6, s17  }
0x10: {  	s20 =	smul.u32 $0x28000, s7;
	s22 =	sadd.s32 s17, s0;
	s7 =	simm.s32 $0x100  }
0x11: {  	s21 =	sshrl.u32 s8, $0x3;
	s9 =	sshrl.u32 s9, $0x3;
	[dreg:$0x8] =	wrdreg s25  }
0x12: {  	s8 =	sadd.s32 s8, s0;
	s19 =	sshrl.u32 s18, $0x1;
	[dreg:$0xa] =	wrdreg s6  }
0x13: {  	s5 =	sadd.s32 $0x7AA400, s22;
	s6 =	simm.s32 $0x2200;
	s12 =	sadd.s32 s21, s0  }
0x14: {  	s9 =	sadd.s32 s9, s0;
	s21 =	sor.u32 $0x200, s24;
	s18 =	ssub.s32 s18, s19  }
0x15: {  	[dreg:$0xd] =	wrdreg s5;
	s28 =	sadd.s32 $0xD9A600, s8;
	s26 =	sshrl.u32 s21, $0x3  }
0x16: {  	s21 =	sshll.u32 s21, $0x3;
	s29 =	smax.u32 s18, $0x1;
	s19 =	sadd.s32 $0x1F08600, s9  }
0x17: {  	s31 =	sadd.s32 $0x1F05E00, s9;
	s9 =	simm.s32 $0x180;
	s10 =	sadd.s32 s23, s26  }
0x18: {  	s23 =	sadd.s32 $0x7AAE00, s0;
	s0 =	sadd.s32 $0x7AB200, s0;
	s26 =	sadd.s32 s15, s21  }
0x19: {  	[dreg:$0x9] =	wrdreg s10;
	s10 =	sadd.s32 s1, s17;
	s1 =	sadd.s32 s20, s14  }
0x1a: {  	s14 =	sadd.s32 $0x7EA600, s16;
	s17 =	sadd.s32 $0x7F2600, s16;
	[dreg:$0x12] =	wrdreg s26  }
0x1b: {  	s20 =	sshll.u32 s13, $0xD;
	s22 =	sadd.s32 s21, s23;
	[dreg:$0xb] =	wrdreg s14  }
0x1c: {  	s26 =	sadd.s32 $0xCFA600, s8;
	[dreg:$0xc] =	wrdreg s17;
	s13 =	sadd.s32 s15, s20  }
0x1d: {  	s8 =	simm.s32 $0x4200;
	s24 =	sadd.s32 s20, s30;
	[dreg:$0xe] =	wrdreg s13  }
0x1e: {  	s16 =	simm.s32 $0x0;
	s25 =	sadd.s32 s20, s23;
	[dreg:$0xf] =	wrdreg s24  }
0x1f: {  	s5 =	sadd.s32 s20, s0;
	s30 =	sadd.s32 s21, s30;
	[dreg:$0x10] =	wrdreg s25  }
0x20: {  	s23 =	sadd.s32 $0x7FA600, s1;
	s1 =	simm.s32 $0x80;
	[dreg:$0x11] =	wrdreg s5  }
0x21: {  	s14 =	simm.s32 $0x2;
	s15 =	simm.s32 $0x8200;
	[dreg:$0x13] =	wrdreg s30  }
0x22: {  	s24 =	sadd.s32 $0x1F0BE00, s12;
	s25 =	sadd.s32 s21, s0;
	s0 =	simm.s32 $0x3  }
0x23: {  	s5 =	simm.s32 $0x200;
	s12 =	simm.s32 $0x6200;
	s13 =	simm.s32 $0x1  }
.LBB2_1:
0x24: {  	[tilespmem:s2], [sflag:$0x3] =	stream.linear.gather [hbm4b:s24+s2], $0x200, $0x38;
	[tilespmem:$0x8280] =	vst v63  }
0x25: {  	_ =	swait.ge [sflag:s0], $0x200  }
0x26: {  	[sflag:s0] =	ssyncset.done $0x0  }
0x27: {  	[sflag:s0] =	ssyncadd.s32 $0xFFFFFE00  }
0x28: {  	[tilespmem:s5], [sflag:$0x1] =	stream.indirect.gather [hbm4b:s3+s1], $0x40, s2, s1, $0xb8;
	[tilespmem:$0x8280] =	vst v63  }
0x29: {  	_ = 	snop  }
0x2a: {  	[tilespmem:s6], [sflag:$0x1] =	stream.indirect.gather [hbm4b:s3+s1], $0x40, s1, s1, $0xb8;
	[tilespmem:$0x8280] =	vst v63  }
0x2b: {  	_ = 	snop  }
0x2c: {  	[tilespmem:s8], [sflag:$0x1] =	stream.indirect.gather [hbm4b:s3+s1], $0x40, s7, s1, $0xb8;
	[tilespmem:$0x8280] =	vst v63  }
0x2d: {  	_ = 	snop  }
0x2e: {  	[tilespmem:s12], [sflag:$0x1] =	stream.indirect.gather [hbm4b:s3+s1], $0x40, s9, s1, $0xb8;
	[tilespmem:$0x8280] =	vst v63  }
0x2f: {  	_ =	swait.ge [sflag:s13], $0x2000  }
0x30: {  	[sflag:s13] =	ssyncset.done $0x0  }
0x31: {  	[sflag:s13] =	ssyncadd.s32 $0xFFFFE000  }
0x32: {  	_ =	swait.ge [sflag:s13], $0x2000  }
0x33: {  	[sflag:s13] =	ssyncset.done $0x0  }
0x34: {  	[sflag:s13] =	ssyncadd.s32 $0xFFFFE000  }
0x35: {  	_ =	swait.ge [sflag:s13], $0x2000  }
0x36: {  	[sflag:s13] =	ssyncset.done $0x0  }
0x37: {  	[sflag:s13] =	ssyncadd.s32 $0xFFFFE000  }
0x38: {  	_ =	swait.ge [sflag:s13], $0x2000  }
0x39: {  	[sflag:s13] =	ssyncset.done $0x0  }
0x3a: {  	s17 =	sadd.s32 $0x0, s23;
	[sflag:s13] =	ssyncadd.s32 $0xFFFFE000  }
0x3b: {  	[hbm4b:s17+s2] =	stream.linear.scatter [tilespmem:s5], [sflag:$0x2], $0x2000, $0x38;
	[tilespmem:$0x8280] =	vst v63  }
0x3c: {  	s18 =	sadd.s32 $0x400, s17  }
0x3d: {  	[hbm4b:s18+s2] =	stream.linear.scatter [tilespmem:s6], [sflag:$0x2], $0x2000, $0x38;
	[tilespmem:$0x8280] =	vst v63  }
0x3e: {  	s30 =	sadd.s32 $0x800, s17  }
0x3f: {  	[hbm4b:s30+s2] =	stream.linear.scatter [tilespmem:s8], [sflag:$0x2], $0x2000, $0x38;
	[tilespmem:$0x8280] =	vst v63  }
0x40: {  	s17 =	sadd.s32 $0xC00, s17  }
0x41: {  	[hbm4b:s17+s2] =	stream.linear.scatter [tilespmem:s12], [sflag:$0x2], $0x2000, $0x38;
	[tilespmem:$0x8280] =	vst v63  }
0x42: {  	_ =	swait.ge [sflag:s14], $0x2000  }
0x43: {  	[sflag:s14] =	ssyncset.done $0x0  }
0x44: {  	[sflag:s14] =	ssyncadd.s32 $0xFFFFE000  }
0x45: {  	_ =	swait.ge [sflag:s14], $0x2000  }
0x46: {  	[sflag:s14] =	ssyncset.done $0x0  }
0x47: {  	[sflag:s14] =	ssyncadd.s32 $0xFFFFE000  }
0x48: {  	_ =	swait.ge [sflag:s14], $0x2000  }
0x49: {  	[sflag:s14] =	ssyncset.done $0x0  }
0x4a: {  	[sflag:s14] =	ssyncadd.s32 $0xFFFFE000  }
0x4b: {  	_ =	swait.ge [sflag:s14], $0x2000  }
0x4c: {  	s18 =	smov.u32 s24;
	s17 =	simm.s32 $0x1000;
	[sflag:s14] =	ssyncset.done $0x0  }
.LBB2_2:
0x4d: {  	p0 =	sne.s32 s17, $0x27000;
	[sflag:s14] =	ssyncadd.s32 $0xFFFFE000;
	s18 =	sadd.s32 $0x40, s18  }
0x4e: {  	[tilespmem:s2], [sflag:$0x3] =	stream.linear.gather [hbm4b:s18+s2], $0x200, $0x38;
	[tilespmem:$0x8280] =	vst v63  }
0x4f: {  	s30 =	smov.u32 s17;
	s17 =	sadd.s32 $0x1000, s17;
	_ =	swait.ge [sflag:s0], $0x200  }
0x50: {  	[sflag:s0] =	ssyncset.done $0x0  }
0x51: {  	[sflag:s0] =	ssyncadd.s32 $0xFFFFFE00  }
0x52: {  	[tilespmem:s5], [sflag:$0x1] =	stream.indirect.gather [hbm4b:s3+s1], $0x40, s2, s1, $0xb8;
	[tilespmem:$0x8280] =	vst v63  }
0x53: {  	_ = 	snop  }
0x54: {  	[tilespmem:s6], [sflag:$0x1] =	stream.indirect.gather [hbm4b:s3+s1], $0x40, s1, s1, $0xb8;
	[tilespmem:$0x8280] =	vst v63  }
0x55: {  	_ = 	snop  }
0x56: {  	[tilespmem:s8], [sflag:$0x1] =	stream.indirect.gather [hbm4b:s3+s1], $0x40, s7, s1, $0xb8;
	[tilespmem:$0x8280] =	vst v63  }
0x57: {  	_ = 	snop  }
0x58: {  	[tilespmem:s12], [sflag:$0x1] =	stream.indirect.gather [hbm4b:s3+s1], $0x40, s9, s1, $0xb8;
	[tilespmem:$0x8280] =	vst v63  }
0x59: {  	_ =	swait.ge [sflag:s13], $0x2000  }
0x5a: {  	[sflag:s13] =	ssyncset.done $0x0  }
0x5b: {  	[sflag:s13] =	ssyncadd.s32 $0xFFFFE000  }
0x5c: {  	_ =	swait.ge [sflag:s13], $0x2000  }
0x5d: {  	[sflag:s13] =	ssyncset.done $0x0  }
0x5e: {  	[sflag:s13] =	ssyncadd.s32 $0xFFFFE000  }
0x5f: {  	_ =	swait.ge [sflag:s13], $0x2000  }
0x60: {  	[sflag:s13] =	ssyncset.done $0x0  }
0x61: {  	[sflag:s13] =	ssyncadd.s32 $0xFFFFE000  }
0x62: {  	_ =	swait.ge [sflag:s13], $0x2000  }
0x63: {  	[sflag:s13] =	ssyncset.done $0x0  }
0x64: {  	s30 =	sadd.s32 s30, s23;
	[sflag:s13] =	ssyncadd.s32 $0xFFFFE000  }
0x65: {  	[hbm4b:s30+s2] =	stream.linear.scatter [tilespmem:s5], [sflag:$0x2], $0x2000, $0x38;
	[tilespmem:$0x8280] =	vst v63  }
0x66: {  	s20 =	sadd.s32 $0x400, s30  }
0x67: {  	[hbm4b:s20+s2] =	stream.linear.scatter [tilespmem:s6], [sflag:$0x2], $0x2000, $0x38;
	[tilespmem:$0x8280] =	vst v63  }
0x68: {  	s20 =	sadd.s32 $0x800, s30  }
0x69: {  	[hbm4b:s20+s2] =	stream.linear.scatter [tilespmem:s8], [sflag:$0x2], $0x2000, $0x38;
	[tilespmem:$0x8280] =	vst v63  }
0x6a: {  	s20 =	sadd.s32 $0xC00, s30  }
0x6b: {  	[hbm4b:s20+s2] =	stream.linear.scatter [tilespmem:s12], [sflag:$0x2], $0x2000, $0x38;
	[tilespmem:$0x8280] =	vst v63  }
0x6c: {  	_ =	swait.ge [sflag:s14], $0x2000  }
0x6d: {  	[sflag:s14] =	ssyncset.done $0x0  }
0x6e: {  	[sflag:s14] =	ssyncadd.s32 $0xFFFFE000  }
0x6f: {  	_ =	swait.ge [sflag:s14], $0x2000  }
0x70: {  	[sflag:s14] =	ssyncset.done $0x0  }
0x71: {  	[sflag:s14] =	ssyncadd.s32 $0xFFFFE000  }
.Ltmp0:
0x72: {  	_ =	swait.ge [sflag:s14], $0x2000;
	(pc) =	sbr.rel @p0 .LBB2_2-.Ltmp0, $4  }
0x73: {  	[sflag:s14] =	ssyncset.done $0x0  }
0x74: {  	[sflag:s14] =	ssyncadd.s32 $0xFFFFE000  }
0x75: {  	_ =	swait.ge [sflag:s14], $0x2000  }
0x76: {  	[sflag:s14] =	ssyncset.done $0x0  }
0x77: {  	[sflag:s14] =	ssyncadd.s32 $0xFFFFE000;
	s17 =	simm.s32 $0x0;
	s18 =	rddreg [dreg:$0x8]  }
0x78: {  	[tilespmem:s17], [sflag:$0x3] =	stream.linear.gather [hbm4b:s18+s17], $0x200, $0x38;
	[tilespmem:$0x8280] =	vst v63  }
0x79: {  	_ =	swait.ge [sflag:s0], $0x200  }
0x7a: {  	[sflag:s0] =	ssyncset.done $0x0  }
0x7b: {  	[sflag:s0] =	ssyncadd.s32 $0xFFFFFE00  }
0x7c: {  	[tilespmem:s5], [sflag:$0x1] =	stream.indirect.gather [hbm4b:s3+s1], $0x40, s17, s1, $0xb8;
	[tilespmem:$0x8280] =	vst v63  }
0x7d: {  	_ = 	snop  }
0x7e: {  	[tilespmem:s6], [sflag:$0x1] =	stream.indirect.gather [hbm4b:s3+s1], $0x40, s1, s1, $0xb8;
	[tilespmem:$0x8280] =	vst v63  }
0x7f: {  	_ = 	snop  }
0x80: {  	[tilespmem:s8], [sflag:$0x1] =	stream.indirect.gather [hbm4b:s3+s1], $0x40, s7, s1, $0xb8;
	[tilespmem:$0x8280] =	vst v63  }
0x81: {  	_ = 	snop  }
0x82: {  	[tilespmem:s12], [sflag:$0x1] =	stream.indirect.gather [hbm4b:s3+s1], $0x40, s9, s1, $0xb8;
	[tilespmem:$0x8280] =	vst v63  }
0x83: {  	_ =	swait.ge [sflag:s13], $0x2000  }
0x84: {  	[sflag:s13] =	ssyncset.done $0x0  }
0x85: {  	[sflag:s13] =	ssyncadd.s32 $0xFFFFE000  }
0x86: {  	_ =	swait.ge [sflag:s13], $0x2000  }
0x87: {  	[sflag:s13] =	ssyncset.done $0x0  }
0x88: {  	[sflag:s13] =	ssyncadd.s32 $0xFFFFE000  }
0x89: {  	_ =	swait.ge [sflag:s13], $0x2000  }
0x8a: {  	[sflag:s13] =	ssyncset.done $0x0  }
0x8b: {  	[sflag:s13] =	ssyncadd.s32 $0xFFFFE000  }
0x8c: {  	_ =	swait.ge [sflag:s13], $0x2000  }
0x8d: {  	[sflag:s13] =	ssyncset.done $0x0  }
0x8e: {  	s20 =	rddreg [dreg:$0xe];
	[sflag:s13] =	ssyncadd.s32 $0xFFFFE000  }
0x8f: {  	[hbm4b:s20+s17] =	stream.linear.scatter [tilespmem:s5], [sflag:$0x2], $0x2000, $0x38;
	[tilespmem:$0x8280] =	vst v63  }
0x90: {  	s21 =	rddreg [dreg:$0xf]  }
0x91: {  	[hbm4b:s21+s17] =	stream.linear.scatter [tilespmem:s6], [sflag:$0x2], $0x2000, $0x38;
	[tilespmem:$0x8280] =	vst v63  }
0x92: {  	s20 =	rddreg [dreg:$0x10]  }
0x93: {  	[hbm4b:s20+s17] =	stream.linear.scatter [tilespmem:s8], [sflag:$0x2], $0x2000, $0x38;
	[tilespmem:$0x8280] =	vst v63  }
0x94: {  	s21 =	rddreg [dreg:$0x11]  }
0x95: {  	[hbm4b:s21+s17] =	stream.linear.scatter [tilespmem:s12], [sflag:$0x2], $0x2000, $0x38;
	[tilespmem:$0x8280] =	vst v63  }
0x96: {  	_ =	swait.ge [sflag:s14], $0x2000  }
0x97: {  	[sflag:s14] =	ssyncset.done $0x0  }
0x98: {  	[sflag:s14] =	ssyncadd.s32 $0xFFFFE000  }
0x99: {  	_ =	swait.ge [sflag:s14], $0x2000  }
0x9a: {  	[sflag:s14] =	ssyncset.done $0x0  }
0x9b: {  	[sflag:s14] =	ssyncadd.s32 $0xFFFFE000  }
0x9c: {  	_ =	swait.ge [sflag:s14], $0x2000  }
0x9d: {  	[sflag:s14] =	ssyncset.done $0x0  }
0x9e: {  	[sflag:s14] =	ssyncadd.s32 $0xFFFFE000  }
0x9f: {  	_ =	swait.ge [sflag:s14], $0x2000  }
0xa0: {  	[sflag:s14] =	ssyncset.done $0x0  }
0xa1: {  	s20 =	rddreg [dreg:$0x9];
	[sflag:s14] =	ssyncadd.s32 $0xFFFFE000  }
0xa2: {  	[tilespmem:s17], [sflag:$0x3] =	stream.linear.gather [hbm4b:s20+s17], $0x200, $0x38;
	[tilespmem:$0x8280] =	vst v63  }
0xa3: {  	_ =	swait.ge [sflag:s0], $0x200  }
0xa4: {  	[sflag:s0] =	ssyncset.done $0x0  }
0xa5: {  	[sflag:s0] =	ssyncadd.s32 $0xFFFFFE00  }
0xa6: {  	[tilespmem:s5], [sflag:$0x1] =	stream.indirect.gather [hbm4b:s3+s1], $0x40, s17, s1, $0xb8;
	[tilespmem:$0x8280] =	vst v63  }
0xa7: {  	_ = 	snop  }
0xa8: {  	[tilespmem:s6], [sflag:$0x1] =	stream.indirect.gather [hbm4b:s3+s1], $0x40, s1, s1, $0xb8;
	[tilespmem:$0x8280] =	vst v63  }
0xa9: {  	_ = 	snop  }
0xaa: {  	[tilespmem:s8], [sflag:$0x1] =	stream.indirect.gather [hbm4b:s3+s1], $0x40, s7, s1, $0xb8;
	[tilespmem:$0x8280] =	vst v63  }
0xab: {  	_ = 	snop  }
0xac: {  	[tilespmem:s12], [sflag:$0x1] =	stream.indirect.gather [hbm4b:s3+s1], $0x40, s9, s1, $0xb8;
	[tilespmem:$0x8280] =	vst v63  }
0xad: {  	_ =	swait.ge [sflag:s13], $0x2000  }
0xae: {  	[sflag:s13] =	ssyncset.done $0x0  }
0xaf: {  	[sflag:s13] =	ssyncadd.s32 $0xFFFFE000  }
0xb0: {  	_ =	swait.ge [sflag:s13], $0x2000  }
0xb1: {  	[sflag:s13] =	ssyncset.done $0x0  }
0xb2: {  	[sflag:s13] =	ssyncadd.s32 $0xFFFFE000  }
0xb3: {  	_ =	swait.ge [sflag:s13], $0x2000  }
0xb4: {  	[sflag:s13] =	ssyncset.done $0x0  }
0xb5: {  	[sflag:s13] =	ssyncadd.s32 $0xFFFFE000  }
0xb6: {  	_ =	swait.ge [sflag:s13], $0x2000  }
0xb7: {  	[sflag:s13] =	ssyncset.done $0x0  }
0xb8: {  	s21 =	rddreg [dreg:$0x12];
	[sflag:s13] =	ssyncadd.s32 $0xFFFFE000  }
0xb9: {  	[hbm4b:s21+s17] =	stream.linear.scatter [tilespmem:s5], [sflag:$0x2], $0x2000, $0x38;
	[tilespmem:$0x8280] =	vst v63  }
0xba: {  	s20 =	rddreg [dreg:$0x13]  }
0xbb: {  	[hbm4b:s20+s17] =	stream.linear.scatter [tilespmem:s6], [sflag:$0x2], $0x2000, $0x38;
	[tilespmem:$0x8280] =	vst v63  }
0xbc: {  	_ = 	snop  }
0xbd: {  	[hbm4b:s22+s17] =	stream.linear.scatter [tilespmem:s8], [sflag:$0x2], $0x2000, $0x38;
	[tilespmem:$0x8280] =	vst v63  }
0xbe: {  	_ = 	snop  }
0xbf: {  	[hbm4b:s25+s17] =	stream.linear.scatter [tilespmem:s12], [sflag:$0x2], $0x2000, $0x38;
	[tilespmem:$0x8280] =	vst v63  }
0xc0: {  	_ =	swait.ge [sflag:s14], $0x2000  }
0xc1: {  	[sflag:s14] =	ssyncset.done $0x0  }
0xc2: {  	[sflag:s14] =	ssyncadd.s32 $0xFFFFE000  }
0xc3: {  	_ =	swait.ge [sflag:s14], $0x2000  }
0xc4: {  	[sflag:s14] =	ssyncset.done $0x0  }
0xc5: {  	[sflag:s14] =	ssyncadd.s32 $0xFFFFE000  }
0xc6: {  	_ =	swait.ge [sflag:s14], $0x2000  }
0xc7: {  	[sflag:s14] =	ssyncset.done $0x0  }
0xc8: {  	[sflag:s14] =	ssyncadd.s32 $0xFFFFE000  }
0xc9: {  	_ =	swait.ge [sflag:s14], $0x2000  }
0xca: {  	[sflag:s14] =	ssyncset.done $0x0  }
0xcb: {  	[sflag:s14] =	ssyncadd.s32 $0xFFFFE000  }
0xcc: {  	[tilespmem:s17], [sflag:$0x3] =	stream.linear.gather [hbm4b:s19+s17], $0x200, $0x38;
	[tilespmem:$0x8280] =	vst v63  }
0xcd: {  	_ =	swait.ge [sflag:s0], $0x200  }
0xce: {  	[sflag:s0] =	ssyncset.done $0x0  }
0xcf: {  	[sflag:s0] =	ssyncadd.s32 $0xFFFFFE00  }
0xd0: {  	[tilespmem:s5], [sflag:$0x1] =	stream.indirect.gather [hbm4b:s4+s1], $0x40, s17, s1, $0xb8;
	[tilespmem:$0x8280] =	vst v63  }
0xd1: {  	_ = 	snop  }
0xd2: {  	[tilespmem:s6], [sflag:$0x1] =	stream.indirect.gather [hbm4b:s4+s1], $0x40, s1, s1, $0xb8;
	[tilespmem:$0x8280] =	vst v63  }
0xd3: {  	_ = 	snop  }
0xd4: {  	[tilespmem:s8], [sflag:$0x1] =	stream.indirect.gather [hbm4b:s4+s1], $0x40, s7, s1, $0xb8;
	[tilespmem:$0x8280] =	vst v63  }
0xd5: {  	_ = 	snop  }
0xd6: {  	[tilespmem:s12], [sflag:$0x1] =	stream.indirect.gather [hbm4b:s4+s1], $0x40, s9, s1, $0xb8;
	[tilespmem:$0x8280] =	vst v63  }
0xd7: {  	_ =	swait.ge [sflag:s13], $0x2000  }
0xd8: {  	[sflag:s13] =	ssyncset.done $0x0  }
0xd9: {  	[sflag:s13] =	ssyncadd.s32 $0xFFFFE000  }
0xda: {  	_ =	swait.ge [sflag:s13], $0x2000  }
0xdb: {  	[sflag:s13] =	ssyncset.done $0x0  }
0xdc: {  	[sflag:s13] =	ssyncadd.s32 $0xFFFFE000  }
0xdd: {  	_ =	swait.ge [sflag:s13], $0x2000  }
0xde: {  	[sflag:s13] =	ssyncset.done $0x0  }
0xdf: {  	[sflag:s13] =	ssyncadd.s32 $0xFFFFE000  }
0xe0: {  	_ =	swait.ge [sflag:s13], $0x2000  }
0xe1: {  	[sflag:s13] =	ssyncset.done $0x0  }
0xe2: {  	s18 =	sadd.s32 $0x0, s26;
	[sflag:s13] =	ssyncadd.s32 $0xFFFFE000  }
0xe3: {  	[hbm4b:s18+s17] =	stream.linear.scatter [tilespmem:s5], [sflag:$0x2], $0x2000, $0x38;
	[tilespmem:$0x8280] =	vst v63  }
0xe4: {  	s20 =	sadd.s32 $0x400, s18  }
0xe5: {  	[hbm4b:s20+s17] =	stream.linear.scatter [tilespmem:s6], [sflag:$0x2], $0x2000, $0x38;
	[tilespmem:$0x8280] =	vst v63  }
0xe6: {  	s21 =	sadd.s32 $0x800, s18  }
0xe7: {  	[hbm4b:s21+s17] =	stream.linear.scatter [tilespmem:s8], [sflag:$0x2], $0x2000, $0x38;
	[tilespmem:$0x8280] =	vst v63  }
0xe8: {  	s18 =	sadd.s32 $0xC00, s18  }
0xe9: {  	[hbm4b:s18+s17] =	stream.linear.scatter [tilespmem:s12], [sflag:$0x2], $0x2000, $0x38;
	[tilespmem:$0x8280] =	vst v63  }
0xea: {  	_ =	swait.ge [sflag:s14], $0x2000  }
0xeb: {  	[sflag:s14] =	ssyncset.done $0x0  }
0xec: {  	[sflag:s14] =	ssyncadd.s32 $0xFFFFE000  }
0xed: {  	_ =	swait.ge [sflag:s14], $0x2000  }
0xee: {  	[sflag:s14] =	ssyncset.done $0x0  }
0xef: {  	[sflag:s14] =	ssyncadd.s32 $0xFFFFE000  }
0xf0: {  	_ =	swait.ge [sflag:s14], $0x2000  }
0xf1: {  	[sflag:s14] =	ssyncset.done $0x0  }
0xf2: {  	[sflag:s14] =	ssyncadd.s32 $0xFFFFE000  }
0xf3: {  	_ =	swait.ge [sflag:s14], $0x2000  }
0xf4: {  	s30 =	smov.u32 s19;
	s18 =	simm.s32 $0x1000;
	[sflag:s14] =	ssyncset.done $0x0  }
.LBB2_4:
0xf5: {  	p0 =	sne.s32 s18, $0x4000;
	[sflag:s14] =	ssyncadd.s32 $0xFFFFE000;
	s30 =	sadd.s32 $0x40, s30  }
0xf6: {  	[tilespmem:s17], [sflag:$0x3] =	stream.linear.gather [hbm4b:s30+s17], $0x200, $0x38;
	[tilespmem:$0x8280] =	vst v63  }
0xf7: {  	s20 =	smov.u32 s18;
	s18 =	sadd.s32 $0x1000, s18;
	_ =	swait.ge [sflag:s0], $0x200  }
0xf8: {  	[sflag:s0] =	ssyncset.done $0x0  }
0xf9: {  	[sflag:s0] =	ssyncadd.s32 $0xFFFFFE00  }
0xfa: {  	[tilespmem:s5], [sflag:$0x1] =	stream.indirect.gather [hbm4b:s4+s1], $0x40, s17, s1, $0xb8;
	[tilespmem:$0x8280] =	vst v63  }
0xfb: {  	_ = 	snop  }
0xfc: {  	[tilespmem:s6], [sflag:$0x1] =	stream.indirect.gather [hbm4b:s4+s1], $0x40, s1, s1, $0xb8;
	[tilespmem:$0x8280] =	vst v63  }
0xfd: {  	_ = 	snop  }
0xfe: {  	[tilespmem:s8], [sflag:$0x1] =	stream.indirect.gather [hbm4b:s4+s1], $0x40, s7, s1, $0xb8;
	[tilespmem:$0x8280] =	vst v63  }
0xff: {  	_ = 	snop  }
0x100: {  	[tilespmem:s12], [sflag:$0x1] =	stream.indirect.gather [hbm4b:s4+s1], $0x40, s9, s1, $0xb8;
	[tilespmem:$0x8280] =	vst v63  }
0x101: {  	_ =	swait.ge [sflag:s13], $0x2000  }
0x102: {  	[sflag:s13] =	ssyncset.done $0x0  }
0x103: {  	[sflag:s13] =	ssyncadd.s32 $0xFFFFE000  }
0x104: {  	_ =	swait.ge [sflag:s13], $0x2000  }
0x105: {  	[sflag:s13] =	ssyncset.done $0x0  }
0x106: {  	[sflag:s13] =	ssyncadd.s32 $0xFFFFE000  }
0x107: {  	_ =	swait.ge [sflag:s13], $0x2000  }
0x108: {  	[sflag:s13] =	ssyncset.done $0x0  }
0x109: {  	[sflag:s13] =	ssyncadd.s32 $0xFFFFE000  }
0x10a: {  	_ =	swait.ge [sflag:s13], $0x2000  }
0x10b: {  	[sflag:s13] =	ssyncset.done $0x0  }
0x10c: {  	s20 =	sadd.s32 s20, s26;
	[sflag:s13] =	ssyncadd.s32 $0xFFFFE000  }
0x10d: {  	[hbm4b:s20+s17] =	stream.linear.scatter [tilespmem:s5], [sflag:$0x2], $0x2000, $0x38;
	[tilespmem:$0x8280] =	vst v63  }
0x10e: {  	s21 =	sadd.s32 $0x400, s20  }
0x10f: {  	[hbm4b:s21+s17] =	stream.linear.scatter [tilespmem:s6], [sflag:$0x2], $0x2000, $0x38;
	[tilespmem:$0x8280] =	vst v63  }
0x110: {  	s21 =	sadd.s32 $0x800, s20  }
0x111: {  	[hbm4b:s21+s17] =	stream.linear.scatter [tilespmem:s8], [sflag:$0x2], $0x2000, $0x38;
	[tilespmem:$0x8280] =	vst v63  }
0x112: {  	s20 =	sadd.s32 $0xC00, s20  }
0x113: {  	[hbm4b:s20+s17] =	stream.linear.scatter [tilespmem:s12], [sflag:$0x2], $0x2000, $0x38;
	[tilespmem:$0x8280] =	vst v63  }
0x114: {  	_ =	swait.ge [sflag:s14], $0x2000  }
0x115: {  	[sflag:s14] =	ssyncset.done $0x0  }
0x116: {  	[sflag:s14] =	ssyncadd.s32 $0xFFFFE000  }
0x117: {  	_ =	swait.ge [sflag:s14], $0x2000  }
0x118: {  	[sflag:s14] =	ssyncset.done $0x0  }
0x119: {  	[sflag:s14] =	ssyncadd.s32 $0xFFFFE000  }
.Ltmp1:
0x11a: {  	_ =	swait.ge [sflag:s14], $0x2000;
	(pc) =	sbr.rel @p0 .LBB2_4-.Ltmp1, $4  }
0x11b: {  	[sflag:s14] =	ssyncset.done $0x0  }
0x11c: {  	[sflag:s14] =	ssyncadd.s32 $0xFFFFE000  }
0x11d: {  	_ =	swait.ge [sflag:s14], $0x2000  }
0x11e: {  	[sflag:s14] =	ssyncset.done $0x0  }
0x11f: {  	[sflag:s14] =	ssyncadd.s32 $0xFFFFE000  }
0x120: {  	[tilespmem:s2], [sflag:$0x3] =	stream.linear.gather [hbm4b:s31+s2], $0x200, $0x38;
	[tilespmem:$0x8280] =	vst v63  }
0x121: {  	_ =	swait.ge [sflag:s0], $0x200  }
0x122: {  	[sflag:s0] =	ssyncset.done $0x0  }
0x123: {  	[sflag:s0] =	ssyncadd.s32 $0xFFFFFE00  }
0x124: {  	[tilespmem:s5], [sflag:$0x1] =	stream.indirect.gather [hbm4b:s4+s1], $0x40, s2, s1, $0xb8;
	[tilespmem:$0x8280] =	vst v63  }
0x125: {  	_ = 	snop  }
0x126: {  	[tilespmem:s6], [sflag:$0x1] =	stream.indirect.gather [hbm4b:s4+s1], $0x40, s1, s1, $0xb8;
	[tilespmem:$0x8280] =	vst v63  }
0x127: {  	_ = 	snop  }
0x128: {  	[tilespmem:s8], [sflag:$0x1] =	stream.indirect.gather [hbm4b:s4+s1], $0x40, s7, s1, $0xb8;
	[tilespmem:$0x8280] =	vst v63  }
0x129: {  	_ = 	snop  }
0x12a: {  	[tilespmem:s12], [sflag:$0x1] =	stream.indirect.gather [hbm4b:s4+s1], $0x40, s9, s1, $0xb8;
	[tilespmem:$0x8280] =	vst v63  }
0x12b: {  	_ =	swait.ge [sflag:s13], $0x2000  }
0x12c: {  	[sflag:s13] =	ssyncset.done $0x0  }
0x12d: {  	[sflag:s13] =	ssyncadd.s32 $0xFFFFE000  }
0x12e: {  	_ =	swait.ge [sflag:s13], $0x2000  }
0x12f: {  	[sflag:s13] =	ssyncset.done $0x0  }
0x130: {  	[sflag:s13] =	ssyncadd.s32 $0xFFFFE000  }
0x131: {  	_ =	swait.ge [sflag:s13], $0x2000  }
0x132: {  	[sflag:s13] =	ssyncset.done $0x0  }
0x133: {  	[sflag:s13] =	ssyncadd.s32 $0xFFFFE000  }
0x134: {  	_ =	swait.ge [sflag:s13], $0x2000  }
0x135: {  	[sflag:s13] =	ssyncset.done $0x0  }
0x136: {  	s17 =	sadd.s32 $0x0, s28;
	[sflag:s13] =	ssyncadd.s32 $0xFFFFE000  }
0x137: {  	[hbm4b:s17+s2] =	stream.linear.scatter [tilespmem:s5], [sflag:$0x2], $0x2000, $0x38;
	[tilespmem:$0x8280] =	vst v63  }
0x138: {  	s18 =	sadd.s32 $0x400, s17  }
0x139: {  	[hbm4b:s18+s2] =	stream.linear.scatter [tilespmem:s6], [sflag:$0x2], $0x2000, $0x38;
	[tilespmem:$0x8280] =	vst v63  }
0x13a: {  	s30 =	sadd.s32 $0x800, s17  }
0x13b: {  	[hbm4b:s30+s2] =	stream.linear.scatter [tilespmem:s8], [sflag:$0x2], $0x2000, $0x38;
	[tilespmem:$0x8280] =	vst v63  }
0x13c: {  	s17 =	sadd.s32 $0xC00, s17  }
0x13d: {  	[hbm4b:s17+s2] =	stream.linear.scatter [tilespmem:s12], [sflag:$0x2], $0x2000, $0x38;
	[tilespmem:$0x8280] =	vst v63  }
0x13e: {  	_ =	swait.ge [sflag:s14], $0x2000  }
0x13f: {  	[sflag:s14] =	ssyncset.done $0x0  }
0x140: {  	[sflag:s14] =	ssyncadd.s32 $0xFFFFE000  }
0x141: {  	_ =	swait.ge [sflag:s14], $0x2000  }
0x142: {  	[sflag:s14] =	ssyncset.done $0x0  }
0x143: {  	[sflag:s14] =	ssyncadd.s32 $0xFFFFE000  }
0x144: {  	_ =	swait.ge [sflag:s14], $0x2000  }
0x145: {  	[sflag:s14] =	ssyncset.done $0x0  }
0x146: {  	[sflag:s14] =	ssyncadd.s32 $0xFFFFE000  }
0x147: {  	_ =	swait.ge [sflag:s14], $0x2000  }
0x148: {  	s18 =	smov.u32 s31;
	s17 =	simm.s32 $0x1000;
	[sflag:s14] =	ssyncset.done $0x0  }
.LBB2_6:
0x149: {  	p0 =	sne.s32 s17, $0x4000;
	[sflag:s14] =	ssyncadd.s32 $0xFFFFE000;
	s18 =	sadd.s32 $0x40, s18  }
0x14a: {  	[tilespmem:s2], [sflag:$0x3] =	stream.linear.gather [hbm4b:s18+s2], $0x200, $0x38;
	[tilespmem:$0x8280] =	vst v63  }
0x14b: {  	s20 =	smov.u32 s17;
	s17 =	sadd.s32 $0x1000, s17;
	_ =	swait.ge [sflag:s0], $0x200  }
0x14c: {  	[sflag:s0] =	ssyncset.done $0x0  }
0x14d: {  	[sflag:s0] =	ssyncadd.s32 $0xFFFFFE00  }
0x14e: {  	[tilespmem:s5], [sflag:$0x1] =	stream.indirect.gather [hbm4b:s4+s1], $0x40, s2, s1, $0xb8;
	[tilespmem:$0x8280] =	vst v63  }
0x14f: {  	_ = 	snop  }
0x150: {  	[tilespmem:s6], [sflag:$0x1] =	stream.indirect.gather [hbm4b:s4+s1], $0x40, s1, s1, $0xb8;
	[tilespmem:$0x8280] =	vst v63  }
0x151: {  	_ = 	snop  }
0x152: {  	[tilespmem:s8], [sflag:$0x1] =	stream.indirect.gather [hbm4b:s4+s1], $0x40, s7, s1, $0xb8;
	[tilespmem:$0x8280] =	vst v63  }
0x153: {  	_ = 	snop  }
0x154: {  	[tilespmem:s12], [sflag:$0x1] =	stream.indirect.gather [hbm4b:s4+s1], $0x40, s9, s1, $0xb8;
	[tilespmem:$0x8280] =	vst v63  }
0x155: {  	_ =	swait.ge [sflag:s13], $0x2000  }
0x156: {  	[sflag:s13] =	ssyncset.done $0x0  }
0x157: {  	[sflag:s13] =	ssyncadd.s32 $0xFFFFE000  }
0x158: {  	_ =	swait.ge [sflag:s13], $0x2000  }
0x159: {  	[sflag:s13] =	ssyncset.done $0x0  }
0x15a: {  	[sflag:s13] =	ssyncadd.s32 $0xFFFFE000  }
0x15b: {  	_ =	swait.ge [sflag:s13], $0x2000  }
0x15c: {  	[sflag:s13] =	ssyncset.done $0x0  }
0x15d: {  	[sflag:s13] =	ssyncadd.s32 $0xFFFFE000  }
0x15e: {  	_ =	swait.ge [sflag:s13], $0x2000  }
0x15f: {  	[sflag:s13] =	ssyncset.done $0x0  }
0x160: {  	s20 =	sadd.s32 s20, s28;
	[sflag:s13] =	ssyncadd.s32 $0xFFFFE000  }
0x161: {  	[hbm4b:s20+s2] =	stream.linear.scatter [tilespmem:s5], [sflag:$0x2], $0x2000, $0x38;
	[tilespmem:$0x8280] =	vst v63  }
0x162: {  	s21 =	sadd.s32 $0x400, s20  }
0x163: {  	[hbm4b:s21+s2] =	stream.linear.scatter [tilespmem:s6], [sflag:$0x2], $0x2000, $0x38;
	[tilespmem:$0x8280] =	vst v63  }
0x164: {  	s21 =	sadd.s32 $0x800, s20  }
0x165: {  	[hbm4b:s21+s2] =	stream.linear.scatter [tilespmem:s8], [sflag:$0x2], $0x2000, $0x38;
	[tilespmem:$0x8280] =	vst v63  }
0x166: {  	s20 =	sadd.s32 $0xC00, s20  }
0x167: {  	[hbm4b:s20+s2] =	stream.linear.scatter [tilespmem:s12], [sflag:$0x2], $0x2000, $0x38;
	[tilespmem:$0x8280] =	vst v63  }
0x168: {  	_ =	swait.ge [sflag:s14], $0x2000  }
0x169: {  	[sflag:s14] =	ssyncset.done $0x0  }
0x16a: {  	[sflag:s14] =	ssyncadd.s32 $0xFFFFE000  }
0x16b: {  	_ =	swait.ge [sflag:s14], $0x2000  }
0x16c: {  	[sflag:s14] =	ssyncset.done $0x0  }
0x16d: {  	[sflag:s14] =	ssyncadd.s32 $0xFFFFE000  }
.Ltmp2:
0x16e: {  	_ =	swait.ge [sflag:s14], $0x2000;
	(pc) =	sbr.rel @p0 .LBB2_6-.Ltmp2, $4  }
0x16f: {  	[sflag:s14] =	ssyncset.done $0x0  }
0x170: {  	[sflag:s14] =	ssyncadd.s32 $0xFFFFE000  }
0x171: {  	_ =	swait.ge [sflag:s14], $0x2000  }
0x172: {  	[sflag:s14] =	ssyncset.done $0x0  }
0x173: {  	[sflag:s14] =	ssyncadd.s32 $0xFFFFE000  }
0x174: {  	[tilespmem:s2], [sflag:$0x3] =	stream.linear.gather [hbm4b:s10+s2], $0x80, $0x38;
	[tilespmem:$0x8280] =	vst v63  }
0x175: {  	_ =	swait.ge [sflag:s0], $0x80  }
0x176: {  	[sflag:s0] =	ssyncset.done $0x0  }
0x177: {  	[sflag:s0] =	ssyncadd.s32 $0xFFFFFF80  }
0x178: {  	[tilespmem:s5], [sflag:$0x1] =	stream.indirect.gather [hbm4b:s4+s1], $0x40, s2, s1, $0xb8;
	[tilespmem:$0x8280] =	vst v63  }
0x179: {  	_ =	swait.ge [sflag:s13], $0x2000  }
0x17a: {  	[sflag:s13] =	ssyncset.done $0x0  }
0x17b: {  	s17 =	rddreg [dreg:$0xb];
	[sflag:s13] =	ssyncadd.s32 $0xFFFFE000  }
0x17c: {  	[hbm4b:s17+s2] =	stream.linear.scatter [tilespmem:s5], [sflag:$0x3], $0x2000, $0x38;
	[tilespmem:$0x8280] =	vst v63  }
0x17d: {  	_ =	swait.ge [sflag:s0], $0x2000  }
0x17e: {  	[sflag:s0] =	ssyncset.done $0x0  }
0x17f: {  	[sflag:s0] =	ssyncadd.s32 $0xFFFFE000  }
0x180: {  	[tilespmem:s2], [sflag:$0x3] =	stream.linear.gather [hbm4b:s11+s2], $0x80, $0x38;
	[tilespmem:$0x8280] =	vst v63  }
0x181: {  	_ =	swait.ge [sflag:s0], $0x80  }
0x182: {  	[sflag:s0] =	ssyncset.done $0x0  }
0x183: {  	s21 =	rddreg [dreg:$0x5];
	[sflag:s0] =	ssyncadd.s32 $0xFFFFFF80  }
0x184: {  	[tilespmem:s5], [sflag:$0x1] =	stream.indirect.gather [hbm4b:s21+s1], $0x40, s2, s1, $0xb8;
	[tilespmem:$0x8280] =	vst v63  }
0x185: {  	_ =	swait.ge [sflag:s13], $0x2000  }
0x186: {  	[sflag:s13] =	ssyncset.done $0x0  }
0x187: {  	s30 =	rddreg [dreg:$0xc];
	[sflag:s13] =	ssyncadd.s32 $0xFFFFE000  }
0x188: {  	[hbm4b:s30+s2] =	stream.linear.scatter [tilespmem:s5], [sflag:$0x3], $0x2000, $0x38;
	[tilespmem:$0x8280] =	vst v63  }
0x189: {  	_ =	swait.ge [sflag:s0], $0x2000  }
0x18a: {  	[sflag:s0] =	ssyncset.done $0x0  }
0x18b: {  	[sflag:s0] =	ssyncadd.s32 $0xFFFFE000  }
0x18c: {  	[tilespmem:s2], [sflag:$0x3] =	stream.linear.gather [hbm4b:s11+s2], $0x80, $0x38;
	[tilespmem:$0x8280] =	vst v63  }
0x18d: {  	_ =	swait.ge [sflag:s0], $0x80  }
0x18e: {  	[sflag:s0] =	ssyncset.done $0x0  }
0x18f: {  	s18 =	rddreg [dreg:$0x6];
	[sflag:s0] =	ssyncadd.s32 $0xFFFFFF80  }
0x190: {  	[tilespmem:s15], [sflag:$0x1] =	stream.indirect.gather [hbm4b:s18+s1], $0x1, s2, s1, $0xb8;
	[tilespmem:$0x8280] =	vst v63  }
0x191: {  	_ =	swait.ge [sflag:s13], $0x80  }
0x192: {  	[sflag:s13] =	ssyncset.done $0x0  }
0x193: {  	s20 =	rddreg [dreg:$0xa];
	[sflag:s13] =	ssyncadd.s32 $0xFFFFFF80  }
0x194: {  	[hbm4b:s20+s2] =	stream.linear.scatter [tilespmem:s15], [sflag:$0x3], $0x80, $0x38;
	[tilespmem:$0x8280] =	vst v63  }
0x195: {  	_ =	swait.ge [sflag:s0], $0x80  }
0x196: {  	[sflag:s0] =	ssyncset.done $0x0  }
0x197: {  	[sflag:s0] =	ssyncadd.s32 $0xFFFFFF80  }
0x198: {  	[tilespmem:s2], [sflag:$0x3] =	stream.linear.gather [hbm4b:s10+s2], $0x80, $0x38;
	[tilespmem:$0x8280] =	vst v63  }
0x199: {  	_ =	swait.ge [sflag:s0], $0x80  }
0x19a: {  	[sflag:s0] =	ssyncset.done $0x0  }
0x19b: {  	s21 =	rddreg [dreg:$0x7];
	[sflag:s0] =	ssyncadd.s32 $0xFFFFFF80  }
0x19c: {  	[tilespmem:s15], [sflag:$0x1] =	stream.indirect.gather [hbm4b:s21+s1], $0x1, s2, s1, $0xb8;
	[tilespmem:$0x8280] =	vst v63  }
0x19d: {  	s16 =	sadd.s32 $0x1, s16;
	_ =	swait.ge [sflag:s13], $0x80  }
0x19e: {  	p0 =	sne.s32 s16, s29;
	[sflag:s13] =	ssyncset.done $0x0  }
.Ltmp3:
0x19f: {  	s30 =	rddreg [dreg:$0xd];
	[sflag:s13] =	ssyncadd.s32 $0xFFFFFF80;
	(pc) =	sbr.rel @p0 .LBB2_1-.Ltmp3, $4  }
0x1a0: {  	[hbm4b:s30+s2] =	stream.linear.scatter [tilespmem:s15], [sflag:$0x3], $0x80, $0x38;
	[tilespmem:$0x8280] =	vst v63  }
0x1a1: {  	_ =	swait.ge [sflag:s0], $0x80  }
0x1a2: {  	[sflag:s0] =	ssyncset.done $0x0  }
0x1a3: {  	[sflag:s0] =	ssyncadd.s32 $0xFFFFFF80  }
0x1a4: {  	_ =	sfence.sel $0x180000  }
0x1a5: {  	[bflag:$0x0] =	sbarrier.arrive $0xFFFF  }
0x1a6: {  	_ =	strace $0x9000004D  }
0x1a7: {  	s0 =	stileid.u32;
	[bflag:$0x2] =	sbarrier.arrive $0xFFFF  }
0x1a8: {  	p0 =	sne.s32 s0, $0x0;
	s0 =	rddreg [dreg:$0x4]  }
0x1a9: {  	s0 =	sadd.s32 @!p0 $0x100000, s0  }
0x1aa: {  	[sflag:s0] =	ssyncadd.tile.s32 @!p0 $0x1;
	_ =	shalt  }
.Lfunc_end2:
_tile_overlayer_lowered:
.L_overlay_start_2:
0x1ab: {  	(tag) =	ssettag $0x2  }
0x1ac: {  	s0 =	rddreg [dreg:$0x0];
	s2 =	stileid.u32  }
0x1ad: {  	s1 =	rddreg [dreg:$0x1];
	p0 =	sne.s32 s2, $0x0  }
0x1ae: {  	s3 =	rddreg [dreg:$0x2];
	[bflag:$0x3] =	sbarrier.arrive $0xFFFF;
	s2 =	simm.s32 @!p0 $0x1C03  }
0x1af: {  	[timem:s3], [sflag:s2] =	dma.local @!p0 [hbm:s0], s1  }
0x1b0: {  	s0 =	simm.s32 @!p0 $0x3  }
0x1b1: {  	_ =	swait.ge @!p0 [sflag:s0], s1  }
0x1b2: {  	s1 =	ssub.s32 @!p0 $0x0, s1;
	[sflag:s0] =	ssyncset.done @!p0 $0x0  }
0x1b3: {  	[sflag:s0] =	ssyncadd.s32 @!p0 s1  }
0x1b4: {  	[bflag:$0x3] =	sbarrier.arrive $0xFFFF  }
0x1b5: {  	_ =	shalt  }

// kernel: sparse-core-data-format-call.1.cloned.1.call-start
scs
called_computation.1_lowered:
.L_overlay_start_0:
0x0: {  	s2 =	sld [smem:$0x3FD9]  }
0x1: {  	s3 =	sld [smem:$0x3FFE];
	_ =	sdelay $0x1  }
0x2: {  	s1 =	srdreg.scid  }
0x3: {  	s0 =	sand.u32 $0x1, s1  }
0x4: {  	s18 =	sshll.u32 s0, $0xA;
	s2 =	sadd.s32 s3, s2  }
0x5: {  	s2 =	sadd.s32 s2, s18  }
0x6: {  	[smem:$0x3F89] =	sst s2  }
0x7: {  	_ = 	snop  }
0x8: {  	s19 =	sld [smem:$0x3FA1];
	(tm) =	ssettm $0x1  }
0x9: {  	s20 =	sld [smem:$0x3FFB];
	_ =	sdelay $0x3  }
0xa: {  	_ =	strace s20  }
0xb: {  	s2 =	sld [smem:$0x3FFC];
	_ =	sdelay $0x3  }
0xc: {  	_ =	strace s2  }
0xd: {  	s2 =	sld [smem:$0x3FFD];
	_ =	sdelay $0x3  }
0xe: {  	_ =	strace s2  }
0xf: {  	_ =	strace $0x8FFFFFFF  }
0x10: {  	s21 =	sld [smem:$0x3FDB];
	_ =	sdelay $0x1  }
0x11: {  	s4 =	simm.s32 $_scs_section_size  }
0x12: {  	s5 =	simm.s32 $_size__tile_overlayer_lowered;
	s6 =	simm.s32 $_tile_overlayer_lowered  }
0x13: {  	s7 =	simm.s32 $0x1BFF;
	s22 =	sshll.u32 s6, $0x1;
	s4 =	sadd.s32 s4, s21  }
0x14: {  	s23 =	simm.s32 $0x0;
	s5 =	sshll.u32 s5, $0x1;
	s6 =	sadd.s32 s22, s4  }
0x15: {  	[timem:s23], [sflag:s7] =	dma.local [hbm:s6], s5  }
0x16: {  	_ =	swait.ge [sflag:s7], s5  }
0x17: {  	s5 =	ssub.s32 $0x0, s5;
	[sflag:s7] =	ssyncset.done $0x0  }
0x18: {  	[sflag:s7] =	ssyncadd.s32 s5;
	_ =	sdelay $0x1  }
0x19: {  	s24 =	simm.s32 $0x1B8B  }
0x1a: {  	_ =	swait.ge [sflag:s24], $0x1  }
0x1b: {  	[sflag:s24] =	ssyncset.done $0x0  }
0x1c: {  	[sflag:s24] =	ssyncadd.s32 $0xFFFFFFFF  }
0x1d: {  	s5 =	sld [smem:$0x0]  }
0x1e: {  	s6 =	sand.u32 $0xFFFFFFFE, s1  }
0x1f: {  	p0 =	sne.s32 s1, s6  }
0x20: {  	s6 =	sshll.u32 @p0 s6, $0xE  }
0x21: {  	s6 =	sadd.s32 @p0 $0x11B8D, s6;
	s7 =	sshll.u32 @p0 s5, $0x11  }
0x22: {  	s6 =	sor.u32 @p0 s7, s6  }
0x23: {  	[sflag:s6] =	ssyncadd.remote.s32 @p0 $0x1;
	_ =	sdelay $0x1  }
0x24: {  	s6 =	simm.s32 @p0 $0x1B8D  }
0x25: {  	_ =	swait.eq @p0 [sflag:s6], $0x1  }
0x26: {  	[sflag:s6] =	ssyncadd.s32 @p0 $0xFFFFFFFF  }
0x27: {  	s7 =	sshll.u32 @!p0 s1, $0xE  }
0x28: {  	s7 =	sor.u32 @!p0 $0x4000, s7;
	s6 =	simm.s32 @!p0 $0x1B8D  }
0x29: {  	s5 =	sshll.u32 @!p0 s5, $0x11;
	s7 =	sadd.s32 @!p0 $0x11B8D, s7;
	_ =	swait.eq @!p0 [sflag:s6], $0x1  }
0x2a: {  	s5 =	sor.u32 @!p0 s5, s7;
	[sflag:s6] =	ssyncadd.s32 @!p0 $0xFFFFFFFF  }
0x2b: {  	s26 =	simm.s32 $0x1B8E;
	s25 =	sld [smem:$0x3FFE];
	[sflag:s5] =	ssyncadd.remote.s32 @!p0 $0x1  }
0x2c: {  	s27 =	simm.s32 $execute0_lowered;
	[smem:$0x3FD2] =	sst s26  }
0x2d: {  	s6 =	sshll.u32 s27, $0x1;
	_ =	strace $0x80000049;
	[dreg:$0x1] =	wrdreg $0xFFFFFFFF  }
0x2e: {  	s28 =	simm.s32 $_size_execute0_lowered;
	s4 =	sadd.s32 s4, s6;
	[dreg:$0x0] =	wrdreg $0x0  }
0x2f: {  	s6 =	sshll.u32 s28, $0x1;
	[dreg:$0x2] =	wrdreg s4  }
0x30: {  	[dreg:$0x3] =	wrdreg s6  }
0x31: {  	[dreg:$0x4] =	wrdreg $0xC0  }
0x32: {  	_ =	task [dreg:s23], $0x5FFFF  }
0x33: {  	[dreg:$0x1] =	wrdreg $0xFFFFFFFF  }
0x34: {  	[dreg:$0x0] =	wrdreg $0x60  }
0x35: {  	[dreg:$0x2] =	wrdreg s19  }
0x36: {  	[dreg:$0x3] =	wrdreg s25  }
0x37: {  	[dreg:$0x4] =	wrdreg $0xA  }
0x38: {  	_ =	task.clear_ibuf [dreg:s23], $0x5FFFF;
	_ =	strace $0x90000049  }
0x39: {  	s29 =	simm.s32 $0xA;
	_ =	strace $0x8000004B  }
0x3a: {  	_ =	swait.ge [sflag:s29], $0x1  }
0x3b: {  	[sflag:s29] =	ssyncadd.s32 $0xFFFFFFFF  }
0x3c: {  	_ =	strace $0x9000004B  }
0x3d: {  	_ =	sfence  }
0x3e: {  	s30 =	sld [smem:$0x0];
	_ =	sdelay $0x2  }
0x3f: {  	s31 =	sshll.u32 s1, $0xD;
	s1 =	sshrl.u32 s1, $0x2  }
0x40: {  	s4 =	sand.u32 $0x4000, s31;
	s1 =	sadd.s32 s1, s30  }
0x41: {  	s0 =	sor.u32 s4, s0;
	s1 =	sshll.u32 s1, $0x11  }
0x42: {  	s0 =	sor.u32 s1, s0  }
0x43: {  	s0 =	sadd.s32 $0x8F2B, s0  }
0x44: {  	[sflag:s0] =	ssyncadd.remote.s32 $0x1  }
0x45: {  	_ =	sfence.sel $0xFFFF  }
0x46: {  	[dreg:$0x0] =	wrdreg $0xFFFFFFFF;
	(pc) =	sbr.abs _section_cstart, $3  }
0x47: {  	[dreg:$0x1] =	wrdreg $0xFFFFFFFF  }
0x48: {  	_ =	task.clear_ibuf [dreg:s23], $0x2FFFF;
	_ =	strace $0x9FFFFFFF  }
0x49: {  	(tm) =	ssettm $0x7FFFFFFF  }
tec
execute0_lowered:
.L_overlay_start_1:
0x0: {  	(tag) =	ssettag $0x1  }
0x1: {  	s0 =	srdreg.scid;
	s2 =	rddreg [dreg:$0x0]  }
0x2: {  	s5 =	rddreg [dreg:$0x1];
	s1 =	stileid.u32  }
0x3: {  	s4 =	simm.s32 $0x1;
	s6 =	simm.s32 $0x2;
	s15 =	simm.s32 $0x0  }
0x4: {  	p0 =	por $0x0, $0x0;
	s8 =	simm.s32 $0x80;
	s0 =	sshll.u32 s0, $0x4  }
0x5: {  	s14 =	simm.s32 $0x0;
	s9 =	simm.s32 $0x0;
	s3 =	sand.u32 $0x10, s0  }
.Ltmp0:
0x6: {  	s10 =	simm.s32 $0x0;
	s3 =	sor.u32 s1, s3;
	(pc) =	sbr.rel .LBB1_1-.Ltmp0, $4  }
0x7: {  	s0 =	rddreg [dreg:$0x2];
	_ =	strace $0x8000004A;
	s3 =	sshll.u32 s3, $0x7  }
0x8: {  	s12 =	simm.s32 $0x0;
	[sflag:s4] =	ssyncpa.u1 $0x0;
	s7 =	ssub.s32 $0xF4200, s3  }
0x9: {  	s13 =	simm.s32 $0x0;
	[sflag:s6] =	ssyncpa.u1 $0x0;
	s6 =	sshrl.u32 s7, $0xC  }
0xa: {  	s5 =	sadd.s32 $0xF4B600, s5;
	s11 =	smov.u32 s3;
	s7 =	sadd.s32 $0x2, s6  }
.LBB1_5:
0xb: {  	p1 =	slt.u32 s13, $0x2  }
0xc: {  	s17 =	smov.u32 s15;
	p2 =	sgt.s32 @!p1 s15, $0xF41C0;
	s16 =	sshra.s32 @!p1 s15, $0x1F  }
0xd: {  	p3 =	sgt.s32 @!p1 s14, $0x40;
	s18 =	sshra.s32 @!p1 s14, $0x1F;
	p2 =	por !p2, p1  }
0xe: {  	s15 =	sand.u32 @!p1 s16, s15;
	p3 =	por !p3, p1;
	s16 =	smov.u32 s14  }
0xf: {  	s14 =	sand.u32 @!p1 s18, s14;
	s17 =	simm.s32 @p2 $0xF41C0;
	s16 =	simm.s32 @p3 $0x40  }
0x10: {  	s15 =	ssub.s32 @!p1 s17, s15;
	s14 =	ssub.s32 @!p1 s16, s14  }
0x11: {  	s18 =	smov.u32 s12;
	s16 =	sadd.s32 @!p1 $0xFFF0BE40, s15;
	s17 =	sadd.s32 @!p1 $0xFFFFFFC0, s14  }
0x12: {  	s15 =	ssub.s32 @!p1 $0xF4240, s15;
	p2 =	sgt.s32 @!p1 s16, $0x7F;
	p3 =	sgt.s32 @!p1 s17, $0x3F  }
0x13: {  	s14 =	ssub.s32 @!p1 $0x80, s14;
	p2 =	por !p2, p1;
	p3 =	por !p3, p1  }
0x14: {  	s16 =	sadd.s32 $0x1000, s11;
	s15 =	simm.s32 @!p2 $0x0;
	s14 =	simm.s32 @!p3 $0x0  }
0x15: {  	p2 =	sgt.s32 s16, $0xF423F;
	s14 =	smul.u32 @!p1 s14, s15;
	s15 =	sadd.s32 $0x40, s12  }
0x16: {  	s18 =	smov.u32 @p2 s15  }
0x17: {  	s16 =	smov.u32 @p2 s3;
	p2 =	sgt.s32 s18, $0x3F  }
0x18: {  	s18 =	simm.s32 @p2 $0x0;
	p2 =	sne.s32 s13, s7  }
.Ltmp1:
0x19: {  	p0 =	por !p0, !p0;
	s17 =	simm.s32 @!p1 $0x2;
	(pc) =	sbr.rel @!p2 .LBB1_6-.Ltmp1, $4  }
0x1a: {  	s15 =	smov.u32 s9;
	s9 =	smov.u32 s11;
	s14 =	sand.u32 @!p1 $0x3FFFFFFF, s14  }
0x1b: {  	s11 =	smov.u32 s16;
	_ =	swait.ge @!p1 [sflag:s17], s14;
	s19 =	ssub.s32 @!p1 $0x0, s14  }
0x1c: {  	s14 =	smov.u32 s10;
	s13 =	sadd.s32 $0x1, s13;
	[sflag:s17] =	ssyncset.done @!p1 $0x0  }
0x1d: {  	s10 =	smov.u32 s12;
	s12 =	smov.u32 s18;
	[sflag:s17] =	ssyncadd.s32 @!p1 s19  }
.LBB1_1:
0x1e: {  	p1 =	sgt.u32 s13, s6  }
0x1f: {  	s16 =	sshrl.u32 @!p1 s12, $0x3  }
0x20: {  	s17 =	sshll.u32 @!p1 s11, $0x3;
	s16 =	smul.u32 @!p1 $0x7A1400, s16  }
0x21: {  	s18 =	sshll.u32 @!p1 s12, $0x7;
	s17 =	sand.u32 @!p1 $0xFFFFFC00, s17  }
0x22: {  	s16 =	sadd.s32 @!p1 s16, s17;
	s17 =	sand.u32 @!p1 $0x380, s18  }
0x23: {  	s18 =	sand.u32 @!p1 $0x7F, s11;
	s16 =	sor.u32 @!p1 s17, s16  }
0x24: {  	s17 =	sor.u32 @!p1 s18, s16  }
0x25: {  	s18 =	smulhi.u32 @!p1 $0x218D6287, s17;
	_ =	sdelay $0x1  }
0x26: {  	s16 =	smulhi.u32 @!p1 $0x218D6287, s16;
	s18 =	sshrl.u32 @!p1 s18, $0x11  }
0x27: {  	s18 =	smul.u32 @!p1 $0xF4280, s18  }
0x28: {  	s19 =	sxor.u32 @!p1 $0xFFFFFFFF, s13;
	s16 =	sshrl.u32 @!p1 s16, $0x11  }
0x29: {  	s19 =	sshll.u32 @!p1 s19, $0xD;
	s16 =	sand.u32 @!p1 $0x3F, s16;
	s17 =	ssub.s32 @!p1 s17, s18  }
0x2a: {  	s16 =	smul.u32 @!p1 $0x1E850, s16;
	s18 =	sshrl.u32 @!p1 s17, $0x3;
	s17 =	sand.u32 @!p1 $0x7, s17  }
0x2b: {  	s19 =	sand.u32 @!p1 $0x2000, s19;
	s18 =	sadd.s32 @!p1 s2, s18;
	s17 =	sshll.u32 @!p1 s17, $0x12  }
0x2c: {  	s16 =	sadd.s32 @!p1 s16, s18;
	s17 =	sor.u32 @!p1 $0x400, s17;
	s18 =	simm.s32 @!p1 $0x7A1400  }
0x2d: {  	[tilespmem:s19], [sflag:$0x1] =	stream.strided.gather @!p1 [hbm4b:s16+s17], $0x2000, s18, s17, $0x38;
	[tilespmem:$0x8100] =	vst v63  }
0x2e: {  	p1 =	seq.s32 s13, $0x0  }
0x2f: {  	p2 =	sge.u32 @!p1 s13, s7  }
0x30: {  	p1 =	por p1, p2  }
.Ltmp2:
0x31: {  	_ = 	snop;
	(pc) =	sbr.rel @p1 .LBB1_5-.Ltmp2, $1  }
0x32: {  	_ =	sdelay $0x3  }
0x33: {  	s16 =	simm.s32 $0x1  }
0x34: {  	_ =	swait.ge [sflag:s4], $0x2000;
	s16 =	simm.s32 @!p0 $0x0  }
0x35: {  	[sflag:s4] =	ssyncset.done $0x0;
	s17 =	sshll.u32 s16, $0xD  }
0x36: {  	[sflag:s4] =	ssyncadd.s32 $0xFFFFE000;
	s17 =	sor.u32 $0x40, s17  }
0x37: {  	s16 =	smul.u32 $0x8200, s16;
	v0 =	vld [tilespmem:s17+$0x30]  }
0x38: {  	v1 =	vld [tilespmem:s17+$0xFFFFFFD0]  }
0x39: {  	s16 =	sshrl.u32 s16, $0x2;
	v5 =	vld [tilespmem:s17+$0xFFFFFFE0]  }
0x3a: {  	v6 =	vld [tilespmem:s17+$0xFFFFFFF0];
	s19 =	sor.u32 $0x4000, s16  }
0x3b: {  	s31 =	sand.u32 $0x1, s13;
	v4 =	vld [tilespmem:s17+$0x0];
	s18 =	sadd.s32 $0x0, s19  }
0x3c: {  	v3 =	vld [tilespmem:s17+$0x10];
	s16 =	smul.u32 $0x8200, s31;
	[tilespmem:s18+$0x1C70 ss:$0x41] =	vst.msk $0xffff, v0  }
0x3d: {  	v2 =	vld [tilespmem:s17+$0x20];
	[tilespmem:s18+$0x410 ss:$0x41] =	vst.msk $0xffff, v1  }
0x3e: {  	s16 =	sshrl.u32 s16, $0x2;
	v1 =	vld [tilespmem:s17+$0xFFFFFFC0];
	[tilespmem:s18+$0x820 ss:$0x41] =	vst.msk $0xffff, v5;
	s17 =	sadd.s32 $0x80, s17  }
0x3f: {  	s20 =	simm.s32 $0x4;
	s21 =	simm.s32 $0x8;
	s16 =	sor.u32 $0x4000, s16;
	[tilespmem:s18+$0xC30 ss:$0x41] =	vst.msk $0xffff, v6;
	v0 =	vld [tilespmem:s17+$0x30]  }
.LBB1_3:
0x40: {  	p1 =	sne.s32 s21, $0xFC;
	v5 =	vld [tilespmem:s17+$0xFFFFFFD0];
	[tilespmem:s18+$0x1040 ss:$0x41] =	vst.msk $0xffff, v4  }
0x41: {  	v6 =	vld [tilespmem:s17+$0xFFFFFFE0];
	[tilespmem:s18+$0x1450 ss:$0x41] =	vst.msk $0xffff, v3  }
0x42: {  	s22 =	sshra.s32 s20, $0x2;
	s20 =	smov.u32 s21;
	v7 =	vld [tilespmem:s17+$0xFFFFFFF0];
	[tilespmem:s18+$0x1860 ss:$0x41] =	vst.msk $0xffff, v2  }
.Ltmp3:
0x43: {  	v4 =	vld [tilespmem:s17+$0x0];
	[tilespmem:s18+$0x0 ss:$0x41] =	vst.msk $0xffff, v1;
	s18 =	sadd.s32 s22, s19;
	(pc) =	sbr.rel @p1 .LBB1_3-.Ltmp3, $4  }
0x44: {  	v3 =	vld [tilespmem:s17+$0x10];
	[tilespmem:s18+$0x1C70 ss:$0x41] =	vst.msk $0xffff, v0  }
0x45: {  	[tilespmem:s18+$0x410 ss:$0x41] =	vst.msk $0xffff, v5;
	v2 =	vld [tilespmem:s17+$0x20]  }
0x46: {  	v1 =	vld [tilespmem:s17+$0xFFFFFFC0];
	[tilespmem:s18+$0x820 ss:$0x41] =	vst.msk $0xffff, v6;
	s17 =	sadd.s32 $0x80, s17  }
0x47: {  	s21 =	sadd.s32 $0x4, s21;
	v0 =	vld [tilespmem:s17+$0x30];
	[tilespmem:s18+$0xC30 ss:$0x41] =	vst.msk $0xffff, v7  }
0x48: {  	s21 =	sshll.u32 s9, $0x7;
	s22 =	sshll.u32 s10, $0x3;
	s20 =	sshra.s32 s20, $0x2  }
0x49: {  	p1 =	sgt.s32 s9, $0xF41C0;
	s30 =	sshra.s32 s9, $0x1F;
	s25 =	sshra.s32 s10, $0x1F  }
0x4a: {  	v5 =	vld [tilespmem:s17+$0xFFFFFFD0];
	s28 =	sshrl.u32 s10, $0x3;
	s23 =	sand.u32 $0xFFFFFC00, s21;
	s22 =	sand.u32 $0xFFFFFC00, s22  }
0x4b: {  	[tilespmem:s18+$0x1040 ss:$0x41] =	vst.msk $0xffff, v4;
	v58 =	vld [tilespmem:s17+$0xFFFFFFE0];
	s21 =	sand.u32 $0x380, s21;
	s19 =	sadd.s32 s20, s19;
	s22 =	sadd.s32 s22, s23  }
0x4c: {  	v59 =	vld [tilespmem:s17+$0xFFFFFFF0];
	[tilespmem:s18+$0x1450 ss:$0x41] =	vst.msk $0xffff, v3;
	s29 =	sor.u32 s21, s22;
	s21 =	smov.u32 s9;
	s22 =	sand.u32 s30, s9  }
0x4d: {  	v60 =	vld [tilespmem:s17+$0x0];
	[tilespmem:s18+$0x1860 ss:$0x41] =	vst.msk $0xffff, v2;
	s30 =	sand.u32 $0x7, s10;
	s20 =	sshrl.u32 s29, $0x7;
	s21 =	simm.s32 @!p1 $0xF41C0  }
0x4e: {  	v61 =	vld [tilespmem:s17+$0x10];
	[tilespmem:s18+$0x0 ss:$0x41] =	vst.msk $0xffff, v1;
	p1 =	sgt.s32 s10, $0x40;
	s24 =	ssub.s32 s21, s22;
	s21 =	smov.u32 s10  }
0x4f: {  	v62 =	vld [tilespmem:s17+$0x20];
	[tilespmem:s19+$0x1C70 ss:$0x41] =	vst.msk $0xffff, v0;
	s31 =	smulhi.u32 $0x218DEF5, s20;
	s22 =	sand.u32 s25, s10;
	s21 =	simm.s32 @!p1 $0x40  }
0x50: {  	v63 =	vld [tilespmem:s17+$0xFFFFFFC0];
	[tilespmem:s19+$0x410 ss:$0x41] =	vst.msk $0xffff, v5;
	s26 =	sadd.s32 $0xFFF0BE40, s24;
	s17 =	ssub.s32 $0xF4240, s24;
	s21 =	ssub.s32 s21, s22  }
0x51: {  	[tilespmem:s19+$0x820 ss:$0x41] =	vst.msk $0xffff, v58;
	s23 =	sshrl.u32 s31, $0xD;
	p1 =	sgt.s32 s26, $0x7F;
	s27 =	sadd.s32 $0xFFFFFFC0, s21  }
0x52: {  	[tilespmem:s19+$0xC30 ss:$0x41] =	vst.msk $0xffff, v59;
	s23 =	smul.u32 $0xF4240, s23;
	s18 =	ssub.s32 $0x80, s21;
	p2 =	sgt.s32 s27, $0x3F  }
.Ltmp4:
0x53: {  	[tilespmem:s19+$0x1040 ss:$0x41] =	vst.msk $0xffff, v60;
	s17 =	simm.s32 @p1 $0x0;
	s18 =	simm.s32 @p2 $0x0;
	(pc) =	sbr.rel .LBB1_5-.Ltmp4, $4  }
0x54: {  	s29 =	sand.u32 $0xF, s28;
	[tilespmem:s19+$0x1450 ss:$0x41] =	vst.msk $0xffff, v61;
	s20 =	ssub.s32 s20, s23;
	s17 =	smul.u32 s18, s17  }
0x55: {  	[tilespmem:s19+$0x1860 ss:$0x41] =	vst.msk $0xffff, v62;
	s21 =	sshll.u32 s30, $0x12;
	s20 =	sshll.u32 s20, $0x4;
	s18 =	sadd.s32 s5, s29  }
0x56: {  	[tilespmem:s19+$0x0 ss:$0x41] =	vst.msk $0xffff, v63;
	s31 =	sor.u32 $0x40, s21;
	s18 =	sadd.s32 s20, s18;
	s17 =	sand.u32 $0x3FFFFFFF, s17  }
0x57: {  	[hbm4b:s18+s31] =	stream.strided.scatter [tilespmem:s16], [sflag:$0x2], s17, s8, s31, $0x18;
	[tilespmem:$0x8100] =	vst v63  }
.LBB1_6:
0x58: {  	_ =	sfence.sel $0x180000  }
0x59: {  	s2 =	simm.s32 $0x1;
	[bflag:$0x0] =	sbarrier.arrive $0xFFFF  }
0x5a: {  	s31 =	simm.s32 $0x2;
	[sflag:s2] =	ssyncpa.u1 $0x1  }
0x5b: {  	[sflag:s31] =	ssyncpa.u1 $0x1  }
0x5c: {  	p0 =	sne.s32 s1, $0x0;
	_ =	strace $0x9000004A  }
0x5d: {  	s0 =	sadd.s32 @!p0 $0x100000, s0;
	[bflag:$0x2] =	sbarrier.arrive $0xFFFF  }
0x5e: {  	[sflag:s0] =	ssyncadd.tile.s32 @!p0 $0x1;
	_ =	shalt  }
.Lfunc_end1:
_tile_overlayer_lowered:
.L_overlay_start_2:
0x5f: {  	(tag) =	ssettag $0x2  }
0x60: {  	s0 =	rddreg [dreg:$0x0];
	s2 =	stileid.u32  }
0x61: {  	s1 =	rddreg [dreg:$0x1];
	p0 =	sne.s32 s2, $0x0  }
0x62: {  	s3 =	rddreg [dreg:$0x2];
	[bflag:$0x3] =	sbarrier.arrive $0xFFFF;
	s2 =	simm.s32 @!p0 $0x1C01  }
0x63: {  	[timem:s3], [sflag:s2] =	dma.local @!p0 [hbm:s0], s1  }
0x64: {  	s0 =	simm.s32 @!p0 $0x1  }
0x65: {  	_ =	swait.ge @!p0 [sflag:s0], s1  }
0x66: {  	s1 =	ssub.s32 @!p0 $0x0, s1;
	[sflag:s0] =	ssyncset.done @!p0 $0x0  }
0x67: {  	[sflag:s0] =	ssyncadd.s32 @!p0 s1  }
0x68: {  	[bflag:$0x3] =	sbarrier.arrive $0xFFFF  }
0x69: {  	_ =	shalt  }

// kernel: sparse-core-data-format-call.cloned.1.call-start
scs
called_computation_lowered:
.L_overlay_start_0:
0x0: {  	s2 =	sld [smem:$0x3FD9]  }
0x1: {  	s3 =	sld [smem:$0x3FFE];
	_ =	sdelay $0x1  }
0x2: {  	s1 =	srdreg.scid  }
0x3: {  	s0 =	sand.u32 $0x1, s1  }
0x4: {  	s18 =	sshll.u32 s0, $0xA;
	s2 =	sadd.s32 s3, s2  }
0x5: {  	s2 =	sadd.s32 s2, s18  }
0x6: {  	[smem:$0x3F89] =	sst s2  }
0x7: {  	_ = 	snop  }
0x8: {  	s2 =	sld [smem:$0x3F9C];
	(tm) =	ssettm $0x1  }
0x9: {  	s19 =	sld [smem:$0x3FFB];
	_ =	sdelay $0x3  }
0xa: {  	_ =	strace s19  }
0xb: {  	s3 =	sld [smem:$0x3FFC];
	_ =	sdelay $0x3  }
0xc: {  	_ =	strace s3  }
0xd: {  	s3 =	sld [smem:$0x3FFD];
	_ =	sdelay $0x3  }
0xe: {  	_ =	strace s3  }
0xf: {  	_ =	strace $0x8FFFFFFF  }
0x10: {  	s20 =	sld [smem:$0x3FDB];
	_ =	sdelay $0x1  }
0x11: {  	s4 =	simm.s32 $_scs_section_size  }
0x12: {  	s5 =	simm.s32 $_size__tile_overlayer_lowered;
	s6 =	simm.s32 $_tile_overlayer_lowered  }
0x13: {  	s23 =	simm.s32 $0x1BFF;
	s22 =	sshll.u32 s6, $0x1;
	s3 =	sadd.s32 s4, s20  }
0x14: {  	s7 =	simm.s32 $0x0;
	s21 =	sshll.u32 s5, $0x1;
	s5 =	sadd.s32 s22, s3  }
0x15: {  	[timem:s7], [sflag:s23] =	dma.local [hbm:s5], s21  }
0x16: {  	_ =	swait.ge [sflag:s23], s21  }
0x17: {  	s4 =	ssub.s32 $0x0, s21;
	[sflag:s23] =	ssyncset.done $0x0  }
0x18: {  	[sflag:s23] =	ssyncadd.s32 s4;
	_ =	sdelay $0x1  }
0x19: {  	s24 =	simm.s32 $0x1B8B  }
0x1a: {  	_ =	swait.ge [sflag:s24], $0x1  }
0x1b: {  	[sflag:s24] =	ssyncset.done $0x0  }
0x1c: {  	s26 =	simm.s32 $0x1B8E;
	s25 =	sld [smem:$0x3FFE];
	[sflag:s24] =	ssyncadd.s32 $0xFFFFFFFF  }
0x1d: {  	s27 =	simm.s32 $execute0_lowered;
	[smem:$0x3FD2] =	sst s26  }
0x1e: {  	s5 =	sshll.u32 s27, $0x1;
	_ =	strace $0x80000046;
	[dreg:$0x1] =	wrdreg $0xFFFFFFFF  }
0x1f: {  	s28 =	simm.s32 $_size_execute0_lowered;
	s3 =	sadd.s32 s3, s5;
	[dreg:$0x0] =	wrdreg $0x0  }
0x20: {  	s5 =	sshll.u32 s28, $0x1;
	[dreg:$0x2] =	wrdreg s3  }
0x21: {  	[dreg:$0x3] =	wrdreg s5  }
0x22: {  	[dreg:$0x4] =	wrdreg $0xC0  }
0x23: {  	_ =	task [dreg:s7], $0x5FFFF  }
0x24: {  	[dreg:$0x1] =	wrdreg $0xFFFFFFFF  }
0x25: {  	[dreg:$0x0] =	wrdreg $0x60  }
0x26: {  	[dreg:$0x2] =	wrdreg s2  }
0x27: {  	[dreg:$0x3] =	wrdreg s25  }
0x28: {  	[dreg:$0x4] =	wrdreg $0x9  }
0x29: {  	_ =	task.clear_ibuf [dreg:s7], $0x5FFFF;
	_ =	strace $0x90000046  }
0x2a: {  	s29 =	simm.s32 $0x9;
	_ =	strace $0x80000048  }
0x2b: {  	_ =	swait.ge [sflag:s29], $0x1  }
0x2c: {  	[sflag:s29] =	ssyncadd.s32 $0xFFFFFFFF  }
0x2d: {  	_ =	strace $0x90000048  }
0x2e: {  	_ =	sfence  }
0x2f: {  	s30 =	sld [smem:$0x0];
	_ =	sdelay $0x2  }
0x30: {  	s31 =	sshll.u32 s1, $0xD;
	s1 =	sshrl.u32 s1, $0x2  }
0x31: {  	s3 =	sand.u32 $0x4000, s31;
	s1 =	sadd.s32 s1, s30  }
0x32: {  	s0 =	sor.u32 s3, s0;
	s1 =	sshll.u32 s1, $0x11  }
0x33: {  	s0 =	sor.u32 s1, s0  }
0x34: {  	s0 =	sadd.s32 $0x8F2B, s0  }
0x35: {  	[sflag:s0] =	ssyncadd.remote.s32 $0x1  }
0x36: {  	_ =	sfence.sel $0xFFFF  }
0x37: {  	[dreg:$0x0] =	wrdreg $0xFFFFFFFF;
	(pc) =	sbr.abs _section_cstart, $3  }
0x38: {  	[dreg:$0x1] =	wrdreg $0xFFFFFFFF  }
0x39: {  	_ =	task.clear_ibuf [dreg:s7], $0x2FFFF;
	_ =	strace $0x9FFFFFFF  }
0x3a: {  	(tm) =	ssettm $0x7FFFFFFF  }
0x3b: {  	_ =	shalt  }
tec
execute0_lowered:
.L_overlay_start_1:
0x0: {  	(tag) =	ssettag $0x1  }
0x1: {  	s0 =	srdreg.scid;
	s2 =	rddreg [dreg:$0x0]  }
0x2: {  	s5 =	rddreg [dreg:$0x1];
	s1 =	stileid.u32  }
0x3: {  	s4 =	simm.s32 $0x1;
	s6 =	simm.s32 $0x2;
	s15 =	simm.s32 $0x0  }
0x4: {  	p0 =	por $0x0, $0x0;
	s8 =	simm.s32 $0x80;
	s0 =	sshll.u32 s0, $0x4  }
0x5: {  	s14 =	simm.s32 $0x0;
	s9 =	simm.s32 $0x0;
	s3 =	sand.u32 $0x10, s0  }
.Ltmp0:
0x6: {  	s10 =	simm.s32 $0x0;
	s3 =	sor.u32 s1, s3;
	(pc) =	sbr.rel .LBB1_1-.Ltmp0, $4  }
0x7: {  	s0 =	rddreg [dreg:$0x2];
	_ =	strace $0x80000047;
	s3 =	sshll.u32 s3, $0x7  }
0x8: {  	s12 =	simm.s32 $0x0;
	[sflag:s4] =	ssyncpa.u1 $0x0;
	s7 =	ssub.s32 $0xF4200, s3  }
0x9: {  	s13 =	simm.s32 $0x0;
	[sflag:s6] =	ssyncpa.u1 $0x0;
	s6 =	sshrl.u32 s7, $0xC  }
0xa: {  	s5 =	sadd.s32 $0x9200, s5;
	s11 =	smov.u32 s3;
	s7 =	sadd.s32 $0x2, s6  }
.LBB1_5:
0xb: {  	p1 =	slt.u32 s13, $0x2  }
0xc: {  	s17 =	smov.u32 s15;
	p2 =	sgt.s32 @!p1 s15, $0xF41C0;
	s16 =	sshra.s32 @!p1 s15, $0x1F  }
0xd: {  	p3 =	sgt.s32 @!p1 s14, $0x40;
	s18 =	sshra.s32 @!p1 s14, $0x1F;
	p2 =	por !p2, p1  }
0xe: {  	s15 =	sand.u32 @!p1 s16, s15;
	p3 =	por !p3, p1;
	s16 =	smov.u32 s14  }
0xf: {  	s14 =	sand.u32 @!p1 s18, s14;
	s17 =	simm.s32 @p2 $0xF41C0;
	s16 =	simm.s32 @p3 $0x40  }
0x10: {  	s15 =	ssub.s32 @!p1 s17, s15;
	s14 =	ssub.s32 @!p1 s16, s14  }
0x11: {  	s18 =	smov.u32 s12;
	s16 =	sadd.s32 @!p1 $0xFFF0BE40, s15;
	s17 =	sadd.s32 @!p1 $0xFFFFFFC0, s14  }
0x12: {  	s15 =	ssub.s32 @!p1 $0xF4240, s15;
	p2 =	sgt.s32 @!p1 s16, $0x7F;
	p3 =	sgt.s32 @!p1 s17, $0x3F  }
0x13: {  	s14 =	ssub.s32 @!p1 $0x80, s14;
	p2 =	por !p2, p1;
	p3 =	por !p3, p1  }
0x14: {  	s16 =	sadd.s32 $0x1000, s11;
	s15 =	simm.s32 @!p2 $0x0;
	s14 =	simm.s32 @!p3 $0x0  }
0x15: {  	p2 =	sgt.s32 s16, $0xF423F;
	s14 =	smul.u32 @!p1 s14, s15;
	s15 =	sadd.s32 $0x40, s12  }
0x16: {  	s18 =	smov.u32 @p2 s15  }
0x17: {  	s16 =	smov.u32 @p2 s3;
	p2 =	sgt.s32 s18, $0x3F  }
0x18: {  	s18 =	simm.s32 @p2 $0x0;
	p2 =	sne.s32 s13, s7  }
.Ltmp1:
0x19: {  	p0 =	por !p0, !p0;
	s17 =	simm.s32 @!p1 $0x2;
	(pc) =	sbr.rel @!p2 .LBB1_6-.Ltmp1, $4  }
0x1a: {  	s15 =	smov.u32 s9;
	s9 =	smov.u32 s11;
	s14 =	sand.u32 @!p1 $0x3FFFFFFF, s14  }
0x1b: {  	s11 =	smov.u32 s16;
	_ =	swait.ge @!p1 [sflag:s17], s14;
	s19 =	ssub.s32 @!p1 $0x0, s14  }
0x1c: {  	s14 =	smov.u32 s10;
	s13 =	sadd.s32 $0x1, s13;
	[sflag:s17] =	ssyncset.done @!p1 $0x0  }
0x1d: {  	s10 =	smov.u32 s12;
	s12 =	smov.u32 s18;
	[sflag:s17] =	ssyncadd.s32 @!p1 s19  }
.LBB1_1:
0x1e: {  	p1 =	sgt.u32 s13, s6  }
0x1f: {  	s16 =	sshrl.u32 @!p1 s12, $0x3  }
0x20: {  	s17 =	sshll.u32 @!p1 s11, $0x3;
	s16 =	smul.u32 @!p1 $0x7A1400, s16  }
0x21: {  	s18 =	sshll.u32 @!p1 s12, $0x7;
	s17 =	sand.u32 @!p1 $0xFFFFFC00, s17  }
0x22: {  	s16 =	sadd.s32 @!p1 s16, s17;
	s17 =	sand.u32 @!p1 $0x380, s18  }
0x23: {  	s18 =	sand.u32 @!p1 $0x7F, s11;
	s16 =	sor.u32 @!p1 s17, s16  }
0x24: {  	s17 =	sor.u32 @!p1 s18, s16  }
0x25: {  	s18 =	smulhi.u32 @!p1 $0x218D6287, s17;
	_ =	sdelay $0x1  }
0x26: {  	s16 =	smulhi.u32 @!p1 $0x218D6287, s16;
	s18 =	sshrl.u32 @!p1 s18, $0x11  }
0x27: {  	s18 =	smul.u32 @!p1 $0xF4280, s18  }
0x28: {  	s19 =	sxor.u32 @!p1 $0xFFFFFFFF, s13;
	s16 =	sshrl.u32 @!p1 s16, $0x11  }
0x29: {  	s19 =	sshll.u32 @!p1 s19, $0xD;
	s16 =	sand.u32 @!p1 $0x3F, s16;
	s17 =	ssub.s32 @!p1 s17, s18  }
0x2a: {  	s16 =	smul.u32 @!p1 $0x1E850, s16;
	s18 =	sshrl.u32 @!p1 s17, $0x3;
	s17 =	sand.u32 @!p1 $0x7, s17  }
0x2b: {  	s19 =	sand.u32 @!p1 $0x2000, s19;
	s18 =	sadd.s32 @!p1 s2, s18;
	s17 =	sshll.u32 @!p1 s17, $0x12  }
0x2c: {  	s16 =	sadd.s32 @!p1 s16, s18;
	s17 =	sor.u32 @!p1 $0x400, s17;
	s18 =	simm.s32 @!p1 $0x7A1400  }
0x2d: {  	[tilespmem:s19], [sflag:$0x1] =	stream.strided.gather @!p1 [hbm4b:s16+s17], $0x2000, s18, s17, $0x38;
	[tilespmem:$0x8100] =	vst v63  }
0x2e: {  	p1 =	seq.s32 s13, $0x0  }
0x2f: {  	p2 =	sge.u32 @!p1 s13, s7  }
0x30: {  	p1 =	por p1, p2  }
.Ltmp2:
0x31: {  	_ = 	snop;
	(pc) =	sbr.rel @p1 .LBB1_5-.Ltmp2, $1  }
0x32: {  	_ =	sdelay $0x3  }
0x33: {  	s16 =	simm.s32 $0x1  }
0x34: {  	_ =	swait.ge [sflag:s4], $0x2000;
	s16 =	simm.s32 @!p0 $0x0  }
0x35: {  	[sflag:s4] =	ssyncset.done $0x0;
	s17 =	sshll.u32 s16, $0xD  }
0x36: {  	[sflag:s4] =	ssyncadd.s32 $0xFFFFE000;
	s17 =	sor.u32 $0x40, s17  }
0x37: {  	s16 =	smul.u32 $0x8200, s16;
	v0 =	vld [tilespmem:s17+$0x30]  }
0x38: {  	v1 =	vld [tilespmem:s17+$0xFFFFFFD0]  }
0x39: {  	s16 =	sshrl.u32 s16, $0x2;
	v5 =	vld [tilespmem:s17+$0xFFFFFFE0]  }
0x3a: {  	v6 =	vld [tilespmem:s17+$0xFFFFFFF0];
	s19 =	sor.u32 $0x4000, s16  }
0x3b: {  	s31 =	sand.u32 $0x1, s13;
	v4 =	vld [tilespmem:s17+$0x0];
	s18 =	sadd.s32 $0x0, s19  }
0x3c: {  	v3 =	vld [tilespmem:s17+$0x10];
	s16 =	smul.u32 $0x8200, s31;
	[tilespmem:s18+$0x1C70 ss:$0x41] =	vst.msk $0xffff, v0  }
0x3d: {  	v2 =	vld [tilespmem:s17+$0x20];
	[tilespmem:s18+$0x410 ss:$0x41] =	vst.msk $0xffff, v1  }
0x3e: {  	s16 =	sshrl.u32 s16, $0x2;
	v1 =	vld [tilespmem:s17+$0xFFFFFFC0];
	[tilespmem:s18+$0x820 ss:$0x41] =	vst.msk $0xffff, v5;
	s17 =	sadd.s32 $0x80, s17  }
0x3f: {  	s20 =	simm.s32 $0x4;
	s21 =	simm.s32 $0x8;
	s16 =	sor.u32 $0x4000, s16;
	[tilespmem:s18+$0xC30 ss:$0x41] =	vst.msk $0xffff, v6;
	v0 =	vld [tilespmem:s17+$0x30]  }
.LBB1_3:
0x40: {  	p1 =	sne.s32 s21, $0xFC;
	v5 =	vld [tilespmem:s17+$0xFFFFFFD0];
	[tilespmem:s18+$0x1040 ss:$0x41] =	vst.msk $0xffff, v4  }
0x41: {  	v6 =	vld [tilespmem:s17+$0xFFFFFFE0];
	[tilespmem:s18+$0x1450 ss:$0x41] =	vst.msk $0xffff, v3  }
0x42: {  	s22 =	sshra.s32 s20, $0x2;
	s20 =	smov.u32 s21;
	v7 =	vld [tilespmem:s17+$0xFFFFFFF0];
	[tilespmem:s18+$0x1860 ss:$0x41] =	vst.msk $0xffff, v2  }
.Ltmp3:
0x43: {  	v4 =	vld [tilespmem:s17+$0x0];
	[tilespmem:s18+$0x0 ss:$0x41] =	vst.msk $0xffff, v1;
	s18 =	sadd.s32 s22, s19;
	(pc) =	sbr.rel @p1 .LBB1_3-.Ltmp3, $4  }
0x44: {  	v3 =	vld [tilespmem:s17+$0x10];
	[tilespmem:s18+$0x1C70 ss:$0x41] =	vst.msk $0xffff, v0  }
0x45: {  	[tilespmem:s18+$0x410 ss:$0x41] =	vst.msk $0xffff, v5;
	v2 =	vld [tilespmem:s17+$0x20]  }
0x46: {  	v1 =	vld [tilespmem:s17+$0xFFFFFFC0];
	[tilespmem:s18+$0x820 ss:$0x41] =	vst.msk $0xffff, v6;
	s17 =	sadd.s32 $0x80, s17  }
0x47: {  	s21 =	sadd.s32 $0x4, s21;
	v0 =	vld [tilespmem:s17+$0x30];
	[tilespmem:s18+$0xC30 ss:$0x41] =	vst.msk $0xffff, v7  }
0x48: {  	s21 =	sshll.u32 s9, $0x7;
	s22 =	sshll.u32 s10, $0x3;
	s20 =	sshra.s32 s20, $0x2  }
0x49: {  	p1 =	sgt.s32 s9, $0xF41C0;
	s30 =	sshra.s32 s9, $0x1F;
	s25 =	sshra.s32 s10, $0x1F  }
0x4a: {  	v5 =	vld [tilespmem:s17+$0xFFFFFFD0];
	s28 =	sshrl.u32 s10, $0x3;
	s23 =	sand.u32 $0xFFFFFC00, s21;
	s22 =	sand.u32 $0xFFFFFC00, s22  }
0x4b: {  	[tilespmem:s18+$0x1040 ss:$0x41] =	vst.msk $0xffff, v4;
	v58 =	vld [tilespmem:s17+$0xFFFFFFE0];
	s21 =	sand.u32 $0x380, s21;
	s19 =	sadd.s32 s20, s19;
	s22 =	sadd.s32 s22, s23  }
0x4c: {  	v59 =	vld [tilespmem:s17+$0xFFFFFFF0];
	[tilespmem:s18+$0x1450 ss:$0x41] =	vst.msk $0xffff, v3;
	s29 =	sor.u32 s21, s22;
	s21 =	smov.u32 s9;
	s22 =	sand.u32 s30, s9  }
0x4d: {  	v60 =	vld [tilespmem:s17+$0x0];
	[tilespmem:s18+$0x1860 ss:$0x41] =	vst.msk $0xffff, v2;
	s30 =	sand.u32 $0x7, s10;
	s20 =	sshrl.u32 s29, $0x7;
	s21 =	simm.s32 @!p1 $0xF41C0  }
0x4e: {  	v61 =	vld [tilespmem:s17+$0x10];
	[tilespmem:s18+$0x0 ss:$0x41] =	vst.msk $0xffff, v1;
	p1 =	sgt.s32 s10, $0x40;
	s24 =	ssub.s32 s21, s22;
	s21 =	smov.u32 s10  }
0x4f: {  	v62 =	vld [tilespmem:s17+$0x20];
	[tilespmem:s19+$0x1C70 ss:$0x41] =	vst.msk $0xffff, v0;
	s31 =	smulhi.u32 $0x218DEF5, s20;
	s22 =	sand.u32 s25, s10;
	s21 =	simm.s32 @!p1 $0x40  }
0x50: {  	v63 =	vld [tilespmem:s17+$0xFFFFFFC0];
	[tilespmem:s19+$0x410 ss:$0x41] =	vst.msk $0xffff, v5;
	s26 =	sadd.s32 $0xFFF0BE40, s24;
	s17 =	ssub.s32 $0xF4240, s24;
	s21 =	ssub.s32 s21, s22  }
0x51: {  	[tilespmem:s19+$0x820 ss:$0x41] =	vst.msk $0xffff, v58;
	s23 =	sshrl.u32 s31, $0xD;
	p1 =	sgt.s32 s26, $0x7F;
	s27 =	sadd.s32 $0xFFFFFFC0, s21  }
0x52: {  	[tilespmem:s19+$0xC30 ss:$0x41] =	vst.msk $0xffff, v59;
	s23 =	smul.u32 $0xF4240, s23;
	s18 =	ssub.s32 $0x80, s21;
	p2 =	sgt.s32 s27, $0x3F  }
.Ltmp4:
0x53: {  	[tilespmem:s19+$0x1040 ss:$0x41] =	vst.msk $0xffff, v60;
	s17 =	simm.s32 @p1 $0x0;
	s18 =	simm.s32 @p2 $0x0;
	(pc) =	sbr.rel .LBB1_5-.Ltmp4, $4  }
0x54: {  	s29 =	sand.u32 $0xF, s28;
	[tilespmem:s19+$0x1450 ss:$0x41] =	vst.msk $0xffff, v61;
	s20 =	ssub.s32 s20, s23;
	s17 =	smul.u32 s18, s17  }
0x55: {  	[tilespmem:s19+$0x1860 ss:$0x41] =	vst.msk $0xffff, v62;
	s21 =	sshll.u32 s30, $0x12;
	s20 =	sshll.u32 s20, $0x4;
	s18 =	sadd.s32 s5, s29  }
0x56: {  	[tilespmem:s19+$0x0 ss:$0x41] =	vst.msk $0xffff, v63;
	s31 =	sor.u32 $0x40, s21;
	s18 =	sadd.s32 s20, s18;
	s17 =	sand.u32 $0x3FFFFFFF, s17  }
0x57: {  	[hbm4b:s18+s31] =	stream.strided.scatter [tilespmem:s16], [sflag:$0x2], s17, s8, s31, $0x18;
	[tilespmem:$0x8100] =	vst v63  }
.LBB1_6:
0x58: {  	_ =	sfence.sel $0x180000  }
0x59: {  	s2 =	simm.s32 $0x1;
	[bflag:$0x0] =	sbarrier.arrive $0xFFFF  }
0x5a: {  	s31 =	simm.s32 $0x2;
	[sflag:s2] =	ssyncpa.u1 $0x1  }
0x5b: {  	[sflag:s31] =	ssyncpa.u1 $0x1  }
0x5c: {  	p0 =	sne.s32 s1, $0x0;
	_ =	strace $0x90000047  }
0x5d: {  	s0 =	sadd.s32 @!p0 $0x100000, s0;
	[bflag:$0x2] =	sbarrier.arrive $0xFFFF  }
0x5e: {  	[sflag:s0] =	ssyncadd.tile.s32 @!p0 $0x1;
	_ =	shalt  }
.Lfunc_end1:
_tile_overlayer_lowered:
.L_overlay_start_2:
0x5f: {  	(tag) =	ssettag $0x2  }
0x60: {  	s0 =	rddreg [dreg:$0x0];
	s2 =	stileid.u32  }
0x61: {  	s1 =	rddreg [dreg:$0x1];
	p0 =	sne.s32 s2, $0x0  }
0x62: {  	s3 =	rddreg [dreg:$0x2];
	[bflag:$0x3] =	sbarrier.arrive $0xFFFF;
	s2 =	simm.s32 @!p0 $0x1C01  }
0x63: {  	[timem:s3], [sflag:s2] =	dma.local @!p0 [hbm:s0], s1  }
0x64: {  	s0 =	simm.s32 @!p0 $0x1  }
0x65: {  	_ =	swait.ge @!p0 [sflag:s0], s1  }
0x66: {  	s1 =	ssub.s32 @!p0 $0x0, s1;
	[sflag:s0] =	ssyncset.done @!p0 $0x0  }
0x67: {  	[sflag:s0] =	ssyncadd.s32 @!p0 s1  }
0x68: {  	[bflag:$0x3] =	sbarrier.arrive $0xFFFF  }
0x69: {  	_ =	shalt  }

</sc_bundles>
